<compile_context>
chip_gen: v7x
topology: tpu7x:2x2x1
jax: 0.10.2.dev20260603
libtpu: 0.0.44.dev20260713+nightly
codegen_flags: <defaults>
</compile_context>

<pallas_src>
import functools

import jax
import jax.numpy as jnp
import numpy as np
from jax import lax
from jax.experimental import pallas as pl
from jax.experimental.pallas import tpu as pltpu
from jax.experimental.pallas import tpu_sc as plsc

C = 96
P = 5
B_ = 2
H = 224
W = 224
NH = 45
L = NH * NH
D = C * P * P
DP = 2432
ZROW = B_ * L

HPAD = H + 3
WPAD = W + 2
BSTRIDE = HPAD * WPAD + 2
NPIX = B_ * BSTRIDE
NWORK = 32
F_ROWS = NPIX + 40

CHP = 2
CHPIX = CHP * 25 + 6
NCH = 66
PPW = CHP * NCH
GP_TOTAL = NWORK * PPW
N_BORDER_P = 91

R_BLK = 16
N_BLK = H // R_BLK
FLAT_IN = (R_BLK + 3) * WPAD + 2
FLAT_OUT = R_BLK * WPAD


def _pix_indices():
    gp = np.arange(GP_TOTAL)
    wk = gp // PPW
    trash = NPIX + wk
    pix = np.repeat(trash[:, None], 25, axis=1).astype(np.int64)
    g = np.arange(B_ * L)
    b, k = g // L, g % L
    i, j = k // NH, k % NH
    u = np.arange(P)[:, None]
    v = np.arange(P)[None, :]
    Y = (P * i)[:, None, None] + u[None]
    X = (P * j)[:, None, None] + v[None]
    t = b[:, None, None] * BSTRIDE + (Y + 1) * WPAD + (X + 1)
    t = np.where((Y < H) & (X < W), t, (NPIX + wk[:B_ * L])[:, None, None])
    pix[:B_ * L] = t.reshape(B_ * L, 25)
    yy = np.arange(HPAD)[:, None]
    xx = np.arange(WPAD)[None, :]
    m = (yy == 0) | (yy >= HPAD - 2) | (xx == 0) | (xx == WPAD - 1)
    bidx = np.concatenate(
        [bb * BSTRIDE + np.nonzero(m.reshape(-1))[0] for bb in range(B_)])
    full = np.repeat(trash[B_ * L:B_ * L + N_BORDER_P], 25).astype(np.int64)
    full[:bidx.size] = bidx
    pix[B_ * L:B_ * L + N_BORDER_P] = full.reshape(N_BORDER_P, 25)
    pixw = pix.reshape(NWORK, NCH, CHP * 25)
    tr = np.broadcast_to((NPIX + np.arange(NWORK))[:, None, None],
                         (NWORK, NCH, CHPIX - CHP * 25))
    return jnp.asarray(
        np.concatenate([pixw, tr], axis=2).astype(np.int32))


_PIX = None


def _sc_compose(table, gidx, valse):
    global _PIX
    if _PIX is None:
        _PIX = _pix_indices()
    mesh = plsc.VectorSubcoreMesh(core_axis_name="c", subcore_axis_name="s")
    info = plsc.get_sparse_core_info()
    nc = info.num_cores

    @functools.partial(
        pl.kernel, mesh=mesh,
        out_type=jax.ShapeDtypeStruct((F_ROWS, 4 * C), jnp.float32),
        scratch_types=[
            pltpu.VMEM((NCH, 4 * CHP), jnp.int32),
            pltpu.VMEM((NCH, CHPIX), jnp.int32),
            pltpu.VMEM((PPW * 48,), jnp.float32),
            pltpu.VMEM((4 * CHP, DP), jnp.float32),
            pltpu.VMEM((4 * CHP, DP), jnp.float32),
            pltpu.VMEM((CHPIX, 4 * C), jnp.float32),
            pltpu.VMEM((CHPIX, 4 * C), jnp.float32),
            pltpu.SemaphoreType.DMA,
            pltpu.SemaphoreType.DMA,
            pltpu.SemaphoreType.DMA,
            pltpu.SemaphoreType.DMA,
        ],
    )
    def k(table_h, gidx_h, pix_h, valse_h, f_h,
          gidx_v, pix_v, vals_v, g0, g1, d0, d1,
          sem_g0, sem_g1, sem_s0, sem_s1):
        wid = lax.axis_index("s") * nc + lax.axis_index("c")
        pltpu.sync_copy(gidx_h.at[wid], gidx_v)
        pltpu.sync_copy(pix_h.at[wid], pix_v)
        pltpu.sync_copy(valse_h.at[wid], vals_v)

        def g_cp(ci, gb, sem):
            return pltpu.make_async_copy(table_h.at[gidx_v.at[ci]], gb, sem)

        def s_cp(ci, db, sem):
            return pltpu.make_async_copy(db, f_h.at[pix_v.at[ci]], sem)

        def compose(ci, gb, db):
            for p in range(CHP):
                r0 = p * 4
                dd = p * 25
                vb = (ci * CHP + p) * 48
                vv0 = vals_v[pl.ds(vb, 16)]
                vv1 = vals_v[pl.ds(vb + 16, 16)]
                vv2 = vals_v[pl.ds(vb + 32, 16)]

                def seg_body(seg, c3, r0=r0, dd=dd, vv0=vv0, vv1=vv1, vv2=vv2):
                    col = seg * C
                    for cc in range(C // 16):
                        s = pl.ds(col + cc * 16, 16)
                        o = cc * 16
                        db[dd + seg, pl.ds(o, 16)] = gb[r0, s]
                        db[dd + seg, pl.ds(C + o, 16)] = gb[r0 + 1, s] * vv0
                        db[dd + seg, pl.ds(2 * C + o, 16)] = gb[r0 + 2, s] * vv1
                        db[dd + seg, pl.ds(3 * C + o, 16)] = gb[r0 + 3, s] * vv2
                    return c3

                lax.fori_loop(0, 25, seg_body, 0)

        g_cp(0, g0, sem_g0).start()

        def pair_body(kk, carry):
            ca = 2 * kk
            cb = 2 * kk + 1
            cp = jnp.maximum(ca - 2, 0)
            g_cp(cb, g1, sem_g1).start()
            g_cp(ca, g0, sem_g0).wait()

            @pl.when(kk > 0)
            def _():
                s_cp(cp, d0, sem_s0).wait()

            compose(ca, g0, d0)
            s_cp(ca, d0, sem_s0).start()
            @pl.when(cb + 1 < NCH)
            def _():
                g_cp(cb + 1, g0, sem_g0).start()

            g_cp(cb, g1, sem_g1).wait()

            @pl.when(kk > 0)
            def _():
                s_cp(cp + 1, d1, sem_s1).wait()

            compose(cb, g1, d1)
            s_cp(cb, d1, sem_s1).start()
            return carry

        lax.fori_loop(0, NCH // 2, pair_body, 0)
        s_cp(NCH - 2, d0, sem_s0).wait()
        s_cp(NCH - 1, d1, sem_s1).wait()

    return k(table, gidx, _PIX, valse)


def _wnorm_body(wv_ref, wg_ref, o_ref):
    w = wv_ref[...]
    n2 = jnp.sum(w * w, axis=0, keepdims=True)
    o_ref[...] = w * (wg_ref[...] * lax.rsqrt(n2))


def _slab_copy(f_ref, buf, sem, step, slot):
    b2 = step // N_BLK
    i2 = step % N_BLK
    s0 = b2 * BSTRIDE + R_BLK * i2 * WPAD
    return pltpu.make_async_copy(
        f_ref.at[pl.ds(s0, FLAT_IN)], buf.at[slot], sem.at[slot])


def _conv_body(f_ref, w_ref, b_ref, o_ref, buf, sem):
    step = pl.program_id(0) * N_BLK + pl.program_id(1)
    slot = lax.rem(step, 2)

    @pl.when(step == 0)
    def _():
        _slab_copy(f_ref, buf, sem, 0, 0).start()

    @pl.when(step + 1 < B_ * N_BLK)
    def _():
        _slab_copy(f_ref, buf, sem, step + 1, lax.rem(step + 1, 2)).start()

    _slab_copy(f_ref, buf, sem, step, slot).wait()
    acc = jnp.zeros((FLAT_OUT, C), jnp.float32)
    for dy in range(3):
        for dx in range(3):
            off = dy * WPAD + dx
            a = buf[slot, pl.ds(off, FLAT_OUT), :]
            acc = acc + jnp.dot(a, w_ref[dy, dx],
                                preferred_element_type=jnp.float32)
    o_ref[0, 0] = acc + b_ref[0]


def kernel(img, corr_index, corr_values, w_v, w_g, bias):
    f32 = jnp.float32
    xpad = jnp.pad(img, ((0, 0), (0, 0), (0, 1), (0, 1)))
    table = (xpad.reshape(B_, C, NH, P, NH, P)
             .transpose(0, 2, 4, 3, 5, 1)
             .reshape(B_ * L, D))
    table = jnp.pad(table, ((0, 1), (0, DP - D)))

    nbr = (corr_index.transpose(1, 0, 2)
           + (jnp.arange(B_, dtype=jnp.int32) * L)[:, None, None]
           ).reshape(B_ * L, 3)
    gidx = jnp.concatenate(
        [jnp.arange(B_ * L, dtype=jnp.int32)[:, None], nbr], axis=1)
    gidx = jnp.concatenate(
        [gidx, jnp.full((GP_TOTAL - B_ * L, 4), ZROW, jnp.int32)])
    gidx = gidx.reshape(NWORK, NCH, 4 * CHP)

    vals = corr_values.transpose(1, 0, 2).reshape(B_ * L, 3)
    vals = jnp.concatenate([vals, jnp.zeros((GP_TOTAL - B_ * L, 3), f32)])
    valse = jnp.broadcast_to(vals[:, :, None], (GP_TOTAL, 3, 16))
    valse = valse.reshape(NWORK, PPW * 48)

    f_flat = _sc_compose(table, gidx, valse)

    w_vt = jnp.transpose(w_v.reshape(C, 4 * C * 9), (1, 0))
    wsc = pl.pallas_call(
        _wnorm_body,
        out_shape=jax.ShapeDtypeStruct((4 * C * 9, C), f32),
    )(w_vt, w_g.reshape(1, C))
    wtaps = wsc.reshape(4 * C, 3, 3, C).transpose(1, 2, 0, 3)

    out = pl.pallas_call(
        _conv_body,
        grid=(B_, N_BLK),
        in_specs=[
            pl.BlockSpec(memory_space=pl.ANY),
            pl.BlockSpec((3, 3, 4 * C, C), lambda b, i: (0, 0, 0, 0)),
            pl.BlockSpec((1, C), lambda b, i: (0, 0)),
        ],
        out_specs=pl.BlockSpec((1, 1, FLAT_OUT, C), lambda b, i: (b, i, 0, 0)),
        out_shape=jax.ShapeDtypeStruct((B_, N_BLK, FLAT_OUT, C), f32),
        scratch_shapes=[
            pltpu.VMEM((2, FLAT_IN, 4 * C), f32),
            pltpu.SemaphoreType.DMA((2,)),
        ],
    )(f_flat, wtaps, bias.reshape(1, C))

    out = (out.reshape(B_, N_BLK, R_BLK, WPAD, C)[:, :, :, :W, :]
           .reshape(B_, H, W, C).transpose(0, 3, 1, 2))
    return out

# --- scband reference (transcript-rebuilt; emitter-appended) ---
"""Pipeline reference for scband-aggregate-27848567947411 (READ-ONLY COPY).

The authoritative reference and input builder live on the scoring server;
editing this copy changes nothing except your own understanding.
"""

import jax, jax.numpy as jnp
import numpy as np

N_FEATS = 96
PATCH = 5
STRIDE = 5
B = 2
H = 224
W = 224


def calc_padding(h, w, patchsize, stride):
    # N3Net-style calc_padding: pad so unfold tiles the image exactly
    padvert = -(h - patchsize) % stride
    padhorz = -(w - patchsize) % stride
    padtop = int(np.floor(padvert / 2.0))
    padbottom = int(np.ceil(padvert / 2.0))
    padleft = int(np.floor(padhorz / 2.0))
    padright = int(np.ceil(padhorz / 2.0))
    return padtop, padbottom, padleft, padright


def setup_inputs(seed: int = 0):
    key = jax.random.key(seed)
    k1, k2, k3, k4, k5, k6 = jax.random.split(key, 6)
    padtop, padbottom, padleft, padright = calc_padding(H, W, PATCH, STRIDE)
    Hp = H + padtop + padbottom
    Wp = W + padleft + padright
    L = (Hp // STRIDE) * (Wp // STRIDE)  # 45*45 = 2025
    img = jax.random.normal(k1, (B, N_FEATS, H, W), dtype=jnp.float32)
    corr_index = jax.random.randint(k2, (L, B, 3), 0, L, dtype=jnp.int32)
    corr_values = jax.random.uniform(k3, (L, B, 3), dtype=jnp.float32)
    # weight-normalized Conv2d(n_feats*4 -> n_feats, k=3, pad=1) parameters
    w_v = jax.random.normal(k4, (N_FEATS, N_FEATS * 4, 3, 3), dtype=jnp.float32) * 0.05
    w_g = jax.random.uniform(k5, (N_FEATS,), dtype=jnp.float32) + 0.5
    bias = jax.random.normal(k6, (N_FEATS,), dtype=jnp.float32) * 0.01
    return {"img": img, "corr_index": corr_index, "corr_values": corr_values,
            "w_v": w_v, "w_g": w_g, "bias": bias}


def reference(img, corr_index, corr_values, w_v, w_g, bias):
    padtop, padbottom, padleft, padright = calc_padding(img.shape[2], img.shape[3], PATCH, STRIDE)
    xpad = jnp.pad(img, ((0, 0), (0, 0), (padtop, padbottom), (padleft, padright)))
    Bn, C, Hp, Wp = xpad.shape
    nH = Hp // STRIDE
    nW = Wp // STRIDE
    L = nH * nW
    # F.unfold with patchsize == stride (non-overlapping): reshape-based im2patch,
    # patch ordering k = nW*i + j (row-major over spatial grid), per-patch layout [C, p, p]
    Z = xpad.reshape(Bn, C, nH, PATCH, nW, PATCH)
    Z = jnp.transpose(Z, (0, 2, 4, 1, 3, 5)).reshape(Bn, L, C, PATCH, PATCH)
    # gather top-3 neighbor patches per (patch k, batch n): selected[n,k,m] = Z[n, index[k,n,m]]
    idx_t = jnp.transpose(corr_index, (1, 0, 2))    # [B, L, 3]
    vals_t = jnp.transpose(corr_values, (1, 0, 2))  # [B, L, 3]
    bidx = jnp.arange(Bn)[:, None, None]
    gathered = Z[bidx, idx_t]                        # [B, L, 3, C, p, p]
    weighted = gathered * vals_t[..., None, None, None]
    fusionZ = jnp.concatenate(
        [Z, weighted[:, :, 0], weighted[:, :, 1], weighted[:, :, 2]], axis=2)  # [B, L, 4C, p, p]
    # F.fold (inverse of non-overlapping unfold)
    fusionZ = fusionZ.reshape(Bn, nH, nW, 4 * C, PATCH, PATCH)
    fusionZ = jnp.transpose(fusionZ, (0, 3, 1, 4, 2, 5)).reshape(Bn, 4 * C, Hp, Wp)
    fusionZ = fusionZ[:, :, padtop:Hp - padbottom, padleft:Wp - padright]
    # weight-normalized 3x3 conv (torch weight_norm, dim=0)
    norm = jnp.sqrt(jnp.sum(w_v ** 2, axis=(1, 2, 3), keepdims=True))
    weight = w_g.reshape(-1, 1, 1, 1) * w_v / norm
    out = jax.lax.conv_general_dilated(
        fusionZ, weight, window_strides=(1, 1), padding=((1, 1), (1, 1)),
        dimension_numbers=("NCHW", "OIHW", "NCHW"))
    out = out + bias.reshape(1, -1, 1, 1)
    return out


if False:  # reference __main__ guard neutralized (emitter)
    inp = setup_inputs()
    o = reference(**inp)
    print(o.shape)

if __name__ == "__main__":
    import jax
    _d = setup_inputs()
    print(jax.jit(kernel)(*tuple(_d.values())))

</pallas_src>

<mosaic_0001>
#map = affine_map<(d0, d1) -> (0, 0)>
#map1 = affine_map<(d0, d1) -> (0, 0, 0)>
module attributes {stable_mosaic.version = 14 : i64} {
  func.func @k(%arg0: i32, %arg1: i32, %arg2: memref<4051x2432xf32, #tpu.memory_space<hbm>>, %arg3: memref<32x66x8xi32, #tpu.memory_space<hbm>>, %arg4: memref<32x66x56xi32, #tpu.memory_space<hbm>>, %arg5: memref<32x6336xf32, #tpu.memory_space<hbm>>, %arg6: memref<102648x384xf32, #tpu.memory_space<hbm>>, %arg7: memref<66x8xi32, #tpu.memory_space<vmem>>, %arg8: memref<66x56xi32, #tpu.memory_space<vmem>>, %arg9: memref<6336xf32, #tpu.memory_space<vmem>>, %arg10: memref<8x2432xf32, #tpu.memory_space<vmem>>, %arg11: memref<8x2432xf32, #tpu.memory_space<vmem>>, %arg12: memref<56x384xf32, #tpu.memory_space<vmem>>, %arg13: memref<56x384xf32, #tpu.memory_space<vmem>>, %arg14: memref<!tpu.dma_semaphore, #tpu.memory_space<semaphore_mem>>, %arg15: memref<!tpu.dma_semaphore, #tpu.memory_space<semaphore_mem>>, %arg16: memref<!tpu.dma_semaphore, #tpu.memory_space<semaphore_mem>>, %arg17: memref<!tpu.dma_semaphore, #tpu.memory_space<semaphore_mem>>) attributes {dimension_semantics = [#tpu.dimension_semantics<core_parallel>, #tpu.dimension_semantics<subcore_parallel>], iteration_bounds = array<i64: 2, 16>, scalar_prefetch = 0 : i64, scratch_operands = 11 : i64, tpu.core_type = #tpu.core_type<sc_vector_subcore>, window_params = [{transform_indices = #map}, {transform_indices = #map1}, {transform_indices = #map1}, {transform_indices = #map}, {transform_indices = #map}]} {
    %mul3A = arith.constant 2 : i32
    %mul3A_0 = arith.muli %arg1, %mul3A : i32
    %add3A = arith.addi %mul3A_0, %arg0 : i32
    "tpu.region"() ({
      %run_scoped3A = tpu.sem_alloc : memref<!tpu.dma_semaphore, #tpu.memory_space<semaphore_mem>>
      %dma_start3A_25 = arith.constant 0 : i32
      %dma_start3A_26 = arith.constant 0 : i32
      %dma_start3A_27 = tpu.memref_slice %arg3[%add3A, %dma_start3A_25, %dma_start3A_26] : memref<32x66x8xi32, #tpu.memory_space<hbm>> -> memref<1x66x8xi32, #tpu.memory_space<hbm>>
      %dma_start3A_28 = tpu.memref_squeeze %dma_start3A_27 : memref<1x66x8xi32, #tpu.memory_space<hbm>> -> memref<66x8xi32, #tpu.memory_space<hbm>>
      %dma_start3A_29 = arith.constant 0 : i32
      %dma_start3A_30 = arith.constant 0 : i32
      %dma_start3A_31 = tpu.memref_slice %arg3[%add3A, %dma_start3A_29, %dma_start3A_30] : memref<32x66x8xi32, #tpu.memory_space<hbm>> -> memref<1x66x8xi32, #tpu.memory_space<hbm>>
      %dma_start3A_32 = tpu.memref_squeeze %dma_start3A_31 : memref<1x66x8xi32, #tpu.memory_space<hbm>> -> memref<66x8xi32, #tpu.memory_space<hbm>>
      tpu.enqueue_dma source(%dma_start3A_32 : memref<66x8xi32, #tpu.memory_space<hbm>>) target(%arg7 : memref<66x8xi32, #tpu.memory_space<vmem>>) target_semaphore(%run_scoped3A : memref<!tpu.dma_semaphore, #tpu.memory_space<semaphore_mem>>)
      %dma_wait3A_33 = arith.constant 0 : i32
      %dma_wait3A_34 = arith.constant 0 : i32
      %dma_wait3A_35 = tpu.memref_slice %arg3[%add3A, %dma_wait3A_33, %dma_wait3A_34] : memref<32x66x8xi32, #tpu.memory_space<hbm>> -> memref<1x66x8xi32, #tpu.memory_space<hbm>>
      %dma_wait3A_36 = tpu.memref_squeeze %dma_wait3A_35 : memref<1x66x8xi32, #tpu.memory_space<hbm>> -> memref<66x8xi32, #tpu.memory_space<hbm>>
      %dma_wait3A_37 = arith.constant 0 : i32
      %dma_wait3A_38 = arith.constant 0 : i32
      %dma_wait3A_39 = tpu.memref_slice %arg3[%add3A, %dma_wait3A_37, %dma_wait3A_38] : memref<32x66x8xi32, #tpu.memory_space<hbm>> -> memref<1x66x8xi32, #tpu.memory_space<hbm>>
      %dma_wait3A_40 = tpu.memref_squeeze %dma_wait3A_39 : memref<1x66x8xi32, #tpu.memory_space<hbm>> -> memref<66x8xi32, #tpu.memory_space<hbm>>
      tpu.wait_dma2 semaphore(%run_scoped3A : memref<!tpu.dma_semaphore, #tpu.memory_space<semaphore_mem>>) src(%dma_wait3A_40 : memref<66x8xi32, #tpu.memory_space<hbm>>) dst(%arg7 : memref<66x8xi32, #tpu.memory_space<vmem>>)
      tpu.yield
    }) : () -> ()
    "tpu.region"() ({
      %run_scoped3A = tpu.sem_alloc : memref<!tpu.dma_semaphore, #tpu.memory_space<semaphore_mem>>
      %dma_start3A_25 = arith.constant 0 : i32
      %dma_start3A_26 = arith.constant 0 : i32
      %dma_start3A_27 = tpu.memref_slice %arg4[%add3A, %dma_start3A_25, %dma_start3A_26] : memref<32x66x56xi32, #tpu.memory_space<hbm>> -> memref<1x66x56xi32, #tpu.memory_space<hbm>>
      %dma_start3A_28 = tpu.memref_squeeze %dma_start3A_27 : memref<1x66x56xi32, #tpu.memory_space<hbm>> -> memref<66x56xi32, #tpu.memory_space<hbm>>
      %dma_start3A_29 = arith.constant 0 : i32
      %dma_start3A_30 = arith.constant 0 : i32
      %dma_start3A_31 = tpu.memref_slice %arg4[%add3A, %dma_start3A_29, %dma_start3A_30] : memref<32x66x56xi32, #tpu.memory_space<hbm>> -> memref<1x66x56xi32, #tpu.memory_space<hbm>>
      %dma_start3A_32 = tpu.memref_squeeze %dma_start3A_31 : memref<1x66x56xi32, #tpu.memory_space<hbm>> -> memref<66x56xi32, #tpu.memory_space<hbm>>
      tpu.enqueue_dma source(%dma_start3A_32 : memref<66x56xi32, #tpu.memory_space<hbm>>) target(%arg8 : memref<66x56xi32, #tpu.memory_space<vmem>>) target_semaphore(%run_scoped3A : memref<!tpu.dma_semaphore, #tpu.memory_space<semaphore_mem>>)
      %dma_wait3A_33 = arith.constant 0 : i32
      %dma_wait3A_34 = arith.constant 0 : i32
      %dma_wait3A_35 = tpu.memref_slice %arg4[%add3A, %dma_wait3A_33, %dma_wait3A_34] : memref<32x66x56xi32, #tpu.memory_space<hbm>> -> memref<1x66x56xi32, #tpu.memory_space<hbm>>
      %dma_wait3A_36 = tpu.memref_squeeze %dma_wait3A_35 : memref<1x66x56xi32, #tpu.memory_space<hbm>> -> memref<66x56xi32, #tpu.memory_space<hbm>>
      %dma_wait3A_37 = arith.constant 0 : i32
      %dma_wait3A_38 = arith.constant 0 : i32
      %dma_wait3A_39 = tpu.memref_slice %arg4[%add3A, %dma_wait3A_37, %dma_wait3A_38] : memref<32x66x56xi32, #tpu.memory_space<hbm>> -> memref<1x66x56xi32, #tpu.memory_space<hbm>>
      %dma_wait3A_40 = tpu.memref_squeeze %dma_wait3A_39 : memref<1x66x56xi32, #tpu.memory_space<hbm>> -> memref<66x56xi32, #tpu.memory_space<hbm>>
      tpu.wait_dma2 semaphore(%run_scoped3A : memref<!tpu.dma_semaphore, #tpu.memory_space<semaphore_mem>>) src(%dma_wait3A_40 : memref<66x56xi32, #tpu.memory_space<hbm>>) dst(%arg8 : memref<66x56xi32, #tpu.memory_space<vmem>>)
      tpu.yield
    }) : () -> ()
    "tpu.region"() ({
      %run_scoped3A = tpu.sem_alloc : memref<!tpu.dma_semaphore, #tpu.memory_space<semaphore_mem>>
      %dma_start3A_25 = arith.constant 0 : i32
      %dma_start3A_26 = tpu.memref_slice %arg5[%add3A, %dma_start3A_25] : memref<32x6336xf32, #tpu.memory_space<hbm>> -> memref<1x6336xf32, #tpu.memory_space<hbm>>
      %dma_start3A_27 = tpu.memref_squeeze %dma_start3A_26 : memref<1x6336xf32, #tpu.memory_space<hbm>> -> memref<6336xf32, #tpu.memory_space<hbm>>
      %dma_start3A_28 = arith.constant 0 : i32
      %dma_start3A_29 = tpu.memref_slice %arg5[%add3A, %dma_start3A_28] : memref<32x6336xf32, #tpu.memory_space<hbm>> -> memref<1x6336xf32, #tpu.memory_space<hbm>>
      %dma_start3A_30 = tpu.memref_squeeze %dma_start3A_29 : memref<1x6336xf32, #tpu.memory_space<hbm>> -> memref<6336xf32, #tpu.memory_space<hbm>>
      tpu.enqueue_dma source(%dma_start3A_30 : memref<6336xf32, #tpu.memory_space<hbm>>) target(%arg9 : memref<6336xf32, #tpu.memory_space<vmem>>) target_semaphore(%run_scoped3A : memref<!tpu.dma_semaphore, #tpu.memory_space<semaphore_mem>>)
      %dma_wait3A_31 = arith.constant 0 : i32
      %dma_wait3A_32 = tpu.memref_slice %arg5[%add3A, %dma_wait3A_31] : memref<32x6336xf32, #tpu.memory_space<hbm>> -> memref<1x6336xf32, #tpu.memory_space<hbm>>
      %dma_wait3A_33 = tpu.memref_squeeze %dma_wait3A_32 : memref<1x6336xf32, #tpu.memory_space<hbm>> -> memref<6336xf32, #tpu.memory_space<hbm>>
      %dma_wait3A_34 = arith.constant 0 : i32
      %dma_wait3A_35 = tpu.memref_slice %arg5[%add3A, %dma_wait3A_34] : memref<32x6336xf32, #tpu.memory_space<hbm>> -> memref<1x6336xf32, #tpu.memory_space<hbm>>
      %dma_wait3A_36 = tpu.memref_squeeze %dma_wait3A_35 : memref<1x6336xf32, #tpu.memory_space<hbm>> -> memref<6336xf32, #tpu.memory_space<hbm>>
      tpu.wait_dma2 semaphore(%run_scoped3A : memref<!tpu.dma_semaphore, #tpu.memory_space<semaphore_mem>>) src(%dma_wait3A_36 : memref<6336xf32, #tpu.memory_space<hbm>>) dst(%arg9 : memref<6336xf32, #tpu.memory_space<vmem>>)
      tpu.yield
    }) : () -> ()
    %dma_start3A = arith.constant 0 : i32
    %dma_start3A_1 = arith.constant 0 : i32
    %dma_start3A_2 = tpu.memref_slice %arg7[%dma_start3A, %dma_start3A_1] : memref<66x8xi32, #tpu.memory_space<vmem>> -> memref<1x8xi32, #tpu.memory_space<vmem>>
    %dma_start3A_3 = tpu.memref_squeeze %dma_start3A_2 : memref<1x8xi32, #tpu.memory_space<vmem>> -> memref<8xi32, #tpu.memory_space<vmem>>
    %dma_start3A_4 = arith.constant 0 : i32
    %dma_start3A_5 = arith.constant 0 : i32
    %dma_start3A_6 = tpu.memref_slice %arg2[%dma_start3A_4, %dma_start3A_5] : memref<4051x2432xf32, #tpu.memory_space<hbm>> -> memref<4051x2432xf32, #tpu.memory_space<hbm>>
    tpu.enqueue_indirect_dma source(%dma_start3A_6 : memref<4051x2432xf32, #tpu.memory_space<hbm>>) target(%arg10 : memref<8x2432xf32, #tpu.memory_space<vmem>>) offsets(%dma_start3A_3 : memref<8xi32, #tpu.memory_space<vmem>>) semaphore(%arg14 : memref<!tpu.dma_semaphore, #tpu.memory_space<semaphore_mem>>)
    %scan3A = arith.constant 0 : i32
    %scan3A_7 = arith.constant 0 : i32
    %scan3A_8 = arith.constant 33 : i32
    %scan3A_9 = arith.addi %scan3A_7, %scan3A_8 : i32
    %scan3A_10 = arith.constant 1 : i32
    scf.for %scan3A_25 = %scan3A_7 to %scan3A_9 step %scan3A_10  : i32 {
      %mul3A_26 = arith.constant 2 : i32
      %mul3A_27 = arith.muli %mul3A_26, %scan3A_25 : i32
      %mul3A_28 = arith.constant 2 : i32
      %mul3A_29 = arith.muli %mul3A_28, %scan3A_25 : i32
      %add3A_30 = arith.constant 1 : i32
      %add3A_31 = arith.addi %mul3A_29, %add3A_30 : i32
      %sub3A = arith.constant 2 : i32
      %sub3A_32 = arith.subi %mul3A_27, %sub3A : i32
      %max3A = arith.constant 0 : i32
      %max3A_33 = arith.maxsi %sub3A_32, %max3A : i32
      %dma_start3A_34 = arith.constant 0 : i32
      %dma_start3A_35 = tpu.memref_slice %arg7[%add3A_31, %dma_start3A_34] : memref<66x8xi32, #tpu.memory_space<vmem>> -> memref<1x8xi32, #tpu.memory_space<vmem>>
      %dma_start3A_36 = tpu.memref_squeeze %dma_start3A_35 : memref<1x8xi32, #tpu.memory_space<vmem>> -> memref<8xi32, #tpu.memory_space<vmem>>
      %dma_start3A_37 = arith.constant 0 : i32
      %dma_start3A_38 = arith.constant 0 : i32
      %dma_start3A_39 = tpu.memref_slice %arg2[%dma_start3A_37, %dma_start3A_38] : memref<4051x2432xf32, #tpu.memory_space<hbm>> -> memref<4051x2432xf32, #tpu.memory_space<hbm>>
      tpu.enqueue_indirect_dma source(%dma_start3A_39 : memref<4051x2432xf32, #tpu.memory_space<hbm>>) target(%arg11 : memref<8x2432xf32, #tpu.memory_space<vmem>>) offsets(%dma_start3A_36 : memref<8xi32, #tpu.memory_space<vmem>>) semaphore(%arg15 : memref<!tpu.dma_semaphore, #tpu.memory_space<semaphore_mem>>)
      %dma_wait3A_40 = arith.constant 0 : i32
      %dma_wait3A_41 = tpu.memref_slice %arg7[%mul3A_27, %dma_wait3A_40] : memref<66x8xi32, #tpu.memory_space<vmem>> -> memref<1x8xi32, #tpu.memory_space<vmem>>
      %dma_wait3A_42 = tpu.memref_squeeze %dma_wait3A_41 : memref<1x8xi32, #tpu.memory_space<vmem>> -> memref<8xi32, #tpu.memory_space<vmem>>
      %dma_wait3A_43 = arith.constant 0 : i32
      %dma_wait3A_44 = arith.constant 0 : i32
      %dma_wait3A_45 = tpu.memref_slice %arg2[%dma_wait3A_43, %dma_wait3A_44] : memref<4051x2432xf32, #tpu.memory_space<hbm>> -> memref<4051x2432xf32, #tpu.memory_space<hbm>>
      tpu.wait_indirect_dma semaphore(%arg14 : memref<!tpu.dma_semaphore, #tpu.memory_space<semaphore_mem>>) src(%dma_wait3A_45 : memref<4051x2432xf32, #tpu.memory_space<hbm>>) dst(%arg10 : memref<8x2432xf32, #tpu.memory_space<vmem>>)
      %gt3A = arith.constant 0 : i32
      %gt3A_46 = arith.cmpi sgt, %scan3A_25, %gt3A : i32
      %convert_element_type3A = arith.extui %gt3A_46 : i1 to i32
      %cond3A = arith.constant 0 : i32
      %cond3A_47 = arith.cmpi ne, %convert_element_type3A, %cond3A : i32
      scf.if %cond3A_47 {
        %dma_wait3A_176 = arith.constant 0 : i32
        %dma_wait3A_177 = tpu.memref_slice %arg8[%max3A_33, %dma_wait3A_176] : memref<66x56xi32, #tpu.memory_space<vmem>> -> memref<1x56xi32, #tpu.memory_space<vmem>>
        %dma_wait3A_178 = tpu.memref_squeeze %dma_wait3A_177 : memref<1x56xi32, #tpu.memory_space<vmem>> -> memref<56xi32, #tpu.memory_space<vmem>>
        %dma_wait3A_179 = arith.constant 0 : i32
        %dma_wait3A_180 = arith.constant 0 : i32
        %dma_wait3A_181 = tpu.memref_slice %arg6[%dma_wait3A_179, %dma_wait3A_180] : memref<102648x384xf32, #tpu.memory_space<hbm>> -> memref<102648x384xf32, #tpu.memory_space<hbm>>
        tpu.wait_indirect_dma semaphore(%arg16 : memref<!tpu.dma_semaphore, #tpu.memory_space<semaphore_mem>>) src(%arg12 : memref<56x384xf32, #tpu.memory_space<vmem>>) dst(%dma_wait3A_181 : memref<102648x384xf32, #tpu.memory_space<hbm>>)
      } else {
      }
      %mul3A_48 = arith.constant 2 : i32
      %mul3A_49 = arith.muli %mul3A_27, %mul3A_48 : i32
      %add3A_50 = arith.constant 0 : i32
      %add3A_51 = arith.addi %mul3A_49, %add3A_50 : i32
      %mul3A_52 = arith.constant 48 : i32
      %mul3A_53 = arith.muli %add3A_51, %mul3A_52 : i32
      %get3A = arith.index_cast %mul3A_53 : i32 to index
      %get3A_54 = tpu.vector_load %arg9[%get3A] {strides = array<i32>} : memref<6336xf32, #tpu.memory_space<vmem>>, vector<16xf32>,
      %get3A_55 = vector.shape_cast %get3A_54 : vector<16xf32> to vector<16xf32>
      %add3A_56 = arith.constant 16 : i32
      %add3A_57 = arith.addi %mul3A_53, %add3A_56 : i32
      %get3A_58 = arith.index_cast %add3A_57 : i32 to index
      %get3A_59 = tpu.vector_load %arg9[%get3A_58] {strides = array<i32>} : memref<6336xf32, #tpu.memory_space<vmem>>, vector<16xf32>,
      %get3A_60 = vector.shape_cast %get3A_59 : vector<16xf32> to vector<16xf32>
      %add3A_61 = arith.constant 32 : i32
      %add3A_62 = arith.addi %mul3A_53, %add3A_61 : i32
      %get3A_63 = arith.index_cast %add3A_62 : i32 to index
      %get3A_64 = tpu.vector_load %arg9[%get3A_63] {strides = array<i32>} : memref<6336xf32, #tpu.memory_space<vmem>>, vector<16xf32>,
      %get3A_65 = vector.shape_cast %get3A_64 : vector<16xf32> to vector<16xf32>
      %scan3A_66 = arith.constant 0 : i32
      %scan3A_67 = arith.constant 0 : i32
      %scan3A_68 = arith.constant 25 : i32
      %scan3A_69 = arith.addi %scan3A_67, %scan3A_68 : i32
      %scan3A_70 = arith.constant 1 : i32
      scf.for %scan3A_176 = %scan3A_67 to %scan3A_69 step %scan3A_70  : i32 {
        %mul3A_177 = arith.constant 96 : i32
        %mul3A_178 = arith.muli %scan3A_176, %mul3A_177 : i32
        %add3A_179 = arith.constant 0 : i32
        %add3A_180 = arith.addi %mul3A_178, %add3A_179 : i32
        %get3A_181 = arith.constant 0 : i32
        %get3A_182 = arith.index_cast %get3A_181 : i32 to index
        %get3A_183 = arith.index_cast %add3A_180 : i32 to index
        %get3A_184 = tpu.vector_load %arg10[%get3A_182, %get3A_183] {strides = array<i32>} : memref<8x2432xf32, #tpu.memory_space<vmem>>, vector<1x16xf32>,
        %get3A_185 = vector.shape_cast %get3A_184 : vector<1x16xf32> to vector<16xf32>
        %add3A_186 = arith.constant 0 : i32
        %add3A_187 = arith.addi %add3A_186, %scan3A_176 : i32
        %swap3A = arith.index_cast %add3A_187 : i32 to index
        %swap3A_188 = arith.constant 0 : index
        %swap3A_189 = tpu.vector_load %arg12[%swap3A, %swap3A_188] {strides = array<i32>} : memref<56x384xf32, #tpu.memory_space<vmem>>, vector<1x16xf32>,
        %swap3A_190 = vector.shape_cast %swap3A_189 : vector<1x16xf32> to vector<16xf32>
        %swap3A_191 = vector.shape_cast %get3A_185 : vector<16xf32> to vector<1x16xf32>
        tpu.vector_store %arg12[%swap3A, %swap3A_188], %swap3A_191 {strides = array<i32>} : memref<56x384xf32, #tpu.memory_space<vmem>>, vector<1x16xf32>,
        %get3A_192 = arith.constant 1 : i32
        %get3A_193 = arith.index_cast %get3A_192 : i32 to index
        %get3A_194 = arith.index_cast %add3A_180 : i32 to index
        %get3A_195 = tpu.vector_load %arg10[%get3A_193, %get3A_194] {strides = array<i32>} : memref<8x2432xf32, #tpu.memory_space<vmem>>, vector<1x16xf32>,
        %get3A_196 = vector.shape_cast %get3A_195 : vector<1x16xf32> to vector<16xf32>
        %mul3A_197 = arith.mulf %get3A_196, %get3A_55 : vector<16xf32>
        %add3A_198 = arith.constant 0 : i32
        %add3A_199 = arith.addi %add3A_198, %scan3A_176 : i32
        %swap3A_200 = arith.index_cast %add3A_199 : i32 to index
        %swap3A_201 = arith.constant 96 : index
        %swap3A_202 = tpu.vector_load %arg12[%swap3A_200, %swap3A_201] {strides = array<i32>} : memref<56x384xf32, #tpu.memory_space<vmem>>, vector<1x16xf32>,
        %swap3A_203 = vector.shape_cast %swap3A_202 : vector<1x16xf32> to vector<16xf32>
        %swap3A_204 = vector.shape_cast %mul3A_197 : vector<16xf32> to vector<1x16xf32>
        tpu.vector_store %arg12[%swap3A_200, %swap3A_201], %swap3A_204 {strides = array<i32>} : memref<56x384xf32, #tpu.memory_space<vmem>>, vector<1x16xf32>,
        %get3A_205 = arith.constant 2 : i32
        %get3A_206 = arith.index_cast %get3A_205 : i32 to index
        %get3A_207 = arith.index_cast %add3A_180 : i32 to index
        %get3A_208 = tpu.vector_load %arg10[%get3A_206, %get3A_207] {strides = array<i32>} : memref<8x2432xf32, #tpu.memory_space<vmem>>, vector<1x16xf32>,
        %get3A_209 = vector.shape_cast %get3A_208 : vector<1x16xf32> to vector<16xf32>
        %mul3A_210 = arith.mulf %get3A_209, %get3A_60 : vector<16xf32>
        %add3A_211 = arith.constant 0 : i32
        %add3A_212 = arith.addi %add3A_211, %scan3A_176 : i32
        %swap3A_213 = arith.index_cast %add3A_212 : i32 to index
        %swap3A_214 = arith.constant 192 : index
        %swap3A_215 = tpu.vector_load %arg12[%swap3A_213, %swap3A_214] {strides = array<i32>} : memref<56x384xf32, #tpu.memory_space<vmem>>, vector<1x16xf32>,
        %swap3A_216 = vector.shape_cast %swap3A_215 : vector<1x16xf32> to vector<16xf32>
        %swap3A_217 = vector.shape_cast %mul3A_210 : vector<16xf32> to vector<1x16xf32>
        tpu.vector_store %arg12[%swap3A_213, %swap3A_214], %swap3A_217 {strides = array<i32>} : memref<56x384xf32, #tpu.memory_space<vmem>>, vector<1x16xf32>,
        %get3A_218 = arith.constant 3 : i32
        %get3A_219 = arith.index_cast %get3A_218 : i32 to index
        %get3A_220 = arith.index_cast %add3A_180 : i32 to index
        %get3A_221 = tpu.vector_load %arg10[%get3A_219, %get3A_220] {strides = array<i32>} : memref<8x2432xf32, #tpu.memory_space<vmem>>, vector<1x16xf32>,
        %get3A_222 = vector.shape_cast %get3A_221 : vector<1x16xf32> to vector<16xf32>
        %mul3A_223 = arith.mulf %get3A_222, %get3A_65 : vector<16xf32>
        %add3A_224 = arith.constant 0 : i32
        %add3A_225 = arith.addi %add3A_224, %scan3A_176 : i32
        %swap3A_226 = arith.index_cast %add3A_225 : i32 to index
        %swap3A_227 = arith.constant 288 : index
        %swap3A_228 = tpu.vector_load %arg12[%swap3A_226, %swap3A_227] {strides = array<i32>} : memref<56x384xf32, #tpu.memory_space<vmem>>, vector<1x16xf32>,
        %swap3A_229 = vector.shape_cast %swap3A_228 : vector<1x16xf32> to vector<16xf32>
        %swap3A_230 = vector.shape_cast %mul3A_223 : vector<16xf32> to vector<1x16xf32>
        tpu.vector_store %arg12[%swap3A_226, %swap3A_227], %swap3A_230 {strides = array<i32>} : memref<56x384xf32, #tpu.memory_space<vmem>>, vector<1x16xf32>,
        %add3A_231 = arith.constant 16 : i32
        %add3A_232 = arith.addi %mul3A_178, %add3A_231 : i32
        %get3A_233 = arith.constant 0 : i32
        %get3A_234 = arith.index_cast %get3A_233 : i32 to index
        %get3A_235 = arith.index_cast %add3A_232 : i32 to index
        %get3A_236 = tpu.vector_load %arg10[%get3A_234, %get3A_235] {strides = array<i32>} : memref<8x2432xf32, #tpu.memory_space<vmem>>, vector<1x16xf32>,
        %get3A_237 = vector.shape_cast %get3A_236 : vector<1x16xf32> to vector<16xf32>
        %add3A_238 = arith.constant 0 : i32
        %add3A_239 = arith.addi %add3A_238, %scan3A_176 : i32
        %swap3A_240 = arith.index_cast %add3A_239 : i32 to index
        %swap3A_241 = arith.constant 16 : index
        %swap3A_242 = tpu.vector_load %arg12[%swap3A_240, %swap3A_241] {strides = array<i32>} : memref<56x384xf32, #tpu.memory_space<vmem>>, vector<1x16xf32>,
        %swap3A_243 = vector.shape_cast %swap3A_242 : vector<1x16xf32> to vector<16xf32>
        %swap3A_244 = vector.shape_cast %get3A_237 : vector<16xf32> to vector<1x16xf32>
        tpu.vector_store %arg12[%swap3A_240, %swap3A_241], %swap3A_244 {strides = array<i32>} : memref<56x384xf32, #tpu.memory_space<vmem>>, vector<1x16xf32>,
        %get3A_245 = arith.constant 1 : i32
        %get3A_246 = arith.index_cast %get3A_245 : i32 to index
        %get3A_247 = arith.index_cast %add3A_232 : i32 to index
        %get3A_248 = tpu.vector_load %arg10[%get3A_246, %get3A_247] {strides = array<i32>} : memref<8x2432xf32, #tpu.memory_space<vmem>>, vector<1x16xf32>,
        %get3A_249 = vector.shape_cast %get3A_248 : vector<1x16xf32> to vector<16xf32>
        %mul3A_250 = arith.mulf %get3A_249, %get3A_55 : vector<16xf32>
        %add3A_251 = arith.constant 0 : i32
        %add3A_252 = arith.addi %add3A_251, %scan3A_176 : i32
        %swap3A_253 = arith.index_cast %add3A_252 : i32 to index
        %swap3A_254 = arith.constant 112 : index
        %swap3A_255 = tpu.vector_load %arg12[%swap3A_253, %swap3A_254] {strides = array<i32>} : memref<56x384xf32, #tpu.memory_space<vmem>>, vector<1x16xf32>,
        %swap3A_256 = vector.shape_cast %swap3A_255 : vector<1x16xf32> to vector<16xf32>
        %swap3A_257 = vector.shape_cast %mul3A_250 : vector<16xf32> to vector<1x16xf32>
        tpu.vector_store %arg12[%swap3A_253, %swap3A_254], %swap3A_257 {strides = array<i32>} : memref<56x384xf32, #tpu.memory_space<vmem>>, vector<1x16xf32>,
        %get3A_258 = arith.constant 2 : i32
        %get3A_259 = arith.index_cast %get3A_258 : i32 to index
        %get3A_260 = arith.index_cast %add3A_232 : i32 to index
        %get3A_261 = tpu.vector_load %arg10[%get3A_259, %get3A_260] {strides = array<i32>} : memref<8x2432xf32, #tpu.memory_space<vmem>>, vector<1x16xf32>,
        %get3A_262 = vector.shape_cast %get3A_261 : vector<1x16xf32> to vector<16xf32>
        %mul3A_263 = arith.mulf %get3A_262, %get3A_60 : vector<16xf32>
        %add3A_264 = arith.constant 0 : i32
        %add3A_265 = arith.addi %add3A_264, %scan3A_176 : i32
        %swap3A_266 = arith.index_cast %add3A_265 : i32 to index
        %swap3A_267 = arith.constant 208 : index
        %swap3A_268 = tpu.vector_load %arg12[%swap3A_266, %swap3A_267] {strides = array<i32>} : memref<56x384xf32, #tpu.memory_space<vmem>>, vector<1x16xf32>,
        %swap3A_269 = vector.shape_cast %swap3A_268 : vector<1x16xf32> to vector<16xf32>
        %swap3A_270 = vector.shape_cast %mul3A_263 : vector<16xf32> to vector<1x16xf32>
        tpu.vector_store %arg12[%swap3A_266, %swap3A_267], %swap3A_270 {strides = array<i32>} : memref<56x384xf32, #tpu.memory_space<vmem>>, vector<1x16xf32>,
        %get3A_271 = arith.constant 3 : i32
        %get3A_272 = arith.index_cast %get3A_271 : i32 to index
        %get3A_273 = arith.index_cast %add3A_232 : i32 to index
        %get3A_274 = tpu.vector_load %arg10[%get3A_272, %get3A_273] {strides = array<i32>} : memref<8x2432xf32, #tpu.memory_space<vmem>>, vector<1x16xf32>,
        %get3A_275 = vector.shape_cast %get3A_274 : vector<1x16xf32> to vector<16xf32>
        %mul3A_276 = arith.mulf %get3A_275, %get3A_65 : vector<16xf32>
        %add3A_277 = arith.constant 0 : i32
        %add3A_278 = arith.addi %add3A_277, %scan3A_176 : i32
        %swap3A_279 = arith.index_cast %add3A_278 : i32 to index
        %swap3A_280 = arith.constant 304 : index
        %swap3A_281 = tpu.vector_load %arg12[%swap3A_279, %swap3A_280] {strides = array<i32>} : memref<56x384xf32, #tpu.memory_space<vmem>>, vector<1x16xf32>,
        %swap3A_282 = vector.shape_cast %swap3A_281 : vector<1x16xf32> to vector<16xf32>
        %swap3A_283 = vector.shape_cast %mul3A_276 : vector<16xf32> to vector<1x16xf32>
        tpu.vector_store %arg12[%swap3A_279, %swap3A_280], %swap3A_283 {strides = array<i32>} : memref<56x384xf32, #tpu.memory_space<vmem>>, vector<1x16xf32>,
        %add3A_284 = arith.constant 32 : i32
        %add3A_285 = arith.addi %mul3A_178, %add3A_284 : i32
        %get3A_286 = arith.constant 0 : i32
        %get3A_287 = arith.index_cast %get3A_286 : i32 to index
        %get3A_288 = arith.index_cast %add3A_285 : i32 to index
        %get3A_289 = tpu.vector_load %arg10[%get3A_287, %get3A_288] {strides = array<i32>} : memref<8x2432xf32, #tpu.memory_space<vmem>>, vector<1x16xf32>,
        %get3A_290 = vector.shape_cast %get3A_289 : vector<1x16xf32> to vector<16xf32>
        %add3A_291 = arith.constant 0 : i32
        %add3A_292 = arith.addi %add3A_291, %scan3A_176 : i32
        %swap3A_293 = arith.index_cast %add3A_292 : i32 to index
        %swap3A_294 = arith.constant 32 : index
        %swap3A_295 = tpu.vector_load %arg12[%swap3A_293, %swap3A_294] {strides = array<i32>} : memref<56x384xf32, #tpu.memory_space<vmem>>, vector<1x16xf32>,
        %swap3A_296 = vector.shape_cast %swap3A_295 : vector<1x16xf32> to vector<16xf32>
        %swap3A_297 = vector.shape_cast %get3A_290 : vector<16xf32> to vector<1x16xf32>
        tpu.vector_store %arg12[%swap3A_293, %swap3A_294], %swap3A_297 {strides = array<i32>} : memref<56x384xf32, #tpu.memory_space<vmem>>, vector<1x16xf32>,
        %get3A_298 = arith.constant 1 : i32
        %get3A_299 = arith.index_cast %get3A_298 : i32 to index
        %get3A_300 = arith.index_cast %add3A_285 : i32 to index
        %get3A_301 = tpu.vector_load %arg10[%get3A_299, %get3A_300] {strides = array<i32>} : memref<8x2432xf32, #tpu.memory_space<vmem>>, vector<1x16xf32>,
        %get3A_302 = vector.shape_cast %get3A_301 : vector<1x16xf32> to vector<16xf32>
        %mul3A_303 = arith.mulf %get3A_302, %get3A_55 : vector<16xf32>
        %add3A_304 = arith.constant 0 : i32
        %add3A_305 = arith.addi %add3A_304, %scan3A_176 : i32
        %swap3A_306 = arith.index_cast %add3A_305 : i32 to index
        %swap3A_307 = arith.constant 128 : index
        %swap3A_308 = tpu.vector_load %arg12[%swap3A_306, %swap3A_307] {strides = array<i32>} : memref<56x384xf32, #tpu.memory_space<vmem>>, vector<1x16xf32>,
        %swap3A_309 = vector.shape_cast %swap3A_308 : vector<1x16xf32> to vector<16xf32>
        %swap3A_310 = vector.shape_cast %mul3A_303 : vector<16xf32> to vector<1x16xf32>
        tpu.vector_store %arg12[%swap3A_306, %swap3A_307], %swap3A_310 {strides = array<i32>} : memref<56x384xf32, #tpu.memory_space<vmem>>, vector<1x16xf32>,
        %get3A_311 = arith.constant 2 : i32
        %get3A_312 = arith.index_cast %get3A_311 : i32 to index
        %get3A_313 = arith.index_cast %add3A_285 : i32 to index
        %get3A_314 = tpu.vector_load %arg10[%get3A_312, %get3A_313] {strides = array<i32>} : memref<8x2432xf32, #tpu.memory_space<vmem>>, vector<1x16xf32>,
        %get3A_315 = vector.shape_cast %get3A_314 : vector<1x16xf32> to vector<16xf32>
        %mul3A_316 = arith.mulf %get3A_315, %get3A_60 : vector<16xf32>
        %add3A_317 = arith.constant 0 : i32
        %add3A_318 = arith.addi %add3A_317, %scan3A_176 : i32
        %swap3A_319 = arith.index_cast %add3A_318 : i32 to index
        %swap3A_320 = arith.constant 224 : index
        %swap3A_321 = tpu.vector_load %arg12[%swap3A_319, %swap3A_320] {strides = array<i32>} : memref<56x384xf32, #tpu.memory_space<vmem>>, vector<1x16xf32>,
        %swap3A_322 = vector.shape_cast %swap3A_321 : vector<1x16xf32> to vector<16xf32>
        %swap3A_323 = vector.shape_cast %mul3A_316 : vector<16xf32> to vector<1x16xf32>
        tpu.vector_store %arg12[%swap3A_319, %swap3A_320], %swap3A_323 {strides = array<i32>} : memref<56x384xf32, #tpu.memory_space<vmem>>, vector<1x16xf32>,
        %get3A_324 = arith.constant 3 : i32
        %get3A_325 = arith.index_cast %get3A_324 : i32 to index
        %get3A_326 = arith.index_cast %add3A_285 : i32 to index
        %get3A_327 = tpu.vector_load %arg10[%get3A_325, %get3A_326] {strides = array<i32>} : memref<8x2432xf32, #tpu.memory_space<vmem>>, vector<1x16xf32>,
        %get3A_328 = vector.shape_cast %get3A_327 : vector<1x16xf32> to vector<16xf32>
        %mul3A_329 = arith.mulf %get3A_328, %get3A_65 : vector<16xf32>
        %add3A_330 = arith.constant 0 : i32
        %add3A_331 = arith.addi %add3A_330, %scan3A_176 : i32
        %swap3A_332 = arith.index_cast %add3A_331 : i32 to index
        %swap3A_333 = arith.constant 320 : index
        %swap3A_334 = tpu.vector_load %arg12[%swap3A_332, %swap3A_333] {strides = array<i32>} : memref<56x384xf32, #tpu.memory_space<vmem>>, vector<1x16xf32>,
        %swap3A_335 = vector.shape_cast %swap3A_334 : vector<1x16xf32> to vector<16xf32>
        %swap3A_336 = vector.shape_cast %mul3A_329 : vector<16xf32> to vector<1x16xf32>
        tpu.vector_store %arg12[%swap3A_332, %swap3A_333], %swap3A_336 {strides = array<i32>} : memref<56x384xf32, #tpu.memory_space<vmem>>, vector<1x16xf32>,
        %add3A_337 = arith.constant 48 : i32
        %add3A_338 = arith.addi %mul3A_178, %add3A_337 : i32
        %get3A_339 = arith.constant 0 : i32
        %get3A_340 = arith.index_cast %get3A_339 : i32 to index
        %get3A_341 = arith.index_cast %add3A_338 : i32 to index
        %get3A_342 = tpu.vector_load %arg10[%get3A_340, %get3A_341] {strides = array<i32>} : memref<8x2432xf32, #tpu.memory_space<vmem>>, vector<1x16xf32>,
        %get3A_343 = vector.shape_cast %get3A_342 : vector<1x16xf32> to vector<16xf32>
        %add3A_344 = arith.constant 0 : i32
        %add3A_345 = arith.addi %add3A_344, %scan3A_176 : i32
        %swap3A_346 = arith.index_cast %add3A_345 : i32 to index
        %swap3A_347 = arith.constant 48 : index
        %swap3A_348 = tpu.vector_load %arg12[%swap3A_346, %swap3A_347] {strides = array<i32>} : memref<56x384xf32, #tpu.memory_space<vmem>>, vector<1x16xf32>,
        %swap3A_349 = vector.shape_cast %swap3A_348 : vector<1x16xf32> to vector<16xf32>
        %swap3A_350 = vector.shape_cast %get3A_343 : vector<16xf32> to vector<1x16xf32>
        tpu.vector_store %arg12[%swap3A_346, %swap3A_347], %swap3A_350 {strides = array<i32>} : memref<56x384xf32, #tpu.memory_space<vmem>>, vector<1x16xf32>,
        %get3A_351 = arith.constant 1 : i32
        %get3A_352 = arith.index_cast %get3A_351 : i32 to index
        %get3A_353 = arith.index_cast %add3A_338 : i32 to index
        %get3A_354 = tpu.vector_load %arg10[%get3A_352, %get3A_353] {strides = array<i32>} : memref<8x2432xf32, #tpu.memory_space<vmem>>, vector<1x16xf32>,
        %get3A_355 = vector.shape_cast %get3A_354 : vector<1x16xf32> to vector<16xf32>
        %mul3A_356 = arith.mulf %get3A_355, %get3A_55 : vector<16xf32>
        %add3A_357 = arith.constant 0 : i32
        %add3A_358 = arith.addi %add3A_357, %scan3A_176 : i32
        %swap3A_359 = arith.index_cast %add3A_358 : i32 to index
        %swap3A_360 = arith.constant 144 : index
        %swap3A_361 = tpu.vector_load %arg12[%swap3A_359, %swap3A_360] {strides = array<i32>} : memref<56x384xf32, #tpu.memory_space<vmem>>, vector<1x16xf32>,
        %swap3A_362 = vector.shape_cast %swap3A_361 : vector<1x16xf32> to vector<16xf32>
        %swap3A_363 = vector.shape_cast %mul3A_356 : vector<16xf32> to vector<1x16xf32>
        tpu.vector_store %arg12[%swap3A_359, %swap3A_360], %swap3A_363 {strides = array<i32>} : memref<56x384xf32, #tpu.memory_space<vmem>>, vector<1x16xf32>,
        %get3A_364 = arith.constant 2 : i32
        %get3A_365 = arith.index_cast %get3A_364 : i32 to index
        %get3A_366 = arith.index_cast %add3A_338 : i32 to index
        %get3A_367 = tpu.vector_load %arg10[%get3A_365, %get3A_366] {strides = array<i32>} : memref<8x2432xf32, #tpu.memory_space<vmem>>, vector<1x16xf32>,
        %get3A_368 = vector.shape_cast %get3A_367 : vector<1x16xf32> to vector<16xf32>
        %mul3A_369 = arith.mulf %get3A_368, %get3A_60 : vector<16xf32>
        %add3A_370 = arith.constant 0 : i32
        %add3A_371 = arith.addi %add3A_370, %scan3A_176 : i32
        %swap3A_372 = arith.index_cast %add3A_371 : i32 to index
        %swap3A_373 = arith.constant 240 : index
        %swap3A_374 = tpu.vector_load %arg12[%swap3A_372, %swap3A_373] {strides = array<i32>} : memref<56x384xf32, #tpu.memory_space<vmem>>, vector<1x16xf32>,
        %swap3A_375 = vector.shape_cast %swap3A_374 : vector<1x16xf32> to vector<16xf32>
        %swap3A_376 = vector.shape_cast %mul3A_369 : vector<16xf32> to vector<1x16xf32>
        tpu.vector_store %arg12[%swap3A_372, %swap3A_373], %swap3A_376 {strides = array<i32>} : memref<56x384xf32, #tpu.memory_space<vmem>>, vector<1x16xf32>,
        %get3A_377 = arith.constant 3 : i32
        %get3A_378 = arith.index_cast %get3A_377 : i32 to index
        %get3A_379 = arith.index_cast %add3A_338 : i32 to index
        %get3A_380 = tpu.vector_load %arg10[%get3A_378, %get3A_379] {strides = array<i32>} : memref<8x2432xf32, #tpu.memory_space<vmem>>, vector<1x16xf32>,
        %get3A_381 = vector.shape_cast %get3A_380 : vector<1x16xf32> to vector<16xf32>
        %mul3A_382 = arith.mulf %get3A_381, %get3A_65 : vector<16xf32>
        %add3A_383 = arith.constant 0 : i32
        %add3A_384 = arith.addi %add3A_383, %scan3A_176 : i32
        %swap3A_385 = arith.index_cast %add3A_384 : i32 to index
        %swap3A_386 = arith.constant 336 : index
        %swap3A_387 = tpu.vector_load %arg12[%swap3A_385, %swap3A_386] {strides = array<i32>} : memref<56x384xf32, #tpu.memory_space<vmem>>, vector<1x16xf32>,
        %swap3A_388 = vector.shape_cast %swap3A_387 : vector<1x16xf32> to vector<16xf32>
        %swap3A_389 = vector.shape_cast %mul3A_382 : vector<16xf32> to vector<1x16xf32>
        tpu.vector_store %arg12[%swap3A_385, %swap3A_386], %swap3A_389 {strides = array<i32>} : memref<56x384xf32, #tpu.memory_space<vmem>>, vector<1x16xf32>,
        %add3A_390 = arith.constant 64 : i32
        %add3A_391 = arith.addi %mul3A_178, %add3A_390 : i32
        %get3A_392 = arith.constant 0 : i32
        %get3A_393 = arith.index_cast %get3A_392 : i32 to index
        %get3A_394 = arith.index_cast %add3A_391 : i32 to index
        %get3A_395 = tpu.vector_load %arg10[%get3A_393, %get3A_394] {strides = array<i32>} : memref<8x2432xf32, #tpu.memory_space<vmem>>, vector<1x16xf32>,
        %get3A_396 = vector.shape_cast %get3A_395 : vector<1x16xf32> to vector<16xf32>
        %add3A_397 = arith.constant 0 : i32
        %add3A_398 = arith.addi %add3A_397, %scan3A_176 : i32
        %swap3A_399 = arith.index_cast %add3A_398 : i32 to index
        %swap3A_400 = arith.constant 64 : index
        %swap3A_401 = tpu.vector_load %arg12[%swap3A_399, %swap3A_400] {strides = array<i32>} : memref<56x384xf32, #tpu.memory_space<vmem>>, vector<1x16xf32>,
        %swap3A_402 = vector.shape_cast %swap3A_401 : vector<1x16xf32> to vector<16xf32>
        %swap3A_403 = vector.shape_cast %get3A_396 : vector<16xf32> to vector<1x16xf32>
        tpu.vector_store %arg12[%swap3A_399, %swap3A_400], %swap3A_403 {strides = array<i32>} : memref<56x384xf32, #tpu.memory_space<vmem>>, vector<1x16xf32>,
        %get3A_404 = arith.constant 1 : i32
        %get3A_405 = arith.index_cast %get3A_404 : i32 to index
        %get3A_406 = arith.index_cast %add3A_391 : i32 to index
        %get3A_407 = tpu.vector_load %arg10[%get3A_405, %get3A_406] {strides = array<i32>} : memref<8x2432xf32, #tpu.memory_space<vmem>>, vector<1x16xf32>,
        %get3A_408 = vector.shape_cast %get3A_407 : vector<1x16xf32> to vector<16xf32>
        %mul3A_409 = arith.mulf %get3A_408, %get3A_55 : vector<16xf32>
        %add3A_410 = arith.constant 0 : i32
        %add3A_411 = arith.addi %add3A_410, %scan3A_176 : i32
        %swap3A_412 = arith.index_cast %add3A_411 : i32 to index
        %swap3A_413 = arith.constant 160 : index
        %swap3A_414 = tpu.vector_load %arg12[%swap3A_412, %swap3A_413] {strides = array<i32>} : memref<56x384xf32, #tpu.memory_space<vmem>>, vector<1x16xf32>,
        %swap3A_415 = vector.shape_cast %swap3A_414 : vector<1x16xf32> to vector<16xf32>
        %swap3A_416 = vector.shape_cast %mul3A_409 : vector<16xf32> to vector<1x16xf32>
        tpu.vector_store %arg12[%swap3A_412, %swap3A_413], %swap3A_416 {strides = array<i32>} : memref<56x384xf32, #tpu.memory_space<vmem>>, vector<1x16xf32>,
        %get3A_417 = arith.constant 2 : i32
        %get3A_418 = arith.index_cast %get3A_417 : i32 to index
        %get3A_419 = arith.index_cast %add3A_391 : i32 to index
        %get3A_420 = tpu.vector_load %arg10[%get3A_418, %get3A_419] {strides = array<i32>} : memref<8x2432xf32, #tpu.memory_space<vmem>>, vector<1x16xf32>,
        %get3A_421 = vector.shape_cast %get3A_420 : vector<1x16xf32> to vector<16xf32>
        %mul3A_422 = arith.mulf %get3A_421, %get3A_60 : vector<16xf32>
        %add3A_423 = arith.constant 0 : i32
        %add3A_424 = arith.addi %add3A_423, %scan3A_176 : i32
        %swap3A_425 = arith.index_cast %add3A_424 : i32 to index
        %swap3A_426 = arith.constant 256 : index
        %swap3A_427 = tpu.vector_load %arg12[%swap3A_425, %swap3A_426] {strides = array<i32>} : memref<56x384xf32, #tpu.memory_space<vmem>>, vector<1x16xf32>,
        %swap3A_428 = vector.shape_cast %swap3A_427 : vector<1x16xf32> to vector<16xf32>
        %swap3A_429 = vector.shape_cast %mul3A_422 : vector<16xf32> to vector<1x16xf32>
        tpu.vector_store %arg12[%swap3A_425, %swap3A_426], %swap3A_429 {strides = array<i32>} : memref<56x384xf32, #tpu.memory_space<vmem>>, vector<1x16xf32>,
        %get3A_430 = arith.constant 3 : i32
        %get3A_431 = arith.index_cast %get3A_430 : i32 to index
        %get3A_432 = arith.index_cast %add3A_391 : i32 to index
        %get3A_433 = tpu.vector_load %arg10[%get3A_431, %get3A_432] {strides = array<i32>} : memref<8x2432xf32, #tpu.memory_space<vmem>>, vector<1x16xf32>,
        %get3A_434 = vector.shape_cast %get3A_433 : vector<1x16xf32> to vector<16xf32>
        %mul3A_435 = arith.mulf %get3A_434, %get3A_65 : vector<16xf32>
        %add3A_436 = arith.constant 0 : i32
        %add3A_437 = arith.addi %add3A_436, %scan3A_176 : i32
        %swap3A_438 = arith.index_cast %add3A_437 : i32 to index
        %swap3A_439 = arith.constant 352 : index
        %swap3A_440 = tpu.vector_load %arg12[%swap3A_438, %swap3A_439] {strides = array<i32>} : memref<56x384xf32, #tpu.memory_space<vmem>>, vector<1x16xf32>,
        %swap3A_441 = vector.shape_cast %swap3A_440 : vector<1x16xf32> to vector<16xf32>
        %swap3A_442 = vector.shape_cast %mul3A_435 : vector<16xf32> to vector<1x16xf32>
        tpu.vector_store %arg12[%swap3A_438, %swap3A_439], %swap3A_442 {strides = array<i32>} : memref<56x384xf32, #tpu.memory_space<vmem>>, vector<1x16xf32>,
        %add3A_443 = arith.constant 80 : i32
        %add3A_444 = arith.addi %mul3A_178, %add3A_443 : i32
        %get3A_445 = arith.constant 0 : i32
        %get3A_446 = arith.index_cast %get3A_445 : i32 to index
        %get3A_447 = arith.index_cast %add3A_444 : i32 to index
        %get3A_448 = tpu.vector_load %arg10[%get3A_446, %get3A_447] {strides = array<i32>} : memref<8x2432xf32, #tpu.memory_space<vmem>>, vector<1x16xf32>,
        %get3A_449 = vector.shape_cast %get3A_448 : vector<1x16xf32> to vector<16xf32>
        %add3A_450 = arith.constant 0 : i32
        %add3A_451 = arith.addi %add3A_450, %scan3A_176 : i32
        %swap3A_452 = arith.index_cast %add3A_451 : i32 to index
        %swap3A_453 = arith.constant 80 : index
        %swap3A_454 = tpu.vector_load %arg12[%swap3A_452, %swap3A_453] {strides = array<i32>} : memref<56x384xf32, #tpu.memory_space<vmem>>, vector<1x16xf32>,
        %swap3A_455 = vector.shape_cast %swap3A_454 : vector<1x16xf32> to vector<16xf32>
        %swap3A_456 = vector.shape_cast %get3A_449 : vector<16xf32> to vector<1x16xf32>
        tpu.vector_store %arg12[%swap3A_452, %swap3A_453], %swap3A_456 {strides = array<i32>} : memref<56x384xf32, #tpu.memory_space<vmem>>, vector<1x16xf32>,
        %get3A_457 = arith.constant 1 : i32
        %get3A_458 = arith.index_cast %get3A_457 : i32 to index
        %get3A_459 = arith.index_cast %add3A_444 : i32 to index
        %get3A_460 = tpu.vector_load %arg10[%get3A_458, %get3A_459] {strides = array<i32>} : memref<8x2432xf32, #tpu.memory_space<vmem>>, vector<1x16xf32>,
        %get3A_461 = vector.shape_cast %get3A_460 : vector<1x16xf32> to vector<16xf32>
        %mul3A_462 = arith.mulf %get3A_461, %get3A_55 : vector<16xf32>
        %add3A_463 = arith.constant 0 : i32
        %add3A_464 = arith.addi %add3A_463, %scan3A_176 : i32
        %swap3A_465 = arith.index_cast %add3A_464 : i32 to index
        %swap3A_466 = arith.constant 176 : index
        %swap3A_467 = tpu.vector_load %arg12[%swap3A_465, %swap3A_466] {strides = array<i32>} : memref<56x384xf32, #tpu.memory_space<vmem>>, vector<1x16xf32>,
        %swap3A_468 = vector.shape_cast %swap3A_467 : vector<1x16xf32> to vector<16xf32>
        %swap3A_469 = vector.shape_cast %mul3A_462 : vector<16xf32> to vector<1x16xf32>
        tpu.vector_store %arg12[%swap3A_465, %swap3A_466], %swap3A_469 {strides = array<i32>} : memref<56x384xf32, #tpu.memory_space<vmem>>, vector<1x16xf32>,
        %get3A_470 = arith.constant 2 : i32
        %get3A_471 = arith.index_cast %get3A_470 : i32 to index
        %get3A_472 = arith.index_cast %add3A_444 : i32 to index
        %get3A_473 = tpu.vector_load %arg10[%get3A_471, %get3A_472] {strides = array<i32>} : memref<8x2432xf32, #tpu.memory_space<vmem>>, vector<1x16xf32>,
        %get3A_474 = vector.shape_cast %get3A_473 : vector<1x16xf32> to vector<16xf32>
        %mul3A_475 = arith.mulf %get3A_474, %get3A_60 : vector<16xf32>
        %add3A_476 = arith.constant 0 : i32
        %add3A_477 = arith.addi %add3A_476, %scan3A_176 : i32
        %swap3A_478 = arith.index_cast %add3A_477 : i32 to index
        %swap3A_479 = arith.constant 272 : index
        %swap3A_480 = tpu.vector_load %arg12[%swap3A_478, %swap3A_479] {strides = array<i32>} : memref<56x384xf32, #tpu.memory_space<vmem>>, vector<1x16xf32>,
        %swap3A_481 = vector.shape_cast %swap3A_480 : vector<1x16xf32> to vector<16xf32>
        %swap3A_482 = vector.shape_cast %mul3A_475 : vector<16xf32> to vector<1x16xf32>
        tpu.vector_store %arg12[%swap3A_478, %swap3A_479], %swap3A_482 {strides = array<i32>} : memref<56x384xf32, #tpu.memory_space<vmem>>, vector<1x16xf32>,
        %get3A_483 = arith.constant 3 : i32
        %get3A_484 = arith.index_cast %get3A_483 : i32 to index
        %get3A_485 = arith.index_cast %add3A_444 : i32 to index
        %get3A_486 = tpu.vector_load %arg10[%get3A_484, %get3A_485] {strides = array<i32>} : memref<8x2432xf32, #tpu.memory_space<vmem>>, vector<1x16xf32>,
        %get3A_487 = vector.shape_cast %get3A_486 : vector<1x16xf32> to vector<16xf32>
        %mul3A_488 = arith.mulf %get3A_487, %get3A_65 : vector<16xf32>
        %add3A_489 = arith.constant 0 : i32
        %add3A_490 = arith.addi %add3A_489, %scan3A_176 : i32
        %swap3A_491 = arith.index_cast %add3A_490 : i32 to index
        %swap3A_492 = arith.constant 368 : index
        %swap3A_493 = tpu.vector_load %arg12[%swap3A_491, %swap3A_492] {strides = array<i32>} : memref<56x384xf32, #tpu.memory_space<vmem>>, vector<1x16xf32>,
        %swap3A_494 = vector.shape_cast %swap3A_493 : vector<1x16xf32> to vector<16xf32>
        %swap3A_495 = vector.shape_cast %mul3A_488 : vector<16xf32> to vector<1x16xf32>
        tpu.vector_store %arg12[%swap3A_491, %swap3A_492], %swap3A_495 {strides = array<i32>} : memref<56x384xf32, #tpu.memory_space<vmem>>, vector<1x16xf32>,
      }
      %scan3A_71 = arith.constant 25 : i32
      %mul3A_72 = arith.constant 2 : i32
      %mul3A_73 = arith.muli %mul3A_27, %mul3A_72 : i32
      %add3A_74 = arith.constant 1 : i32
      %add3A_75 = arith.addi %mul3A_73, %add3A_74 : i32
      %mul3A_76 = arith.constant 48 : i32
      %mul3A_77 = arith.muli %add3A_75, %mul3A_76 : i32
      %get3A_78 = arith.index_cast %mul3A_77 : i32 to index
      %get3A_79 = tpu.vector_load %arg9[%get3A_78] {strides = array<i32>} : memref<6336xf32, #tpu.memory_space<vmem>>, vector<16xf32>,
      %get3A_80 = vector.shape_cast %get3A_79 : vector<16xf32> to vector<16xf32>
      %add3A_81 = arith.constant 16 : i32
      %add3A_82 = arith.addi %mul3A_77, %add3A_81 : i32
      %get3A_83 = arith.index_cast %add3A_82 : i32 to index
      %get3A_84 = tpu.vector_load %arg9[%get3A_83] {strides = array<i32>} : memref<6336xf32, #tpu.memory_space<vmem>>, vector<16xf32>,
      %get3A_85 = vector.shape_cast %get3A_84 : vector<16xf32> to vector<16xf32>
      %add3A_86 = arith.constant 32 : i32
      %add3A_87 = arith.addi %mul3A_77, %add3A_86 : i32
      %get3A_88 = arith.index_cast %add3A_87 : i32 to index
      %get3A_89 = tpu.vector_load %arg9[%get3A_88] {strides = array<i32>} : memref<6336xf32, #tpu.memory_space<vmem>>, vector<16xf32>,
      %get3A_90 = vector.shape_cast %get3A_89 : vector<16xf32> to vector<16xf32>
      %scan3A_91 = arith.constant 0 : i32
      %scan3A_92 = arith.constant 0 : i32
      %scan3A_93 = arith.constant 25 : i32
      %scan3A_94 = arith.addi %scan3A_92, %scan3A_93 : i32
      %scan3A_95 = arith.constant 1 : i32
      scf.for %scan3A_176 = %scan3A_92 to %scan3A_94 step %scan3A_95  : i32 {
        %mul3A_177 = arith.constant 96 : i32
        %mul3A_178 = arith.muli %scan3A_176, %mul3A_177 : i32
        %add3A_179 = arith.constant 0 : i32
        %add3A_180 = arith.addi %mul3A_178, %add3A_179 : i32
        %get3A_181 = arith.constant 4 : i32
        %get3A_182 = arith.index_cast %get3A_181 : i32 to index
        %get3A_183 = arith.index_cast %add3A_180 : i32 to index
        %get3A_184 = tpu.vector_load %arg10[%get3A_182, %get3A_183] {strides = array<i32>} : memref<8x2432xf32, #tpu.memory_space<vmem>>, vector<1x16xf32>,
        %get3A_185 = vector.shape_cast %get3A_184 : vector<1x16xf32> to vector<16xf32>
        %add3A_186 = arith.constant 25 : i32
        %add3A_187 = arith.addi %add3A_186, %scan3A_176 : i32
        %swap3A = arith.index_cast %add3A_187 : i32 to index
        %swap3A_188 = arith.constant 0 : index
        %swap3A_189 = tpu.vector_load %arg12[%swap3A, %swap3A_188] {strides = array<i32>} : memref<56x384xf32, #tpu.memory_space<vmem>>, vector<1x16xf32>,
        %swap3A_190 = vector.shape_cast %swap3A_189 : vector<1x16xf32> to vector<16xf32>
        %swap3A_191 = vector.shape_cast %get3A_185 : vector<16xf32> to vector<1x16xf32>
        tpu.vector_store %arg12[%swap3A, %swap3A_188], %swap3A_191 {strides = array<i32>} : memref<56x384xf32, #tpu.memory_space<vmem>>, vector<1x16xf32>,
        %get3A_192 = arith.constant 5 : i32
        %get3A_193 = arith.index_cast %get3A_192 : i32 to index
        %get3A_194 = arith.index_cast %add3A_180 : i32 to index
        %get3A_195 = tpu.vector_load %arg10[%get3A_193, %get3A_194] {strides = array<i32>} : memref<8x2432xf32, #tpu.memory_space<vmem>>, vector<1x16xf32>,
        %get3A_196 = vector.shape_cast %get3A_195 : vector<1x16xf32> to vector<16xf32>
        %mul3A_197 = arith.mulf %get3A_196, %get3A_80 : vector<16xf32>
        %add3A_198 = arith.constant 25 : i32
        %add3A_199 = arith.addi %add3A_198, %scan3A_176 : i32
        %swap3A_200 = arith.index_cast %add3A_199 : i32 to index
        %swap3A_201 = arith.constant 96 : index
        %swap3A_202 = tpu.vector_load %arg12[%swap3A_200, %swap3A_201] {strides = array<i32>} : memref<56x384xf32, #tpu.memory_space<vmem>>, vector<1x16xf32>,
        %swap3A_203 = vector.shape_cast %swap3A_202 : vector<1x16xf32> to vector<16xf32>
        %swap3A_204 = vector.shape_cast %mul3A_197 : vector<16xf32> to vector<1x16xf32>
        tpu.vector_store %arg12[%swap3A_200, %swap3A_201], %swap3A_204 {strides = array<i32>} : memref<56x384xf32, #tpu.memory_space<vmem>>, vector<1x16xf32>,
        %get3A_205 = arith.constant 6 : i32
        %get3A_206 = arith.index_cast %get3A_205 : i32 to index
        %get3A_207 = arith.index_cast %add3A_180 : i32 to index
        %get3A_208 = tpu.vector_load %arg10[%get3A_206, %get3A_207] {strides = array<i32>} : memref<8x2432xf32, #tpu.memory_space<vmem>>, vector<1x16xf32>,
        %get3A_209 = vector.shape_cast %get3A_208 : vector<1x16xf32> to vector<16xf32>
        %mul3A_210 = arith.mulf %get3A_209, %get3A_85 : vector<16xf32>
        %add3A_211 = arith.constant 25 : i32
        %add3A_212 = arith.addi %add3A_211, %scan3A_176 : i32
        %swap3A_213 = arith.index_cast %add3A_212 : i32 to index
        %swap3A_214 = arith.constant 192 : index
        %swap3A_215 = tpu.vector_load %arg12[%swap3A_213, %swap3A_214] {strides = array<i32>} : memref<56x384xf32, #tpu.memory_space<vmem>>, vector<1x16xf32>,
        %swap3A_216 = vector.shape_cast %swap3A_215 : vector<1x16xf32> to vector<16xf32>
        %swap3A_217 = vector.shape_cast %mul3A_210 : vector<16xf32> to vector<1x16xf32>
        tpu.vector_store %arg12[%swap3A_213, %swap3A_214], %swap3A_217 {strides = array<i32>} : memref<56x384xf32, #tpu.memory_space<vmem>>, vector<1x16xf32>,
        %get3A_218 = arith.constant 7 : i32
        %get3A_219 = arith.index_cast %get3A_218 : i32 to index
        %get3A_220 = arith.index_cast %add3A_180 : i32 to index
        %get3A_221 = tpu.vector_load %arg10[%get3A_219, %get3A_220] {strides = array<i32>} : memref<8x2432xf32, #tpu.memory_space<vmem>>, vector<1x16xf32>,
        %get3A_222 = vector.shape_cast %get3A_221 : vector<1x16xf32> to vector<16xf32>
        %mul3A_223 = arith.mulf %get3A_222, %get3A_90 : vector<16xf32>
        %add3A_224 = arith.constant 25 : i32
        %add3A_225 = arith.addi %add3A_224, %scan3A_176 : i32
        %swap3A_226 = arith.index_cast %add3A_225 : i32 to index
        %swap3A_227 = arith.constant 288 : index
        %swap3A_228 = tpu.vector_load %arg12[%swap3A_226, %swap3A_227] {strides = array<i32>} : memref<56x384xf32, #tpu.memory_space<vmem>>, vector<1x16xf32>,
        %swap3A_229 = vector.shape_cast %swap3A_228 : vector<1x16xf32> to vector<16xf32>
        %swap3A_230 = vector.shape_cast %mul3A_223 : vector<16xf32> to vector<1x16xf32>
        tpu.vector_store %arg12[%swap3A_226, %swap3A_227], %swap3A_230 {strides = array<i32>} : memref<56x384xf32, #tpu.memory_space<vmem>>, vector<1x16xf32>,
        %add3A_231 = arith.constant 16 : i32
        %add3A_232 = arith.addi %mul3A_178, %add3A_231 : i32
        %get3A_233 = arith.constant 4 : i32
        %get3A_234 = arith.index_cast %get3A_233 : i32 to index
        %get3A_235 = arith.index_cast %add3A_232 : i32 to index
        %get3A_236 = tpu.vector_load %arg10[%get3A_234, %get3A_235] {strides = array<i32>} : memref<8x2432xf32, #tpu.memory_space<vmem>>, vector<1x16xf32>,
        %get3A_237 = vector.shape_cast %get3A_236 : vector<1x16xf32> to vector<16xf32>
        %add3A_238 = arith.constant 25 : i32
        %add3A_239 = arith.addi %add3A_238, %scan3A_176 : i32
        %swap3A_240 = arith.index_cast %add3A_239 : i32 to index
        %swap3A_241 = arith.constant 16 : index
        %swap3A_242 = tpu.vector_load %arg12[%swap3A_240, %swap3A_241] {strides = array<i32>} : memref<56x384xf32, #tpu.memory_space<vmem>>, vector<1x16xf32>,
        %swap3A_243 = vector.shape_cast %swap3A_242 : vector<1x16xf32> to vector<16xf32>
        %swap3A_244 = vector.shape_cast %get3A_237 : vector<16xf32> to vector<1x16xf32>
        tpu.vector_store %arg12[%swap3A_240, %swap3A_241], %swap3A_244 {strides = array<i32>} : memref<56x384xf32, #tpu.memory_space<vmem>>, vector<1x16xf32>,
        %get3A_245 = arith.constant 5 : i32
        %get3A_246 = arith.index_cast %get3A_245 : i32 to index
        %get3A_247 = arith.index_cast %add3A_232 : i32 to index
        %get3A_248 = tpu.vector_load %arg10[%get3A_246, %get3A_247] {strides = array<i32>} : memref<8x2432xf32, #tpu.memory_space<vmem>>, vector<1x16xf32>,
        %get3A_249 = vector.shape_cast %get3A_248 : vector<1x16xf32> to vector<16xf32>
        %mul3A_250 = arith.mulf %get3A_249, %get3A_80 : vector<16xf32>
        %add3A_251 = arith.constant 25 : i32
        %add3A_252 = arith.addi %add3A_251, %scan3A_176 : i32
        %swap3A_253 = arith.index_cast %add3A_252 : i32 to index
        %swap3A_254 = arith.constant 112 : index
        %swap3A_255 = tpu.vector_load %arg12[%swap3A_253, %swap3A_254] {strides = array<i32>} : memref<56x384xf32, #tpu.memory_space<vmem>>, vector<1x16xf32>,
        %swap3A_256 = vector.shape_cast %swap3A_255 : vector<1x16xf32> to vector<16xf32>
        %swap3A_257 = vector.shape_cast %mul3A_250 : vector<16xf32> to vector<1x16xf32>
        tpu.vector_store %arg12[%swap3A_253, %swap3A_254], %swap3A_257 {strides = array<i32>} : memref<56x384xf32, #tpu.memory_space<vmem>>, vector<1x16xf32>,
        %get3A_258 = arith.constant 6 : i32
        %get3A_259 = arith.index_cast %get3A_258 : i32 to index
        %get3A_260 = arith.index_cast %add3A_232 : i32 to index
        %get3A_261 = tpu.vector_load %arg10[%get3A_259, %get3A_260] {strides = array<i32>} : memref<8x2432xf32, #tpu.memory_space<vmem>>, vector<1x16xf32>,
        %get3A_262 = vector.shape_cast %get3A_261 : vector<1x16xf32> to vector<16xf32>
        %mul3A_263 = arith.mulf %get3A_262, %get3A_85 : vector<16xf32>
        %add3A_264 = arith.constant 25 : i32
        %add3A_265 = arith.addi %add3A_264, %scan3A_176 : i32
        %swap3A_266 = arith.index_cast %add3A_265 : i32 to index
        %swap3A_267 = arith.constant 208 : index
        %swap3A_268 = tpu.vector_load %arg12[%swap3A_266, %swap3A_267] {strides = array<i32>} : memref<56x384xf32, #tpu.memory_space<vmem>>, vector<1x16xf32>,
        %swap3A_269 = vector.shape_cast %swap3A_268 : vector<1x16xf32> to vector<16xf32>
        %swap3A_270 = vector.shape_cast %mul3A_263 : vector<16xf32> to vector<1x16xf32>
        tpu.vector_store %arg12[%swap3A_266, %swap3A_267], %swap3A_270 {strides = array<i32>} : memref<56x384xf32, #tpu.memory_space<vmem>>, vector<1x16xf32>,
        %get3A_271 = arith.constant 7 : i32
        %get3A_272 = arith.index_cast %get3A_271 : i32 to index
        %get3A_273 = arith.index_cast %add3A_232 : i32 to index
        %get3A_274 = tpu.vector_load %arg10[%get3A_272, %get3A_273] {strides = array<i32>} : memref<8x2432xf32, #tpu.memory_space<vmem>>, vector<1x16xf32>,
        %get3A_275 = vector.shape_cast %get3A_274 : vector<1x16xf32> to vector<16xf32>
        %mul3A_276 = arith.mulf %get3A_275, %get3A_90 : vector<16xf32>
        %add3A_277 = arith.constant 25 : i32
        %add3A_278 = arith.addi %add3A_277, %scan3A_176 : i32
        %swap3A_279 = arith.index_cast %add3A_278 : i32 to index
        %swap3A_280 = arith.constant 304 : index
        %swap3A_281 = tpu.vector_load %arg12[%swap3A_279, %swap3A_280] {strides = array<i32>} : memref<56x384xf32, #tpu.memory_space<vmem>>, vector<1x16xf32>,
        %swap3A_282 = vector.shape_cast %swap3A_281 : vector<1x16xf32> to vector<16xf32>
        %swap3A_283 = vector.shape_cast %mul3A_276 : vector<16xf32> to vector<1x16xf32>
        tpu.vector_store %arg12[%swap3A_279, %swap3A_280], %swap3A_283 {strides = array<i32>} : memref<56x384xf32, #tpu.memory_space<vmem>>, vector<1x16xf32>,
        %add3A_284 = arith.constant 32 : i32
        %add3A_285 = arith.addi %mul3A_178, %add3A_284 : i32
        %get3A_286 = arith.constant 4 : i32
        %get3A_287 = arith.index_cast %get3A_286 : i32 to index
        %get3A_288 = arith.index_cast %add3A_285 : i32 to index
        %get3A_289 = tpu.vector_load %arg10[%get3A_287, %get3A_288] {strides = array<i32>} : memref<8x2432xf32, #tpu.memory_space<vmem>>, vector<1x16xf32>,
        %get3A_290 = vector.shape_cast %get3A_289 : vector<1x16xf32> to vector<16xf32>
        %add3A_291 = arith.constant 25 : i32
        %add3A_292 = arith.addi %add3A_291, %scan3A_176 : i32
        %swap3A_293 = arith.index_cast %add3A_292 : i32 to index
        %swap3A_294 = arith.constant 32 : index
        %swap3A_295 = tpu.vector_load %arg12[%swap3A_293, %swap3A_294] {strides = array<i32>} : memref<56x384xf32, #tpu.memory_space<vmem>>, vector<1x16xf32>,
        %swap3A_296 = vector.shape_cast %swap3A_295 : vector<1x16xf32> to vector<16xf32>
        %swap3A_297 = vector.shape_cast %get3A_290 : vector<16xf32> to vector<1x16xf32>
        tpu.vector_store %arg12[%swap3A_293, %swap3A_294], %swap3A_297 {strides = array<i32>} : memref<56x384xf32, #tpu.memory_space<vmem>>, vector<1x16xf32>,
        %get3A_298 = arith.constant 5 : i32
        %get3A_299 = arith.index_cast %get3A_298 : i32 to index
        %get3A_300 = arith.index_cast %add3A_285 : i32 to index
        %get3A_301 = tpu.vector_load %arg10[%get3A_299, %get3A_300] {strides = array<i32>} : memref<8x2432xf32, #tpu.memory_space<vmem>>, vector<1x16xf32>,
        %get3A_302 = vector.shape_cast %get3A_301 : vector<1x16xf32> to vector<16xf32>
        %mul3A_303 = arith.mulf %get3A_302, %get3A_80 : vector<16xf32>
        %add3A_304 = arith.constant 25 : i32
        %add3A_305 = arith.addi %add3A_304, %scan3A_176 : i32
        %swap3A_306 = arith.index_cast %add3A_305 : i32 to index
        %swap3A_307 = arith.constant 128 : index
        %swap3A_308 = tpu.vector_load %arg12[%swap3A_306, %swap3A_307] {strides = array<i32>} : memref<56x384xf32, #tpu.memory_space<vmem>>, vector<1x16xf32>,
        %swap3A_309 = vector.shape_cast %swap3A_308 : vector<1x16xf32> to vector<16xf32>
        %swap3A_310 = vector.shape_cast %mul3A_303 : vector<16xf32> to vector<1x16xf32>
        tpu.vector_store %arg12[%swap3A_306, %swap3A_307], %swap3A_310 {strides = array<i32>} : memref<56x384xf32, #tpu.memory_space<vmem>>, vector<1x16xf32>,
        %get3A_311 = arith.constant 6 : i32
        %get3A_312 = arith.index_cast %get3A_311 : i32 to index
        %get3A_313 = arith.index_cast %add3A_285 : i32 to index
        %get3A_314 = tpu.vector_load %arg10[%get3A_312, %get3A_313] {strides = array<i32>} : memref<8x2432xf32, #tpu.memory_space<vmem>>, vector<1x16xf32>,
        %get3A_315 = vector.shape_cast %get3A_314 : vector<1x16xf32> to vector<16xf32>
        %mul3A_316 = arith.mulf %get3A_315, %get3A_85 : vector<16xf32>
        %add3A_317 = arith.constant 25 : i32
        %add3A_318 = arith.addi %add3A_317, %scan3A_176 : i32
        %swap3A_319 = arith.index_cast %add3A_318 : i32 to index
        %swap3A_320 = arith.constant 224 : index
        %swap3A_321 = tpu.vector_load %arg12[%swap3A_319, %swap3A_320] {strides = array<i32>} : memref<56x384xf32, #tpu.memory_space<vmem>>, vector<1x16xf32>,
        %swap3A_322 = vector.shape_cast %swap3A_321 : vector<1x16xf32> to vector<16xf32>
        %swap3A_323 = vector.shape_cast %mul3A_316 : vector<16xf32> to vector<1x16xf32>
        tpu.vector_store %arg12[%swap3A_319, %swap3A_320], %swap3A_323 {strides = array<i32>} : memref<56x384xf32, #tpu.memory_space<vmem>>, vector<1x16xf32>,
        %get3A_324 = arith.constant 7 : i32
        %get3A_325 = arith.index_cast %get3A_324 : i32 to index
        %get3A_326 = arith.index_cast %add3A_285 : i32 to index
        %get3A_327 = tpu.vector_load %arg10[%get3A_325, %get3A_326] {strides = array<i32>} : memref<8x2432xf32, #tpu.memory_space<vmem>>, vector<1x16xf32>,
        %get3A_328 = vector.shape_cast %get3A_327 : vector<1x16xf32> to vector<16xf32>
        %mul3A_329 = arith.mulf %get3A_328, %get3A_90 : vector<16xf32>
        %add3A_330 = arith.constant 25 : i32
        %add3A_331 = arith.addi %add3A_330, %scan3A_176 : i32
        %swap3A_332 = arith.index_cast %add3A_331 : i32 to index
        %swap3A_333 = arith.constant 320 : index
        %swap3A_334 = tpu.vector_load %arg12[%swap3A_332, %swap3A_333] {strides = array<i32>} : memref<56x384xf32, #tpu.memory_space<vmem>>, vector<1x16xf32>,
        %swap3A_335 = vector.shape_cast %swap3A_334 : vector<1x16xf32> to vector<16xf32>
        %swap3A_336 = vector.shape_cast %mul3A_329 : vector<16xf32> to vector<1x16xf32>
        tpu.vector_store %arg12[%swap3A_332, %swap3A_333], %swap3A_336 {strides = array<i32>} : memref<56x384xf32, #tpu.memory_space<vmem>>, vector<1x16xf32>,
        %add3A_337 = arith.constant 48 : i32
        %add3A_338 = arith.addi %mul3A_178, %add3A_337 : i32
        %get3A_339 = arith.constant 4 : i32
        %get3A_340 = arith.index_cast %get3A_339 : i32 to index
        %get3A_341 = arith.index_cast %add3A_338 : i32 to index
        %get3A_342 = tpu.vector_load %arg10[%get3A_340, %get3A_341] {strides = array<i32>} : memref<8x2432xf32, #tpu.memory_space<vmem>>, vector<1x16xf32>,
        %get3A_343 = vector.shape_cast %get3A_342 : vector<1x16xf32> to vector<16xf32>
        %add3A_344 = arith.constant 25 : i32
        %add3A_345 = arith.addi %add3A_344, %scan3A_176 : i32
        %swap3A_346 = arith.index_cast %add3A_345 : i32 to index
        %swap3A_347 = arith.constant 48 : index
        %swap3A_348 = tpu.vector_load %arg12[%swap3A_346, %swap3A_347] {strides = array<i32>} : memref<56x384xf32, #tpu.memory_space<vmem>>, vector<1x16xf32>,
        %swap3A_349 = vector.shape_cast %swap3A_348 : vector<1x16xf32> to vector<16xf32>
        %swap3A_350 = vector.shape_cast %get3A_343 : vector<16xf32> to vector<1x16xf32>
        tpu.vector_store %arg12[%swap3A_346, %swap3A_347], %swap3A_350 {strides = array<i32>} : memref<56x384xf32, #tpu.memory_space<vmem>>, vector<1x16xf32>,
        %get3A_351 = arith.constant 5 : i32
        %get3A_352 = arith.index_cast %get3A_351 : i32 to index
        %get3A_353 = arith.index_cast %add3A_338 : i32 to index
        %get3A_354 = tpu.vector_load %arg10[%get3A_352, %get3A_353] {strides = array<i32>} : memref<8x2432xf32, #tpu.memory_space<vmem>>, vector<1x16xf32>,
        %get3A_355 = vector.shape_cast %get3A_354 : vector<1x16xf32> to vector<16xf32>
        %mul3A_356 = arith.mulf %get3A_355, %get3A_80 : vector<16xf32>
        %add3A_357 = arith.constant 25 : i32
        %add3A_358 = arith.addi %add3A_357, %scan3A_176 : i32
        %swap3A_359 = arith.index_cast %add3A_358 : i32 to index
        %swap3A_360 = arith.constant 144 : index
        %swap3A_361 = tpu.vector_load %arg12[%swap3A_359, %swap3A_360] {strides = array<i32>} : memref<56x384xf32, #tpu.memory_space<vmem>>, vector<1x16xf32>,
        %swap3A_362 = vector.shape_cast %swap3A_361 : vector<1x16xf32> to vector<16xf32>
        %swap3A_363 = vector.shape_cast %mul3A_356 : vector<16xf32> to vector<1x16xf32>
        tpu.vector_store %arg12[%swap3A_359, %swap3A_360], %swap3A_363 {strides = array<i32>} : memref<56x384xf32, #tpu.memory_space<vmem>>, vector<1x16xf32>,
        %get3A_364 = arith.constant 6 : i32
        %get3A_365 = arith.index_cast %get3A_364 : i32 to index
        %get3A_366 = arith.index_cast %add3A_338 : i32 to index
        %get3A_367 = tpu.vector_load %arg10[%get3A_365, %get3A_366] {strides = array<i32>} : memref<8x2432xf32, #tpu.memory_space<vmem>>, vector<1x16xf32>,
        %get3A_368 = vector.shape_cast %get3A_367 : vector<1x16xf32> to vector<16xf32>
        %mul3A_369 = arith.mulf %get3A_368, %get3A_85 : vector<16xf32>
        %add3A_370 = arith.constant 25 : i32
        %add3A_371 = arith.addi %add3A_370, %scan3A_176 : i32
        %swap3A_372 = arith.index_cast %add3A_371 : i32 to index
        %swap3A_373 = arith.constant 240 : index
        %swap3A_374 = tpu.vector_load %arg12[%swap3A_372, %swap3A_373] {strides = array<i32>} : memref<56x384xf32, #tpu.memory_space<vmem>>, vector<1x16xf32>,
        %swap3A_375 = vector.shape_cast %swap3A_374 : vector<1x16xf32> to vector<16xf32>
        %swap3A_376 = vector.shape_cast %mul3A_369 : vector<16xf32> to vector<1x16xf32>
        tpu.vector_store %arg12[%swap3A_372, %swap3A_373], %swap3A_376 {strides = array<i32>} : memref<56x384xf32, #tpu.memory_space<vmem>>, vector<1x16xf32>,
        %get3A_377 = arith.constant 7 : i32
        %get3A_378 = arith.index_cast %get3A_377 : i32 to index
        %get3A_379 = arith.index_cast %add3A_338 : i32 to index
        %get3A_380 = tpu.vector_load %arg10[%get3A_378, %get3A_379] {strides = array<i32>} : memref<8x2432xf32, #tpu.memory_space<vmem>>, vector<1x16xf32>,
        %get3A_381 = vector.shape_cast %get3A_380 : vector<1x16xf32> to vector<16xf32>
        %mul3A_382 = arith.mulf %get3A_381, %get3A_90 : vector<16xf32>
        %add3A_383 = arith.constant 25 : i32
        %add3A_384 = arith.addi %add3A_383, %scan3A_176 : i32
        %swap3A_385 = arith.index_cast %add3A_384 : i32 to index
        %swap3A_386 = arith.constant 336 : index
        %swap3A_387 = tpu.vector_load %arg12[%swap3A_385, %swap3A_386] {strides = array<i32>} : memref<56x384xf32, #tpu.memory_space<vmem>>, vector<1x16xf32>,
        %swap3A_388 = vector.shape_cast %swap3A_387 : vector<1x16xf32> to vector<16xf32>
        %swap3A_389 = vector.shape_cast %mul3A_382 : vector<16xf32> to vector<1x16xf32>
        tpu.vector_store %arg12[%swap3A_385, %swap3A_386], %swap3A_389 {strides = array<i32>} : memref<56x384xf32, #tpu.memory_space<vmem>>, vector<1x16xf32>,
        %add3A_390 = arith.constant 64 : i32
        %add3A_391 = arith.addi %mul3A_178, %add3A_390 : i32
        %get3A_392 = arith.constant 4 : i32
        %get3A_393 = arith.index_cast %get3A_392 : i32 to index
        %get3A_394 = arith.index_cast %add3A_391 : i32 to index
        %get3A_395 = tpu.vector_load %arg10[%get3A_393, %get3A_394] {strides = array<i32>} : memref<8x2432xf32, #tpu.memory_space<vmem>>, vector<1x16xf32>,
        %get3A_396 = vector.shape_cast %get3A_395 : vector<1x16xf32> to vector<16xf32>
        %add3A_397 = arith.constant 25 : i32
        %add3A_398 = arith.addi %add3A_397, %scan3A_176 : i32
        %swap3A_399 = arith.index_cast %add3A_398 : i32 to index
        %swap3A_400 = arith.constant 64 : index
        %swap3A_401 = tpu.vector_load %arg12[%swap3A_399, %swap3A_400] {strides = array<i32>} : memref<56x384xf32, #tpu.memory_space<vmem>>, vector<1x16xf32>,
        %swap3A_402 = vector.shape_cast %swap3A_401 : vector<1x16xf32> to vector<16xf32>
        %swap3A_403 = vector.shape_cast %get3A_396 : vector<16xf32> to vector<1x16xf32>
        tpu.vector_store %arg12[%swap3A_399, %swap3A_400], %swap3A_403 {strides = array<i32>} : memref<56x384xf32, #tpu.memory_space<vmem>>, vector<1x16xf32>,
        %get3A_404 = arith.constant 5 : i32
        %get3A_405 = arith.index_cast %get3A_404 : i32 to index
        %get3A_406 = arith.index_cast %add3A_391 : i32 to index
        %get3A_407 = tpu.vector_load %arg10[%get3A_405, %get3A_406] {strides = array<i32>} : memref<8x2432xf32, #tpu.memory_space<vmem>>, vector<1x16xf32>,
        %get3A_408 = vector.shape_cast %get3A_407 : vector<1x16xf32> to vector<16xf32>
        %mul3A_409 = arith.mulf %get3A_408, %get3A_80 : vector<16xf32>
        %add3A_410 = arith.constant 25 : i32
        %add3A_411 = arith.addi %add3A_410, %scan3A_176 : i32
        %swap3A_412 = arith.index_cast %add3A_411 : i32 to index
        %swap3A_413 = arith.constant 160 : index
        %swap3A_414 = tpu.vector_load %arg12[%swap3A_412, %swap3A_413] {strides = array<i32>} : memref<56x384xf32, #tpu.memory_space<vmem>>, vector<1x16xf32>,
        %swap3A_415 = vector.shape_cast %swap3A_414 : vector<1x16xf32> to vector<16xf32>
        %swap3A_416 = vector.shape_cast %mul3A_409 : vector<16xf32> to vector<1x16xf32>
        tpu.vector_store %arg12[%swap3A_412, %swap3A_413], %swap3A_416 {strides = array<i32>} : memref<56x384xf32, #tpu.memory_space<vmem>>, vector<1x16xf32>,
        %get3A_417 = arith.constant 6 : i32
        %get3A_418 = arith.index_cast %get3A_417 : i32 to index
        %get3A_419 = arith.index_cast %add3A_391 : i32 to index
        %get3A_420 = tpu.vector_load %arg10[%get3A_418, %get3A_419] {strides = array<i32>} : memref<8x2432xf32, #tpu.memory_space<vmem>>, vector<1x16xf32>,
        %get3A_421 = vector.shape_cast %get3A_420 : vector<1x16xf32> to vector<16xf32>
        %mul3A_422 = arith.mulf %get3A_421, %get3A_85 : vector<16xf32>
        %add3A_423 = arith.constant 25 : i32
        %add3A_424 = arith.addi %add3A_423, %scan3A_176 : i32
        %swap3A_425 = arith.index_cast %add3A_424 : i32 to index
        %swap3A_426 = arith.constant 256 : index
        %swap3A_427 = tpu.vector_load %arg12[%swap3A_425, %swap3A_426] {strides = array<i32>} : memref<56x384xf32, #tpu.memory_space<vmem>>, vector<1x16xf32>,
        %swap3A_428 = vector.shape_cast %swap3A_427 : vector<1x16xf32> to vector<16xf32>
        %swap3A_429 = vector.shape_cast %mul3A_422 : vector<16xf32> to vector<1x16xf32>
        tpu.vector_store %arg12[%swap3A_425, %swap3A_426], %swap3A_429 {strides = array<i32>} : memref<56x384xf32, #tpu.memory_space<vmem>>, vector<1x16xf32>,
        %get3A_430 = arith.constant 7 : i32
        %get3A_431 = arith.index_cast %get3A_430 : i32 to index
        %get3A_432 = arith.index_cast %add3A_391 : i32 to index
        %get3A_433 = tpu.vector_load %arg10[%get3A_431, %get3A_432] {strides = array<i32>} : memref<8x2432xf32, #tpu.memory_space<vmem>>, vector<1x16xf32>,
        %get3A_434 = vector.shape_cast %get3A_433 : vector<1x16xf32> to vector<16xf32>
        %mul3A_435 = arith.mulf %get3A_434, %get3A_90 : vector<16xf32>
        %add3A_436 = arith.constant 25 : i32
        %add3A_437 = arith.addi %add3A_436, %scan3A_176 : i32
        %swap3A_438 = arith.index_cast %add3A_437 : i32 to index
        %swap3A_439 = arith.constant 352 : index
        %swap3A_440 = tpu.vector_load %arg12[%swap3A_438, %swap3A_439] {strides = array<i32>} : memref<56x384xf32, #tpu.memory_space<vmem>>, vector<1x16xf32>,
        %swap3A_441 = vector.shape_cast %swap3A_440 : vector<1x16xf32> to vector<16xf32>
        %swap3A_442 = vector.shape_cast %mul3A_435 : vector<16xf32> to vector<1x16xf32>
        tpu.vector_store %arg12[%swap3A_438, %swap3A_439], %swap3A_442 {strides = array<i32>} : memref<56x384xf32, #tpu.memory_space<vmem>>, vector<1x16xf32>,
        %add3A_443 = arith.constant 80 : i32
        %add3A_444 = arith.addi %mul3A_178, %add3A_443 : i32
        %get3A_445 = arith.constant 4 : i32
        %get3A_446 = arith.index_cast %get3A_445 : i32 to index
        %get3A_447 = arith.index_cast %add3A_444 : i32 to index
        %get3A_448 = tpu.vector_load %arg10[%get3A_446, %get3A_447] {strides = array<i32>} : memref<8x2432xf32, #tpu.memory_space<vmem>>, vector<1x16xf32>,
        %get3A_449 = vector.shape_cast %get3A_448 : vector<1x16xf32> to vector<16xf32>
        %add3A_450 = arith.constant 25 : i32
        %add3A_451 = arith.addi %add3A_450, %scan3A_176 : i32
        %swap3A_452 = arith.index_cast %add3A_451 : i32 to index
        %swap3A_453 = arith.constant 80 : index
        %swap3A_454 = tpu.vector_load %arg12[%swap3A_452, %swap3A_453] {strides = array<i32>} : memref<56x384xf32, #tpu.memory_space<vmem>>, vector<1x16xf32>,
        %swap3A_455 = vector.shape_cast %swap3A_454 : vector<1x16xf32> to vector<16xf32>
        %swap3A_456 = vector.shape_cast %get3A_449 : vector<16xf32> to vector<1x16xf32>
        tpu.vector_store %arg12[%swap3A_452, %swap3A_453], %swap3A_456 {strides = array<i32>} : memref<56x384xf32, #tpu.memory_space<vmem>>, vector<1x16xf32>,
        %get3A_457 = arith.constant 5 : i32
        %get3A_458 = arith.index_cast %get3A_457 : i32 to index
        %get3A_459 = arith.index_cast %add3A_444 : i32 to index
        %get3A_460 = tpu.vector_load %arg10[%get3A_458, %get3A_459] {strides = array<i32>} : memref<8x2432xf32, #tpu.memory_space<vmem>>, vector<1x16xf32>,
        %get3A_461 = vector.shape_cast %get3A_460 : vector<1x16xf32> to vector<16xf32>
        %mul3A_462 = arith.mulf %get3A_461, %get3A_80 : vector<16xf32>
        %add3A_463 = arith.constant 25 : i32
        %add3A_464 = arith.addi %add3A_463, %scan3A_176 : i32
        %swap3A_465 = arith.index_cast %add3A_464 : i32 to index
        %swap3A_466 = arith.constant 176 : index
        %swap3A_467 = tpu.vector_load %arg12[%swap3A_465, %swap3A_466] {strides = array<i32>} : memref<56x384xf32, #tpu.memory_space<vmem>>, vector<1x16xf32>,
        %swap3A_468 = vector.shape_cast %swap3A_467 : vector<1x16xf32> to vector<16xf32>
        %swap3A_469 = vector.shape_cast %mul3A_462 : vector<16xf32> to vector<1x16xf32>
        tpu.vector_store %arg12[%swap3A_465, %swap3A_466], %swap3A_469 {strides = array<i32>} : memref<56x384xf32, #tpu.memory_space<vmem>>, vector<1x16xf32>,
        %get3A_470 = arith.constant 6 : i32
        %get3A_471 = arith.index_cast %get3A_470 : i32 to index
        %get3A_472 = arith.index_cast %add3A_444 : i32 to index
        %get3A_473 = tpu.vector_load %arg10[%get3A_471, %get3A_472] {strides = array<i32>} : memref<8x2432xf32, #tpu.memory_space<vmem>>, vector<1x16xf32>,
        %get3A_474 = vector.shape_cast %get3A_473 : vector<1x16xf32> to vector<16xf32>
        %mul3A_475 = arith.mulf %get3A_474, %get3A_85 : vector<16xf32>
        %add3A_476 = arith.constant 25 : i32
        %add3A_477 = arith.addi %add3A_476, %scan3A_176 : i32
        %swap3A_478 = arith.index_cast %add3A_477 : i32 to index
        %swap3A_479 = arith.constant 272 : index
        %swap3A_480 = tpu.vector_load %arg12[%swap3A_478, %swap3A_479] {strides = array<i32>} : memref<56x384xf32, #tpu.memory_space<vmem>>, vector<1x16xf32>,
        %swap3A_481 = vector.shape_cast %swap3A_480 : vector<1x16xf32> to vector<16xf32>
        %swap3A_482 = vector.shape_cast %mul3A_475 : vector<16xf32> to vector<1x16xf32>
        tpu.vector_store %arg12[%swap3A_478, %swap3A_479], %swap3A_482 {strides = array<i32>} : memref<56x384xf32, #tpu.memory_space<vmem>>, vector<1x16xf32>,
        %get3A_483 = arith.constant 7 : i32
        %get3A_484 = arith.index_cast %get3A_483 : i32 to index
        %get3A_485 = arith.index_cast %add3A_444 : i32 to index
        %get3A_486 = tpu.vector_load %arg10[%get3A_484, %get3A_485] {strides = array<i32>} : memref<8x2432xf32, #tpu.memory_space<vmem>>, vector<1x16xf32>,
        %get3A_487 = vector.shape_cast %get3A_486 : vector<1x16xf32> to vector<16xf32>
        %mul3A_488 = arith.mulf %get3A_487, %get3A_90 : vector<16xf32>
        %add3A_489 = arith.constant 25 : i32
        %add3A_490 = arith.addi %add3A_489, %scan3A_176 : i32
        %swap3A_491 = arith.index_cast %add3A_490 : i32 to index
        %swap3A_492 = arith.constant 368 : index
        %swap3A_493 = tpu.vector_load %arg12[%swap3A_491, %swap3A_492] {strides = array<i32>} : memref<56x384xf32, #tpu.memory_space<vmem>>, vector<1x16xf32>,
        %swap3A_494 = vector.shape_cast %swap3A_493 : vector<1x16xf32> to vector<16xf32>
        %swap3A_495 = vector.shape_cast %mul3A_488 : vector<16xf32> to vector<1x16xf32>
        tpu.vector_store %arg12[%swap3A_491, %swap3A_492], %swap3A_495 {strides = array<i32>} : memref<56x384xf32, #tpu.memory_space<vmem>>, vector<1x16xf32>,
      }
      %scan3A_96 = arith.constant 25 : i32
      %dma_start3A_97 = arith.constant 0 : i32
      %dma_start3A_98 = tpu.memref_slice %arg8[%mul3A_27, %dma_start3A_97] : memref<66x56xi32, #tpu.memory_space<vmem>> -> memref<1x56xi32, #tpu.memory_space<vmem>>
      %dma_start3A_99 = tpu.memref_squeeze %dma_start3A_98 : memref<1x56xi32, #tpu.memory_space<vmem>> -> memref<56xi32, #tpu.memory_space<vmem>>
      %dma_start3A_100 = arith.constant 0 : i32
      %dma_start3A_101 = arith.constant 0 : i32
      %dma_start3A_102 = tpu.memref_slice %arg6[%dma_start3A_100, %dma_start3A_101] : memref<102648x384xf32, #tpu.memory_space<hbm>> -> memref<102648x384xf32, #tpu.memory_space<hbm>>
      tpu.enqueue_indirect_dma source(%arg12 : memref<56x384xf32, #tpu.memory_space<vmem>>) target(%dma_start3A_102 : memref<102648x384xf32, #tpu.memory_space<hbm>>) offsets(%dma_start3A_99 : memref<56xi32, #tpu.memory_space<vmem>>) semaphore(%arg16 : memref<!tpu.dma_semaphore, #tpu.memory_space<semaphore_mem>>)
      %add3A_103 = arith.constant 1 : i32
      %add3A_104 = arith.addi %add3A_31, %add3A_103 : i32
      %lt3A = arith.constant 66 : i32
      %lt3A_105 = arith.cmpi slt, %add3A_104, %lt3A : i32
      %convert_element_type3A_106 = arith.extui %lt3A_105 : i1 to i32
      %cond3A_107 = arith.constant 0 : i32
      %cond3A_108 = arith.cmpi ne, %convert_element_type3A_106, %cond3A_107 : i32
      scf.if %cond3A_108 {
        %add3A_176 = arith.constant 1 : i32
        %add3A_177 = arith.addi %add3A_31, %add3A_176 : i32
        %dma_start3A_178 = arith.constant 0 : i32
        %dma_start3A_179 = tpu.memref_slice %arg7[%add3A_177, %dma_start3A_178] : memref<66x8xi32, #tpu.memory_space<vmem>> -> memref<1x8xi32, #tpu.memory_space<vmem>>
        %dma_start3A_180 = tpu.memref_squeeze %dma_start3A_179 : memref<1x8xi32, #tpu.memory_space<vmem>> -> memref<8xi32, #tpu.memory_space<vmem>>
        %dma_start3A_181 = arith.constant 0 : i32
        %dma_start3A_182 = arith.constant 0 : i32
        %dma_start3A_183 = tpu.memref_slice %arg2[%dma_start3A_181, %dma_start3A_182] : memref<4051x2432xf32, #tpu.memory_space<hbm>> -> memref<4051x2432xf32, #tpu.memory_space<hbm>>
        tpu.enqueue_indirect_dma source(%dma_start3A_183 : memref<4051x2432xf32, #tpu.memory_space<hbm>>) target(%arg10 : memref<8x2432xf32, #tpu.memory_space<vmem>>) offsets(%dma_start3A_180 : memref<8xi32, #tpu.memory_space<vmem>>) semaphore(%arg14 : memref<!tpu.dma_semaphore, #tpu.memory_space<semaphore_mem>>)
      } else {
      }
      %dma_wait3A_109 = arith.constant 0 : i32
      %dma_wait3A_110 = tpu.memref_slice %arg7[%add3A_31, %dma_wait3A_109] : memref<66x8xi32, #tpu.memory_space<vmem>> -> memref<1x8xi32, #tpu.memory_space<vmem>>
      %dma_wait3A_111 = tpu.memref_squeeze %dma_wait3A_110 : memref<1x8xi32, #tpu.memory_space<vmem>> -> memref<8xi32, #tpu.memory_space<vmem>>
      %dma_wait3A_112 = arith.constant 0 : i32
      %dma_wait3A_113 = arith.constant 0 : i32
      %dma_wait3A_114 = tpu.memref_slice %arg2[%dma_wait3A_112, %dma_wait3A_113] : memref<4051x2432xf32, #tpu.memory_space<hbm>> -> memref<4051x2432xf32, #tpu.memory_space<hbm>>
      tpu.wait_indirect_dma semaphore(%arg15 : memref<!tpu.dma_semaphore, #tpu.memory_space<semaphore_mem>>) src(%dma_wait3A_114 : memref<4051x2432xf32, #tpu.memory_space<hbm>>) dst(%arg11 : memref<8x2432xf32, #tpu.memory_space<vmem>>)
      %gt3A_115 = arith.constant 0 : i32
      %gt3A_116 = arith.cmpi sgt, %scan3A_25, %gt3A_115 : i32
      %convert_element_type3A_117 = arith.extui %gt3A_116 : i1 to i32
      %cond3A_118 = arith.constant 0 : i32
      %cond3A_119 = arith.cmpi ne, %convert_element_type3A_117, %cond3A_118 : i32
      scf.if %cond3A_119 {
        %add3A_176 = arith.constant 1 : i32
        %add3A_177 = arith.addi %max3A_33, %add3A_176 : i32
        %dma_wait3A_178 = arith.constant 0 : i32
        %dma_wait3A_179 = tpu.memref_slice %arg8[%add3A_177, %dma_wait3A_178] : memref<66x56xi32, #tpu.memory_space<vmem>> -> memref<1x56xi32, #tpu.memory_space<vmem>>
        %dma_wait3A_180 = tpu.memref_squeeze %dma_wait3A_179 : memref<1x56xi32, #tpu.memory_space<vmem>> -> memref<56xi32, #tpu.memory_space<vmem>>
        %dma_wait3A_181 = arith.constant 0 : i32
        %dma_wait3A_182 = arith.constant 0 : i32
        %dma_wait3A_183 = tpu.memref_slice %arg6[%dma_wait3A_181, %dma_wait3A_182] : memref<102648x384xf32, #tpu.memory_space<hbm>> -> memref<102648x384xf32, #tpu.memory_space<hbm>>
        tpu.wait_indirect_dma semaphore(%arg17 : memref<!tpu.dma_semaphore, #tpu.memory_space<semaphore_mem>>) src(%arg13 : memref<56x384xf32, #tpu.memory_space<vmem>>) dst(%dma_wait3A_183 : memref<102648x384xf32, #tpu.memory_space<hbm>>)
      } else {
      }
      %mul3A_120 = arith.constant 2 : i32
      %mul3A_121 = arith.muli %add3A_31, %mul3A_120 : i32
      %add3A_122 = arith.constant 0 : i32
      %add3A_123 = arith.addi %mul3A_121, %add3A_122 : i32
      %mul3A_124 = arith.constant 48 : i32
      %mul3A_125 = arith.muli %add3A_123, %mul3A_124 : i32
      %get3A_126 = arith.index_cast %mul3A_125 : i32 to index
      %get3A_127 = tpu.vector_load %arg9[%get3A_126] {strides = array<i32>} : memref<6336xf32, #tpu.memory_space<vmem>>, vector<16xf32>,
      %get3A_128 = vector.shape_cast %get3A_127 : vector<16xf32> to vector<16xf32>
      %add3A_129 = arith.constant 16 : i32
      %add3A_130 = arith.addi %mul3A_125, %add3A_129 : i32
      %get3A_131 = arith.index_cast %add3A_130 : i32 to index
      %get3A_132 = tpu.vector_load %arg9[%get3A_131] {strides = array<i32>} : memref<6336xf32, #tpu.memory_space<vmem>>, vector<16xf32>,
      %get3A_133 = vector.shape_cast %get3A_132 : vector<16xf32> to vector<16xf32>
      %add3A_134 = arith.constant 32 : i32
      %add3A_135 = arith.addi %mul3A_125, %add3A_134 : i32
      %get3A_136 = arith.index_cast %add3A_135 : i32 to index
      %get3A_137 = tpu.vector_load %arg9[%get3A_136] {strides = array<i32>} : memref<6336xf32, #tpu.memory_space<vmem>>, vector<16xf32>,
      %get3A_138 = vector.shape_cast %get3A_137 : vector<16xf32> to vector<16xf32>
      %scan3A_139 = arith.constant 0 : i32
      %scan3A_140 = arith.constant 0 : i32
      %scan3A_141 = arith.constant 25 : i32
      %scan3A_142 = arith.addi %scan3A_140, %scan3A_141 : i32
      %scan3A_143 = arith.constant 1 : i32
      scf.for %scan3A_176 = %scan3A_140 to %scan3A_142 step %scan3A_143  : i32 {
        %mul3A_177 = arith.constant 96 : i32
        %mul3A_178 = arith.muli %scan3A_176, %mul3A_177 : i32
        %add3A_179 = arith.constant 0 : i32
        %add3A_180 = arith.addi %mul3A_178, %add3A_179 : i32
        %get3A_181 = arith.constant 0 : i32
        %get3A_182 = arith.index_cast %get3A_181 : i32 to index
        %get3A_183 = arith.index_cast %add3A_180 : i32 to index
        %get3A_184 = tpu.vector_load %arg11[%get3A_182, %get3A_183] {strides = array<i32>} : memref<8x2432xf32, #tpu.memory_space<vmem>>, vector<1x16xf32>,
        %get3A_185 = vector.shape_cast %get3A_184 : vector<1x16xf32> to vector<16xf32>
        %add3A_186 = arith.constant 0 : i32
        %add3A_187 = arith.addi %add3A_186, %scan3A_176 : i32
        %swap3A = arith.index_cast %add3A_187 : i32 to index
        %swap3A_188 = arith.constant 0 : index
        %swap3A_189 = tpu.vector_load %arg13[%swap3A, %swap3A_188] {strides = array<i32>} : memref<56x384xf32, #tpu.memory_space<vmem>>, vector<1x16xf32>,
        %swap3A_190 = vector.shape_cast %swap3A_189 : vector<1x16xf32> to vector<16xf32>
        %swap3A_191 = vector.shape_cast %get3A_185 : vector<16xf32> to vector<1x16xf32>
        tpu.vector_store %arg13[%swap3A, %swap3A_188], %swap3A_191 {strides = array<i32>} : memref<56x384xf32, #tpu.memory_space<vmem>>, vector<1x16xf32>,
        %get3A_192 = arith.constant 1 : i32
        %get3A_193 = arith.index_cast %get3A_192 : i32 to index
        %get3A_194 = arith.index_cast %add3A_180 : i32 to index
        %get3A_195 = tpu.vector_load %arg11[%get3A_193, %get3A_194] {strides = array<i32>} : memref<8x2432xf32, #tpu.memory_space<vmem>>, vector<1x16xf32>,
        %get3A_196 = vector.shape_cast %get3A_195 : vector<1x16xf32> to vector<16xf32>
        %mul3A_197 = arith.mulf %get3A_196, %get3A_128 : vector<16xf32>
        %add3A_198 = arith.constant 0 : i32
        %add3A_199 = arith.addi %add3A_198, %scan3A_176 : i32
        %swap3A_200 = arith.index_cast %add3A_199 : i32 to index
        %swap3A_201 = arith.constant 96 : index
        %swap3A_202 = tpu.vector_load %arg13[%swap3A_200, %swap3A_201] {strides = array<i32>} : memref<56x384xf32, #tpu.memory_space<vmem>>, vector<1x16xf32>,
        %swap3A_203 = vector.shape_cast %swap3A_202 : vector<1x16xf32> to vector<16xf32>
        %swap3A_204 = vector.shape_cast %mul3A_197 : vector<16xf32> to vector<1x16xf32>
        tpu.vector_store %arg13[%swap3A_200, %swap3A_201], %swap3A_204 {strides = array<i32>} : memref<56x384xf32, #tpu.memory_space<vmem>>, vector<1x16xf32>,
        %get3A_205 = arith.constant 2 : i32
        %get3A_206 = arith.index_cast %get3A_205 : i32 to index
        %get3A_207 = arith.index_cast %add3A_180 : i32 to index
        %get3A_208 = tpu.vector_load %arg11[%get3A_206, %get3A_207] {strides = array<i32>} : memref<8x2432xf32, #tpu.memory_space<vmem>>, vector<1x16xf32>,
        %get3A_209 = vector.shape_cast %get3A_208 : vector<1x16xf32> to vector<16xf32>
        %mul3A_210 = arith.mulf %get3A_209, %get3A_133 : vector<16xf32>
        %add3A_211 = arith.constant 0 : i32
        %add3A_212 = arith.addi %add3A_211, %scan3A_176 : i32
        %swap3A_213 = arith.index_cast %add3A_212 : i32 to index
        %swap3A_214 = arith.constant 192 : index
        %swap3A_215 = tpu.vector_load %arg13[%swap3A_213, %swap3A_214] {strides = array<i32>} : memref<56x384xf32, #tpu.memory_space<vmem>>, vector<1x16xf32>,
        %swap3A_216 = vector.shape_cast %swap3A_215 : vector<1x16xf32> to vector<16xf32>
        %swap3A_217 = vector.shape_cast %mul3A_210 : vector<16xf32> to vector<1x16xf32>
        tpu.vector_store %arg13[%swap3A_213, %swap3A_214], %swap3A_217 {strides = array<i32>} : memref<56x384xf32, #tpu.memory_space<vmem>>, vector<1x16xf32>,
        %get3A_218 = arith.constant 3 : i32
        %get3A_219 = arith.index_cast %get3A_218 : i32 to index
        %get3A_220 = arith.index_cast %add3A_180 : i32 to index
        %get3A_221 = tpu.vector_load %arg11[%get3A_219, %get3A_220] {strides = array<i32>} : memref<8x2432xf32, #tpu.memory_space<vmem>>, vector<1x16xf32>,
        %get3A_222 = vector.shape_cast %get3A_221 : vector<1x16xf32> to vector<16xf32>
        %mul3A_223 = arith.mulf %get3A_222, %get3A_138 : vector<16xf32>
        %add3A_224 = arith.constant 0 : i32
        %add3A_225 = arith.addi %add3A_224, %scan3A_176 : i32
        %swap3A_226 = arith.index_cast %add3A_225 : i32 to index
        %swap3A_227 = arith.constant 288 : index
        %swap3A_228 = tpu.vector_load %arg13[%swap3A_226, %swap3A_227] {strides = array<i32>} : memref<56x384xf32, #tpu.memory_space<vmem>>, vector<1x16xf32>,
        %swap3A_229 = vector.shape_cast %swap3A_228 : vector<1x16xf32> to vector<16xf32>
        %swap3A_230 = vector.shape_cast %mul3A_223 : vector<16xf32> to vector<1x16xf32>
        tpu.vector_store %arg13[%swap3A_226, %swap3A_227], %swap3A_230 {strides = array<i32>} : memref<56x384xf32, #tpu.memory_space<vmem>>, vector<1x16xf32>,
        %add3A_231 = arith.constant 16 : i32
        %add3A_232 = arith.addi %mul3A_178, %add3A_231 : i32
        %get3A_233 = arith.constant 0 : i32
        %get3A_234 = arith.index_cast %get3A_233 : i32 to index
        %get3A_235 = arith.index_cast %add3A_232 : i32 to index
        %get3A_236 = tpu.vector_load %arg11[%get3A_234, %get3A_235] {strides = array<i32>} : memref<8x2432xf32, #tpu.memory_space<vmem>>, vector<1x16xf32>,
        %get3A_237 = vector.shape_cast %get3A_236 : vector<1x16xf32> to vector<16xf32>
        %add3A_238 = arith.constant 0 : i32
        %add3A_239 = arith.addi %add3A_238, %scan3A_176 : i32
        %swap3A_240 = arith.index_cast %add3A_239 : i32 to index
        %swap3A_241 = arith.constant 16 : index
        %swap3A_242 = tpu.vector_load %arg13[%swap3A_240, %swap3A_241] {strides = array<i32>} : memref<56x384xf32, #tpu.memory_space<vmem>>, vector<1x16xf32>,
        %swap3A_243 = vector.shape_cast %swap3A_242 : vector<1x16xf32> to vector<16xf32>
        %swap3A_244 = vector.shape_cast %get3A_237 : vector<16xf32> to vector<1x16xf32>
        tpu.vector_store %arg13[%swap3A_240, %swap3A_241], %swap3A_244 {strides = array<i32>} : memref<56x384xf32, #tpu.memory_space<vmem>>, vector<1x16xf32>,
        %get3A_245 = arith.constant 1 : i32
        %get3A_246 = arith.index_cast %get3A_245 : i32 to index
        %get3A_247 = arith.index_cast %add3A_232 : i32 to index
        %get3A_248 = tpu.vector_load %arg11[%get3A_246, %get3A_247] {strides = array<i32>} : memref<8x2432xf32, #tpu.memory_space<vmem>>, vector<1x16xf32>,
        %get3A_249 = vector.shape_cast %get3A_248 : vector<1x16xf32> to vector<16xf32>
        %mul3A_250 = arith.mulf %get3A_249, %get3A_128 : vector<16xf32>
        %add3A_251 = arith.constant 0 : i32
        %add3A_252 = arith.addi %add3A_251, %scan3A_176 : i32
        %swap3A_253 = arith.index_cast %add3A_252 : i32 to index
        %swap3A_254 = arith.constant 112 : index
        %swap3A_255 = tpu.vector_load %arg13[%swap3A_253, %swap3A_254] {strides = array<i32>} : memref<56x384xf32, #tpu.memory_space<vmem>>, vector<1x16xf32>,
        %swap3A_256 = vector.shape_cast %swap3A_255 : vector<1x16xf32> to vector<16xf32>
        %swap3A_257 = vector.shape_cast %mul3A_250 : vector<16xf32> to vector<1x16xf32>
        tpu.vector_store %arg13[%swap3A_253, %swap3A_254], %swap3A_257 {strides = array<i32>} : memref<56x384xf32, #tpu.memory_space<vmem>>, vector<1x16xf32>,
        %get3A_258 = arith.constant 2 : i32
        %get3A_259 = arith.index_cast %get3A_258 : i32 to index
        %get3A_260 = arith.index_cast %add3A_232 : i32 to index
        %get3A_261 = tpu.vector_load %arg11[%get3A_259, %get3A_260] {strides = array<i32>} : memref<8x2432xf32, #tpu.memory_space<vmem>>, vector<1x16xf32>,
        %get3A_262 = vector.shape_cast %get3A_261 : vector<1x16xf32> to vector<16xf32>
        %mul3A_263 = arith.mulf %get3A_262, %get3A_133 : vector<16xf32>
        %add3A_264 = arith.constant 0 : i32
        %add3A_265 = arith.addi %add3A_264, %scan3A_176 : i32
        %swap3A_266 = arith.index_cast %add3A_265 : i32 to index
        %swap3A_267 = arith.constant 208 : index
        %swap3A_268 = tpu.vector_load %arg13[%swap3A_266, %swap3A_267] {strides = array<i32>} : memref<56x384xf32, #tpu.memory_space<vmem>>, vector<1x16xf32>,
        %swap3A_269 = vector.shape_cast %swap3A_268 : vector<1x16xf32> to vector<16xf32>
        %swap3A_270 = vector.shape_cast %mul3A_263 : vector<16xf32> to vector<1x16xf32>
        tpu.vector_store %arg13[%swap3A_266, %swap3A_267], %swap3A_270 {strides = array<i32>} : memref<56x384xf32, #tpu.memory_space<vmem>>, vector<1x16xf32>,
        %get3A_271 = arith.constant 3 : i32
        %get3A_272 = arith.index_cast %get3A_271 : i32 to index
        %get3A_273 = arith.index_cast %add3A_232 : i32 to index
        %get3A_274 = tpu.vector_load %arg11[%get3A_272, %get3A_273] {strides = array<i32>} : memref<8x2432xf32, #tpu.memory_space<vmem>>, vector<1x16xf32>,
        %get3A_275 = vector.shape_cast %get3A_274 : vector<1x16xf32> to vector<16xf32>
        %mul3A_276 = arith.mulf %get3A_275, %get3A_138 : vector<16xf32>
        %add3A_277 = arith.constant 0 : i32
        %add3A_278 = arith.addi %add3A_277, %scan3A_176 : i32
        %swap3A_279 = arith.index_cast %add3A_278 : i32 to index
        %swap3A_280 = arith.constant 304 : index
        %swap3A_281 = tpu.vector_load %arg13[%swap3A_279, %swap3A_280] {strides = array<i32>} : memref<56x384xf32, #tpu.memory_space<vmem>>, vector<1x16xf32>,
        %swap3A_282 = vector.shape_cast %swap3A_281 : vector<1x16xf32> to vector<16xf32>
        %swap3A_283 = vector.shape_cast %mul3A_276 : vector<16xf32> to vector<1x16xf32>
        tpu.vector_store %arg13[%swap3A_279, %swap3A_280], %swap3A_283 {strides = array<i32>} : memref<56x384xf32, #tpu.memory_space<vmem>>, vector<1x16xf32>,
        %add3A_284 = arith.constant 32 : i32
        %add3A_285 = arith.addi %mul3A_178, %add3A_284 : i32
        %get3A_286 = arith.constant 0 : i32
        %get3A_287 = arith.index_cast %get3A_286 : i32 to index
        %get3A_288 = arith.index_cast %add3A_285 : i32 to index
        %get3A_289 = tpu.vector_load %arg11[%get3A_287, %get3A_288] {strides = array<i32>} : memref<8x2432xf32, #tpu.memory_space<vmem>>, vector<1x16xf32>,
        %get3A_290 = vector.shape_cast %get3A_289 : vector<1x16xf32> to vector<16xf32>
        %add3A_291 = arith.constant 0 : i32
        %add3A_292 = arith.addi %add3A_291, %scan3A_176 : i32
        %swap3A_293 = arith.index_cast %add3A_292 : i32 to index
        %swap3A_294 = arith.constant 32 : index
        %swap3A_295 = tpu.vector_load %arg13[%swap3A_293, %swap3A_294] {strides = array<i32>} : memref<56x384xf32, #tpu.memory_space<vmem>>, vector<1x16xf32>,
        %swap3A_296 = vector.shape_cast %swap3A_295 : vector<1x16xf32> to vector<16xf32>
        %swap3A_297 = vector.shape_cast %get3A_290 : vector<16xf32> to vector<1x16xf32>
        tpu.vector_store %arg13[%swap3A_293, %swap3A_294], %swap3A_297 {strides = array<i32>} : memref<56x384xf32, #tpu.memory_space<vmem>>, vector<1x16xf32>,
        %get3A_298 = arith.constant 1 : i32
        %get3A_299 = arith.index_cast %get3A_298 : i32 to index
        %get3A_300 = arith.index_cast %add3A_285 : i32 to index
        %get3A_301 = tpu.vector_load %arg11[%get3A_299, %get3A_300] {strides = array<i32>} : memref<8x2432xf32, #tpu.memory_space<vmem>>, vector<1x16xf32>,
        %get3A_302 = vector.shape_cast %get3A_301 : vector<1x16xf32> to vector<16xf32>
        %mul3A_303 = arith.mulf %get3A_302, %get3A_128 : vector<16xf32>
        %add3A_304 = arith.constant 0 : i32
        %add3A_305 = arith.addi %add3A_304, %scan3A_176 : i32
        %swap3A_306 = arith.index_cast %add3A_305 : i32 to index
        %swap3A_307 = arith.constant 128 : index
        %swap3A_308 = tpu.vector_load %arg13[%swap3A_306, %swap3A_307] {strides = array<i32>} : memref<56x384xf32, #tpu.memory_space<vmem>>, vector<1x16xf32>,
        %swap3A_309 = vector.shape_cast %swap3A_308 : vector<1x16xf32> to vector<16xf32>
        %swap3A_310 = vector.shape_cast %mul3A_303 : vector<16xf32> to vector<1x16xf32>
        tpu.vector_store %arg13[%swap3A_306, %swap3A_307], %swap3A_310 {strides = array<i32>} : memref<56x384xf32, #tpu.memory_space<vmem>>, vector<1x16xf32>,
        %get3A_311 = arith.constant 2 : i32
        %get3A_312 = arith.index_cast %get3A_311 : i32 to index
        %get3A_313 = arith.index_cast %add3A_285 : i32 to index
        %get3A_314 = tpu.vector_load %arg11[%get3A_312, %get3A_313] {strides = array<i32>} : memref<8x2432xf32, #tpu.memory_space<vmem>>, vector<1x16xf32>,
        %get3A_315 = vector.shape_cast %get3A_314 : vector<1x16xf32> to vector<16xf32>
        %mul3A_316 = arith.mulf %get3A_315, %get3A_133 : vector<16xf32>
        %add3A_317 = arith.constant 0 : i32
        %add3A_318 = arith.addi %add3A_317, %scan3A_176 : i32
        %swap3A_319 = arith.index_cast %add3A_318 : i32 to index
        %swap3A_320 = arith.constant 224 : index
        %swap3A_321 = tpu.vector_load %arg13[%swap3A_319, %swap3A_320] {strides = array<i32>} : memref<56x384xf32, #tpu.memory_space<vmem>>, vector<1x16xf32>,
        %swap3A_322 = vector.shape_cast %swap3A_321 : vector<1x16xf32> to vector<16xf32>
        %swap3A_323 = vector.shape_cast %mul3A_316 : vector<16xf32> to vector<1x16xf32>
        tpu.vector_store %arg13[%swap3A_319, %swap3A_320], %swap3A_323 {strides = array<i32>} : memref<56x384xf32, #tpu.memory_space<vmem>>, vector<1x16xf32>,
        %get3A_324 = arith.constant 3 : i32
        %get3A_325 = arith.index_cast %get3A_324 : i32 to index
        %get3A_326 = arith.index_cast %add3A_285 : i32 to index
        %get3A_327 = tpu.vector_load %arg11[%get3A_325, %get3A_326] {strides = array<i32>} : memref<8x2432xf32, #tpu.memory_space<vmem>>, vector<1x16xf32>,
        %get3A_328 = vector.shape_cast %get3A_327 : vector<1x16xf32> to vector<16xf32>
        %mul3A_329 = arith.mulf %get3A_328, %get3A_138 : vector<16xf32>
        %add3A_330 = arith.constant 0 : i32
        %add3A_331 = arith.addi %add3A_330, %scan3A_176 : i32
        %swap3A_332 = arith.index_cast %add3A_331 : i32 to index
        %swap3A_333 = arith.constant 320 : index
        %swap3A_334 = tpu.vector_load %arg13[%swap3A_332, %swap3A_333] {strides = array<i32>} : memref<56x384xf32, #tpu.memory_space<vmem>>, vector<1x16xf32>,
        %swap3A_335 = vector.shape_cast %swap3A_334 : vector<1x16xf32> to vector<16xf32>
        %swap3A_336 = vector.shape_cast %mul3A_329 : vector<16xf32> to vector<1x16xf32>
        tpu.vector_store %arg13[%swap3A_332, %swap3A_333], %swap3A_336 {strides = array<i32>} : memref<56x384xf32, #tpu.memory_space<vmem>>, vector<1x16xf32>,
        %add3A_337 = arith.constant 48 : i32
        %add3A_338 = arith.addi %mul3A_178, %add3A_337 : i32
        %get3A_339 = arith.constant 0 : i32
        %get3A_340 = arith.index_cast %get3A_339 : i32 to index
        %get3A_341 = arith.index_cast %add3A_338 : i32 to index
        %get3A_342 = tpu.vector_load %arg11[%get3A_340, %get3A_341] {strides = array<i32>} : memref<8x2432xf32, #tpu.memory_space<vmem>>, vector<1x16xf32>,
        %get3A_343 = vector.shape_cast %get3A_342 : vector<1x16xf32> to vector<16xf32>
        %add3A_344 = arith.constant 0 : i32
        %add3A_345 = arith.addi %add3A_344, %scan3A_176 : i32
        %swap3A_346 = arith.index_cast %add3A_345 : i32 to index
        %swap3A_347 = arith.constant 48 : index
        %swap3A_348 = tpu.vector_load %arg13[%swap3A_346, %swap3A_347] {strides = array<i32>} : memref<56x384xf32, #tpu.memory_space<vmem>>, vector<1x16xf32>,
        %swap3A_349 = vector.shape_cast %swap3A_348 : vector<1x16xf32> to vector<16xf32>
        %swap3A_350 = vector.shape_cast %get3A_343 : vector<16xf32> to vector<1x16xf32>
        tpu.vector_store %arg13[%swap3A_346, %swap3A_347], %swap3A_350 {strides = array<i32>} : memref<56x384xf32, #tpu.memory_space<vmem>>, vector<1x16xf32>,
        %get3A_351 = arith.constant 1 : i32
        %get3A_352 = arith.index_cast %get3A_351 : i32 to index
        %get3A_353 = arith.index_cast %add3A_338 : i32 to index
        %get3A_354 = tpu.vector_load %arg11[%get3A_352, %get3A_353] {strides = array<i32>} : memref<8x2432xf32, #tpu.memory_space<vmem>>, vector<1x16xf32>,
        %get3A_355 = vector.shape_cast %get3A_354 : vector<1x16xf32> to vector<16xf32>
        %mul3A_356 = arith.mulf %get3A_355, %get3A_128 : vector<16xf32>
        %add3A_357 = arith.constant 0 : i32
        %add3A_358 = arith.addi %add3A_357, %scan3A_176 : i32
        %swap3A_359 = arith.index_cast %add3A_358 : i32 to index
        %swap3A_360 = arith.constant 144 : index
        %swap3A_361 = tpu.vector_load %arg13[%swap3A_359, %swap3A_360] {strides = array<i32>} : memref<56x384xf32, #tpu.memory_space<vmem>>, vector<1x16xf32>,
        %swap3A_362 = vector.shape_cast %swap3A_361 : vector<1x16xf32> to vector<16xf32>
        %swap3A_363 = vector.shape_cast %mul3A_356 : vector<16xf32> to vector<1x16xf32>
        tpu.vector_store %arg13[%swap3A_359, %swap3A_360], %swap3A_363 {strides = array<i32>} : memref<56x384xf32, #tpu.memory_space<vmem>>, vector<1x16xf32>,
        %get3A_364 = arith.constant 2 : i32
        %get3A_365 = arith.index_cast %get3A_364 : i32 to index
        %get3A_366 = arith.index_cast %add3A_338 : i32 to index
        %get3A_367 = tpu.vector_load %arg11[%get3A_365, %get3A_366] {strides = array<i32>} : memref<8x2432xf32, #tpu.memory_space<vmem>>, vector<1x16xf32>,
        %get3A_368 = vector.shape_cast %get3A_367 : vector<1x16xf32> to vector<16xf32>
        %mul3A_369 = arith.mulf %get3A_368, %get3A_133 : vector<16xf32>
        %add3A_370 = arith.constant 0 : i32
        %add3A_371 = arith.addi %add3A_370, %scan3A_176 : i32
        %swap3A_372 = arith.index_cast %add3A_371 : i32 to index
        %swap3A_373 = arith.constant 240 : index
        %swap3A_374 = tpu.vector_load %arg13[%swap3A_372, %swap3A_373] {strides = array<i32>} : memref<56x384xf32, #tpu.memory_space<vmem>>, vector<1x16xf32>,
        %swap3A_375 = vector.shape_cast %swap3A_374 : vector<1x16xf32> to vector<16xf32>
        %swap3A_376 = vector.shape_cast %mul3A_369 : vector<16xf32> to vector<1x16xf32>
        tpu.vector_store %arg13[%swap3A_372, %swap3A_373], %swap3A_376 {strides = array<i32>} : memref<56x384xf32, #tpu.memory_space<vmem>>, vector<1x16xf32>,
        %get3A_377 = arith.constant 3 : i32
        %get3A_378 = arith.index_cast %get3A_377 : i32 to index
        %get3A_379 = arith.index_cast %add3A_338 : i32 to index
        %get3A_380 = tpu.vector_load %arg11[%get3A_378, %get3A_379] {strides = array<i32>} : memref<8x2432xf32, #tpu.memory_space<vmem>>, vector<1x16xf32>,
        %get3A_381 = vector.shape_cast %get3A_380 : vector<1x16xf32> to vector<16xf32>
        %mul3A_382 = arith.mulf %get3A_381, %get3A_138 : vector<16xf32>
        %add3A_383 = arith.constant 0 : i32
        %add3A_384 = arith.addi %add3A_383, %scan3A_176 : i32
        %swap3A_385 = arith.index_cast %add3A_384 : i32 to index
        %swap3A_386 = arith.constant 336 : index
        %swap3A_387 = tpu.vector_load %arg13[%swap3A_385, %swap3A_386] {strides = array<i32>} : memref<56x384xf32, #tpu.memory_space<vmem>>, vector<1x16xf32>,
        %swap3A_388 = vector.shape_cast %swap3A_387 : vector<1x16xf32> to vector<16xf32>
        %swap3A_389 = vector.shape_cast %mul3A_382 : vector<16xf32> to vector<1x16xf32>
        tpu.vector_store %arg13[%swap3A_385, %swap3A_386], %swap3A_389 {strides = array<i32>} : memref<56x384xf32, #tpu.memory_space<vmem>>, vector<1x16xf32>,
        %add3A_390 = arith.constant 64 : i32
        %add3A_391 = arith.addi %mul3A_178, %add3A_390 : i32
        %get3A_392 = arith.constant 0 : i32
        %get3A_393 = arith.index_cast %get3A_392 : i32 to index
        %get3A_394 = arith.index_cast %add3A_391 : i32 to index
        %get3A_395 = tpu.vector_load %arg11[%get3A_393, %get3A_394] {strides = array<i32>} : memref<8x2432xf32, #tpu.memory_space<vmem>>, vector<1x16xf32>,
        %get3A_396 = vector.shape_cast %get3A_395 : vector<1x16xf32> to vector<16xf32>
        %add3A_397 = arith.constant 0 : i32
        %add3A_398 = arith.addi %add3A_397, %scan3A_176 : i32
        %swap3A_399 = arith.index_cast %add3A_398 : i32 to index
        %swap3A_400 = arith.constant 64 : index
        %swap3A_401 = tpu.vector_load %arg13[%swap3A_399, %swap3A_400] {strides = array<i32>} : memref<56x384xf32, #tpu.memory_space<vmem>>, vector<1x16xf32>,
        %swap3A_402 = vector.shape_cast %swap3A_401 : vector<1x16xf32> to vector<16xf32>
        %swap3A_403 = vector.shape_cast %get3A_396 : vector<16xf32> to vector<1x16xf32>
        tpu.vector_store %arg13[%swap3A_399, %swap3A_400], %swap3A_403 {strides = array<i32>} : memref<56x384xf32, #tpu.memory_space<vmem>>, vector<1x16xf32>,
        %get3A_404 = arith.constant 1 : i32
        %get3A_405 = arith.index_cast %get3A_404 : i32 to index
        %get3A_406 = arith.index_cast %add3A_391 : i32 to index
        %get3A_407 = tpu.vector_load %arg11[%get3A_405, %get3A_406] {strides = array<i32>} : memref<8x2432xf32, #tpu.memory_space<vmem>>, vector<1x16xf32>,
        %get3A_408 = vector.shape_cast %get3A_407 : vector<1x16xf32> to vector<16xf32>
        %mul3A_409 = arith.mulf %get3A_408, %get3A_128 : vector<16xf32>
        %add3A_410 = arith.constant 0 : i32
        %add3A_411 = arith.addi %add3A_410, %scan3A_176 : i32
        %swap3A_412 = arith.index_cast %add3A_411 : i32 to index
        %swap3A_413 = arith.constant 160 : index
        %swap3A_414 = tpu.vector_load %arg13[%swap3A_412, %swap3A_413] {strides = array<i32>} : memref<56x384xf32, #tpu.memory_space<vmem>>, vector<1x16xf32>,
        %swap3A_415 = vector.shape_cast %swap3A_414 : vector<1x16xf32> to vector<16xf32>
        %swap3A_416 = vector.shape_cast %mul3A_409 : vector<16xf32> to vector<1x16xf32>
        tpu.vector_store %arg13[%swap3A_412, %swap3A_413], %swap3A_416 {strides = array<i32>} : memref<56x384xf32, #tpu.memory_space<vmem>>, vector<1x16xf32>,
        %get3A_417 = arith.constant 2 : i32
        %get3A_418 = arith.index_cast %get3A_417 : i32 to index
        %get3A_419 = arith.index_cast %add3A_391 : i32 to index
        %get3A_420 = tpu.vector_load %arg11[%get3A_418, %get3A_419] {strides = array<i32>} : memref<8x2432xf32, #tpu.memory_space<vmem>>, vector<1x16xf32>,
        %get3A_421 = vector.shape_cast %get3A_420 : vector<1x16xf32> to vector<16xf32>
        %mul3A_422 = arith.mulf %get3A_421, %get3A_133 : vector<16xf32>
        %add3A_423 = arith.constant 0 : i32
        %add3A_424 = arith.addi %add3A_423, %scan3A_176 : i32
        %swap3A_425 = arith.index_cast %add3A_424 : i32 to index
        %swap3A_426 = arith.constant 256 : index
        %swap3A_427 = tpu.vector_load %arg13[%swap3A_425, %swap3A_426] {strides = array<i32>} : memref<56x384xf32, #tpu.memory_space<vmem>>, vector<1x16xf32>,
        %swap3A_428 = vector.shape_cast %swap3A_427 : vector<1x16xf32> to vector<16xf32>
        %swap3A_429 = vector.shape_cast %mul3A_422 : vector<16xf32> to vector<1x16xf32>
        tpu.vector_store %arg13[%swap3A_425, %swap3A_426], %swap3A_429 {strides = array<i32>} : memref<56x384xf32, #tpu.memory_space<vmem>>, vector<1x16xf32>,
        %get3A_430 = arith.constant 3 : i32
        %get3A_431 = arith.index_cast %get3A_430 : i32 to index
        %get3A_432 = arith.index_cast %add3A_391 : i32 to index
        %get3A_433 = tpu.vector_load %arg11[%get3A_431, %get3A_432] {strides = array<i32>} : memref<8x2432xf32, #tpu.memory_space<vmem>>, vector<1x16xf32>,
        %get3A_434 = vector.shape_cast %get3A_433 : vector<1x16xf32> to vector<16xf32>
        %mul3A_435 = arith.mulf %get3A_434, %get3A_138 : vector<16xf32>
        %add3A_436 = arith.constant 0 : i32
        %add3A_437 = arith.addi %add3A_436, %scan3A_176 : i32
        %swap3A_438 = arith.index_cast %add3A_437 : i32 to index
        %swap3A_439 = arith.constant 352 : index
        %swap3A_440 = tpu.vector_load %arg13[%swap3A_438, %swap3A_439] {strides = array<i32>} : memref<56x384xf32, #tpu.memory_space<vmem>>, vector<1x16xf32>,
        %swap3A_441 = vector.shape_cast %swap3A_440 : vector<1x16xf32> to vector<16xf32>
        %swap3A_442 = vector.shape_cast %mul3A_435 : vector<16xf32> to vector<1x16xf32>
        tpu.vector_store %arg13[%swap3A_438, %swap3A_439], %swap3A_442 {strides = array<i32>} : memref<56x384xf32, #tpu.memory_space<vmem>>, vector<1x16xf32>,
        %add3A_443 = arith.constant 80 : i32
        %add3A_444 = arith.addi %mul3A_178, %add3A_443 : i32
        %get3A_445 = arith.constant 0 : i32
        %get3A_446 = arith.index_cast %get3A_445 : i32 to index
        %get3A_447 = arith.index_cast %add3A_444 : i32 to index
        %get3A_448 = tpu.vector_load %arg11[%get3A_446, %get3A_447] {strides = array<i32>} : memref<8x2432xf32, #tpu.memory_space<vmem>>, vector<1x16xf32>,
        %get3A_449 = vector.shape_cast %get3A_448 : vector<1x16xf32> to vector<16xf32>
        %add3A_450 = arith.constant 0 : i32
        %add3A_451 = arith.addi %add3A_450, %scan3A_176 : i32
        %swap3A_452 = arith.index_cast %add3A_451 : i32 to index
        %swap3A_453 = arith.constant 80 : index
        %swap3A_454 = tpu.vector_load %arg13[%swap3A_452, %swap3A_453] {strides = array<i32>} : memref<56x384xf32, #tpu.memory_space<vmem>>, vector<1x16xf32>,
        %swap3A_455 = vector.shape_cast %swap3A_454 : vector<1x16xf32> to vector<16xf32>
        %swap3A_456 = vector.shape_cast %get3A_449 : vector<16xf32> to vector<1x16xf32>
        tpu.vector_store %arg13[%swap3A_452, %swap3A_453], %swap3A_456 {strides = array<i32>} : memref<56x384xf32, #tpu.memory_space<vmem>>, vector<1x16xf32>,
        %get3A_457 = arith.constant 1 : i32
        %get3A_458 = arith.index_cast %get3A_457 : i32 to index
        %get3A_459 = arith.index_cast %add3A_444 : i32 to index
        %get3A_460 = tpu.vector_load %arg11[%get3A_458, %get3A_459] {strides = array<i32>} : memref<8x2432xf32, #tpu.memory_space<vmem>>, vector<1x16xf32>,
        %get3A_461 = vector.shape_cast %get3A_460 : vector<1x16xf32> to vector<16xf32>
        %mul3A_462 = arith.mulf %get3A_461, %get3A_128 : vector<16xf32>
        %add3A_463 = arith.constant 0 : i32
        %add3A_464 = arith.addi %add3A_463, %scan3A_176 : i32
        %swap3A_465 = arith.index_cast %add3A_464 : i32 to index
        %swap3A_466 = arith.constant 176 : index
        %swap3A_467 = tpu.vector_load %arg13[%swap3A_465, %swap3A_466] {strides = array<i32>} : memref<56x384xf32, #tpu.memory_space<vmem>>, vector<1x16xf32>,
        %swap3A_468 = vector.shape_cast %swap3A_467 : vector<1x16xf32> to vector<16xf32>
        %swap3A_469 = vector.shape_cast %mul3A_462 : vector<16xf32> to vector<1x16xf32>
        tpu.vector_store %arg13[%swap3A_465, %swap3A_466], %swap3A_469 {strides = array<i32>} : memref<56x384xf32, #tpu.memory_space<vmem>>, vector<1x16xf32>,
        %get3A_470 = arith.constant 2 : i32
        %get3A_471 = arith.index_cast %get3A_470 : i32 to index
        %get3A_472 = arith.index_cast %add3A_444 : i32 to index
        %get3A_473 = tpu.vector_load %arg11[%get3A_471, %get3A_472] {strides = array<i32>} : memref<8x2432xf32, #tpu.memory_space<vmem>>, vector<1x16xf32>,
        %get3A_474 = vector.shape_cast %get3A_473 : vector<1x16xf32> to vector<16xf32>
        %mul3A_475 = arith.mulf %get3A_474, %get3A_133 : vector<16xf32>
        %add3A_476 = arith.constant 0 : i32
        %add3A_477 = arith.addi %add3A_476, %scan3A_176 : i32
        %swap3A_478 = arith.index_cast %add3A_477 : i32 to index
        %swap3A_479 = arith.constant 272 : index
        %swap3A_480 = tpu.vector_load %arg13[%swap3A_478, %swap3A_479] {strides = array<i32>} : memref<56x384xf32, #tpu.memory_space<vmem>>, vector<1x16xf32>,
        %swap3A_481 = vector.shape_cast %swap3A_480 : vector<1x16xf32> to vector<16xf32>
        %swap3A_482 = vector.shape_cast %mul3A_475 : vector<16xf32> to vector<1x16xf32>
        tpu.vector_store %arg13[%swap3A_478, %swap3A_479], %swap3A_482 {strides = array<i32>} : memref<56x384xf32, #tpu.memory_space<vmem>>, vector<1x16xf32>,
        %get3A_483 = arith.constant 3 : i32
        %get3A_484 = arith.index_cast %get3A_483 : i32 to index
        %get3A_485 = arith.index_cast %add3A_444 : i32 to index
        %get3A_486 = tpu.vector_load %arg11[%get3A_484, %get3A_485] {strides = array<i32>} : memref<8x2432xf32, #tpu.memory_space<vmem>>, vector<1x16xf32>,
        %get3A_487 = vector.shape_cast %get3A_486 : vector<1x16xf32> to vector<16xf32>
        %mul3A_488 = arith.mulf %get3A_487, %get3A_138 : vector<16xf32>
        %add3A_489 = arith.constant 0 : i32
        %add3A_490 = arith.addi %add3A_489, %scan3A_176 : i32
        %swap3A_491 = arith.index_cast %add3A_490 : i32 to index
        %swap3A_492 = arith.constant 368 : index
        %swap3A_493 = tpu.vector_load %arg13[%swap3A_491, %swap3A_492] {strides = array<i32>} : memref<56x384xf32, #tpu.memory_space<vmem>>, vector<1x16xf32>,
        %swap3A_494 = vector.shape_cast %swap3A_493 : vector<1x16xf32> to vector<16xf32>
        %swap3A_495 = vector.shape_cast %mul3A_488 : vector<16xf32> to vector<1x16xf32>
        tpu.vector_store %arg13[%swap3A_491, %swap3A_492], %swap3A_495 {strides = array<i32>} : memref<56x384xf32, #tpu.memory_space<vmem>>, vector<1x16xf32>,
      }
      %scan3A_144 = arith.constant 25 : i32
      %mul3A_145 = arith.constant 2 : i32
      %mul3A_146 = arith.muli %add3A_31, %mul3A_145 : i32
      %add3A_147 = arith.constant 1 : i32
      %add3A_148 = arith.addi %mul3A_146, %add3A_147 : i32
      %mul3A_149 = arith.constant 48 : i32
      %mul3A_150 = arith.muli %add3A_148, %mul3A_149 : i32
      %get3A_151 = arith.index_cast %mul3A_150 : i32 to index
      %get3A_152 = tpu.vector_load %arg9[%get3A_151] {strides = array<i32>} : memref<6336xf32, #tpu.memory_space<vmem>>, vector<16xf32>,
      %get3A_153 = vector.shape_cast %get3A_152 : vector<16xf32> to vector<16xf32>
      %add3A_154 = arith.constant 16 : i32
      %add3A_155 = arith.addi %mul3A_150, %add3A_154 : i32
      %get3A_156 = arith.index_cast %add3A_155 : i32 to index
      %get3A_157 = tpu.vector_load %arg9[%get3A_156] {strides = array<i32>} : memref<6336xf32, #tpu.memory_space<vmem>>, vector<16xf32>,
      %get3A_158 = vector.shape_cast %get3A_157 : vector<16xf32> to vector<16xf32>
      %add3A_159 = arith.constant 32 : i32
      %add3A_160 = arith.addi %mul3A_150, %add3A_159 : i32
      %get3A_161 = arith.index_cast %add3A_160 : i32 to index
      %get3A_162 = tpu.vector_load %arg9[%get3A_161] {strides = array<i32>} : memref<6336xf32, #tpu.memory_space<vmem>>, vector<16xf32>,
      %get3A_163 = vector.shape_cast %get3A_162 : vector<16xf32> to vector<16xf32>
      %scan3A_164 = arith.constant 0 : i32
      %scan3A_165 = arith.constant 0 : i32
      %scan3A_166 = arith.constant 25 : i32
      %scan3A_167 = arith.addi %scan3A_165, %scan3A_166 : i32
      %scan3A_168 = arith.constant 1 : i32
      scf.for %scan3A_176 = %scan3A_165 to %scan3A_167 step %scan3A_168  : i32 {
        %mul3A_177 = arith.constant 96 : i32
        %mul3A_178 = arith.muli %scan3A_176, %mul3A_177 : i32
        %add3A_179 = arith.constant 0 : i32
        %add3A_180 = arith.addi %mul3A_178, %add3A_179 : i32
        %get3A_181 = arith.constant 4 : i32
        %get3A_182 = arith.index_cast %get3A_181 : i32 to index
        %get3A_183 = arith.index_cast %add3A_180 : i32 to index
        %get3A_184 = tpu.vector_load %arg11[%get3A_182, %get3A_183] {strides = array<i32>} : memref<8x2432xf32, #tpu.memory_space<vmem>>, vector<1x16xf32>,
        %get3A_185 = vector.shape_cast %get3A_184 : vector<1x16xf32> to vector<16xf32>
        %add3A_186 = arith.constant 25 : i32
        %add3A_187 = arith.addi %add3A_186, %scan3A_176 : i32
        %swap3A = arith.index_cast %add3A_187 : i32 to index
        %swap3A_188 = arith.constant 0 : index
        %swap3A_189 = tpu.vector_load %arg13[%swap3A, %swap3A_188] {strides = array<i32>} : memref<56x384xf32, #tpu.memory_space<vmem>>, vector<1x16xf32>,
        %swap3A_190 = vector.shape_cast %swap3A_189 : vector<1x16xf32> to vector<16xf32>
        %swap3A_191 = vector.shape_cast %get3A_185 : vector<16xf32> to vector<1x16xf32>
        tpu.vector_store %arg13[%swap3A, %swap3A_188], %swap3A_191 {strides = array<i32>} : memref<56x384xf32, #tpu.memory_space<vmem>>, vector<1x16xf32>,
        %get3A_192 = arith.constant 5 : i32
        %get3A_193 = arith.index_cast %get3A_192 : i32 to index
        %get3A_194 = arith.index_cast %add3A_180 : i32 to index
        %get3A_195 = tpu.vector_load %arg11[%get3A_193, %get3A_194] {strides = array<i32>} : memref<8x2432xf32, #tpu.memory_space<vmem>>, vector<1x16xf32>,
        %get3A_196 = vector.shape_cast %get3A_195 : vector<1x16xf32> to vector<16xf32>
        %mul3A_197 = arith.mulf %get3A_196, %get3A_153 : vector<16xf32>
        %add3A_198 = arith.constant 25 : i32
        %add3A_199 = arith.addi %add3A_198, %scan3A_176 : i32
        %swap3A_200 = arith.index_cast %add3A_199 : i32 to index
        %swap3A_201 = arith.constant 96 : index
        %swap3A_202 = tpu.vector_load %arg13[%swap3A_200, %swap3A_201] {strides = array<i32>} : memref<56x384xf32, #tpu.memory_space<vmem>>, vector<1x16xf32>,
        %swap3A_203 = vector.shape_cast %swap3A_202 : vector<1x16xf32> to vector<16xf32>
        %swap3A_204 = vector.shape_cast %mul3A_197 : vector<16xf32> to vector<1x16xf32>
        tpu.vector_store %arg13[%swap3A_200, %swap3A_201], %swap3A_204 {strides = array<i32>} : memref<56x384xf32, #tpu.memory_space<vmem>>, vector<1x16xf32>,
        %get3A_205 = arith.constant 6 : i32
        %get3A_206 = arith.index_cast %get3A_205 : i32 to index
        %get3A_207 = arith.index_cast %add3A_180 : i32 to index
        %get3A_208 = tpu.vector_load %arg11[%get3A_206, %get3A_207] {strides = array<i32>} : memref<8x2432xf32, #tpu.memory_space<vmem>>, vector<1x16xf32>,
        %get3A_209 = vector.shape_cast %get3A_208 : vector<1x16xf32> to vector<16xf32>
        %mul3A_210 = arith.mulf %get3A_209, %get3A_158 : vector<16xf32>
        %add3A_211 = arith.constant 25 : i32
        %add3A_212 = arith.addi %add3A_211, %scan3A_176 : i32
        %swap3A_213 = arith.index_cast %add3A_212 : i32 to index
        %swap3A_214 = arith.constant 192 : index
        %swap3A_215 = tpu.vector_load %arg13[%swap3A_213, %swap3A_214] {strides = array<i32>} : memref<56x384xf32, #tpu.memory_space<vmem>>, vector<1x16xf32>,
        %swap3A_216 = vector.shape_cast %swap3A_215 : vector<1x16xf32> to vector<16xf32>
        %swap3A_217 = vector.shape_cast %mul3A_210 : vector<16xf32> to vector<1x16xf32>
        tpu.vector_store %arg13[%swap3A_213, %swap3A_214], %swap3A_217 {strides = array<i32>} : memref<56x384xf32, #tpu.memory_space<vmem>>, vector<1x16xf32>,
        %get3A_218 = arith.constant 7 : i32
        %get3A_219 = arith.index_cast %get3A_218 : i32 to index
        %get3A_220 = arith.index_cast %add3A_180 : i32 to index
        %get3A_221 = tpu.vector_load %arg11[%get3A_219, %get3A_220] {strides = array<i32>} : memref<8x2432xf32, #tpu.memory_space<vmem>>, vector<1x16xf32>,
        %get3A_222 = vector.shape_cast %get3A_221 : vector<1x16xf32> to vector<16xf32>
        %mul3A_223 = arith.mulf %get3A_222, %get3A_163 : vector<16xf32>
        %add3A_224 = arith.constant 25 : i32
        %add3A_225 = arith.addi %add3A_224, %scan3A_176 : i32
        %swap3A_226 = arith.index_cast %add3A_225 : i32 to index
        %swap3A_227 = arith.constant 288 : index
        %swap3A_228 = tpu.vector_load %arg13[%swap3A_226, %swap3A_227] {strides = array<i32>} : memref<56x384xf32, #tpu.memory_space<vmem>>, vector<1x16xf32>,
        %swap3A_229 = vector.shape_cast %swap3A_228 : vector<1x16xf32> to vector<16xf32>
        %swap3A_230 = vector.shape_cast %mul3A_223 : vector<16xf32> to vector<1x16xf32>
        tpu.vector_store %arg13[%swap3A_226, %swap3A_227], %swap3A_230 {strides = array<i32>} : memref<56x384xf32, #tpu.memory_space<vmem>>, vector<1x16xf32>,
        %add3A_231 = arith.constant 16 : i32
        %add3A_232 = arith.addi %mul3A_178, %add3A_231 : i32
        %get3A_233 = arith.constant 4 : i32
        %get3A_234 = arith.index_cast %get3A_233 : i32 to index
        %get3A_235 = arith.index_cast %add3A_232 : i32 to index
        %get3A_236 = tpu.vector_load %arg11[%get3A_234, %get3A_235] {strides = array<i32>} : memref<8x2432xf32, #tpu.memory_space<vmem>>, vector<1x16xf32>,
        %get3A_237 = vector.shape_cast %get3A_236 : vector<1x16xf32> to vector<16xf32>
        %add3A_238 = arith.constant 25 : i32
        %add3A_239 = arith.addi %add3A_238, %scan3A_176 : i32
        %swap3A_240 = arith.index_cast %add3A_239 : i32 to index
        %swap3A_241 = arith.constant 16 : index
        %swap3A_242 = tpu.vector_load %arg13[%swap3A_240, %swap3A_241] {strides = array<i32>} : memref<56x384xf32, #tpu.memory_space<vmem>>, vector<1x16xf32>,
        %swap3A_243 = vector.shape_cast %swap3A_242 : vector<1x16xf32> to vector<16xf32>
        %swap3A_244 = vector.shape_cast %get3A_237 : vector<16xf32> to vector<1x16xf32>
        tpu.vector_store %arg13[%swap3A_240, %swap3A_241], %swap3A_244 {strides = array<i32>} : memref<56x384xf32, #tpu.memory_space<vmem>>, vector<1x16xf32>,
        %get3A_245 = arith.constant 5 : i32
        %get3A_246 = arith.index_cast %get3A_245 : i32 to index
        %get3A_247 = arith.index_cast %add3A_232 : i32 to index
        %get3A_248 = tpu.vector_load %arg11[%get3A_246, %get3A_247] {strides = array<i32>} : memref<8x2432xf32, #tpu.memory_space<vmem>>, vector<1x16xf32>,
        %get3A_249 = vector.shape_cast %get3A_248 : vector<1x16xf32> to vector<16xf32>
        %mul3A_250 = arith.mulf %get3A_249, %get3A_153 : vector<16xf32>
        %add3A_251 = arith.constant 25 : i32
        %add3A_252 = arith.addi %add3A_251, %scan3A_176 : i32
        %swap3A_253 = arith.index_cast %add3A_252 : i32 to index
        %swap3A_254 = arith.constant 112 : index
        %swap3A_255 = tpu.vector_load %arg13[%swap3A_253, %swap3A_254] {strides = array<i32>} : memref<56x384xf32, #tpu.memory_space<vmem>>, vector<1x16xf32>,
        %swap3A_256 = vector.shape_cast %swap3A_255 : vector<1x16xf32> to vector<16xf32>
        %swap3A_257 = vector.shape_cast %mul3A_250 : vector<16xf32> to vector<1x16xf32>
        tpu.vector_store %arg13[%swap3A_253, %swap3A_254], %swap3A_257 {strides = array<i32>} : memref<56x384xf32, #tpu.memory_space<vmem>>, vector<1x16xf32>,
        %get3A_258 = arith.constant 6 : i32
        %get3A_259 = arith.index_cast %get3A_258 : i32 to index
        %get3A_260 = arith.index_cast %add3A_232 : i32 to index
        %get3A_261 = tpu.vector_load %arg11[%get3A_259, %get3A_260] {strides = array<i32>} : memref<8x2432xf32, #tpu.memory_space<vmem>>, vector<1x16xf32>,
        %get3A_262 = vector.shape_cast %get3A_261 : vector<1x16xf32> to vector<16xf32>
        %mul3A_263 = arith.mulf %get3A_262, %get3A_158 : vector<16xf32>
        %add3A_264 = arith.constant 25 : i32
        %add3A_265 = arith.addi %add3A_264, %scan3A_176 : i32
        %swap3A_266 = arith.index_cast %add3A_265 : i32 to index
        %swap3A_267 = arith.constant 208 : index
        %swap3A_268 = tpu.vector_load %arg13[%swap3A_266, %swap3A_267] {strides = array<i32>} : memref<56x384xf32, #tpu.memory_space<vmem>>, vector<1x16xf32>,
        %swap3A_269 = vector.shape_cast %swap3A_268 : vector<1x16xf32> to vector<16xf32>
        %swap3A_270 = vector.shape_cast %mul3A_263 : vector<16xf32> to vector<1x16xf32>
        tpu.vector_store %arg13[%swap3A_266, %swap3A_267], %swap3A_270 {strides = array<i32>} : memref<56x384xf32, #tpu.memory_space<vmem>>, vector<1x16xf32>,
        %get3A_271 = arith.constant 7 : i32
        %get3A_272 = arith.index_cast %get3A_271 : i32 to index
        %get3A_273 = arith.index_cast %add3A_232 : i32 to index
        %get3A_274 = tpu.vector_load %arg11[%get3A_272, %get3A_273] {strides = array<i32>} : memref<8x2432xf32, #tpu.memory_space<vmem>>, vector<1x16xf32>,
        %get3A_275 = vector.shape_cast %get3A_274 : vector<1x16xf32> to vector<16xf32>
        %mul3A_276 = arith.mulf %get3A_275, %get3A_163 : vector<16xf32>
        %add3A_277 = arith.constant 25 : i32
        %add3A_278 = arith.addi %add3A_277, %scan3A_176 : i32
        %swap3A_279 = arith.index_cast %add3A_278 : i32 to index
        %swap3A_280 = arith.constant 304 : index
        %swap3A_281 = tpu.vector_load %arg13[%swap3A_279, %swap3A_280] {strides = array<i32>} : memref<56x384xf32, #tpu.memory_space<vmem>>, vector<1x16xf32>,
        %swap3A_282 = vector.shape_cast %swap3A_281 : vector<1x16xf32> to vector<16xf32>
        %swap3A_283 = vector.shape_cast %mul3A_276 : vector<16xf32> to vector<1x16xf32>
        tpu.vector_store %arg13[%swap3A_279, %swap3A_280], %swap3A_283 {strides = array<i32>} : memref<56x384xf32, #tpu.memory_space<vmem>>, vector<1x16xf32>,
        %add3A_284 = arith.constant 32 : i32
        %add3A_285 = arith.addi %mul3A_178, %add3A_284 : i32
        %get3A_286 = arith.constant 4 : i32
        %get3A_287 = arith.index_cast %get3A_286 : i32 to index
        %get3A_288 = arith.index_cast %add3A_285 : i32 to index
        %get3A_289 = tpu.vector_load %arg11[%get3A_287, %get3A_288] {strides = array<i32>} : memref<8x2432xf32, #tpu.memory_space<vmem>>, vector<1x16xf32>,
        %get3A_290 = vector.shape_cast %get3A_289 : vector<1x16xf32> to vector<16xf32>
        %add3A_291 = arith.constant 25 : i32
        %add3A_292 = arith.addi %add3A_291, %scan3A_176 : i32
        %swap3A_293 = arith.index_cast %add3A_292 : i32 to index
        %swap3A_294 = arith.constant 32 : index
        %swap3A_295 = tpu.vector_load %arg13[%swap3A_293, %swap3A_294] {strides = array<i32>} : memref<56x384xf32, #tpu.memory_space<vmem>>, vector<1x16xf32>,
        %swap3A_296 = vector.shape_cast %swap3A_295 : vector<1x16xf32> to vector<16xf32>
        %swap3A_297 = vector.shape_cast %get3A_290 : vector<16xf32> to vector<1x16xf32>
        tpu.vector_store %arg13[%swap3A_293, %swap3A_294], %swap3A_297 {strides = array<i32>} : memref<56x384xf32, #tpu.memory_space<vmem>>, vector<1x16xf32>,
        %get3A_298 = arith.constant 5 : i32
        %get3A_299 = arith.index_cast %get3A_298 : i32 to index
        %get3A_300 = arith.index_cast %add3A_285 : i32 to index
        %get3A_301 = tpu.vector_load %arg11[%get3A_299, %get3A_300] {strides = array<i32>} : memref<8x2432xf32, #tpu.memory_space<vmem>>, vector<1x16xf32>,
        %get3A_302 = vector.shape_cast %get3A_301 : vector<1x16xf32> to vector<16xf32>
        %mul3A_303 = arith.mulf %get3A_302, %get3A_153 : vector<16xf32>
        %add3A_304 = arith.constant 25 : i32
        %add3A_305 = arith.addi %add3A_304, %scan3A_176 : i32
        %swap3A_306 = arith.index_cast %add3A_305 : i32 to index
        %swap3A_307 = arith.constant 128 : index
        %swap3A_308 = tpu.vector_load %arg13[%swap3A_306, %swap3A_307] {strides = array<i32>} : memref<56x384xf32, #tpu.memory_space<vmem>>, vector<1x16xf32>,
        %swap3A_309 = vector.shape_cast %swap3A_308 : vector<1x16xf32> to vector<16xf32>
        %swap3A_310 = vector.shape_cast %mul3A_303 : vector<16xf32> to vector<1x16xf32>
        tpu.vector_store %arg13[%swap3A_306, %swap3A_307], %swap3A_310 {strides = array<i32>} : memref<56x384xf32, #tpu.memory_space<vmem>>, vector<1x16xf32>,
        %get3A_311 = arith.constant 6 : i32
        %get3A_312 = arith.index_cast %get3A_311 : i32 to index
        %get3A_313 = arith.index_cast %add3A_285 : i32 to index
        %get3A_314 = tpu.vector_load %arg11[%get3A_312, %get3A_313] {strides = array<i32>} : memref<8x2432xf32, #tpu.memory_space<vmem>>, vector<1x16xf32>,
        %get3A_315 = vector.shape_cast %get3A_314 : vector<1x16xf32> to vector<16xf32>
        %mul3A_316 = arith.mulf %get3A_315, %get3A_158 : vector<16xf32>
        %add3A_317 = arith.constant 25 : i32
        %add3A_318 = arith.addi %add3A_317, %scan3A_176 : i32
        %swap3A_319 = arith.index_cast %add3A_318 : i32 to index
        %swap3A_320 = arith.constant 224 : index
        %swap3A_321 = tpu.vector_load %arg13[%swap3A_319, %swap3A_320] {strides = array<i32>} : memref<56x384xf32, #tpu.memory_space<vmem>>, vector<1x16xf32>,
        %swap3A_322 = vector.shape_cast %swap3A_321 : vector<1x16xf32> to vector<16xf32>
        %swap3A_323 = vector.shape_cast %mul3A_316 : vector<16xf32> to vector<1x16xf32>
        tpu.vector_store %arg13[%swap3A_319, %swap3A_320], %swap3A_323 {strides = array<i32>} : memref<56x384xf32, #tpu.memory_space<vmem>>, vector<1x16xf32>,
        %get3A_324 = arith.constant 7 : i32
        %get3A_325 = arith.index_cast %get3A_324 : i32 to index
        %get3A_326 = arith.index_cast %add3A_285 : i32 to index
        %get3A_327 = tpu.vector_load %arg11[%get3A_325, %get3A_326] {strides = array<i32>} : memref<8x2432xf32, #tpu.memory_space<vmem>>, vector<1x16xf32>,
        %get3A_328 = vector.shape_cast %get3A_327 : vector<1x16xf32> to vector<16xf32>
        %mul3A_329 = arith.mulf %get3A_328, %get3A_163 : vector<16xf32>
        %add3A_330 = arith.constant 25 : i32
        %add3A_331 = arith.addi %add3A_330, %scan3A_176 : i32
        %swap3A_332 = arith.index_cast %add3A_331 : i32 to index
        %swap3A_333 = arith.constant 320 : index
        %swap3A_334 = tpu.vector_load %arg13[%swap3A_332, %swap3A_333] {strides = array<i32>} : memref<56x384xf32, #tpu.memory_space<vmem>>, vector<1x16xf32>,
        %swap3A_335 = vector.shape_cast %swap3A_334 : vector<1x16xf32> to vector<16xf32>
        %swap3A_336 = vector.shape_cast %mul3A_329 : vector<16xf32> to vector<1x16xf32>
        tpu.vector_store %arg13[%swap3A_332, %swap3A_333], %swap3A_336 {strides = array<i32>} : memref<56x384xf32, #tpu.memory_space<vmem>>, vector<1x16xf32>,
        %add3A_337 = arith.constant 48 : i32
        %add3A_338 = arith.addi %mul3A_178, %add3A_337 : i32
        %get3A_339 = arith.constant 4 : i32
        %get3A_340 = arith.index_cast %get3A_339 : i32 to index
        %get3A_341 = arith.index_cast %add3A_338 : i32 to index
        %get3A_342 = tpu.vector_load %arg11[%get3A_340, %get3A_341] {strides = array<i32>} : memref<8x2432xf32, #tpu.memory_space<vmem>>, vector<1x16xf32>,
        %get3A_343 = vector.shape_cast %get3A_342 : vector<1x16xf32> to vector<16xf32>
        %add3A_344 = arith.constant 25 : i32
        %add3A_345 = arith.addi %add3A_344, %scan3A_176 : i32
        %swap3A_346 = arith.index_cast %add3A_345 : i32 to index
        %swap3A_347 = arith.constant 48 : index
        %swap3A_348 = tpu.vector_load %arg13[%swap3A_346, %swap3A_347] {strides = array<i32>} : memref<56x384xf32, #tpu.memory_space<vmem>>, vector<1x16xf32>,
        %swap3A_349 = vector.shape_cast %swap3A_348 : vector<1x16xf32> to vector<16xf32>
        %swap3A_350 = vector.shape_cast %get3A_343 : vector<16xf32> to vector<1x16xf32>
        tpu.vector_store %arg13[%swap3A_346, %swap3A_347], %swap3A_350 {strides = array<i32>} : memref<56x384xf32, #tpu.memory_space<vmem>>, vector<1x16xf32>,
        %get3A_351 = arith.constant 5 : i32
        %get3A_352 = arith.index_cast %get3A_351 : i32 to index
        %get3A_353 = arith.index_cast %add3A_338 : i32 to index
        %get3A_354 = tpu.vector_load %arg11[%get3A_352, %get3A_353] {strides = array<i32>} : memref<8x2432xf32, #tpu.memory_space<vmem>>, vector<1x16xf32>,
        %get3A_355 = vector.shape_cast %get3A_354 : vector<1x16xf32> to vector<16xf32>
        %mul3A_356 = arith.mulf %get3A_355, %get3A_153 : vector<16xf32>
        %add3A_357 = arith.constant 25 : i32
        %add3A_358 = arith.addi %add3A_357, %scan3A_176 : i32
        %swap3A_359 = arith.index_cast %add3A_358 : i32 to index
        %swap3A_360 = arith.constant 144 : index
        %swap3A_361 = tpu.vector_load %arg13[%swap3A_359, %swap3A_360] {strides = array<i32>} : memref<56x384xf32, #tpu.memory_space<vmem>>, vector<1x16xf32>,
        %swap3A_362 = vector.shape_cast %swap3A_361 : vector<1x16xf32> to vector<16xf32>
        %swap3A_363 = vector.shape_cast %mul3A_356 : vector<16xf32> to vector<1x16xf32>
        tpu.vector_store %arg13[%swap3A_359, %swap3A_360], %swap3A_363 {strides = array<i32>} : memref<56x384xf32, #tpu.memory_space<vmem>>, vector<1x16xf32>,
        %get3A_364 = arith.constant 6 : i32
        %get3A_365 = arith.index_cast %get3A_364 : i32 to index
        %get3A_366 = arith.index_cast %add3A_338 : i32 to index
        %get3A_367 = tpu.vector_load %arg11[%get3A_365, %get3A_366] {strides = array<i32>} : memref<8x2432xf32, #tpu.memory_space<vmem>>, vector<1x16xf32>,
        %get3A_368 = vector.shape_cast %get3A_367 : vector<1x16xf32> to vector<16xf32>
        %mul3A_369 = arith.mulf %get3A_368, %get3A_158 : vector<16xf32>
        %add3A_370 = arith.constant 25 : i32
        %add3A_371 = arith.addi %add3A_370, %scan3A_176 : i32
        %swap3A_372 = arith.index_cast %add3A_371 : i32 to index
        %swap3A_373 = arith.constant 240 : index
        %swap3A_374 = tpu.vector_load %arg13[%swap3A_372, %swap3A_373] {strides = array<i32>} : memref<56x384xf32, #tpu.memory_space<vmem>>, vector<1x16xf32>,
        %swap3A_375 = vector.shape_cast %swap3A_374 : vector<1x16xf32> to vector<16xf32>
        %swap3A_376 = vector.shape_cast %mul3A_369 : vector<16xf32> to vector<1x16xf32>
        tpu.vector_store %arg13[%swap3A_372, %swap3A_373], %swap3A_376 {strides = array<i32>} : memref<56x384xf32, #tpu.memory_space<vmem>>, vector<1x16xf32>,
        %get3A_377 = arith.constant 7 : i32
        %get3A_378 = arith.index_cast %get3A_377 : i32 to index
        %get3A_379 = arith.index_cast %add3A_338 : i32 to index
        %get3A_380 = tpu.vector_load %arg11[%get3A_378, %get3A_379] {strides = array<i32>} : memref<8x2432xf32, #tpu.memory_space<vmem>>, vector<1x16xf32>,
        %get3A_381 = vector.shape_cast %get3A_380 : vector<1x16xf32> to vector<16xf32>
        %mul3A_382 = arith.mulf %get3A_381, %get3A_163 : vector<16xf32>
        %add3A_383 = arith.constant 25 : i32
        %add3A_384 = arith.addi %add3A_383, %scan3A_176 : i32
        %swap3A_385 = arith.index_cast %add3A_384 : i32 to index
        %swap3A_386 = arith.constant 336 : index
        %swap3A_387 = tpu.vector_load %arg13[%swap3A_385, %swap3A_386] {strides = array<i32>} : memref<56x384xf32, #tpu.memory_space<vmem>>, vector<1x16xf32>,
        %swap3A_388 = vector.shape_cast %swap3A_387 : vector<1x16xf32> to vector<16xf32>
        %swap3A_389 = vector.shape_cast %mul3A_382 : vector<16xf32> to vector<1x16xf32>
        tpu.vector_store %arg13[%swap3A_385, %swap3A_386], %swap3A_389 {strides = array<i32>} : memref<56x384xf32, #tpu.memory_space<vmem>>, vector<1x16xf32>,
        %add3A_390 = arith.constant 64 : i32
        %add3A_391 = arith.addi %mul3A_178, %add3A_390 : i32
        %get3A_392 = arith.constant 4 : i32
        %get3A_393 = arith.index_cast %get3A_392 : i32 to index
        %get3A_394 = arith.index_cast %add3A_391 : i32 to index
        %get3A_395 = tpu.vector_load %arg11[%get3A_393, %get3A_394] {strides = array<i32>} : memref<8x2432xf32, #tpu.memory_space<vmem>>, vector<1x16xf32>,
        %get3A_396 = vector.shape_cast %get3A_395 : vector<1x16xf32> to vector<16xf32>
        %add3A_397 = arith.constant 25 : i32
        %add3A_398 = arith.addi %add3A_397, %scan3A_176 : i32
        %swap3A_399 = arith.index_cast %add3A_398 : i32 to index
        %swap3A_400 = arith.constant 64 : index
        %swap3A_401 = tpu.vector_load %arg13[%swap3A_399, %swap3A_400] {strides = array<i32>} : memref<56x384xf32, #tpu.memory_space<vmem>>, vector<1x16xf32>,
        %swap3A_402 = vector.shape_cast %swap3A_401 : vector<1x16xf32> to vector<16xf32>
        %swap3A_403 = vector.shape_cast %get3A_396 : vector<16xf32> to vector<1x16xf32>
        tpu.vector_store %arg13[%swap3A_399, %swap3A_400], %swap3A_403 {strides = array<i32>} : memref<56x384xf32, #tpu.memory_space<vmem>>, vector<1x16xf32>,
        %get3A_404 = arith.constant 5 : i32
        %get3A_405 = arith.index_cast %get3A_404 : i32 to index
        %get3A_406 = arith.index_cast %add3A_391 : i32 to index
        %get3A_407 = tpu.vector_load %arg11[%get3A_405, %get3A_406] {strides = array<i32>} : memref<8x2432xf32, #tpu.memory_space<vmem>>, vector<1x16xf32>,
        %get3A_408 = vector.shape_cast %get3A_407 : vector<1x16xf32> to vector<16xf32>
        %mul3A_409 = arith.mulf %get3A_408, %get3A_153 : vector<16xf32>
        %add3A_410 = arith.constant 25 : i32
        %add3A_411 = arith.addi %add3A_410, %scan3A_176 : i32
        %swap3A_412 = arith.index_cast %add3A_411 : i32 to index
        %swap3A_413 = arith.constant 160 : index
        %swap3A_414 = tpu.vector_load %arg13[%swap3A_412, %swap3A_413] {strides = array<i32>} : memref<56x384xf32, #tpu.memory_space<vmem>>, vector<1x16xf32>,
        %swap3A_415 = vector.shape_cast %swap3A_414 : vector<1x16xf32> to vector<16xf32>
        %swap3A_416 = vector.shape_cast %mul3A_409 : vector<16xf32> to vector<1x16xf32>
        tpu.vector_store %arg13[%swap3A_412, %swap3A_413], %swap3A_416 {strides = array<i32>} : memref<56x384xf32, #tpu.memory_space<vmem>>, vector<1x16xf32>,
        %get3A_417 = arith.constant 6 : i32
        %get3A_418 = arith.index_cast %get3A_417 : i32 to index
        %get3A_419 = arith.index_cast %add3A_391 : i32 to index
        %get3A_420 = tpu.vector_load %arg11[%get3A_418, %get3A_419] {strides = array<i32>} : memref<8x2432xf32, #tpu.memory_space<vmem>>, vector<1x16xf32>,
        %get3A_421 = vector.shape_cast %get3A_420 : vector<1x16xf32> to vector<16xf32>
        %mul3A_422 = arith.mulf %get3A_421, %get3A_158 : vector<16xf32>
        %add3A_423 = arith.constant 25 : i32
        %add3A_424 = arith.addi %add3A_423, %scan3A_176 : i32
        %swap3A_425 = arith.index_cast %add3A_424 : i32 to index
        %swap3A_426 = arith.constant 256 : index
        %swap3A_427 = tpu.vector_load %arg13[%swap3A_425, %swap3A_426] {strides = array<i32>} : memref<56x384xf32, #tpu.memory_space<vmem>>, vector<1x16xf32>,
        %swap3A_428 = vector.shape_cast %swap3A_427 : vector<1x16xf32> to vector<16xf32>
        %swap3A_429 = vector.shape_cast %mul3A_422 : vector<16xf32> to vector<1x16xf32>
        tpu.vector_store %arg13[%swap3A_425, %swap3A_426], %swap3A_429 {strides = array<i32>} : memref<56x384xf32, #tpu.memory_space<vmem>>, vector<1x16xf32>,
        %get3A_430 = arith.constant 7 : i32
        %get3A_431 = arith.index_cast %get3A_430 : i32 to index
        %get3A_432 = arith.index_cast %add3A_391 : i32 to index
        %get3A_433 = tpu.vector_load %arg11[%get3A_431, %get3A_432] {strides = array<i32>} : memref<8x2432xf32, #tpu.memory_space<vmem>>, vector<1x16xf32>,
        %get3A_434 = vector.shape_cast %get3A_433 : vector<1x16xf32> to vector<16xf32>
        %mul3A_435 = arith.mulf %get3A_434, %get3A_163 : vector<16xf32>
        %add3A_436 = arith.constant 25 : i32
        %add3A_437 = arith.addi %add3A_436, %scan3A_176 : i32
        %swap3A_438 = arith.index_cast %add3A_437 : i32 to index
        %swap3A_439 = arith.constant 352 : index
        %swap3A_440 = tpu.vector_load %arg13[%swap3A_438, %swap3A_439] {strides = array<i32>} : memref<56x384xf32, #tpu.memory_space<vmem>>, vector<1x16xf32>,
        %swap3A_441 = vector.shape_cast %swap3A_440 : vector<1x16xf32> to vector<16xf32>
        %swap3A_442 = vector.shape_cast %mul3A_435 : vector<16xf32> to vector<1x16xf32>
        tpu.vector_store %arg13[%swap3A_438, %swap3A_439], %swap3A_442 {strides = array<i32>} : memref<56x384xf32, #tpu.memory_space<vmem>>, vector<1x16xf32>,
        %add3A_443 = arith.constant 80 : i32
        %add3A_444 = arith.addi %mul3A_178, %add3A_443 : i32
        %get3A_445 = arith.constant 4 : i32
        %get3A_446 = arith.index_cast %get3A_445 : i32 to index
        %get3A_447 = arith.index_cast %add3A_444 : i32 to index
        %get3A_448 = tpu.vector_load %arg11[%get3A_446, %get3A_447] {strides = array<i32>} : memref<8x2432xf32, #tpu.memory_space<vmem>>, vector<1x16xf32>,
        %get3A_449 = vector.shape_cast %get3A_448 : vector<1x16xf32> to vector<16xf32>
        %add3A_450 = arith.constant 25 : i32
        %add3A_451 = arith.addi %add3A_450, %scan3A_176 : i32
        %swap3A_452 = arith.index_cast %add3A_451 : i32 to index
        %swap3A_453 = arith.constant 80 : index
        %swap3A_454 = tpu.vector_load %arg13[%swap3A_452, %swap3A_453] {strides = array<i32>} : memref<56x384xf32, #tpu.memory_space<vmem>>, vector<1x16xf32>,
        %swap3A_455 = vector.shape_cast %swap3A_454 : vector<1x16xf32> to vector<16xf32>
        %swap3A_456 = vector.shape_cast %get3A_449 : vector<16xf32> to vector<1x16xf32>
        tpu.vector_store %arg13[%swap3A_452, %swap3A_453], %swap3A_456 {strides = array<i32>} : memref<56x384xf32, #tpu.memory_space<vmem>>, vector<1x16xf32>,
        %get3A_457 = arith.constant 5 : i32
        %get3A_458 = arith.index_cast %get3A_457 : i32 to index
        %get3A_459 = arith.index_cast %add3A_444 : i32 to index
        %get3A_460 = tpu.vector_load %arg11[%get3A_458, %get3A_459] {strides = array<i32>} : memref<8x2432xf32, #tpu.memory_space<vmem>>, vector<1x16xf32>,
        %get3A_461 = vector.shape_cast %get3A_460 : vector<1x16xf32> to vector<16xf32>
        %mul3A_462 = arith.mulf %get3A_461, %get3A_153 : vector<16xf32>
        %add3A_463 = arith.constant 25 : i32
        %add3A_464 = arith.addi %add3A_463, %scan3A_176 : i32
        %swap3A_465 = arith.index_cast %add3A_464 : i32 to index
        %swap3A_466 = arith.constant 176 : index
        %swap3A_467 = tpu.vector_load %arg13[%swap3A_465, %swap3A_466] {strides = array<i32>} : memref<56x384xf32, #tpu.memory_space<vmem>>, vector<1x16xf32>,
        %swap3A_468 = vector.shape_cast %swap3A_467 : vector<1x16xf32> to vector<16xf32>
        %swap3A_469 = vector.shape_cast %mul3A_462 : vector<16xf32> to vector<1x16xf32>
        tpu.vector_store %arg13[%swap3A_465, %swap3A_466], %swap3A_469 {strides = array<i32>} : memref<56x384xf32, #tpu.memory_space<vmem>>, vector<1x16xf32>,
        %get3A_470 = arith.constant 6 : i32
        %get3A_471 = arith.index_cast %get3A_470 : i32 to index
        %get3A_472 = arith.index_cast %add3A_444 : i32 to index
        %get3A_473 = tpu.vector_load %arg11[%get3A_471, %get3A_472] {strides = array<i32>} : memref<8x2432xf32, #tpu.memory_space<vmem>>, vector<1x16xf32>,
        %get3A_474 = vector.shape_cast %get3A_473 : vector<1x16xf32> to vector<16xf32>
        %mul3A_475 = arith.mulf %get3A_474, %get3A_158 : vector<16xf32>
        %add3A_476 = arith.constant 25 : i32
        %add3A_477 = arith.addi %add3A_476, %scan3A_176 : i32
        %swap3A_478 = arith.index_cast %add3A_477 : i32 to index
        %swap3A_479 = arith.constant 272 : index
        %swap3A_480 = tpu.vector_load %arg13[%swap3A_478, %swap3A_479] {strides = array<i32>} : memref<56x384xf32, #tpu.memory_space<vmem>>, vector<1x16xf32>,
        %swap3A_481 = vector.shape_cast %swap3A_480 : vector<1x16xf32> to vector<16xf32>
        %swap3A_482 = vector.shape_cast %mul3A_475 : vector<16xf32> to vector<1x16xf32>
        tpu.vector_store %arg13[%swap3A_478, %swap3A_479], %swap3A_482 {strides = array<i32>} : memref<56x384xf32, #tpu.memory_space<vmem>>, vector<1x16xf32>,
        %get3A_483 = arith.constant 7 : i32
        %get3A_484 = arith.index_cast %get3A_483 : i32 to index
        %get3A_485 = arith.index_cast %add3A_444 : i32 to index
        %get3A_486 = tpu.vector_load %arg11[%get3A_484, %get3A_485] {strides = array<i32>} : memref<8x2432xf32, #tpu.memory_space<vmem>>, vector<1x16xf32>,
        %get3A_487 = vector.shape_cast %get3A_486 : vector<1x16xf32> to vector<16xf32>
        %mul3A_488 = arith.mulf %get3A_487, %get3A_163 : vector<16xf32>
        %add3A_489 = arith.constant 25 : i32
        %add3A_490 = arith.addi %add3A_489, %scan3A_176 : i32
        %swap3A_491 = arith.index_cast %add3A_490 : i32 to index
        %swap3A_492 = arith.constant 368 : index
        %swap3A_493 = tpu.vector_load %arg13[%swap3A_491, %swap3A_492] {strides = array<i32>} : memref<56x384xf32, #tpu.memory_space<vmem>>, vector<1x16xf32>,
        %swap3A_494 = vector.shape_cast %swap3A_493 : vector<1x16xf32> to vector<16xf32>
        %swap3A_495 = vector.shape_cast %mul3A_488 : vector<16xf32> to vector<1x16xf32>
        tpu.vector_store %arg13[%swap3A_491, %swap3A_492], %swap3A_495 {strides = array<i32>} : memref<56x384xf32, #tpu.memory_space<vmem>>, vector<1x16xf32>,
      }
      %scan3A_169 = arith.constant 25 : i32
      %dma_start3A_170 = arith.constant 0 : i32
      %dma_start3A_171 = tpu.memref_slice %arg8[%add3A_31, %dma_start3A_170] : memref<66x56xi32, #tpu.memory_space<vmem>> -> memref<1x56xi32, #tpu.memory_space<vmem>>
      %dma_start3A_172 = tpu.memref_squeeze %dma_start3A_171 : memref<1x56xi32, #tpu.memory_space<vmem>> -> memref<56xi32, #tpu.memory_space<vmem>>
      %dma_start3A_173 = arith.constant 0 : i32
      %dma_start3A_174 = arith.constant 0 : i32
      %dma_start3A_175 = tpu.memref_slice %arg6[%dma_start3A_173, %dma_start3A_174] : memref<102648x384xf32, #tpu.memory_space<hbm>> -> memref<102648x384xf32, #tpu.memory_space<hbm>>
      tpu.enqueue_indirect_dma source(%arg13 : memref<56x384xf32, #tpu.memory_space<vmem>>) target(%dma_start3A_175 : memref<102648x384xf32, #tpu.memory_space<hbm>>) offsets(%dma_start3A_172 : memref<56xi32, #tpu.memory_space<vmem>>) semaphore(%arg17 : memref<!tpu.dma_semaphore, #tpu.memory_space<semaphore_mem>>)
    }
    %scan3A_11 = arith.constant 33 : i32
    %dma_wait3A = arith.constant 64 : i32
    %dma_wait3A_12 = arith.constant 0 : i32
    %dma_wait3A_13 = tpu.memref_slice %arg8[%dma_wait3A, %dma_wait3A_12] : memref<66x56xi32, #tpu.memory_space<vmem>> -> memref<1x56xi32, #tpu.memory_space<vmem>>
    %dma_wait3A_14 = tpu.memref_squeeze %dma_wait3A_13 : memref<1x56xi32, #tpu.memory_space<vmem>> -> memref<56xi32, #tpu.memory_space<vmem>>
    %dma_wait3A_15 = arith.constant 0 : i32
    %dma_wait3A_16 = arith.constant 0 : i32
    %dma_wait3A_17 = tpu.memref_slice %arg6[%dma_wait3A_15, %dma_wait3A_16] : memref<102648x384xf32, #tpu.memory_space<hbm>> -> memref<102648x384xf32, #tpu.memory_space<hbm>>
    tpu.wait_indirect_dma semaphore(%arg16 : memref<!tpu.dma_semaphore, #tpu.memory_space<semaphore_mem>>) src(%arg12 : memref<56x384xf32, #tpu.memory_space<vmem>>) dst(%dma_wait3A_17 : memref<102648x384xf32, #tpu.memory_space<hbm>>)
    %dma_wait3A_18 = arith.constant 65 : i32
    %dma_wait3A_19 = arith.constant 0 : i32
    %dma_wait3A_20 = tpu.memref_slice %arg8[%dma_wait3A_18, %dma_wait3A_19] : memref<66x56xi32, #tpu.memory_space<vmem>> -> memref<1x56xi32, #tpu.memory_space<vmem>>
    %dma_wait3A_21 = tpu.memref_squeeze %dma_wait3A_20 : memref<1x56xi32, #tpu.memory_space<vmem>> -> memref<56xi32, #tpu.memory_space<vmem>>
    %dma_wait3A_22 = arith.constant 0 : i32
    %dma_wait3A_23 = arith.constant 0 : i32
    %dma_wait3A_24 = tpu.memref_slice %arg6[%dma_wait3A_22, %dma_wait3A_23] : memref<102648x384xf32, #tpu.memory_space<hbm>> -> memref<102648x384xf32, #tpu.memory_space<hbm>>
    tpu.wait_indirect_dma semaphore(%arg17 : memref<!tpu.dma_semaphore, #tpu.memory_space<semaphore_mem>>) src(%arg13 : memref<56x384xf32, #tpu.memory_space<vmem>>) dst(%dma_wait3A_24 : memref<102648x384xf32, #tpu.memory_space<hbm>>)
    return
  }
}

module attributes {stable_mosaic.version = 14 : i64} {
  func.func @_wnorm_body(%arg0: memref<3456x96xf32, #tpu.memory_space<vmem>>, %arg1: memref<1x96xf32, #tpu.memory_space<vmem>>, %arg2: memref<3456x96xf32, #tpu.memory_space<vmem>>) attributes {dimension_semantics = [], scalar_prefetch = 0 : i64, scratch_operands = 0 : i64, tpu.core_type = #tpu.core_type<tc>} {
    %get3A = arith.constant 0 : index
    %get3A_0 = arith.constant 0 : index
    %get3A_1 = vector.load %arg0[%get3A, %get3A_0] : memref<3456x96xf32, #tpu.memory_space<vmem>>, vector<3456x96xf32>
    %mul3A = arith.mulf %get3A_1, %get3A_1 : vector<3456x96xf32>
    %reduce_sum3A = arith.constant dense<0.000000e+00> : vector<96xf32>
    %reduce_sum3A_2 = vector.multi_reduction <add>, %mul3A, %reduce_sum3A [0] : vector<3456x96xf32> to vector<96xf32>
    %broadcast_in_dim3A = vector.shape_cast %reduce_sum3A_2 : vector<96xf32> to vector<1x96xf32>
    %get3A_3 = arith.constant 0 : index
    %get3A_4 = arith.constant 0 : index
    %get3A_5 = vector.load %arg1[%get3A_3, %get3A_4] : memref<1x96xf32, #tpu.memory_space<vmem>>, vector<1x96xf32>
    %rsqrt3A = math.rsqrt %broadcast_in_dim3A : vector<1x96xf32>
    %mul3A_6 = arith.mulf %get3A_5, %rsqrt3A : vector<1x96xf32>
    %mul3A_7 = vector.broadcast %mul3A_6 : vector<1x96xf32> to vector<3456x96xf32>
    %mul3A_8 = arith.mulf %get3A_1, %mul3A_7 : vector<3456x96xf32>
    %swap3A = arith.constant 0 : index
    %swap3A_9 = arith.constant 0 : index
    %swap3A_10 = vector.load %arg2[%swap3A, %swap3A_9] : memref<3456x96xf32, #tpu.memory_space<vmem>>, vector<3456x96xf32>
    tpu.vector_store %arg2[%swap3A, %swap3A_9], %mul3A_8 {strides = array<i32>} : memref<3456x96xf32, #tpu.memory_space<vmem>>, vector<3456x96xf32>,
    return
  }
}

module attributes {stable_mosaic.version = 14 : i64} {
  func.func @_conv_body(%arg0: i32, %arg1: i32, %arg2: memref<102648x384xf32, #tpu.memory_space<any>>, %arg3: memref<3x3x384x96xf32, #tpu.memory_space<vmem>>, %arg4: memref<1x96xf32, #tpu.memory_space<vmem>>, %arg5: memref<1x1x3616x96xf32, #tpu.memory_space<vmem>>, %arg6: memref<2x4296x384xf32, #tpu.memory_space<vmem>>, %arg7: memref<2x!tpu.dma_semaphore, #tpu.memory_space<semaphore_mem>>) attributes {dimension_semantics = [#tpu.dimension_semantics<arbitrary>, #tpu.dimension_semantics<arbitrary>], iteration_bounds = array<i64: 2, 14>, scalar_prefetch = 0 : i64, scratch_operands = 2 : i64, tpu.core_type = #tpu.core_type<tc>, window_params = [{}, {pipeline_mode = #tpu.pipeline_mode<synchronous>, transform_indices = @transform_1, window_bounds = array<i64: 3, 3, 384, 96>}, {pipeline_mode = #tpu.pipeline_mode<synchronous>, transform_indices = @transform_2, window_bounds = array<i64: 1, 96>}, {transform_indices = @transform_3, window_bounds = array<i64: 1, 1, 3616, 96>}]} {
    %mul3A = arith.constant 14 : i32
    %mul3A_0 = arith.muli %arg0, %mul3A : i32
    %add3A = arith.addi %mul3A_0, %arg1 : i32
    %rem3A = arith.constant 2 : i32
    %rem3A_1 = arith.remsi %add3A, %rem3A : i32
    %eq3A = arith.constant 0 : i32
    %eq3A_2 = arith.cmpi eq, %add3A, %eq3A : i32
    %convert_element_type3A = arith.extui %eq3A_2 : i1 to i32
    %cond3A = arith.constant 0 : i32
    %cond3A_3 = arith.cmpi ne, %convert_element_type3A, %cond3A : i32
    scf.if %cond3A_3 {
      %dma_start3A = arith.constant 0 : i32
      %dma_start3A_195 = arith.constant 0 : i32
      %dma_start3A_196 = tpu.memref_slice %arg7[%dma_start3A_195] : memref<2x!tpu.dma_semaphore, #tpu.memory_space<semaphore_mem>> -> memref<1x!tpu.dma_semaphore, #tpu.memory_space<semaphore_mem>>
      %dma_start3A_197 = tpu.memref_squeeze %dma_start3A_196 : memref<1x!tpu.dma_semaphore, #tpu.memory_space<semaphore_mem>> -> memref<!tpu.dma_semaphore, #tpu.memory_space<semaphore_mem>>
      %dma_start3A_198 = arith.constant 0 : i32
      %dma_start3A_199 = arith.constant 0 : i32
      %dma_start3A_200 = tpu.memref_slice %arg6[%dma_start3A, %dma_start3A_198, %dma_start3A_199] : memref<2x4296x384xf32, #tpu.memory_space<vmem>> -> memref<1x4296x384xf32, #tpu.memory_space<vmem>>
      %dma_start3A_201 = tpu.memref_squeeze %dma_start3A_200 : memref<1x4296x384xf32, #tpu.memory_space<vmem>> -> memref<4296x384xf32, #tpu.memory_space<vmem>>
      %dma_start3A_202 = arith.constant 0 : i32
      %dma_start3A_203 = arith.constant 0 : i32
      %dma_start3A_204 = tpu.memref_slice %arg2[%dma_start3A_202, %dma_start3A_203] : memref<102648x384xf32, #tpu.memory_space<any>> -> memref<4296x384xf32, #tpu.memory_space<any>>
      tpu.enqueue_dma source(%dma_start3A_204 : memref<4296x384xf32, #tpu.memory_space<any>>) target(%dma_start3A_201 : memref<4296x384xf32, #tpu.memory_space<vmem>>) target_semaphore(%dma_start3A_197 : memref<!tpu.dma_semaphore, #tpu.memory_space<semaphore_mem>>)
    } else {
    }
    %add3A_4 = arith.constant 1 : i32
    %add3A_5 = arith.addi %add3A, %add3A_4 : i32
    %lt3A = arith.constant 28 : i32
    %lt3A_6 = arith.cmpi slt, %add3A_5, %lt3A : i32
    %convert_element_type3A_7 = arith.extui %lt3A_6 : i1 to i32
    %cond3A_8 = arith.constant 0 : i32
    %cond3A_9 = arith.cmpi ne, %convert_element_type3A_7, %cond3A_8 : i32
    scf.if %cond3A_9 {
      %add3A_195 = arith.constant 1 : i32
      %add3A_196 = arith.addi %add3A, %add3A_195 : i32
      %add3A_197 = arith.constant 1 : i32
      %add3A_198 = arith.addi %add3A, %add3A_197 : i32
      %rem3A_199 = arith.constant 2 : i32
      %rem3A_200 = arith.remsi %add3A_198, %rem3A_199 : i32
      %jit3A_201 = arith.constant 14 : i32
      %div3A_202 = arith.divsi %add3A_196, %jit3A_201 : i32
      %sign3A_203 = arith.constant 0 : i32
      %sign3A_204 = arith.cmpi sgt, %add3A_196, %sign3A_203 : i32
      %sign3A_205 = arith.extui %sign3A_204 : i1 to i32
      %sign3A_206 = arith.constant 0 : i32
      %sign3A_207 = arith.cmpi slt, %add3A_196, %sign3A_206 : i32
      %sign3A_208 = arith.extui %sign3A_207 : i1 to i32
      %sign3A_209 = arith.subi %sign3A_205, %sign3A_208 : i32
      %sign3A_210 = arith.constant 0 : i32
      %sign3A_211 = arith.cmpi sgt, %jit3A_201, %sign3A_210 : i32
      %sign3A_212 = arith.extui %sign3A_211 : i1 to i32
      %sign3A_213 = arith.constant 0 : i32
      %sign3A_214 = arith.cmpi slt, %jit3A_201, %sign3A_213 : i32
      %sign3A_215 = arith.extui %sign3A_214 : i1 to i32
      %sign3A_216 = arith.subi %sign3A_212, %sign3A_215 : i32
      %ne3A_217 = arith.cmpi ne, %sign3A_209, %sign3A_216 : i32
      %rem3A_218 = arith.remsi %add3A_196, %jit3A_201 : i32
      %ne3A_219 = arith.constant 0 : i32
      %ne3A_220 = arith.cmpi ne, %rem3A_218, %ne3A_219 : i32
      %and3A_221 = arith.andi %ne3A_217, %ne3A_220 : i1
      %sub3A_222 = arith.constant 1 : i32
      %sub3A_223 = arith.subi %div3A_202, %sub3A_222 : i32
      %select_n3A_224 = arith.select %and3A_221, %sub3A_223, %div3A_202 : i32
      %jit3A_225 = arith.constant 14 : i32
      %eq3A_226 = arith.constant 0 : i32
      %eq3A_227 = arith.cmpi eq, %jit3A_225, %eq3A_226 : i32
      %jit3A_228 = arith.constant 1 : i32
      %select_n3A_229 = arith.select %eq3A_227, %jit3A_228, %jit3A_225 : i32
      %rem3A_230 = arith.remsi %add3A_196, %select_n3A_229 : i32
      %ne3A_231 = arith.constant 0 : i32
      %ne3A_232 = arith.cmpi ne, %rem3A_230, %ne3A_231 : i32
      %lt3A_233 = arith.constant 0 : i32
      %lt3A_234 = arith.cmpi slt, %rem3A_230, %lt3A_233 : i32
      %lt3A_235 = arith.constant 0 : i32
      %lt3A_236 = arith.cmpi slt, %select_n3A_229, %lt3A_235 : i32
      %ne3A_237 = arith.xori %lt3A_234, %lt3A_236 : i1
      %and3A_238 = arith.andi %ne3A_237, %ne3A_232 : i1
      %add3A_239 = arith.addi %rem3A_230, %select_n3A_229 : i32
      %select_n3A_240 = arith.select %and3A_238, %add3A_239, %rem3A_230 : i32
      %mul3A_241 = arith.constant 51304 : i32
      %mul3A_242 = arith.muli %select_n3A_224, %mul3A_241 : i32
      %mul3A_243 = arith.constant 16 : i32
      %mul3A_244 = arith.muli %mul3A_243, %select_n3A_240 : i32
      %mul3A_245 = arith.constant 226 : i32
      %mul3A_246 = arith.muli %mul3A_244, %mul3A_245 : i32
      %add3A_247 = arith.addi %mul3A_242, %mul3A_246 : i32
      %dma_start3A = tpu.memref_slice %arg7[%rem3A_200] : memref<2x!tpu.dma_semaphore, #tpu.memory_space<semaphore_mem>> -> memref<1x!tpu.dma_semaphore, #tpu.memory_space<semaphore_mem>>
      %dma_start3A_248 = tpu.memref_squeeze %dma_start3A : memref<1x!tpu.dma_semaphore, #tpu.memory_space<semaphore_mem>> -> memref<!tpu.dma_semaphore, #tpu.memory_space<semaphore_mem>>
      %dma_start3A_249 = arith.constant 0 : i32
      %dma_start3A_250 = arith.constant 0 : i32
      %dma_start3A_251 = tpu.memref_slice %arg6[%rem3A_200, %dma_start3A_249, %dma_start3A_250] : memref<2x4296x384xf32, #tpu.memory_space<vmem>> -> memref<1x4296x384xf32, #tpu.memory_space<vmem>>
      %dma_start3A_252 = tpu.memref_squeeze %dma_start3A_251 : memref<1x4296x384xf32, #tpu.memory_space<vmem>> -> memref<4296x384xf32, #tpu.memory_space<vmem>>
      %dma_start3A_253 = arith.constant 0 : i32
      %dma_start3A_254 = tpu.memref_slice %arg2[%add3A_247, %dma_start3A_253] : memref<102648x384xf32, #tpu.memory_space<any>> -> memref<4296x384xf32, #tpu.memory_space<any>>
      tpu.enqueue_dma source(%dma_start3A_254 : memref<4296x384xf32, #tpu.memory_space<any>>) target(%dma_start3A_252 : memref<4296x384xf32, #tpu.memory_space<vmem>>) target_semaphore(%dma_start3A_248 : memref<!tpu.dma_semaphore, #tpu.memory_space<semaphore_mem>>)
    } else {
    }
    %jit3A = arith.constant 14 : i32
    %div3A = arith.divsi %add3A, %jit3A : i32
    %sign3A = arith.constant 0 : i32
    %sign3A_10 = arith.cmpi sgt, %add3A, %sign3A : i32
    %sign3A_11 = arith.extui %sign3A_10 : i1 to i32
    %sign3A_12 = arith.constant 0 : i32
    %sign3A_13 = arith.cmpi slt, %add3A, %sign3A_12 : i32
    %sign3A_14 = arith.extui %sign3A_13 : i1 to i32
    %sign3A_15 = arith.subi %sign3A_11, %sign3A_14 : i32
    %sign3A_16 = arith.constant 0 : i32
    %sign3A_17 = arith.cmpi sgt, %jit3A, %sign3A_16 : i32
    %sign3A_18 = arith.extui %sign3A_17 : i1 to i32
    %sign3A_19 = arith.constant 0 : i32
    %sign3A_20 = arith.cmpi slt, %jit3A, %sign3A_19 : i32
    %sign3A_21 = arith.extui %sign3A_20 : i1 to i32
    %sign3A_22 = arith.subi %sign3A_18, %sign3A_21 : i32
    %ne3A = arith.cmpi ne, %sign3A_15, %sign3A_22 : i32
    %rem3A_23 = arith.remsi %add3A, %jit3A : i32
    %ne3A_24 = arith.constant 0 : i32
    %ne3A_25 = arith.cmpi ne, %rem3A_23, %ne3A_24 : i32
    %and3A = arith.andi %ne3A, %ne3A_25 : i1
    %sub3A = arith.constant 1 : i32
    %sub3A_26 = arith.subi %div3A, %sub3A : i32
    %select_n3A = arith.select %and3A, %sub3A_26, %div3A : i32
    %jit3A_27 = arith.constant 14 : i32
    %eq3A_28 = arith.constant 0 : i32
    %eq3A_29 = arith.cmpi eq, %jit3A_27, %eq3A_28 : i32
    %jit3A_30 = arith.constant 1 : i32
    %select_n3A_31 = arith.select %eq3A_29, %jit3A_30, %jit3A_27 : i32
    %rem3A_32 = arith.remsi %add3A, %select_n3A_31 : i32
    %ne3A_33 = arith.constant 0 : i32
    %ne3A_34 = arith.cmpi ne, %rem3A_32, %ne3A_33 : i32
    %lt3A_35 = arith.constant 0 : i32
    %lt3A_36 = arith.cmpi slt, %rem3A_32, %lt3A_35 : i32
    %lt3A_37 = arith.constant 0 : i32
    %lt3A_38 = arith.cmpi slt, %select_n3A_31, %lt3A_37 : i32
    %ne3A_39 = arith.xori %lt3A_36, %lt3A_38 : i1
    %and3A_40 = arith.andi %ne3A_39, %ne3A_34 : i1
    %add3A_41 = arith.addi %rem3A_32, %select_n3A_31 : i32
    %select_n3A_42 = arith.select %and3A_40, %add3A_41, %rem3A_32 : i32
    %mul3A_43 = arith.constant 51304 : i32
    %mul3A_44 = arith.muli %select_n3A, %mul3A_43 : i32
    %mul3A_45 = arith.constant 16 : i32
    %mul3A_46 = arith.muli %mul3A_45, %select_n3A_42 : i32
    %mul3A_47 = arith.constant 226 : i32
    %mul3A_48 = arith.muli %mul3A_46, %mul3A_47 : i32
    %add3A_49 = arith.addi %mul3A_44, %mul3A_48 : i32
    %dma_wait3A = tpu.memref_slice %arg7[%rem3A_1] : memref<2x!tpu.dma_semaphore, #tpu.memory_space<semaphore_mem>> -> memref<1x!tpu.dma_semaphore, #tpu.memory_space<semaphore_mem>>
    %dma_wait3A_50 = tpu.memref_squeeze %dma_wait3A : memref<1x!tpu.dma_semaphore, #tpu.memory_space<semaphore_mem>> -> memref<!tpu.dma_semaphore, #tpu.memory_space<semaphore_mem>>
    %dma_wait3A_51 = arith.constant 0 : i32
    %dma_wait3A_52 = arith.constant 0 : i32
    %dma_wait3A_53 = tpu.memref_slice %arg6[%rem3A_1, %dma_wait3A_51, %dma_wait3A_52] : memref<2x4296x384xf32, #tpu.memory_space<vmem>> -> memref<1x4296x384xf32, #tpu.memory_space<vmem>>
    %dma_wait3A_54 = tpu.memref_squeeze %dma_wait3A_53 : memref<1x4296x384xf32, #tpu.memory_space<vmem>> -> memref<4296x384xf32, #tpu.memory_space<vmem>>
    %dma_wait3A_55 = arith.constant 0 : i32
    %dma_wait3A_56 = tpu.memref_slice %arg2[%add3A_49, %dma_wait3A_55] : memref<102648x384xf32, #tpu.memory_space<any>> -> memref<4296x384xf32, #tpu.memory_space<any>>
    tpu.wait_dma2 semaphore(%dma_wait3A_50 : memref<!tpu.dma_semaphore, #tpu.memory_space<semaphore_mem>>) src(%dma_wait3A_56 : memref<4296x384xf32, #tpu.memory_space<any>>) dst(%dma_wait3A_54 : memref<4296x384xf32, #tpu.memory_space<vmem>>)
    %broadcast_in_dim3A = arith.constant 0.000000e+00 : f32
    %broadcast_in_dim3A_57 = vector.broadcast %broadcast_in_dim3A : f32 to vector<3616x96xf32>
    %get3A = arith.index_cast %rem3A_1 : i32 to index
    %get3A_58 = arith.constant 0 : index
    %get3A_59 = arith.constant 0 : index
    %get3A_60 = vector.load %arg6[%get3A, %get3A_58, %get3A_59] : memref<2x4296x384xf32, #tpu.memory_space<vmem>>, vector<1x3616x384xf32>
    %get3A_61 = vector.shape_cast %get3A_60 : vector<1x3616x384xf32> to vector<3616x384xf32>
    %get3A_62 = arith.constant 0 : index
    %get3A_63 = arith.constant 0 : index
    %get3A_64 = arith.constant 0 : index
    %get3A_65 = arith.constant 0 : index
    %get3A_66 = vector.load %arg3[%get3A_62, %get3A_63, %get3A_64, %get3A_65] : memref<3x3x384x96xf32, #tpu.memory_space<vmem>>, vector<1x1x384x96xf32>
    %get3A_67 = vector.shape_cast %get3A_66 : vector<1x1x384x96xf32> to vector<384x96xf32>
    %dot_general3A = arith.constant dense<0.000000e+00> : vector<3616x96xf32>
    %dot_general3A_68 = tpu.matmul %get3A_61, %get3A_67, %dot_general3A {dimension_numbers = #tpu.dot_dimension_numbers<[1], [0], [0], [1], [0, 0, 1, 1], [], []>, transpose_lhs_hint = false} : vector<3616x384xf32>, vector<384x96xf32>, vector<3616x96xf32> -> vector<3616x96xf32>
    %add3A_69 = arith.addf %broadcast_in_dim3A_57, %dot_general3A_68 : vector<3616x96xf32>
    %get3A_70 = arith.index_cast %rem3A_1 : i32 to index
    %get3A_71 = arith.constant 1 : index
    %get3A_72 = arith.constant 0 : index
    %get3A_73 = vector.load %arg6[%get3A_70, %get3A_71, %get3A_72] : memref<2x4296x384xf32, #tpu.memory_space<vmem>>, vector<1x3616x384xf32>
    %get3A_74 = vector.shape_cast %get3A_73 : vector<1x3616x384xf32> to vector<3616x384xf32>
    %get3A_75 = arith.constant 0 : index
    %get3A_76 = arith.constant 1 : index
    %get3A_77 = arith.constant 0 : index
    %get3A_78 = arith.constant 0 : index
    %get3A_79 = vector.load %arg3[%get3A_75, %get3A_76, %get3A_77, %get3A_78] : memref<3x3x384x96xf32, #tpu.memory_space<vmem>>, vector<1x1x384x96xf32>
    %get3A_80 = vector.shape_cast %get3A_79 : vector<1x1x384x96xf32> to vector<384x96xf32>
    %dot_general3A_81 = arith.constant dense<0.000000e+00> : vector<3616x96xf32>
    %dot_general3A_82 = tpu.matmul %get3A_74, %get3A_80, %dot_general3A_81 {dimension_numbers = #tpu.dot_dimension_numbers<[1], [0], [0], [1], [0, 0, 1, 1], [], []>, transpose_lhs_hint = false} : vector<3616x384xf32>, vector<384x96xf32>, vector<3616x96xf32> -> vector<3616x96xf32>
    %add3A_83 = arith.addf %add3A_69, %dot_general3A_82 : vector<3616x96xf32>
    %get3A_84 = arith.index_cast %rem3A_1 : i32 to index
    %get3A_85 = arith.constant 2 : index
    %get3A_86 = arith.constant 0 : index
    %get3A_87 = vector.load %arg6[%get3A_84, %get3A_85, %get3A_86] : memref<2x4296x384xf32, #tpu.memory_space<vmem>>, vector<1x3616x384xf32>
    %get3A_88 = vector.shape_cast %get3A_87 : vector<1x3616x384xf32> to vector<3616x384xf32>
    %get3A_89 = arith.constant 0 : index
    %get3A_90 = arith.constant 2 : index
    %get3A_91 = arith.constant 0 : index
    %get3A_92 = arith.constant 0 : index
    %get3A_93 = vector.load %arg3[%get3A_89, %get3A_90, %get3A_91, %get3A_92] : memref<3x3x384x96xf32, #tpu.memory_space<vmem>>, vector<1x1x384x96xf32>
    %get3A_94 = vector.shape_cast %get3A_93 : vector<1x1x384x96xf32> to vector<384x96xf32>
    %dot_general3A_95 = arith.constant dense<0.000000e+00> : vector<3616x96xf32>
    %dot_general3A_96 = tpu.matmul %get3A_88, %get3A_94, %dot_general3A_95 {dimension_numbers = #tpu.dot_dimension_numbers<[1], [0], [0], [1], [0, 0, 1, 1], [], []>, transpose_lhs_hint = false} : vector<3616x384xf32>, vector<384x96xf32>, vector<3616x96xf32> -> vector<3616x96xf32>
    %add3A_97 = arith.addf %add3A_83, %dot_general3A_96 : vector<3616x96xf32>
    %get3A_98 = arith.index_cast %rem3A_1 : i32 to index
    %get3A_99 = arith.constant 226 : index
    %get3A_100 = arith.constant 0 : index
    %get3A_101 = vector.load %arg6[%get3A_98, %get3A_99, %get3A_100] : memref<2x4296x384xf32, #tpu.memory_space<vmem>>, vector<1x3616x384xf32>
    %get3A_102 = vector.shape_cast %get3A_101 : vector<1x3616x384xf32> to vector<3616x384xf32>
    %get3A_103 = arith.constant 1 : index
    %get3A_104 = arith.constant 0 : index
    %get3A_105 = arith.constant 0 : index
    %get3A_106 = arith.constant 0 : index
    %get3A_107 = vector.load %arg3[%get3A_103, %get3A_104, %get3A_105, %get3A_106] : memref<3x3x384x96xf32, #tpu.memory_space<vmem>>, vector<1x1x384x96xf32>
    %get3A_108 = vector.shape_cast %get3A_107 : vector<1x1x384x96xf32> to vector<384x96xf32>
    %dot_general3A_109 = arith.constant dense<0.000000e+00> : vector<3616x96xf32>
    %dot_general3A_110 = tpu.matmul %get3A_102, %get3A_108, %dot_general3A_109 {dimension_numbers = #tpu.dot_dimension_numbers<[1], [0], [0], [1], [0, 0, 1, 1], [], []>, transpose_lhs_hint = false} : vector<3616x384xf32>, vector<384x96xf32>, vector<3616x96xf32> -> vector<3616x96xf32>
    %add3A_111 = arith.addf %add3A_97, %dot_general3A_110 : vector<3616x96xf32>
    %get3A_112 = arith.index_cast %rem3A_1 : i32 to index
    %get3A_113 = arith.constant 227 : index
    %get3A_114 = arith.constant 0 : index
    %get3A_115 = vector.load %arg6[%get3A_112, %get3A_113, %get3A_114] : memref<2x4296x384xf32, #tpu.memory_space<vmem>>, vector<1x3616x384xf32>
    %get3A_116 = vector.shape_cast %get3A_115 : vector<1x3616x384xf32> to vector<3616x384xf32>
    %get3A_117 = arith.constant 1 : index
    %get3A_118 = arith.constant 1 : index
    %get3A_119 = arith.constant 0 : index
    %get3A_120 = arith.constant 0 : index
    %get3A_121 = vector.load %arg3[%get3A_117, %get3A_118, %get3A_119, %get3A_120] : memref<3x3x384x96xf32, #tpu.memory_space<vmem>>, vector<1x1x384x96xf32>
    %get3A_122 = vector.shape_cast %get3A_121 : vector<1x1x384x96xf32> to vector<384x96xf32>
    %dot_general3A_123 = arith.constant dense<0.000000e+00> : vector<3616x96xf32>
    %dot_general3A_124 = tpu.matmul %get3A_116, %get3A_122, %dot_general3A_123 {dimension_numbers = #tpu.dot_dimension_numbers<[1], [0], [0], [1], [0, 0, 1, 1], [], []>, transpose_lhs_hint = false} : vector<3616x384xf32>, vector<384x96xf32>, vector<3616x96xf32> -> vector<3616x96xf32>
    %add3A_125 = arith.addf %add3A_111, %dot_general3A_124 : vector<3616x96xf32>
    %get3A_126 = arith.index_cast %rem3A_1 : i32 to index
    %get3A_127 = arith.constant 228 : index
    %get3A_128 = arith.constant 0 : index
    %get3A_129 = vector.load %arg6[%get3A_126, %get3A_127, %get3A_128] : memref<2x4296x384xf32, #tpu.memory_space<vmem>>, vector<1x3616x384xf32>
    %get3A_130 = vector.shape_cast %get3A_129 : vector<1x3616x384xf32> to vector<3616x384xf32>
    %get3A_131 = arith.constant 1 : index
    %get3A_132 = arith.constant 2 : index
    %get3A_133 = arith.constant 0 : index
    %get3A_134 = arith.constant 0 : index
    %get3A_135 = vector.load %arg3[%get3A_131, %get3A_132, %get3A_133, %get3A_134] : memref<3x3x384x96xf32, #tpu.memory_space<vmem>>, vector<1x1x384x96xf32>
    %get3A_136 = vector.shape_cast %get3A_135 : vector<1x1x384x96xf32> to vector<384x96xf32>
    %dot_general3A_137 = arith.constant dense<0.000000e+00> : vector<3616x96xf32>
    %dot_general3A_138 = tpu.matmul %get3A_130, %get3A_136, %dot_general3A_137 {dimension_numbers = #tpu.dot_dimension_numbers<[1], [0], [0], [1], [0, 0, 1, 1], [], []>, transpose_lhs_hint = false} : vector<3616x384xf32>, vector<384x96xf32>, vector<3616x96xf32> -> vector<3616x96xf32>
    %add3A_139 = arith.addf %add3A_125, %dot_general3A_138 : vector<3616x96xf32>
    %get3A_140 = arith.index_cast %rem3A_1 : i32 to index
    %get3A_141 = arith.constant 452 : index
    %get3A_142 = arith.constant 0 : index
    %get3A_143 = vector.load %arg6[%get3A_140, %get3A_141, %get3A_142] : memref<2x4296x384xf32, #tpu.memory_space<vmem>>, vector<1x3616x384xf32>
    %get3A_144 = vector.shape_cast %get3A_143 : vector<1x3616x384xf32> to vector<3616x384xf32>
    %get3A_145 = arith.constant 2 : index
    %get3A_146 = arith.constant 0 : index
    %get3A_147 = arith.constant 0 : index
    %get3A_148 = arith.constant 0 : index
    %get3A_149 = vector.load %arg3[%get3A_145, %get3A_146, %get3A_147, %get3A_148] : memref<3x3x384x96xf32, #tpu.memory_space<vmem>>, vector<1x1x384x96xf32>
    %get3A_150 = vector.shape_cast %get3A_149 : vector<1x1x384x96xf32> to vector<384x96xf32>
    %dot_general3A_151 = arith.constant dense<0.000000e+00> : vector<3616x96xf32>
    %dot_general3A_152 = tpu.matmul %get3A_144, %get3A_150, %dot_general3A_151 {dimension_numbers = #tpu.dot_dimension_numbers<[1], [0], [0], [1], [0, 0, 1, 1], [], []>, transpose_lhs_hint = false} : vector<3616x384xf32>, vector<384x96xf32>, vector<3616x96xf32> -> vector<3616x96xf32>
    %add3A_153 = arith.addf %add3A_139, %dot_general3A_152 : vector<3616x96xf32>
    %get3A_154 = arith.index_cast %rem3A_1 : i32 to index
    %get3A_155 = arith.constant 453 : index
    %get3A_156 = arith.constant 0 : index
    %get3A_157 = vector.load %arg6[%get3A_154, %get3A_155, %get3A_156] : memref<2x4296x384xf32, #tpu.memory_space<vmem>>, vector<1x3616x384xf32>
    %get3A_158 = vector.shape_cast %get3A_157 : vector<1x3616x384xf32> to vector<3616x384xf32>
    %get3A_159 = arith.constant 2 : index
    %get3A_160 = arith.constant 1 : index
    %get3A_161 = arith.constant 0 : index
    %get3A_162 = arith.constant 0 : index
    %get3A_163 = vector.load %arg3[%get3A_159, %get3A_160, %get3A_161, %get3A_162] : memref<3x3x384x96xf32, #tpu.memory_space<vmem>>, vector<1x1x384x96xf32>
    %get3A_164 = vector.shape_cast %get3A_163 : vector<1x1x384x96xf32> to vector<384x96xf32>
    %dot_general3A_165 = arith.constant dense<0.000000e+00> : vector<3616x96xf32>
    %dot_general3A_166 = tpu.matmul %get3A_158, %get3A_164, %dot_general3A_165 {dimension_numbers = #tpu.dot_dimension_numbers<[1], [0], [0], [1], [0, 0, 1, 1], [], []>, transpose_lhs_hint = false} : vector<3616x384xf32>, vector<384x96xf32>, vector<3616x96xf32> -> vector<3616x96xf32>
    %add3A_167 = arith.addf %add3A_153, %dot_general3A_166 : vector<3616x96xf32>
    %get3A_168 = arith.index_cast %rem3A_1 : i32 to index
    %get3A_169 = arith.constant 454 : index
    %get3A_170 = arith.constant 0 : index
    %get3A_171 = vector.load %arg6[%get3A_168, %get3A_169, %get3A_170] : memref<2x4296x384xf32, #tpu.memory_space<vmem>>, vector<1x3616x384xf32>
    %get3A_172 = vector.shape_cast %get3A_171 : vector<1x3616x384xf32> to vector<3616x384xf32>
    %get3A_173 = arith.constant 2 : index
    %get3A_174 = arith.constant 2 : index
    %get3A_175 = arith.constant 0 : index
    %get3A_176 = arith.constant 0 : index
    %get3A_177 = vector.load %arg3[%get3A_173, %get3A_174, %get3A_175, %get3A_176] : memref<3x3x384x96xf32, #tpu.memory_space<vmem>>, vector<1x1x384x96xf32>
    %get3A_178 = vector.shape_cast %get3A_177 : vector<1x1x384x96xf32> to vector<384x96xf32>
    %dot_general3A_179 = arith.constant dense<0.000000e+00> : vector<3616x96xf32>
    %dot_general3A_180 = tpu.matmul %get3A_172, %get3A_178, %dot_general3A_179 {dimension_numbers = #tpu.dot_dimension_numbers<[1], [0], [0], [1], [0, 0, 1, 1], [], []>, transpose_lhs_hint = false} : vector<3616x384xf32>, vector<384x96xf32>, vector<3616x96xf32> -> vector<3616x96xf32>
    %add3A_181 = arith.addf %add3A_167, %dot_general3A_180 : vector<3616x96xf32>
    %get3A_182 = arith.constant 0 : index
    %get3A_183 = arith.constant 0 : index
    %get3A_184 = vector.load %arg4[%get3A_182, %get3A_183] : memref<1x96xf32, #tpu.memory_space<vmem>>, vector<1x96xf32>
    %get3A_185 = vector.shape_cast %get3A_184 : vector<1x96xf32> to vector<96xf32>
    %broadcast_in_dim3A_186 = vector.shape_cast %get3A_185 : vector<96xf32> to vector<1x96xf32>
    %add3A_187 = vector.broadcast %broadcast_in_dim3A_186 : vector<1x96xf32> to vector<3616x96xf32>
    %add3A_188 = arith.addf %add3A_181, %add3A_187 : vector<3616x96xf32>
    %swap3A = arith.constant 0 : index
    %swap3A_189 = arith.constant 0 : index
    %swap3A_190 = arith.constant 0 : index
    %swap3A_191 = arith.constant 0 : index
    %swap3A_192 = vector.load %arg5[%swap3A, %swap3A_189, %swap3A_190, %swap3A_191] : memref<1x1x3616x96xf32, #tpu.memory_space<vmem>>, vector<1x1x3616x96xf32>
    %swap3A_193 = vector.shape_cast %swap3A_192 : vector<1x1x3616x96xf32> to vector<3616x96xf32>
    %swap3A_194 = vector.shape_cast %add3A_188 : vector<3616x96xf32> to vector<1x1x3616x96xf32>
    tpu.vector_store %arg5[%swap3A, %swap3A_189, %swap3A_190, %swap3A_191], %swap3A_194 {strides = array<i32>} : memref<1x1x3616x96xf32, #tpu.memory_space<vmem>>, vector<1x1x3616x96xf32>,
    return
  }
  func.func @transform_1(%arg0: i32, %arg1: i32) -> (i32, i32, i32, i32) {
    %c0_i32 = arith.constant 0 : i32
    %c0_i32_0 = arith.constant 0 : i32
    %c0_i32_1 = arith.constant 0 : i32
    %c0_i32_2 = arith.constant 0 : i32
    %c0_i32_3 = arith.constant 0 : i32
    return %c0_i32, %c0_i32_0, %c0_i32_1, %c0_i32_2 : i32, i32, i32, i32
  }
  func.func @transform_2(%arg0: i32, %arg1: i32) -> (i32, i32) {
    %c0_i32 = arith.constant 0 : i32
    %c0_i32_0 = arith.constant 0 : i32
    %c0_i32_1 = arith.constant 0 : i32
    return %c0_i32, %c0_i32_0 : i32, i32
  }
  func.func @transform_3(%arg0: i32, %arg1: i32) -> (i32, i32, i32, i32) {
    %c0_i32 = arith.constant 0 : i32
    %c0_i32_0 = arith.constant 0 : i32
    %c0_i32_1 = arith.constant 0 : i32
    return %arg0, %arg1, %c0_i32, %c0_i32_0 : i32, i32, i32, i32
  }
}

</mosaic_0001>

<sc_bundles>
// kernel: kernel.5.cloned.1.call-start
scs
__scs_entry_jumppad:
0x0: {  	(pc) =	sbr.rel $0x88, $3  }
0x1: {  	(tag) =	ssettag $0x0;
	lr =	simm.s32 $0x1  }
0x2: {  	[smem:$0x3F9B] =	sst lr;
	_ =	strace $0xD0000000  }
0x3: {  	_ = 	snop  }
0x4: {  	_ = 	snop  }
0x5: {  	_ = 	snop  }
0x6: {  	_ = 	snop  }
0x7: {  	_ = 	snop  }
__scs_overlays_trampoline_lowered:
0x8: {  	[smem:$0x3FAA] =	sst s0  }
0x9: {  	[smem:$0x3FAB] =	sst s1  }
0xa: {  	[smem:$0x3FAC] =	sst s2  }
0xb: {  	[smem:$0x3FAD] =	sst s3  }
0xc: {  	[smem:$0x3FAE] =	sst s4  }
0xd: {  	[smem:$0x3FAF] =	sst s5  }
0xe: {  	[smem:$0x3FB0] =	sst s6  }
0xf: {  	[smem:$0x3FB1] =	sst s7  }
0x10: {  	[smem:$0x3FB2] =	sst s8  }
0x11: {  	[smem:$0x3FB3] =	sst s9;
	s0 =	simm.s32 @!p0 $0x0  }
0x12: {  	s1 =	sld [smem:$0x3F99];
	s0 =	simm.s32 @p0 $0x1  }
0x13: {  	[smem:$0x3FB4] =	sst s0;
	s0 =	simm.s32 @!p1 $0x0  }
0x14: {  	s2 =	sld [smem:$0x3F98];
	s0 =	simm.s32 @p1 $0x1  }
0x15: {  	[smem:$0x3FB5] =	sst s0;
	s0 =	simm.s32 @!p2 $0x0  }
0x16: {  	s3 =	sld [smem:$0x3FDB];
	s0 =	simm.s32 @p2 $0x1  }
0x17: {  	s4 =	simm.s32 $0x1BF5;
	[smem:$0x3FB7] =	sst s0  }
0x18: {  	s0 =	sld [smem:$0x3F9A];
	_ =	swait.ge [sflag:s4], $0x0  }
0x19: {  	s7 =	sld [smem:$0x3F9B]  }
0x1a: {  	s8 =	sadd.s32 $0xFFFFE003, lr  }
0x1b: {  	s9 =	sadd.s32 $0xFFFFFEF7, lr;
	s5 =	simm.s32 $0xFFFFFFFF;
	p2 =	slt.u32 s8, $0xFFFFF086  }
0x1c: {  	p1 =	slt.u32 s9, $0xF7A;
	s5 =	simm.s32 @!p2 $0x0  }
0x1d: {  	s5 =	simm.s32 @p1 $0x1;
	p0 =	seq.s32 s7, s2  }
0x1e: {  	s7 =	smul.u32 @!p0 $0xF7A, s2;
	p2 =	seq.s32 @!p0 s5, $0x0  }
0x1f: {  	s9 =	smul.u32 $0xF7A, s1;
	s8 =	simm.s32 @!p0 $0x1BF5;
	p2 =	por !p2, p0  }
0x20: {  	[sflag:s8] =	ssyncset.s32 @!p0 $0xFFFFF086;
	s6 =	sadd.s32 @!p0 s3, s7;
	s7 =	simm.s32 @!p0 $0x108  }
0x21: {  	s3 =	sadd.s32 s3, s9;
	s6 =	sadd.s32 @!p0 $0x88, s6;
	s7 =	simm.s32 @p2 $0x1082  }
0x22: {  	[simem:s7], [sflag:s8] =	dma.local @!p0 [hbm:s6], $0xF7A  }
0x23: {  	s9 =	sor.u32 $0xD0000000, s2;
	s6 =	simm.s32 $0x108;
	_ =	swait.ge @!p0 [sflag:s8], $0x0  }
0x24: {  	s3 =	sadd.s32 $0x88, s3;
	s6 =	simm.s32 @!p1 $0x1082;
	[sflag:s4] =	ssyncset.s32 $0xFFFFF086  }
0x25: {  	[simem:s6], [sflag:s4] =	dma.local [hbm:s3], $0xF7A  }
0x26: {  	[smem:$0x3F9B] =	sst s1;
	(tag) =	ssettag s2;
	_ =	strace s9  }
0x27: {  	s1 =	sld [smem:$0x3FAB]  }
0x28: {  	s2 =	sld [smem:$0x3FAC]  }
0x29: {  	s4 =	sld [smem:$0x3FAE]  }
0x2a: {  	p0 =	seq.s32 s5, $0x0;
	s5 =	sld [smem:$0x3FAF]  }
0x2b: {  	s6 =	sld [smem:$0x3FB0]  }
0x2c: {  	s7 =	sld [smem:$0x3FB1]  }
0x2d: {  	s3 =	simm.s32 $0x108;
	s8 =	sld [smem:$0x3FB2]  }
0x2e: {  	s3 =	simm.s32 @!p0 $0x1082;
	s9 =	sld [smem:$0x3FB3]  }
0x2f: {  	lr =	sadd.s32 s0, s3;
	s0 =	sld [smem:$0x3FAA]  }
0x30: {  	s3 =	sld [smem:$0x3FAD]  }
0x31: {  	[smem:$0x3FB6] =	sst s10  }
0x32: {  	s10 =	sld [smem:$0x3FB4];
	_ =	sdelay $0x3  }
0x33: {  	p0 =	seq.s32 s10, $0x1;
	s10 =	sld [smem:$0x3FB6];
	_ =	sdelay $0x3  }
0x34: {  	[smem:$0x3FB6] =	sst s10  }
0x35: {  	s10 =	sld [smem:$0x3FB5];
	_ =	sdelay $0x3  }
0x36: {  	p1 =	seq.s32 s10, $0x1;
	s10 =	sld [smem:$0x3FB6];
	_ =	sdelay $0x3  }
0x37: {  	[smem:$0x3FB6] =	sst s10  }
0x38: {  	s10 =	sld [smem:$0x3FB7]  }
0x39: {  	_ = 	snop;
	(pc) =	sbr.ind lr, $3  }
0x3a: {  	_ = 	snop  }
0x3b: {  	_ = 	snop  }
0x3c: {  	p2 =	seq.s32 s10, $0x1;
	s10 =	sld [smem:$0x3FB6]  }
0x3d: {  	_ =	shalt  }
0x3e: {  	_ =	shalt  }
0x3f: {  	_ =	shalt  }
0x40: {  	_ =	shalt  }
0x41: {  	_ =	shalt  }
0x42: {  	_ =	shalt  }
0x43: {  	_ =	shalt  }
0x44: {  	_ =	shalt  }
0x45: {  	_ =	shalt  }
0x46: {  	_ =	shalt  }
0x47: {  	_ =	shalt  }
0x48: {  	_ =	shalt  }
0x49: {  	_ =	shalt  }
0x4a: {  	_ =	shalt  }
0x4b: {  	_ =	shalt  }
0x4c: {  	_ =	shalt  }
0x4d: {  	_ =	shalt  }
0x4e: {  	_ =	shalt  }
0x4f: {  	_ =	shalt  }
0x50: {  	_ =	shalt  }
0x51: {  	_ =	shalt  }
0x52: {  	_ =	shalt  }
0x53: {  	_ =	shalt  }
0x54: {  	_ =	shalt  }
0x55: {  	_ =	shalt  }
0x56: {  	_ =	shalt  }
0x57: {  	_ =	shalt  }
0x58: {  	_ =	shalt  }
0x59: {  	_ =	shalt  }
0x5a: {  	_ =	shalt  }
0x5b: {  	_ =	shalt  }
0x5c: {  	_ =	shalt  }
0x5d: {  	_ =	shalt  }
0x5e: {  	_ =	shalt  }
0x5f: {  	_ =	shalt  }
0x60: {  	_ =	shalt  }
0x61: {  	_ =	shalt  }
0x62: {  	_ =	shalt  }
0x63: {  	_ =	shalt  }
0x64: {  	_ =	shalt  }
0x65: {  	_ =	shalt  }
0x66: {  	_ =	shalt  }
0x67: {  	_ =	shalt  }
0x68: {  	_ =	shalt  }
0x69: {  	_ =	shalt  }
0x6a: {  	_ =	shalt  }
0x6b: {  	_ =	shalt  }
0x6c: {  	_ =	shalt  }
0x6d: {  	_ =	shalt  }
0x6e: {  	_ =	shalt  }
0x6f: {  	_ =	shalt  }
0x70: {  	_ =	shalt  }
0x71: {  	_ =	shalt  }
0x72: {  	_ =	shalt  }
0x73: {  	_ =	shalt  }
0x74: {  	_ =	shalt  }
0x75: {  	_ =	shalt  }
0x76: {  	_ =	shalt  }
0x77: {  	_ =	shalt  }
0x78: {  	_ =	shalt  }
0x79: {  	_ =	shalt  }
0x7a: {  	_ =	shalt  }
0x7b: {  	_ =	shalt  }
0x7c: {  	_ =	shalt  }
0x7d: {  	_ =	shalt  }
0x7e: {  	_ =	shalt  }
0x7f: {  	_ =	shalt  }
0x80: {  	_ =	shalt  }
0x81: {  	_ =	shalt  }
0x82: {  	_ =	shalt  }
0x83: {  	_ =	shalt  }
0x84: {  	_ =	shalt  }
0x85: {  	_ =	shalt  }
0x86: {  	_ =	shalt  }
0x87: {  	_ =	shalt  }
.Lfunc_end0:
.L_simem_size_0:
called_computation.4_lowered:
.L_overlay_start_0:
0x88: {  	s2 =	sld [smem:$0x3FD9]  }
0x89: {  	s3 =	sld [smem:$0x3FFE];
	_ =	sdelay $0x1  }
0x8a: {  	s1 =	srdreg.scid  }
0x8b: {  	s0 =	sand.u32 $0x1, s1  }
0x8c: {  	s17 =	sshll.u32 s0, $0xA;
	s2 =	sadd.s32 s3, s2  }
0x8d: {  	s2 =	sadd.s32 s2, s17  }
0x8e: {  	[smem:$0x3FC2] =	sst s2  }
0x8f: {  	_ = 	snop  }
0x90: {  	s2 =	sld [smem:$0x3FD0];
	(tm) =	ssettm $0x1  }
0x91: {  	s18 =	sld [smem:$0x3FFB];
	_ =	sdelay $0x3  }
0x92: {  	_ =	strace s18  }
0x93: {  	s3 =	sld [smem:$0x3FFC];
	_ =	sdelay $0x3  }
0x94: {  	_ =	strace s3  }
0x95: {  	s3 =	sld [smem:$0x3FFD];
	_ =	sdelay $0x3  }
0x96: {  	_ =	strace s3  }
0x97: {  	_ =	strace $0x8FFFFFFF  }
0x98: {  	s19 =	sld [smem:$0x3FDB];
	_ =	sdelay $0x1  }
0x99: {  	s4 =	simm.s32 $_scs_section_size  }
0x9a: {  	s5 =	simm.s32 $_size__tile_overlayer_lowered;
	s6 =	simm.s32 $_tile_overlayer_lowered  }
0x9b: {  	s22 =	simm.s32 $0x1BFF;
	s21 =	sshll.u32 s6, $0x1;
	s3 =	sadd.s32 s4, s19  }
0x9c: {  	s7 =	simm.s32 $0x0;
	s20 =	sshll.u32 s5, $0x1;
	s5 =	sadd.s32 s21, s3  }
0x9d: {  	[timem:s7], [sflag:s22] =	dma.local [hbm:s5], s20  }
0x9e: {  	_ =	swait.ge [sflag:s22], s20  }
0x9f: {  	s4 =	ssub.s32 $0x0, s20;
	[sflag:s22] =	ssyncset.done $0x0  }
0xa0: {  	[sflag:s22] =	ssyncadd.s32 s4;
	_ =	sdelay $0x1  }
0xa1: {  	s23 =	simm.s32 $0x1B8B  }
0xa2: {  	_ =	swait.ge [sflag:s23], $0x1  }
0xa3: {  	[sflag:s23] =	ssyncset.done $0x0  }
0xa4: {  	s25 =	simm.s32 $0x1B8E;
	s24 =	sld [smem:$0x3FFE];
	[sflag:s23] =	ssyncadd.s32 $0xFFFFFFFF  }
0xa5: {  	s26 =	simm.s32 $execute0_lowered;
	[smem:$0x3FD2] =	sst s25  }
0xa6: {  	s5 =	sshll.u32 s26, $0x1;
	_ =	strace $0x8000004C;
	[dreg:$0x1] =	wrdreg $0xFFFFFFFF  }
0xa7: {  	s28 =	simm.s32 $_size_execute0_lowered;
	s3 =	sadd.s32 s3, s5;
	[dreg:$0x0] =	wrdreg $0x0  }
0xa8: {  	s5 =	sshll.u32 s28, $0x1;
	[dreg:$0x2] =	wrdreg s3  }
0xa9: {  	[dreg:$0x3] =	wrdreg s5  }
0xaa: {  	[dreg:$0x4] =	wrdreg $0xC0  }
0xab: {  	_ =	task [dreg:s7], $0x5FFFF  }
0xac: {  	[dreg:$0x1] =	wrdreg $0xFFFFFFFF  }
0xad: {  	[dreg:$0x0] =	wrdreg $0x60  }
0xae: {  	[dreg:$0x2] =	wrdreg s24  }
0xaf: {  	[dreg:$0x3] =	wrdreg s2  }
0xb0: {  	[dreg:$0x4] =	wrdreg $0x9  }
0xb1: {  	_ =	task.clear_ibuf [dreg:s7], $0x5FFFF;
	_ =	strace $0x9000004C  }
0xb2: {  	s29 =	simm.s32 $0x9;
	_ =	strace $0x8000004E  }
0xb3: {  	_ =	swait.ge [sflag:s29], $0x1  }
0xb4: {  	[sflag:s29] =	ssyncadd.s32 $0xFFFFFFFF  }
0xb5: {  	_ =	strace $0x9000004E  }
0xb6: {  	_ =	sfence  }
0xb7: {  	s30 =	sld [smem:$0x0];
	_ =	sdelay $0x2  }
0xb8: {  	s31 =	sshll.u32 s1, $0xD;
	s1 =	sshrl.u32 s1, $0x2  }
0xb9: {  	s3 =	sand.u32 $0x4000, s31;
	s1 =	sadd.s32 s1, s30  }
0xba: {  	s0 =	sor.u32 s3, s0;
	s1 =	sshll.u32 s1, $0x11  }
0xbb: {  	s0 =	sor.u32 s1, s0  }
0xbc: {  	s0 =	sadd.s32 $0x8F2B, s0  }
0xbd: {  	[sflag:s0] =	ssyncadd.remote.s32 $0x1  }
0xbe: {  	_ =	sfence.sel $0xFFFF  }
0xbf: {  	[dreg:$0x0] =	wrdreg $0xFFFFFFFF;
	(pc) =	sbr.abs _section_cstart, $3  }
0xc0: {  	[dreg:$0x1] =	wrdreg $0xFFFFFFFF  }
0xc1: {  	_ =	task.clear_ibuf [dreg:s7], $0x2FFFF;
	_ =	strace $0x9FFFFFFF  }
0xc2: {  	(tm) =	ssettm $0x7FFFFFFF  }
0xc3: {  	_ =	shalt  }
tec
execute0_lowered:
.L_overlay_start_1:
0x0: {  	(tag) =	ssettag $0x1  }
0x1: {  	s0 =	rddreg [dreg:$0x0]  }
0x2: {  	s2 =	srdreg.scid;
	s5 =	stileid.u32  }
0x3: {  	s1 =	rddreg [dreg:$0x1];
	s3 =	sand.u32 $0x1, s2;
	s4 =	sshll.u32 s5, $0x1  }
0x4: {  	s2 =	simm.s32 $0x0;
	s5 =	sshrl.u32 s5, $0x2;
	s25 =	sadd.s32 $0x11400, s0  }
0x5: {  	s30 =	sadd.s32 $0x11500, s0;
	s9 =	sadd.s32 $0x11600, s0;
	s10 =	sadd.s32 $0x11700, s0  }
0x6: {  	s11 =	sadd.s32 $0x11800, s0;
	s12 =	sadd.s32 $0x11900, s0;
	s13 =	sadd.s32 $0x11A00, s0  }
0x7: {  	s14 =	sadd.s32 $0x11B00, s0;
	s15 =	sadd.s32 $0x11C00, s0;
	s16 =	sadd.s32 $0x11D00, s0  }
0x8: {  	s4 =	sor.u32 s3, s4;
	[smem:$0x7FF] =	sst s2;
	s5 =	smul.u32 $0xC800, s5  }
0x9: {  	s3 =	ssub.s32 $0x2, s3;
	s6 =	sshll.u32 s4, $0x7;
	_ =	strace $0x8000004D  }
0xa: {  	s7 =	smul.u32 $0x480, s4;
	[dreg:$0x3] =	wrdreg s25;
	s28 =	sshrl.u32 s3, $0x1  }
0xb: {  	[dreg:$0x7] =	wrdreg s30;
	s24 =	sand.u32 $0x380, s6;
	s3 =	ssub.s32 s3, s28  }
0xc: {  	s4 =	sor.u32 s5, s24;
	s26 =	sadd.s32 s7, s0;
	s1 =	sadd.s32 s1, s7  }
0xd: {  	s31 =	smax.u32 s3, $0x1;
	s4 =	sshrl.u32 s4, $0x3;
	[dreg:$0x5] =	wrdreg s1  }
0xe: {  	v2 =	vlaneseq.u32;
	s5 =	sadd.s32 $0x2000, s26;
	[dreg:$0x8] =	wrdreg s31;
	s8 =	sadd.s32 s4, s0  }
0xf: {  	vm0 =	vmmov $0xff;
	vm1 =	vmmov $0xffff;
	s17 =	sadd.s32 $0x13E700, s0;
	v1 =	vshrl.u32 v2, $0x3;
	[dreg:$0x4] =	wrdreg s5;
	s29 =	sadd.s32 $0xB000, s8  }
0x10: {  	v0 =	vand.u32 $0x7, v2;
	v2 =	vor.u32 $0x8, v2;
	v1 =	vmul.u32 $0x8, v1;
	s3 =	simm.s32 $0x0;
	s4 =	sadd.s32 $0x13E600, s0;
	[dreg:$0x6] =	wrdreg s29  }
.LBB2_1:
0x11: {  	[dreg:$0x9] =	wrdreg s3  }
0x12: {  	s0 =	rddreg [dreg:$0x4];
	s1 =	simm.s32 $0x5  }
0x13: {  	[tilespmem:s2], [sflag:$0x5] =	stream.linear.gather [hbm4b:s0+s2], $0x2100, $0x38;
	[tilespmem:$0x1A100] =	vst v63  }
0x14: {  	_ =	swait.ge [sflag:s1], $0x2100  }
0x15: {  	[sflag:s1] =	ssyncset.done $0x0  }
0x16: {  	s7 =	simm.s32 $0x2400;
	s6 =	rddreg [dreg:$0x5];
	[sflag:s1] =	ssyncadd.s32 $0xFFFFDF00  }
0x17: {  	[tilespmem:s7], [sflag:$0x5] =	stream.linear.gather [hbm4b:s6+s2], $0x2100, $0x38;
	[tilespmem:$0x1A100] =	vst v63  }
0x18: {  	_ =	swait.ge [sflag:s1], $0x2100  }
0x19: {  	s18 =	simm.s32 $0x80;
	s5 =	simm.s32 $0x400;
	[sflag:s1] =	ssyncset.done $0x0  }
0x1a: {  	s6 =	simm.s32 $0x4800;
	s8 =	rddreg [dreg:$0x6];
	[sflag:s1] =	ssyncadd.s32 $0xFFFFDF00  }
0x1b: {  	[tilespmem:s6], [sflag:$0x5] =	stream.strided.gather [hbm4b:s8+s18], $0x1900, s5, s18, $0x38;
	[tilespmem:$0x1A100] =	vst v63  }
0x1c: {  	_ =	swait.ge [sflag:s1], $0x1900  }
0x1d: {  	[sflag:s1] =	ssyncset.done $0x0  }
0x1e: {  	[sflag:s1] =	ssyncadd.s32 $0xFFFFE700  }
0x1f: {  	v3 =	vld.msk [tilespmem:$0x0], $0xff;
	_ =	sdelay $0x4  }
0x20: {  	v4 =	vshrl.u32 v3, $0x3  }
0x21: {  	v4 =	vmul.u32 $0x98, v4  }
0x22: {  	v3 =	vand.u32 $0x7, v3  }
0x23: {  	v3 =	vor.u32 v3, v4  }
0x24: {  	v3 =	vperm.xlane v3, v0;
	_ =	sdelay $0x1  }
0x25: {  	v3 =	vadd.s32 v1, v3;
	_ =	sdelay $0x3  }
0x26: {  	s20 =	simm.s32 $0x6100;
	s19 =	rddreg [dreg:$0x3]  }
0x27: {  	[tilespmem:s20], [sflag:$0x1] =	stream.indirect_vreg.gather [hbm4b:s19+s2], $0x80, v3, vm1, $0xb8;
	[tilespmem:$0x1A100] =	vst v63  }
0x28: {  	s22 =	simm.s32 $0x6900;
	s21 =	rddreg [dreg:$0x7]  }
0x29: {  	[tilespmem:s22], [sflag:$0x1] =	stream.indirect_vreg.gather [hbm4b:s21+s2], $0x80, v3, vm1, $0xb8;
	[tilespmem:$0x1A100] =	vst v63  }
0x2a: {  	s23 =	simm.s32 $0x7100  }
0x2b: {  	[tilespmem:s23], [sflag:$0x1] =	stream.indirect_vreg.gather [hbm4b:s9+s2], $0x80, v3, vm1, $0xb8;
	[tilespmem:$0x1A100] =	vst v63  }
0x2c: {  	s24 =	simm.s32 $0x7900  }
0x2d: {  	[tilespmem:s24], [sflag:$0x1] =	stream.indirect_vreg.gather [hbm4b:s10+s2], $0x80, v3, vm1, $0xb8;
	[tilespmem:$0x1A100] =	vst v63  }
0x2e: {  	s25 =	simm.s32 $0x8100  }
0x2f: {  	[tilespmem:s25], [sflag:$0x1] =	stream.indirect_vreg.gather [hbm4b:s11+s2], $0x80, v3, vm1, $0xb8;
	[tilespmem:$0x1A100] =	vst v63  }
0x30: {  	s26 =	simm.s32 $0x8900  }
0x31: {  	[tilespmem:s26], [sflag:$0x1] =	stream.indirect_vreg.gather [hbm4b:s12+s2], $0x80, v3, vm1, $0xb8;
	[tilespmem:$0x1A100] =	vst v63  }
0x32: {  	s28 =	simm.s32 $0x9100  }
0x33: {  	[tilespmem:s28], [sflag:$0x1] =	stream.indirect_vreg.gather [hbm4b:s13+s2], $0x80, v3, vm1, $0xb8;
	[tilespmem:$0x1A100] =	vst v63  }
0x34: {  	s29 =	simm.s32 $0x9900  }
0x35: {  	[tilespmem:s29], [sflag:$0x1] =	stream.indirect_vreg.gather [hbm4b:s14+s2], $0x80, v3, vm1, $0xb8;
	[tilespmem:$0x1A100] =	vst v63  }
0x36: {  	s30 =	simm.s32 $0xA100  }
0x37: {  	[tilespmem:s30], [sflag:$0x1] =	stream.indirect_vreg.gather [hbm4b:s15+s2], $0x80, v3, vm1, $0xb8;
	[tilespmem:$0x1A100] =	vst v63  }
0x38: {  	s31 =	simm.s32 $0xA900;
	s18 =	simm.s32 $0x0  }
0x39: {  	[tilespmem:s31], [sflag:$0x1] =	stream.indirect_vreg.gather [hbm4b:s16+s2], $0x80, v3, vm0, $0xb8;
	[tilespmem:$0x1A100] =	vst v63  }
.LBB2_2:
0x3a: {  	s28 =	sshllo.u32 s18, $0x1  }
0x3b: {  	s25 =	sshll.u32 s28, $0x7  }
0x3c: {  	v3 =	vld.msk [tilespmem:s25+$0x0], $0xff;
	_ =	sdelay $0x4  }
0x3d: {  	v4 =	vshrl.u32 v3, $0x3  }
0x3e: {  	v4 =	vmul.u32 $0x98, v4  }
0x3f: {  	v3 =	vand.u32 $0x7, v3  }
0x40: {  	v3 =	vor.u32 v3, v4  }
0x41: {  	v3 =	vperm.xlane v3, v0;
	_ =	sdelay $0x1  }
0x42: {  	v3 =	vadd.s32 v1, v3;
	_ =	sdelay $0x3  }
0x43: {  	s0 =	rddreg [dreg:$0x3];
	s1 =	simm.s32 $0xAD00  }
0x44: {  	[tilespmem:s1], [sflag:$0x2] =	stream.indirect_vreg.gather [hbm4b:s0+s2], $0x80, v3, vm1, $0xb8;
	[tilespmem:$0x1A100] =	vst v63  }
0x45: {  	s21 =	rddreg [dreg:$0x7];
	s22 =	simm.s32 $0xB500  }
0x46: {  	[tilespmem:s22], [sflag:$0x2] =	stream.indirect_vreg.gather [hbm4b:s21+s2], $0x80, v3, vm1, $0xb8;
	[tilespmem:$0x1A100] =	vst v63  }
0x47: {  	s23 =	simm.s32 $0xBD00  }
0x48: {  	[tilespmem:s23], [sflag:$0x2] =	stream.indirect_vreg.gather [hbm4b:s9+s2], $0x80, v3, vm1, $0xb8;
	[tilespmem:$0x1A100] =	vst v63  }
0x49: {  	s24 =	simm.s32 $0xC500  }
0x4a: {  	[tilespmem:s24], [sflag:$0x2] =	stream.indirect_vreg.gather [hbm4b:s10+s2], $0x80, v3, vm1, $0xb8;
	[tilespmem:$0x1A100] =	vst v63  }
0x4b: {  	s26 =	simm.s32 $0xCD00  }
0x4c: {  	[tilespmem:s26], [sflag:$0x2] =	stream.indirect_vreg.gather [hbm4b:s11+s2], $0x80, v3, vm1, $0xb8;
	[tilespmem:$0x1A100] =	vst v63  }
0x4d: {  	s30 =	simm.s32 $0xD500  }
0x4e: {  	[tilespmem:s30], [sflag:$0x2] =	stream.indirect_vreg.gather [hbm4b:s12+s2], $0x80, v3, vm1, $0xb8;
	[tilespmem:$0x1A100] =	vst v63  }
0x4f: {  	s31 =	simm.s32 $0xDD00  }
0x50: {  	[tilespmem:s31], [sflag:$0x2] =	stream.indirect_vreg.gather [hbm4b:s13+s2], $0x80, v3, vm1, $0xb8;
	[tilespmem:$0x1A100] =	vst v63  }
0x51: {  	s1 =	simm.s32 $0xE500  }
0x52: {  	[tilespmem:s1], [sflag:$0x2] =	stream.indirect_vreg.gather [hbm4b:s14+s2], $0x80, v3, vm1, $0xb8;
	[tilespmem:$0x1A100] =	vst v63  }
0x53: {  	s3 =	simm.s32 $0xED00  }
0x54: {  	[tilespmem:s3], [sflag:$0x2] =	stream.indirect_vreg.gather [hbm4b:s15+s2], $0x80, v3, vm1, $0xb8;
	[tilespmem:$0x1A100] =	vst v63  }
0x55: {  	s5 =	simm.s32 $0xF500;
	s6 =	simm.s32 $0x1  }
0x56: {  	[tilespmem:s5], [sflag:$0x2] =	stream.indirect_vreg.gather [hbm4b:s16+s2], $0x80, v3, vm0, $0xb8;
	[tilespmem:$0x1A100] =	vst v63  }
0x57: {  	_ =	swait.ge [sflag:s6], $0x4C00  }
0x58: {  	p0 =	seq.s32 s18, $0x0;
	[sflag:s6] =	ssyncset.done $0x0  }
0x59: {  	s1 =	simm.s32 @!p0 $0x3;
	[sflag:s6] =	ssyncadd.s32 $0xFFFFB400  }
0x5a: {  	s0 =	simm.s32 $0x0;
	_ =	swait.ge @!p0 [sflag:s1], $0x5400  }
0x5b: {  	s3 =	sand.u32 $0x60, s0;
	s5 =	sand.u32 $0x7C00, s0;
	[sflag:s1] =	ssyncset.done @!p0 $0x0  }
0x5c: {  	s3 =	sor.u32 s3, s5;
	[sflag:s1] =	ssyncadd.s32 @!p0 $0xFFFFAC00  }
0x5d: {  	s7 =	smul.u32 $0x300, s18;
	s8 =	simm.s32 $0x0;
	v6 =	vld [tilespmem:s3+$0x6100]  }
0x5e: {  	s19 =	smul.u32 $0x3000, s8  }
0x5f: {  	s29 =	sshra.s32 s7, $0x2  }
0x60: {  	s20 =	sand.u32 $0x380, s0;
	s1 =	sshra.s32 s19, $0x2;
	v5 =	vld [tilespmem:s29+$0x4800]  }
0x61: {  	v3 =	vld [tilespmem:s29+$0x4810];
	s1 =	sor.u32 s20, s1  }
0x62: {  	v4 =	vld [tilespmem:s29+$0x4820];
	[tilespmem:s1+$0xF900] =	vst v6  }
0x63: {  	v6 =	vld [tilespmem:s3+$0x6180];
	_ =	sdelay $0x4  }
0x64: {  	v6 =	vmul.f32 v6, v5;
	_ =	sdelay $0x1  }
0x65: {  	[tilespmem:s1+$0xF960] =	vst v6  }
0x66: {  	v6 =	vld [tilespmem:s3+$0x6200];
	_ =	sdelay $0x4  }
0x67: {  	v6 =	vmul.f32 v6, v3;
	_ =	sdelay $0x1  }
0x68: {  	[tilespmem:s1+$0xFD40] =	vst v6  }
0x69: {  	v6 =	vld [tilespmem:s3+$0x6280];
	_ =	sdelay $0x4  }
0x6a: {  	v6 =	vmul.f32 v6, v4  }
0x6b: {  	s5 =	sadd.s32 $0x10100, s1  }
0x6c: {  	[tilespmem:s5+$0x20] =	vst v6  }
0x6d: {  	v6 =	vld [tilespmem:s3+$0x6110];
	_ =	sdelay $0x4  }
0x6e: {  	[tilespmem:s1+$0xF910] =	vst v6  }
0x6f: {  	v6 =	vld [tilespmem:s3+$0x6190];
	_ =	sdelay $0x4  }
0x70: {  	v6 =	vmul.f32 v6, v5;
	_ =	sdelay $0x1  }
0x71: {  	[tilespmem:s1+$0xF970] =	vst v6  }
0x72: {  	v6 =	vld [tilespmem:s3+$0x6210];
	_ =	sdelay $0x4  }
0x73: {  	v6 =	vmul.f32 v6, v3;
	_ =	sdelay $0x1  }
0x74: {  	[tilespmem:s1+$0xFD50] =	vst v6  }
0x75: {  	v6 =	vld [tilespmem:s3+$0x6290];
	_ =	sdelay $0x4  }
0x76: {  	s21 =	simm.s32 $0x20;
	s6 =	simm.s32 $0x100;
	v6 =	vmul.f32 v6, v4  }
0x77: {  	s6 =	sand.u32 $0xFC00, s6;
	s3 =	sand.u32 $0x60, s21  }
0x78: {  	s3 =	sor.u32 s3, s6;
	[tilespmem:s5+$0x30] =	vst v6  }
0x79: {  	v6 =	vld [tilespmem:s3+$0x6100];
	_ =	sdelay $0x4  }
0x7a: {  	[tilespmem:s1+$0xF920] =	vst v6  }
0x7b: {  	v6 =	vld [tilespmem:s3+$0x6180];
	_ =	sdelay $0x4  }
0x7c: {  	v6 =	vmul.f32 v6, v5;
	_ =	sdelay $0x1  }
0x7d: {  	[tilespmem:s1+$0xFD00] =	vst v6  }
0x7e: {  	v6 =	vld [tilespmem:s3+$0x6200];
	_ =	sdelay $0x4  }
0x7f: {  	v6 =	vmul.f32 v6, v3;
	_ =	sdelay $0x1  }
0x80: {  	[tilespmem:s1+$0xFD60] =	vst v6  }
0x81: {  	v6 =	vld [tilespmem:s3+$0x6280];
	_ =	sdelay $0x4  }
0x82: {  	s22 =	simm.s32 $0x30;
	s23 =	simm.s32 $0x180;
	v6 =	vmul.f32 v6, v4  }
0x83: {  	s6 =	sand.u32 $0xFC00, s23;
	s3 =	sand.u32 $0x70, s22  }
0x84: {  	s3 =	sor.u32 s3, s6;
	[tilespmem:s5+$0x40] =	vst v6  }
0x85: {  	v6 =	vld [tilespmem:s3+$0x6100];
	_ =	sdelay $0x4  }
0x86: {  	[tilespmem:s1+$0xF930] =	vst v6  }
0x87: {  	v6 =	vld [tilespmem:s3+$0x6180];
	_ =	sdelay $0x4  }
0x88: {  	v6 =	vmul.f32 v6, v5;
	_ =	sdelay $0x1  }
0x89: {  	[tilespmem:s1+$0xFD10] =	vst v6  }
0x8a: {  	v6 =	vld [tilespmem:s3+$0x6200];
	_ =	sdelay $0x4  }
0x8b: {  	v6 =	vmul.f32 v6, v3;
	_ =	sdelay $0x1  }
0x8c: {  	[tilespmem:s1+$0xFD70] =	vst v6  }
0x8d: {  	v6 =	vld [tilespmem:s3+$0x6280];
	_ =	sdelay $0x4  }
0x8e: {  	s24 =	simm.s32 $0x40;
	s26 =	simm.s32 $0x200;
	v6 =	vmul.f32 v6, v4  }
0x8f: {  	s6 =	sand.u32 $0xFC00, s26;
	s3 =	sand.u32 $0x60, s24  }
0x90: {  	s3 =	sor.u32 s3, s6;
	[tilespmem:s5+$0x50] =	vst v6  }
0x91: {  	v6 =	vld [tilespmem:s3+$0x6100];
	_ =	sdelay $0x4  }
0x92: {  	[tilespmem:s1+$0xF940] =	vst v6  }
0x93: {  	v6 =	vld [tilespmem:s3+$0x6180];
	_ =	sdelay $0x4  }
0x94: {  	v6 =	vmul.f32 v6, v5;
	_ =	sdelay $0x1  }
0x95: {  	[tilespmem:s1+$0xFD20] =	vst v6  }
0x96: {  	v6 =	vld [tilespmem:s3+$0x6200];
	_ =	sdelay $0x4  }
0x97: {  	v6 =	vmul.f32 v6, v3;
	_ =	sdelay $0x1  }
0x98: {  	[tilespmem:s1+$0x10100] =	vst v6  }
0x99: {  	v6 =	vld [tilespmem:s3+$0x6280];
	_ =	sdelay $0x4  }
0x9a: {  	s30 =	simm.s32 $0x50;
	s31 =	simm.s32 $0x280;
	v6 =	vmul.f32 v6, v4  }
0x9b: {  	s6 =	sand.u32 $0xFC00, s31;
	s3 =	sand.u32 $0x70, s30  }
0x9c: {  	s3 =	sor.u32 s3, s6;
	[tilespmem:s5+$0x60] =	vst v6  }
0x9d: {  	v6 =	vld [tilespmem:s3+$0x6100];
	_ =	sdelay $0x4  }
0x9e: {  	[tilespmem:s1+$0xF950] =	vst v6  }
0x9f: {  	v6 =	vld [tilespmem:s3+$0x6180];
	_ =	sdelay $0x4  }
0xa0: {  	v6 =	vmul.f32 v6, v5;
	_ =	sdelay $0x1  }
0xa1: {  	[tilespmem:s1+$0xFD30] =	vst v6  }
0xa2: {  	v6 =	vld [tilespmem:s3+$0x6200];
	_ =	sdelay $0x4  }
0xa3: {  	v6 =	vmul.f32 v6, v3;
	_ =	sdelay $0x1  }
0xa4: {  	[tilespmem:s5+$0x10] =	vst v6  }
0xa5: {  	v6 =	vld [tilespmem:s3+$0x6280];
	_ =	sdelay $0x2  }
0xa6: {  	s20 =	simm.s32 $0x60  }
0xa7: {  	s21 =	sand.u32 $0x60, s20;
	s1 =	simm.s32 $0x300  }
0xa8: {  	s6 =	simm.s32 $0x80;
	s22 =	sand.u32 $0x7C00, s1;
	s3 =	simm.s32 $0x600;
	v6 =	vmul.f32 v6, v4  }
.LBB2_3:
0xa9: {  	s23 =	sor.u32 s21, s22  }
0xaa: {  	[tilespmem:s5+$0x70] =	vst v6;
	s0 =	sadd.s32 $0x1, s0;
	s22 =	smov.u32 s3;
	s7 =	sadd.s32 $0x300, s3  }
0xab: {  	p1 =	sne.s32 s3, $0x4800;
	v6 =	vld [tilespmem:s23+$0x6100];
	s3 =	sshrl.u32 s0, $0x3  }
0xac: {  	s3 =	smul.u32 $0x3000, s3;
	_ =	sdelay $0x1  }
0xad: {  	s5 =	sand.u32 $0x380, s6;
	s3 =	sshra.s32 s3, $0x2  }
0xae: {  	s21 =	sor.u32 s5, s3  }
0xaf: {  	[tilespmem:s21+$0xF900] =	vst v6  }
0xb0: {  	v6 =	vld [tilespmem:s23+$0x6180];
	_ =	sdelay $0x4  }
0xb1: {  	v6 =	vmul.f32 v6, v5;
	_ =	sdelay $0x1  }
0xb2: {  	[tilespmem:s21+$0xF960] =	vst v6  }
0xb3: {  	v6 =	vld [tilespmem:s23+$0x6200];
	_ =	sdelay $0x4  }
0xb4: {  	v6 =	vmul.f32 v6, v3;
	_ =	sdelay $0x1  }
0xb5: {  	[tilespmem:s21+$0xFD40] =	vst v6  }
0xb6: {  	v6 =	vld [tilespmem:s23+$0x6280];
	_ =	sdelay $0x4  }
0xb7: {  	v6 =	vmul.f32 v6, v4  }
0xb8: {  	s5 =	sadd.s32 $0x10100, s21  }
0xb9: {  	[tilespmem:s5+$0x20] =	vst v6  }
0xba: {  	v6 =	vld [tilespmem:s23+$0x6110];
	_ =	sdelay $0x4  }
0xbb: {  	[tilespmem:s21+$0xF910] =	vst v6  }
0xbc: {  	v6 =	vld [tilespmem:s23+$0x6190];
	_ =	sdelay $0x4  }
0xbd: {  	v6 =	vmul.f32 v6, v5;
	_ =	sdelay $0x1  }
0xbe: {  	[tilespmem:s21+$0xF970] =	vst v6  }
0xbf: {  	v6 =	vld [tilespmem:s23+$0x6210];
	_ =	sdelay $0x4  }
0xc0: {  	v6 =	vmul.f32 v6, v3;
	_ =	sdelay $0x1  }
0xc1: {  	[tilespmem:s21+$0xFD50] =	vst v6  }
0xc2: {  	v6 =	vld [tilespmem:s23+$0x6290];
	_ =	sdelay $0x4  }
0xc3: {  	s3 =	sadd.s32 $0x20, s20;
	s23 =	sadd.s32 $0x100, s1;
	v6 =	vmul.f32 v6, v4  }
0xc4: {  	s3 =	sand.u32 $0x60, s3;
	s23 =	sand.u32 $0xFC00, s23  }
0xc5: {  	s3 =	sor.u32 s3, s23;
	[tilespmem:s5+$0x30] =	vst v6  }
0xc6: {  	v6 =	vld [tilespmem:s3+$0x6100];
	_ =	sdelay $0x4  }
0xc7: {  	[tilespmem:s21+$0xF920] =	vst v6  }
0xc8: {  	v6 =	vld [tilespmem:s3+$0x6180];
	_ =	sdelay $0x4  }
0xc9: {  	v6 =	vmul.f32 v6, v5;
	_ =	sdelay $0x1  }
0xca: {  	[tilespmem:s21+$0xFD00] =	vst v6  }
0xcb: {  	v6 =	vld [tilespmem:s3+$0x6200];
	_ =	sdelay $0x4  }
0xcc: {  	v6 =	vmul.f32 v6, v3;
	_ =	sdelay $0x1  }
0xcd: {  	[tilespmem:s21+$0xFD60] =	vst v6  }
0xce: {  	v6 =	vld [tilespmem:s3+$0x6280];
	_ =	sdelay $0x4  }
0xcf: {  	s23 =	sadd.s32 $0x180, s1;
	s3 =	sadd.s32 $0x30, s20;
	v6 =	vmul.f32 v6, v4  }
0xd0: {  	s23 =	sand.u32 $0xFC00, s23;
	s3 =	sand.u32 $0x70, s3  }
0xd1: {  	s3 =	sor.u32 s3, s23;
	[tilespmem:s5+$0x40] =	vst v6  }
0xd2: {  	v6 =	vld [tilespmem:s3+$0x6100];
	_ =	sdelay $0x4  }
0xd3: {  	[tilespmem:s21+$0xF930] =	vst v6  }
0xd4: {  	v6 =	vld [tilespmem:s3+$0x6180];
	_ =	sdelay $0x4  }
0xd5: {  	v6 =	vmul.f32 v6, v5;
	_ =	sdelay $0x1  }
0xd6: {  	[tilespmem:s21+$0xFD10] =	vst v6  }
0xd7: {  	v6 =	vld [tilespmem:s3+$0x6200];
	_ =	sdelay $0x4  }
0xd8: {  	v6 =	vmul.f32 v6, v3;
	_ =	sdelay $0x1  }
0xd9: {  	[tilespmem:s21+$0xFD70] =	vst v6  }
0xda: {  	v6 =	vld [tilespmem:s3+$0x6280];
	_ =	sdelay $0x4  }
0xdb: {  	s23 =	sadd.s32 $0x200, s1;
	s3 =	sadd.s32 $0x40, s20;
	v6 =	vmul.f32 v6, v4  }
0xdc: {  	s23 =	sand.u32 $0xFC00, s23;
	s3 =	sand.u32 $0x60, s3  }
0xdd: {  	s3 =	sor.u32 s3, s23;
	[tilespmem:s5+$0x50] =	vst v6  }
0xde: {  	v6 =	vld [tilespmem:s3+$0x6100];
	_ =	sdelay $0x4  }
0xdf: {  	[tilespmem:s21+$0xF940] =	vst v6  }
0xe0: {  	v6 =	vld [tilespmem:s3+$0x6180];
	_ =	sdelay $0x4  }
0xe1: {  	v6 =	vmul.f32 v6, v5;
	_ =	sdelay $0x1  }
0xe2: {  	[tilespmem:s21+$0xFD20] =	vst v6  }
0xe3: {  	v6 =	vld [tilespmem:s3+$0x6200];
	_ =	sdelay $0x4  }
0xe4: {  	v6 =	vmul.f32 v6, v3;
	_ =	sdelay $0x1  }
0xe5: {  	[tilespmem:s21+$0x10100] =	vst v6  }
0xe6: {  	v6 =	vld [tilespmem:s3+$0x6280];
	_ =	sdelay $0x4  }
0xe7: {  	s23 =	sadd.s32 $0x280, s1;
	s1 =	smov.u32 s22;
	s3 =	sadd.s32 $0x50, s20;
	v6 =	vmul.f32 v6, v4  }
0xe8: {  	s22 =	sand.u32 $0xFC00, s23;
	s3 =	sand.u32 $0x70, s3  }
0xe9: {  	s3 =	sor.u32 s3, s22;
	[tilespmem:s5+$0x60] =	vst v6  }
0xea: {  	v6 =	vld [tilespmem:s3+$0x6100];
	_ =	sdelay $0x4  }
0xeb: {  	[tilespmem:s21+$0xF950] =	vst v6  }
0xec: {  	v6 =	vld [tilespmem:s3+$0x6180];
	_ =	sdelay $0x4  }
0xed: {  	v6 =	vmul.f32 v6, v5;
	_ =	sdelay $0x1  }
0xee: {  	[tilespmem:s21+$0xFD30] =	vst v6  }
0xef: {  	v6 =	vld [tilespmem:s3+$0x6200];
	_ =	sdelay $0x4  }
0xf0: {  	v6 =	vmul.f32 v6, v3;
	_ =	sdelay $0x1  }
0xf1: {  	[tilespmem:s5+$0x10] =	vst v6  }
0xf2: {  	v6 =	vld [tilespmem:s3+$0x6280];
	_ =	sdelay $0x1  }
.Ltmp0:
0xf3: {  	(pc) =	sbr.rel @p1 .LBB2_3-.Ltmp0, $3  }
0xf4: {  	_ =	sdelay $0x1  }
0xf5: {  	s6 =	sadd.s32 $0x80, s6;
	s20 =	sadd.s32 $0x60, s20;
	v6 =	vmul.f32 v6, v4  }
0xf6: {  	s22 =	sand.u32 $0x7C00, s1;
	s21 =	sand.u32 $0x60, s20;
	s3 =	smov.u32 s7  }
0xf7: {  	s3 =	sor.u32 s21, s22;
	[tilespmem:s5+$0x70] =	vst v6;
	s0 =	sadd.s32 $0x1, s0  }
0xf8: {  	v6 =	vld [tilespmem:s3+$0x6100];
	s0 =	sshrl.u32 s0, $0x3  }
0xf9: {  	s0 =	smul.u32 $0x3000, s0;
	_ =	sdelay $0x1  }
0xfa: {  	s23 =	sand.u32 $0x380, s6;
	s0 =	sshra.s32 s0, $0x2  }
0xfb: {  	s0 =	sor.u32 s23, s0  }
0xfc: {  	[tilespmem:s0+$0xF900] =	vst v6  }
0xfd: {  	v6 =	vld [tilespmem:s3+$0x6180];
	_ =	sdelay $0x4  }
0xfe: {  	v6 =	vmul.f32 v6, v5;
	_ =	sdelay $0x1  }
0xff: {  	[tilespmem:s0+$0xF960] =	vst v6  }
0x100: {  	v6 =	vld [tilespmem:s3+$0x6200];
	_ =	sdelay $0x4  }
0x101: {  	v6 =	vmul.f32 v6, v3;
	_ =	sdelay $0x1  }
0x102: {  	[tilespmem:s0+$0xFD40] =	vst v6  }
0x103: {  	v6 =	vld [tilespmem:s3+$0x6280];
	_ =	sdelay $0x4  }
0x104: {  	v6 =	vmul.f32 v6, v4  }
0x105: {  	s5 =	sadd.s32 $0x10100, s0  }
0x106: {  	[tilespmem:s5+$0x20] =	vst v6  }
0x107: {  	v6 =	vld [tilespmem:s3+$0x6110];
	_ =	sdelay $0x4  }
0x108: {  	[tilespmem:s0+$0xF910] =	vst v6  }
0x109: {  	v6 =	vld [tilespmem:s3+$0x6190];
	_ =	sdelay $0x4  }
0x10a: {  	v6 =	vmul.f32 v6, v5;
	_ =	sdelay $0x1  }
0x10b: {  	[tilespmem:s0+$0xF970] =	vst v6  }
0x10c: {  	v6 =	vld [tilespmem:s3+$0x6210];
	_ =	sdelay $0x4  }
0x10d: {  	v6 =	vmul.f32 v6, v3;
	_ =	sdelay $0x1  }
0x10e: {  	[tilespmem:s0+$0xFD50] =	vst v6  }
0x10f: {  	v6 =	vld [tilespmem:s3+$0x6290];
	_ =	sdelay $0x4  }
0x110: {  	s24 =	sadd.s32 $0x20, s20;
	s26 =	sadd.s32 $0x100, s1;
	v6 =	vmul.f32 v6, v4  }
0x111: {  	s6 =	sand.u32 $0xFC00, s26;
	s3 =	sand.u32 $0x60, s24  }
0x112: {  	s3 =	sor.u32 s3, s6;
	[tilespmem:s5+$0x30] =	vst v6  }
0x113: {  	v6 =	vld [tilespmem:s3+$0x6100];
	_ =	sdelay $0x4  }
0x114: {  	[tilespmem:s0+$0xF920] =	vst v6  }
0x115: {  	v6 =	vld [tilespmem:s3+$0x6180];
	_ =	sdelay $0x4  }
0x116: {  	v6 =	vmul.f32 v6, v5;
	_ =	sdelay $0x1  }
0x117: {  	[tilespmem:s0+$0xFD00] =	vst v6  }
0x118: {  	v6 =	vld [tilespmem:s3+$0x6200];
	_ =	sdelay $0x4  }
0x119: {  	v6 =	vmul.f32 v6, v3;
	_ =	sdelay $0x1  }
0x11a: {  	[tilespmem:s0+$0xFD60] =	vst v6  }
0x11b: {  	v6 =	vld [tilespmem:s3+$0x6280];
	_ =	sdelay $0x4  }
0x11c: {  	s7 =	sadd.s32 $0x180, s1;
	s6 =	sadd.s32 $0x30, s20;
	v6 =	vmul.f32 v6, v4  }
0x11d: {  	s3 =	sand.u32 $0x70, s6;
	s6 =	sand.u32 $0xFC00, s7  }
0x11e: {  	s3 =	sor.u32 s3, s6;
	[tilespmem:s5+$0x40] =	vst v6  }
0x11f: {  	v6 =	vld [tilespmem:s3+$0x6100];
	_ =	sdelay $0x4  }
0x120: {  	[tilespmem:s0+$0xF930] =	vst v6  }
0x121: {  	v6 =	vld [tilespmem:s3+$0x6180];
	_ =	sdelay $0x4  }
0x122: {  	v6 =	vmul.f32 v6, v5;
	_ =	sdelay $0x1  }
0x123: {  	[tilespmem:s0+$0xFD10] =	vst v6  }
0x124: {  	v6 =	vld [tilespmem:s3+$0x6200];
	_ =	sdelay $0x4  }
0x125: {  	v6 =	vmul.f32 v6, v3;
	_ =	sdelay $0x1  }
0x126: {  	[tilespmem:s0+$0xFD70] =	vst v6  }
0x127: {  	v6 =	vld [tilespmem:s3+$0x6280];
	_ =	sdelay $0x4  }
0x128: {  	s8 =	sadd.s32 $0x40, s20;
	s19 =	sadd.s32 $0x200, s1;
	v6 =	vmul.f32 v6, v4  }
0x129: {  	s6 =	sand.u32 $0xFC00, s19;
	s3 =	sand.u32 $0x60, s8  }
0x12a: {  	s3 =	sor.u32 s3, s6;
	[tilespmem:s5+$0x50] =	vst v6  }
0x12b: {  	v6 =	vld [tilespmem:s3+$0x6100];
	_ =	sdelay $0x4  }
0x12c: {  	[tilespmem:s0+$0xF940] =	vst v6  }
0x12d: {  	v6 =	vld [tilespmem:s3+$0x6180];
	_ =	sdelay $0x4  }
0x12e: {  	v6 =	vmul.f32 v6, v5;
	_ =	sdelay $0x1  }
0x12f: {  	[tilespmem:s0+$0xFD20] =	vst v6  }
0x130: {  	v6 =	vld [tilespmem:s3+$0x6200];
	_ =	sdelay $0x4  }
0x131: {  	v6 =	vmul.f32 v6, v3;
	_ =	sdelay $0x1  }
0x132: {  	[tilespmem:s0+$0x10100] =	vst v6  }
0x133: {  	v6 =	vld [tilespmem:s3+$0x6280];
	_ =	sdelay $0x4  }
0x134: {  	s21 =	sadd.s32 $0x50, s20;
	s22 =	sadd.s32 $0x280, s1;
	v6 =	vmul.f32 v6, v4  }
0x135: {  	s1 =	sand.u32 $0xFC00, s22;
	s3 =	sand.u32 $0x70, s21  }
0x136: {  	s1 =	sor.u32 s3, s1;
	[tilespmem:s5+$0x60] =	vst v6  }
0x137: {  	v6 =	vld [tilespmem:s1+$0x6100];
	_ =	sdelay $0x4  }
0x138: {  	[tilespmem:s0+$0xF950] =	vst v6  }
0x139: {  	v6 =	vld [tilespmem:s1+$0x6180];
	_ =	sdelay $0x4  }
0x13a: {  	v5 =	vmul.f32 v6, v5;
	_ =	sdelay $0x1  }
0x13b: {  	[tilespmem:s0+$0xFD30] =	vst v5  }
0x13c: {  	v5 =	vld [tilespmem:s1+$0x6200];
	_ =	sdelay $0x4  }
0x13d: {  	v3 =	vmul.f32 v5, v3;
	_ =	sdelay $0x1  }
0x13e: {  	[tilespmem:s5+$0x10] =	vst v3  }
0x13f: {  	v3 =	vld [tilespmem:s1+$0x6280];
	_ =	sdelay $0x4  }
0x140: {  	s23 =	simm.s32 $0x0;
	v3 =	vmul.f32 v3, v4  }
0x141: {  	s26 =	sand.u32 $0x7C00, s23;
	s24 =	sand.u32 $0x60, s23  }
0x142: {  	s3 =	sor.u32 s24, s26;
	[tilespmem:s5+$0x70] =	vst v3  }
0x143: {  	s6 =	simm.s32 $0x3;
	v6 =	vld [tilespmem:s3+$0x6300]  }
0x144: {  	s0 =	smul.u32 $0x3000, s6  }
0x145: {  	s30 =	simm.s32 $0xC80  }
0x146: {  	s7 =	sand.u32 $0x380, s30;
	s0 =	sshra.s32 s0, $0x2;
	v5 =	vld [tilespmem:s29+$0x4830]  }
0x147: {  	s0 =	sor.u32 s7, s0;
	v4 =	vld [tilespmem:s29+$0x4840]  }
0x148: {  	v3 =	vld [tilespmem:s29+$0x4850];
	[tilespmem:s0+$0xF900] =	vst v6  }
0x149: {  	v6 =	vld [tilespmem:s3+$0x6380];
	_ =	sdelay $0x3  }
0x14a: {  	s1 =	sand.u32 $0x3, s23  }
0x14b: {  	s1 =	sshll.u32 s1, $0x5;
	v6 =	vmul.f32 v6, v5  }
0x14c: {  	s1 =	sadd.s32 $0x0, s1  }
0x14d: {  	s8 =	sor.u32 $0x300, s1;
	[tilespmem:s0+$0xF960] =	vst v6  }
0x14e: {  	v6 =	vld [tilespmem:s8+$0x6100];
	_ =	sdelay $0x4  }
0x14f: {  	v6 =	vmul.f32 v6, v4;
	_ =	sdelay $0x1  }
0x150: {  	s19 =	sor.u32 $0x380, s1;
	[tilespmem:s0+$0xFD40] =	vst v6  }
0x151: {  	v6 =	vld [tilespmem:s19+$0x6100];
	_ =	sdelay $0x4  }
0x152: {  	v6 =	vmul.f32 v6, v3  }
0x153: {  	s21 =	sadd.s32 $0x10100, s0  }
0x154: {  	[tilespmem:s21+$0x20] =	vst v6  }
0x155: {  	v6 =	vld [tilespmem:s3+$0x6310];
	_ =	sdelay $0x4  }
0x156: {  	[tilespmem:s0+$0xF910] =	vst v6  }
0x157: {  	v6 =	vld [tilespmem:s3+$0x6390];
	_ =	sdelay $0x4  }
0x158: {  	v6 =	vmul.f32 v6, v5  }
0x159: {  	s1 =	sadd.s32 $0x10, s1  }
0x15a: {  	s20 =	sor.u32 $0x300, s1;
	[tilespmem:s0+$0xF970] =	vst v6  }
0x15b: {  	v6 =	vld [tilespmem:s20+$0x6100];
	_ =	sdelay $0x4  }
0x15c: {  	v6 =	vmul.f32 v6, v4;
	_ =	sdelay $0x1  }
0x15d: {  	s1 =	sor.u32 $0x380, s1;
	[tilespmem:s0+$0xFD50] =	vst v6  }
0x15e: {  	v6 =	vld [tilespmem:s1+$0x6100];
	_ =	sdelay $0x4  }
0x15f: {  	s22 =	simm.s32 $0x20;
	s23 =	simm.s32 $0x100;
	v6 =	vmul.f32 v6, v3  }
0x160: {  	s3 =	sand.u32 $0xFC00, s23;
	s1 =	sand.u32 $0x60, s22  }
0x161: {  	s1 =	sor.u32 s1, s3;
	[tilespmem:s21+$0x30] =	vst v6  }
0x162: {  	v6 =	vld [tilespmem:s1+$0x6300];
	_ =	sdelay $0x4  }
0x163: {  	[tilespmem:s0+$0xF920] =	vst v6  }
0x164: {  	v6 =	vld [tilespmem:s1+$0x6380];
	_ =	sdelay $0x2  }
0x165: {  	s24 =	simm.s32 $0x1  }
0x166: {  	s1 =	sand.u32 $0x3, s24  }
0x167: {  	s1 =	sshll.u32 s1, $0x5;
	v6 =	vmul.f32 v6, v5  }
0x168: {  	s1 =	sadd.s32 $0x100, s1  }
0x169: {  	s26 =	sor.u32 $0x300, s1;
	[tilespmem:s0+$0xFD00] =	vst v6  }
0x16a: {  	v6 =	vld [tilespmem:s26+$0x6100];
	_ =	sdelay $0x4  }
0x16b: {  	v6 =	vmul.f32 v6, v4;
	_ =	sdelay $0x1  }
0x16c: {  	s1 =	sor.u32 $0x380, s1;
	[tilespmem:s0+$0xFD60] =	vst v6  }
0x16d: {  	v6 =	vld [tilespmem:s1+$0x6100];
	_ =	sdelay $0x4  }
0x16e: {  	s6 =	simm.s32 $0x180;
	s5 =	simm.s32 $0x30;
	v6 =	vmul.f32 v6, v3  }
0x16f: {  	s3 =	sand.u32 $0xFC00, s6;
	s1 =	sand.u32 $0x70, s5  }
0x170: {  	s1 =	sor.u32 s1, s3;
	[tilespmem:s21+$0x40] =	vst v6  }
0x171: {  	v6 =	vld [tilespmem:s1+$0x6300];
	_ =	sdelay $0x4  }
0x172: {  	[tilespmem:s0+$0xF930] =	vst v6  }
0x173: {  	v6 =	vld [tilespmem:s1+$0x6380];
	_ =	sdelay $0x4  }
0x174: {  	v6 =	vmul.f32 v6, v5;
	_ =	sdelay $0x1  }
0x175: {  	[tilespmem:s0+$0xFD10] =	vst v6  }
0x176: {  	v6 =	vld [tilespmem:s1+$0x6400];
	_ =	sdelay $0x1  }
0x177: {  	s7 =	simm.s32 $0x2  }
0x178: {  	s8 =	sand.u32 $0x7, s7  }
0x179: {  	s3 =	sshll.u32 s8, $0x4  }
0x17a: {  	s3 =	sadd.s32 $0x0, s3;
	v6 =	vmul.f32 v6, v4  }
0x17b: {  	s3 =	sadd.s32 $0x190, s3  }
0x17c: {  	s3 =	sor.u32 $0x300, s3;
	[tilespmem:s0+$0xFD70] =	vst v6  }
0x17d: {  	v6 =	vld [tilespmem:s3+$0x6100];
	_ =	sdelay $0x4  }
0x17e: {  	s19 =	simm.s32 $0x40;
	s20 =	simm.s32 $0x200;
	v6 =	vmul.f32 v6, v3  }
0x17f: {  	s5 =	sand.u32 $0xFC00, s20;
	s3 =	sand.u32 $0x60, s19  }
0x180: {  	s3 =	sor.u32 s3, s5;
	[tilespmem:s21+$0x50] =	vst v6  }
0x181: {  	v6 =	vld [tilespmem:s3+$0x6300];
	_ =	sdelay $0x4  }
0x182: {  	[tilespmem:s0+$0xF940] =	vst v6  }
0x183: {  	v6 =	vld [tilespmem:s3+$0x6380];
	_ =	sdelay $0x3  }
0x184: {  	s1 =	sand.u32 $0x3, s7  }
0x185: {  	s1 =	sshll.u32 s1, $0x5;
	v6 =	vmul.f32 v6, v5  }
0x186: {  	s1 =	sadd.s32 $0x200, s1  }
0x187: {  	s22 =	sor.u32 $0x300, s1;
	[tilespmem:s0+$0xFD20] =	vst v6  }
0x188: {  	v6 =	vld [tilespmem:s22+$0x6100];
	_ =	sdelay $0x4  }
0x189: {  	v6 =	vmul.f32 v6, v4;
	_ =	sdelay $0x1  }
0x18a: {  	s1 =	sor.u32 $0x380, s1;
	[tilespmem:s0+$0x10100] =	vst v6  }
0x18b: {  	v6 =	vld [tilespmem:s1+$0x6100];
	_ =	sdelay $0x4  }
0x18c: {  	s23 =	simm.s32 $0x50;
	s24 =	simm.s32 $0x280;
	v6 =	vmul.f32 v6, v3  }
0x18d: {  	s3 =	sand.u32 $0xFC00, s24;
	s1 =	sand.u32 $0x70, s23  }
0x18e: {  	s1 =	sor.u32 s1, s3;
	[tilespmem:s21+$0x60] =	vst v6  }
0x18f: {  	v6 =	vld [tilespmem:s1+$0x6300];
	_ =	sdelay $0x4  }
0x190: {  	[tilespmem:s0+$0xF950] =	vst v6  }
0x191: {  	v6 =	vld [tilespmem:s1+$0x6380];
	_ =	sdelay $0x4  }
0x192: {  	v6 =	vmul.f32 v6, v5;
	_ =	sdelay $0x1  }
0x193: {  	[tilespmem:s0+$0xFD30] =	vst v6  }
0x194: {  	v6 =	vld [tilespmem:s1+$0x6400];
	_ =	sdelay $0x1  }
0x195: {  	s26 =	simm.s32 $0x4  }
0x196: {  	s0 =	sand.u32 $0x7, s26  }
0x197: {  	s0 =	sshll.u32 s0, $0x4  }
0x198: {  	s0 =	sadd.s32 $0x0, s0;
	v6 =	vmul.f32 v6, v4  }
0x199: {  	s0 =	sadd.s32 $0x290, s0  }
0x19a: {  	s0 =	sor.u32 $0x300, s0;
	[tilespmem:s21+$0x10] =	vst v6  }
0x19b: {  	v6 =	vld [tilespmem:s0+$0x6100];
	_ =	sdelay $0x1  }
0x19c: {  	s31 =	simm.s32 $0xA;
	s29 =	simm.s32 $0x300  }
0x19d: {  	s20 =	simm.s32 $0x8;
	s7 =	sand.u32 $0x7C00, s29;
	s5 =	simm.s32 $0x1A  }
0x19e: {  	s24 =	simm.s32 $0x600;
	s22 =	simm.s32 $0x4;
	s0 =	simm.s32 $0x60  }
0x19f: {  	s23 =	simm.s32 $0x3;
	s1 =	simm.s32 $0x5;
	s3 =	sand.u32 $0x60, s0;
	v6 =	vmul.f32 v6, v3  }
.LBB2_5:
0x1a0: {  	s3 =	sor.u32 s3, s7  }
0x1a1: {  	[tilespmem:s21+$0x70] =	vst v6;
	s30 =	sadd.s32 $0x80, s30;
	s7 =	smov.u32 s24;
	s6 =	sadd.s32 $0x300, s24  }
0x1a2: {  	p1 =	sne.s32 s24, $0x4800;
	s21 =	sshrl.u32 s5, $0x3;
	v6 =	vld [tilespmem:s3+$0x6300]  }
0x1a3: {  	s21 =	smul.u32 $0x3000, s21;
	_ =	sdelay $0x1  }
0x1a4: {  	s24 =	sand.u32 $0x380, s30;
	s21 =	sshra.s32 s21, $0x2  }
0x1a5: {  	s24 =	sor.u32 s24, s21  }
0x1a6: {  	[tilespmem:s24+$0xF900] =	vst v6  }
0x1a7: {  	v6 =	vld [tilespmem:s3+$0x6380];
	_ =	sdelay $0x3  }
0x1a8: {  	s21 =	sand.u32 $0x3, s23  }
0x1a9: {  	s21 =	sshll.u32 s21, $0x5;
	v6 =	vmul.f32 v6, v5  }
0x1aa: {  	s21 =	sadd.s32 s21, s29  }
0x1ab: {  	s26 =	sor.u32 $0x300, s21;
	s19 =	sadd.s32 $0x10, s21;
	[tilespmem:s24+$0xF960] =	vst v6  }
0x1ac: {  	v6 =	vld [tilespmem:s26+$0x6100];
	_ =	sdelay $0x4  }
0x1ad: {  	v6 =	vmul.f32 v6, v4;
	_ =	sdelay $0x1  }
0x1ae: {  	s21 =	sor.u32 $0x380, s21;
	[tilespmem:s24+$0xFD40] =	vst v6  }
0x1af: {  	v6 =	vld [tilespmem:s21+$0x6100];
	_ =	sdelay $0x4  }
0x1b0: {  	v6 =	vmul.f32 v6, v3  }
0x1b1: {  	s21 =	sadd.s32 $0x10100, s24  }
0x1b2: {  	[tilespmem:s21+$0x20] =	vst v6  }
0x1b3: {  	v6 =	vld [tilespmem:s3+$0x6310];
	_ =	sdelay $0x4  }
0x1b4: {  	[tilespmem:s24+$0xF910] =	vst v6  }
0x1b5: {  	v6 =	vld [tilespmem:s3+$0x6390];
	_ =	sdelay $0x4  }
0x1b6: {  	v6 =	vmul.f32 v6, v5;
	_ =	sdelay $0x1  }
0x1b7: {  	s3 =	sor.u32 $0x300, s19;
	[tilespmem:s24+$0xF970] =	vst v6  }
0x1b8: {  	v6 =	vld [tilespmem:s3+$0x6100];
	_ =	sdelay $0x4  }
0x1b9: {  	v6 =	vmul.f32 v6, v4;
	_ =	sdelay $0x1  }
0x1ba: {  	s3 =	sor.u32 $0x380, s19;
	[tilespmem:s24+$0xFD50] =	vst v6  }
0x1bb: {  	v6 =	vld [tilespmem:s3+$0x6100];
	_ =	sdelay $0x4  }
0x1bc: {  	s19 =	sadd.s32 $0x100, s29;
	s3 =	sadd.s32 $0x20, s0;
	v6 =	vmul.f32 v6, v3  }
0x1bd: {  	s26 =	sand.u32 $0xFC00, s19;
	s3 =	sand.u32 $0x60, s3  }
0x1be: {  	s3 =	sor.u32 s3, s26;
	[tilespmem:s21+$0x30] =	vst v6  }
0x1bf: {  	v6 =	vld [tilespmem:s3+$0x6300];
	_ =	sdelay $0x4  }
0x1c0: {  	[tilespmem:s24+$0xF920] =	vst v6  }
0x1c1: {  	v6 =	vld [tilespmem:s3+$0x6380];
	_ =	sdelay $0x3  }
0x1c2: {  	s3 =	sand.u32 $0x3, s22  }
0x1c3: {  	s3 =	sshll.u32 s3, $0x5;
	v6 =	vmul.f32 v6, v5  }
0x1c4: {  	s3 =	sadd.s32 s3, s19  }
0x1c5: {  	s19 =	sor.u32 $0x300, s3;
	[tilespmem:s24+$0xFD00] =	vst v6  }
0x1c6: {  	v6 =	vld [tilespmem:s19+$0x6100];
	_ =	sdelay $0x4  }
0x1c7: {  	v6 =	vmul.f32 v6, v4;
	_ =	sdelay $0x1  }
0x1c8: {  	s3 =	sor.u32 $0x380, s3;
	[tilespmem:s24+$0xFD60] =	vst v6  }
0x1c9: {  	v6 =	vld [tilespmem:s3+$0x6100];
	_ =	sdelay $0x4  }
0x1ca: {  	s19 =	sadd.s32 $0x180, s29;
	s3 =	sadd.s32 $0x30, s0;
	v6 =	vmul.f32 v6, v3  }
0x1cb: {  	s19 =	sand.u32 $0xFC00, s19;
	s3 =	sand.u32 $0x70, s3  }
0x1cc: {  	s3 =	sor.u32 s3, s19;
	[tilespmem:s21+$0x40] =	vst v6  }
0x1cd: {  	v6 =	vld [tilespmem:s3+$0x6300];
	_ =	sdelay $0x4  }
0x1ce: {  	[tilespmem:s24+$0xF930] =	vst v6  }
0x1cf: {  	v6 =	vld [tilespmem:s3+$0x6380];
	_ =	sdelay $0x4  }
0x1d0: {  	v6 =	vmul.f32 v6, v5;
	_ =	sdelay $0x1  }
0x1d1: {  	[tilespmem:s24+$0xFD10] =	vst v6  }
0x1d2: {  	v6 =	vld [tilespmem:s3+$0x6400];
	_ =	sdelay $0x2  }
0x1d3: {  	s3 =	sand.u32 $0x7, s20  }
0x1d4: {  	s3 =	sshll.u32 s3, $0x4  }
0x1d5: {  	s3 =	sadd.s32 s29, s3;
	v6 =	vmul.f32 v6, v4  }
0x1d6: {  	s3 =	sadd.s32 $0x190, s3  }
0x1d7: {  	s3 =	sor.u32 $0x300, s3;
	[tilespmem:s24+$0xFD70] =	vst v6  }
0x1d8: {  	v6 =	vld [tilespmem:s3+$0x6100];
	_ =	sdelay $0x4  }
0x1d9: {  	s19 =	sadd.s32 $0x200, s29;
	s3 =	sadd.s32 $0x40, s0;
	v6 =	vmul.f32 v6, v3  }
0x1da: {  	s26 =	sand.u32 $0xFC00, s19;
	s3 =	sand.u32 $0x60, s3  }
0x1db: {  	s3 =	sor.u32 s3, s26;
	[tilespmem:s21+$0x50] =	vst v6  }
0x1dc: {  	v6 =	vld [tilespmem:s3+$0x6300];
	_ =	sdelay $0x4  }
0x1dd: {  	[tilespmem:s24+$0xF940] =	vst v6  }
0x1de: {  	v6 =	vld [tilespmem:s3+$0x6380];
	_ =	sdelay $0x3  }
0x1df: {  	s3 =	sand.u32 $0x3, s1  }
0x1e0: {  	s3 =	sshll.u32 s3, $0x5;
	v6 =	vmul.f32 v6, v5  }
0x1e1: {  	s3 =	sadd.s32 s3, s19  }
0x1e2: {  	s19 =	sor.u32 $0x300, s3;
	[tilespmem:s24+$0xFD20] =	vst v6  }
0x1e3: {  	v6 =	vld [tilespmem:s19+$0x6100];
	_ =	sdelay $0x4  }
0x1e4: {  	v6 =	vmul.f32 v6, v4;
	_ =	sdelay $0x1  }
0x1e5: {  	s3 =	sor.u32 $0x380, s3;
	[tilespmem:s24+$0x10100] =	vst v6  }
0x1e6: {  	v6 =	vld [tilespmem:s3+$0x6100];
	_ =	sdelay $0x4  }
0x1e7: {  	s19 =	sadd.s32 $0x280, s29;
	s3 =	sadd.s32 $0x50, s0;
	v6 =	vmul.f32 v6, v3  }
0x1e8: {  	s19 =	sand.u32 $0xFC00, s19;
	s3 =	sand.u32 $0x70, s3  }
0x1e9: {  	s3 =	sor.u32 s3, s19;
	[tilespmem:s21+$0x60] =	vst v6  }
0x1ea: {  	v6 =	vld [tilespmem:s3+$0x6300];
	_ =	sdelay $0x4  }
0x1eb: {  	[tilespmem:s24+$0xF950] =	vst v6  }
0x1ec: {  	v6 =	vld [tilespmem:s3+$0x6380];
	_ =	sdelay $0x4  }
0x1ed: {  	v6 =	vmul.f32 v6, v5;
	_ =	sdelay $0x1  }
0x1ee: {  	[tilespmem:s24+$0xFD30] =	vst v6  }
0x1ef: {  	v6 =	vld [tilespmem:s3+$0x6400];
	_ =	sdelay $0x2  }
0x1f0: {  	s3 =	sand.u32 $0x7, s31  }
0x1f1: {  	s3 =	sshll.u32 s3, $0x4  }
0x1f2: {  	s3 =	sadd.s32 s29, s3;
	s29 =	smov.u32 s7;
	v6 =	vmul.f32 v6, v4  }
0x1f3: {  	s3 =	sadd.s32 $0x290, s3  }
0x1f4: {  	s3 =	sor.u32 $0x300, s3;
	[tilespmem:s21+$0x10] =	vst v6  }
0x1f5: {  	v6 =	vld [tilespmem:s3+$0x6100];
	_ =	sdelay $0x1  }
.Ltmp1:
0x1f6: {  	(pc) =	sbr.rel @p1 .LBB2_5-.Ltmp1, $4  }
0x1f7: {  	s5 =	sadd.s32 $0x1, s5  }
0x1f8: {  	s22 =	sadd.s32 $0x3, s22;
	s20 =	sadd.s32 $0x6, s20;
	s1 =	sadd.s32 $0x3, s1  }
0x1f9: {  	s23 =	sadd.s32 $0x3, s23;
	s0 =	sadd.s32 $0x60, s0;
	s31 =	sadd.s32 $0x6, s31;
	v6 =	vmul.f32 v6, v3  }
0x1fa: {  	s24 =	smov.u32 s6;
	s7 =	sand.u32 $0x7C00, s29;
	s3 =	sand.u32 $0x60, s0  }
0x1fb: {  	s3 =	sor.u32 s3, s7;
	[tilespmem:s21+$0x70] =	vst v6  }
0x1fc: {  	s5 =	sshrl.u32 s5, $0x3;
	v6 =	vld [tilespmem:s3+$0x6300]  }
0x1fd: {  	s5 =	smul.u32 $0x3000, s5  }
0x1fe: {  	s6 =	sadd.s32 $0x80, s30  }
0x1ff: {  	s6 =	sand.u32 $0x380, s6;
	s5 =	sshra.s32 s5, $0x2  }
0x200: {  	s5 =	sor.u32 s6, s5  }
0x201: {  	[tilespmem:s5+$0xF900] =	vst v6  }
0x202: {  	v6 =	vld [tilespmem:s3+$0x6380];
	_ =	sdelay $0x3  }
0x203: {  	s8 =	sand.u32 $0x3, s23  }
0x204: {  	s6 =	sshll.u32 s8, $0x5;
	v6 =	vmul.f32 v6, v5  }
0x205: {  	s19 =	sadd.s32 s6, s29  }
0x206: {  	s6 =	sor.u32 $0x300, s19;
	[tilespmem:s5+$0xF960] =	vst v6  }
0x207: {  	v6 =	vld [tilespmem:s6+$0x6100];
	_ =	sdelay $0x4  }
0x208: {  	v6 =	vmul.f32 v6, v4;
	_ =	sdelay $0x1  }
0x209: {  	s21 =	sor.u32 $0x380, s19;
	[tilespmem:s5+$0xFD40] =	vst v6  }
0x20a: {  	v6 =	vld [tilespmem:s21+$0x6100];
	_ =	sdelay $0x4  }
0x20b: {  	v6 =	vmul.f32 v6, v3  }
0x20c: {  	s6 =	sadd.s32 $0x10100, s5  }
0x20d: {  	[tilespmem:s6+$0x20] =	vst v6  }
0x20e: {  	v6 =	vld [tilespmem:s3+$0x6310];
	_ =	sdelay $0x4  }
0x20f: {  	[tilespmem:s5+$0xF910] =	vst v6  }
0x210: {  	v6 =	vld [tilespmem:s3+$0x6390];
	_ =	sdelay $0x4  }
0x211: {  	v6 =	vmul.f32 v6, v5  }
0x212: {  	s23 =	sadd.s32 $0x10, s19  }
0x213: {  	s7 =	sor.u32 $0x300, s23;
	[tilespmem:s5+$0xF970] =	vst v6  }
0x214: {  	v6 =	vld [tilespmem:s7+$0x6100];
	_ =	sdelay $0x4  }
0x215: {  	v6 =	vmul.f32 v6, v4;
	_ =	sdelay $0x1  }
0x216: {  	s3 =	sor.u32 $0x380, s23;
	[tilespmem:s5+$0xFD50] =	vst v6  }
0x217: {  	v6 =	vld [tilespmem:s3+$0x6100];
	_ =	sdelay $0x4  }
0x218: {  	s24 =	sadd.s32 $0x20, s0;
	s26 =	sadd.s32 $0x100, s29;
	v6 =	vmul.f32 v6, v3  }
0x219: {  	s19 =	sand.u32 $0xFC00, s26;
	s3 =	sand.u32 $0x60, s24  }
0x21a: {  	s3 =	sor.u32 s3, s19;
	[tilespmem:s6+$0x30] =	vst v6  }
0x21b: {  	v6 =	vld [tilespmem:s3+$0x6300];
	_ =	sdelay $0x4  }
0x21c: {  	[tilespmem:s5+$0xF920] =	vst v6  }
0x21d: {  	v6 =	vld [tilespmem:s3+$0x6380];
	_ =	sdelay $0x3  }
0x21e: {  	s30 =	sand.u32 $0x3, s22  }
0x21f: {  	s3 =	sshll.u32 s30, $0x5;
	v6 =	vmul.f32 v6, v5  }
0x220: {  	s3 =	sadd.s32 s3, s26  }
0x221: {  	s7 =	sor.u32 $0x300, s3;
	[tilespmem:s5+$0xFD00] =	vst v6  }
0x222: {  	v6 =	vld [tilespmem:s7+$0x6100];
	_ =	sdelay $0x4  }
0x223: {  	v6 =	vmul.f32 v6, v4;
	_ =	sdelay $0x1  }
0x224: {  	s3 =	sor.u32 $0x380, s3;
	[tilespmem:s5+$0xFD60] =	vst v6  }
0x225: {  	v6 =	vld [tilespmem:s3+$0x6100];
	_ =	sdelay $0x4  }
0x226: {  	s8 =	sadd.s32 $0x30, s0;
	s19 =	sadd.s32 $0x180, s29;
	v6 =	vmul.f32 v6, v3  }
0x227: {  	s7 =	sand.u32 $0xFC00, s19;
	s3 =	sand.u32 $0x70, s8  }
0x228: {  	s3 =	sor.u32 s3, s7;
	[tilespmem:s6+$0x40] =	vst v6  }
0x229: {  	v6 =	vld [tilespmem:s3+$0x6300];
	_ =	sdelay $0x4  }
0x22a: {  	[tilespmem:s5+$0xF930] =	vst v6  }
0x22b: {  	v6 =	vld [tilespmem:s3+$0x6380];
	_ =	sdelay $0x4  }
0x22c: {  	v6 =	vmul.f32 v6, v5;
	_ =	sdelay $0x1  }
0x22d: {  	[tilespmem:s5+$0xFD10] =	vst v6  }
0x22e: {  	v6 =	vld [tilespmem:s3+$0x6400];
	_ =	sdelay $0x2  }
0x22f: {  	s20 =	sand.u32 $0x7, s20  }
0x230: {  	s3 =	sshll.u32 s20, $0x4  }
0x231: {  	s3 =	sadd.s32 s29, s3;
	v6 =	vmul.f32 v6, v4  }
0x232: {  	s3 =	sadd.s32 $0x190, s3  }
0x233: {  	s3 =	sor.u32 $0x300, s3;
	[tilespmem:s5+$0xFD70] =	vst v6  }
0x234: {  	v6 =	vld [tilespmem:s3+$0x6100];
	_ =	sdelay $0x4  }
0x235: {  	s22 =	sadd.s32 $0x200, s29;
	s21 =	sadd.s32 $0x40, s0;
	v6 =	vmul.f32 v6, v3  }
0x236: {  	s23 =	sand.u32 $0xFC00, s22;
	s3 =	sand.u32 $0x60, s21  }
0x237: {  	s3 =	sor.u32 s3, s23;
	[tilespmem:s6+$0x50] =	vst v6  }
0x238: {  	v6 =	vld [tilespmem:s3+$0x6300];
	_ =	sdelay $0x4  }
0x239: {  	[tilespmem:s5+$0xF940] =	vst v6  }
0x23a: {  	v6 =	vld [tilespmem:s3+$0x6380];
	_ =	sdelay $0x3  }
0x23b: {  	s1 =	sand.u32 $0x3, s1  }
0x23c: {  	s1 =	sshll.u32 s1, $0x5;
	v6 =	vmul.f32 v6, v5  }
0x23d: {  	s1 =	sadd.s32 s1, s22  }
0x23e: {  	s24 =	sor.u32 $0x300, s1;
	[tilespmem:s5+$0xFD20] =	vst v6  }
0x23f: {  	v6 =	vld [tilespmem:s24+$0x6100];
	_ =	sdelay $0x4  }
0x240: {  	v6 =	vmul.f32 v6, v4;
	_ =	sdelay $0x1  }
0x241: {  	s1 =	sor.u32 $0x380, s1;
	[tilespmem:s5+$0x10100] =	vst v6  }
0x242: {  	v6 =	vld [tilespmem:s1+$0x6100];
	_ =	sdelay $0x4  }
0x243: {  	s30 =	sadd.s32 $0x280, s29;
	s26 =	sadd.s32 $0x50, s0;
	v6 =	vmul.f32 v6, v3  }
0x244: {  	s0 =	sand.u32 $0x70, s26;
	s1 =	sand.u32 $0xFC00, s30  }
0x245: {  	s0 =	sor.u32 s0, s1;
	[tilespmem:s6+$0x60] =	vst v6  }
0x246: {  	v6 =	vld [tilespmem:s0+$0x6300];
	_ =	sdelay $0x4  }
0x247: {  	[tilespmem:s5+$0xF950] =	vst v6  }
0x248: {  	v6 =	vld [tilespmem:s0+$0x6380];
	_ =	sdelay $0x4  }
0x249: {  	v58 =	vmul.f32 v6, v5;
	_ =	sdelay $0x1  }
0x24a: {  	[tilespmem:s5+$0xFD30] =	vst v58  }
0x24b: {  	v5 =	vld [tilespmem:s0+$0x6400];
	_ =	sdelay $0x2  }
0x24c: {  	s1 =	sand.u32 $0x7, s31  }
0x24d: {  	s0 =	sshll.u32 s1, $0x4  }
0x24e: {  	s0 =	sadd.s32 s29, s0;
	v59 =	vmul.f32 v5, v4  }
0x24f: {  	s0 =	sadd.s32 $0x290, s0  }
0x250: {  	s0 =	sor.u32 $0x300, s0;
	[tilespmem:s6+$0x10] =	vst v59  }
0x251: {  	v4 =	vld [tilespmem:s0+$0x6100];
	_ =	sdelay $0x4  }
0x252: {  	v3 =	vmul.f32 v4, v3  }
0x253: {  	s3 =	sshll.u32 s18, $0xA  }
0x254: {  	s0 =	sshrl.u32 s3, $0x2;
	[tilespmem:s6+$0x70] =	vst v3  }
0x255: {  	v3 =	vld [tilespmem:s0+$0x2400];
	_ =	sdelay $0x4  }
0x256: {  	v60 =	vshrl.u32 v3, $0x3  }
0x257: {  	v4 =	vmul.u32 $0x18, v60  }
0x258: {  	v3 =	vand.u32 $0x7, v3  }
0x259: {  	v3 =	vor.u32 v3, v4  }
0x25a: {  	v4 =	vperm.xlane v3, v0;
	_ =	sdelay $0x1  }
0x25b: {  	v4 =	vadd.s32 v1, v4;
	_ =	sdelay $0x1  }
0x25c: {  	v3 =	vperm.xlane v3, v2;
	_ =	sdelay $0x1  }
0x25d: {  	s5 =	simm.s32 $0xF900;
	v3 =	vadd.s32 v1, v3  }
0x25e: {  	[hbm4b:s4+s2] =	stream.indirect_vreg.scatter [tilespmem:s5], [sflag:$0x3], $0x80, v4, vm1, $0xb8;
	[tilespmem:$0x1A100] =	vst v63  }
0x25f: {  	s6 =	simm.s32 $0x10100  }
0x260: {  	[hbm4b:s17+s2] =	stream.indirect_vreg.scatter [tilespmem:s6], [sflag:$0x3], $0x80, v4, vm0, $0xb8;
	[tilespmem:$0x1A100] =	vst v63  }
0x261: {  	s7 =	simm.s32 $0x10500  }
0x262: {  	[hbm4b:s4+s2] =	stream.indirect_vreg.scatter [tilespmem:s7], [sflag:$0x3], $0x80, v3, vm1, $0xb8;
	[tilespmem:$0x1A100] =	vst v63  }
0x263: {  	s8 =	simm.s32 $0x10D00  }
0x264: {  	[hbm4b:s17+s2] =	stream.indirect_vreg.scatter [tilespmem:s8], [sflag:$0x3], $0x80, v3, vm0, $0xb8;
	[tilespmem:$0x1A100] =	vst v63  }
0x265: {  	v3 =	vld [tilespmem:s0+$0x2410];
	_ =	sdelay $0x4  }
0x266: {  	v61 =	vshrl.u32 v3, $0x3  }
0x267: {  	v4 =	vmul.u32 $0x18, v61  }
0x268: {  	v3 =	vand.u32 $0x7, v3  }
0x269: {  	v3 =	vor.u32 v3, v4  }
0x26a: {  	v4 =	vperm.xlane v3, v0;
	_ =	sdelay $0x1  }
0x26b: {  	v4 =	vadd.s32 v1, v4;
	_ =	sdelay $0x1  }
0x26c: {  	v3 =	vperm.xlane v3, v2;
	_ =	sdelay $0x1  }
0x26d: {  	s19 =	simm.s32 $0x11100;
	v3 =	vadd.s32 v1, v3  }
0x26e: {  	[hbm4b:s4+s2] =	stream.indirect_vreg.scatter [tilespmem:s19], [sflag:$0x3], $0x80, v4, vm1, $0xb8;
	[tilespmem:$0x1A100] =	vst v63  }
0x26f: {  	s20 =	simm.s32 $0x11900  }
0x270: {  	[hbm4b:s17+s2] =	stream.indirect_vreg.scatter [tilespmem:s20], [sflag:$0x3], $0x80, v4, vm0, $0xb8;
	[tilespmem:$0x1A100] =	vst v63  }
0x271: {  	s21 =	simm.s32 $0x11D00  }
0x272: {  	[hbm4b:s4+s2] =	stream.indirect_vreg.scatter [tilespmem:s21], [sflag:$0x3], $0x80, v3, vm1, $0xb8;
	[tilespmem:$0x1A100] =	vst v63  }
0x273: {  	s22 =	simm.s32 $0x12500  }
0x274: {  	[hbm4b:s17+s2] =	stream.indirect_vreg.scatter [tilespmem:s22], [sflag:$0x3], $0x80, v3, vm0, $0xb8;
	[tilespmem:$0x1A100] =	vst v63  }
0x275: {  	v3 =	vld [tilespmem:s0+$0x2420];
	_ =	sdelay $0x4  }
0x276: {  	v62 =	vshrl.u32 v3, $0x3  }
0x277: {  	v4 =	vmul.u32 $0x18, v62  }
0x278: {  	v3 =	vand.u32 $0x7, v3  }
0x279: {  	v3 =	vor.u32 v3, v4  }
0x27a: {  	v4 =	vperm.xlane v3, v0;
	_ =	sdelay $0x1  }
0x27b: {  	v4 =	vadd.s32 v1, v4;
	_ =	sdelay $0x1  }
0x27c: {  	v3 =	vperm.xlane v3, v2;
	_ =	sdelay $0x1  }
0x27d: {  	s23 =	simm.s32 $0x12900;
	v3 =	vadd.s32 v1, v3  }
0x27e: {  	[hbm4b:s4+s2] =	stream.indirect_vreg.scatter [tilespmem:s23], [sflag:$0x3], $0x80, v4, vm1, $0xb8;
	[tilespmem:$0x1A100] =	vst v63  }
0x27f: {  	s24 =	simm.s32 $0x13100  }
0x280: {  	[hbm4b:s17+s2] =	stream.indirect_vreg.scatter [tilespmem:s24], [sflag:$0x3], $0x80, v4, vm0, $0xb8;
	[tilespmem:$0x1A100] =	vst v63  }
0x281: {  	s26 =	simm.s32 $0x13500  }
0x282: {  	[hbm4b:s4+s2] =	stream.indirect_vreg.scatter [tilespmem:s26], [sflag:$0x3], $0x80, v3, vm1, $0xb8;
	[tilespmem:$0x1A100] =	vst v63  }
0x283: {  	s29 =	simm.s32 $0x13D00  }
0x284: {  	[hbm4b:s17+s2] =	stream.indirect_vreg.scatter [tilespmem:s29], [sflag:$0x3], $0x80, v3, vm0, $0xb8;
	[tilespmem:$0x1A100] =	vst v63  }
0x285: {  	v3 =	vld.msk [tilespmem:s0+$0x2430], $0xff;
	_ =	sdelay $0x4  }
0x286: {  	v63 =	vshrl.u32 v3, $0x3  }
0x287: {  	v4 =	vmul.u32 $0x18, v63  }
0x288: {  	v3 =	vand.u32 $0x7, v3  }
0x289: {  	v3 =	vor.u32 v3, v4  }
0x28a: {  	v3 =	vperm.xlane v3, v0;
	_ =	sdelay $0x1  }
0x28b: {  	v3 =	vadd.s32 v1, v3;
	_ =	sdelay $0x1  }
0x28c: {  	p1 =	sne.s32 s18, $0x20  }
.Ltmp2:
0x28d: {  	_ = 	snop;
	(pc) =	sbr.rel @p1 .LBB2_8-.Ltmp2, $4  }
0x28e: {  	s30 =	simm.s32 $0x14100  }
0x28f: {  	[hbm4b:s4+s2] =	stream.indirect_vreg.scatter [tilespmem:s30], [sflag:$0x3], $0x80, v3, vm1, $0xb8;
	[tilespmem:$0x1A100] =	vst v63  }
0x290: {  	s31 =	simm.s32 $0x14900  }
0x291: {  	[hbm4b:s17+s2] =	stream.indirect_vreg.scatter [tilespmem:s31], [sflag:$0x3], $0x80, v3, vm0, $0xb8;
	[tilespmem:$0x1A100] =	vst v63  }
.Ltmp3:
0x292: {  	(pc) =	sbr.rel .LBB2_9-.Ltmp3, $4  }
0x293: {  	s0 =	simm.s32 $0x2  }
0x294: {  	_ =	swait.ge [sflag:s0], $0x4C00  }
0x295: {  	[sflag:s0] =	ssyncset.done $0x0  }
0x296: {  	[sflag:s0] =	ssyncadd.s32 $0xFFFFB400  }
.LBB2_8:
0x297: {  	v3 =	vld.msk [tilespmem:s0+$0x100], $0xff;
	_ =	sdelay $0x4  }
0x298: {  	v4 =	vshrl.u32 v3, $0x3  }
0x299: {  	v4 =	vmul.u32 $0x98, v4  }
0x29a: {  	v3 =	vand.u32 $0x7, v3  }
0x29b: {  	v3 =	vor.u32 v3, v4  }
0x29c: {  	v3 =	vperm.xlane v3, v0;
	_ =	sdelay $0x1  }
0x29d: {  	v3 =	vadd.s32 v1, v3;
	_ =	sdelay $0x3  }
0x29e: {  	s7 =	rddreg [dreg:$0x3];
	s1 =	simm.s32 $0x6100  }
0x29f: {  	[tilespmem:s1], [sflag:$0x1] =	stream.indirect_vreg.gather [hbm4b:s7+s2], $0x80, v3, vm1, $0xb8;
	[tilespmem:$0x1A100] =	vst v63  }
0x2a0: {  	s8 =	rddreg [dreg:$0x7];
	s19 =	simm.s32 $0x6900  }
0x2a1: {  	[tilespmem:s19], [sflag:$0x1] =	stream.indirect_vreg.gather [hbm4b:s8+s2], $0x80, v3, vm1, $0xb8;
	[tilespmem:$0x1A100] =	vst v63  }
0x2a2: {  	s20 =	simm.s32 $0x7100  }
0x2a3: {  	[tilespmem:s20], [sflag:$0x1] =	stream.indirect_vreg.gather [hbm4b:s9+s2], $0x80, v3, vm1, $0xb8;
	[tilespmem:$0x1A100] =	vst v63  }
0x2a4: {  	s21 =	simm.s32 $0x7900  }
0x2a5: {  	[tilespmem:s21], [sflag:$0x1] =	stream.indirect_vreg.gather [hbm4b:s10+s2], $0x80, v3, vm1, $0xb8;
	[tilespmem:$0x1A100] =	vst v63  }
0x2a6: {  	s22 =	simm.s32 $0x8100  }
0x2a7: {  	[tilespmem:s22], [sflag:$0x1] =	stream.indirect_vreg.gather [hbm4b:s11+s2], $0x80, v3, vm1, $0xb8;
	[tilespmem:$0x1A100] =	vst v63  }
0x2a8: {  	s23 =	simm.s32 $0x8900  }
0x2a9: {  	[tilespmem:s23], [sflag:$0x1] =	stream.indirect_vreg.gather [hbm4b:s12+s2], $0x80, v3, vm1, $0xb8;
	[tilespmem:$0x1A100] =	vst v63  }
0x2aa: {  	s24 =	simm.s32 $0x9100  }
0x2ab: {  	[tilespmem:s24], [sflag:$0x1] =	stream.indirect_vreg.gather [hbm4b:s13+s2], $0x80, v3, vm1, $0xb8;
	[tilespmem:$0x1A100] =	vst v63  }
0x2ac: {  	s26 =	simm.s32 $0x9900  }
0x2ad: {  	[tilespmem:s26], [sflag:$0x1] =	stream.indirect_vreg.gather [hbm4b:s14+s2], $0x80, v3, vm1, $0xb8;
	[tilespmem:$0x1A100] =	vst v63  }
0x2ae: {  	s29 =	simm.s32 $0xA100  }
0x2af: {  	[tilespmem:s29], [sflag:$0x1] =	stream.indirect_vreg.gather [hbm4b:s15+s2], $0x80, v3, vm1, $0xb8;
	[tilespmem:$0x1A100] =	vst v63  }
.Ltmp4:
0x2b0: {  	s30 =	simm.s32 $0xA900;
	s31 =	simm.s32 $0x2;
	(pc) =	sbr.rel @p0 .LBB2_10-.Ltmp4, $4  }
0x2b1: {  	[tilespmem:s30], [sflag:$0x1] =	stream.indirect_vreg.gather [hbm4b:s16+s2], $0x80, v3, vm0, $0xb8;
	[tilespmem:$0x1A100] =	vst v63  }
0x2b2: {  	_ =	swait.ge [sflag:s31], $0x4C00  }
0x2b3: {  	[sflag:s31] =	ssyncset.done $0x0  }
0x2b4: {  	[sflag:s31] =	ssyncadd.s32 $0xFFFFB400  }
.LBB2_9:
0x2b5: {  	s0 =	simm.s32 $0x4  }
0x2b6: {  	_ =	swait.ge [sflag:s0], $0x5400  }
0x2b7: {  	[sflag:s0] =	ssyncset.done $0x0  }
0x2b8: {  	[sflag:s0] =	ssyncadd.s32 $0xFFFFAC00  }
.LBB2_10:
0x2b9: {  	s0 =	simm.s32 $0x0  }
0x2ba: {  	s1 =	sand.u32 $0x60, s0;
	s3 =	sand.u32 $0x7C00, s0  }
0x2bb: {  	s7 =	sor.u32 s1, s3  }
0x2bc: {  	s5 =	smul.u32 $0x180, s28;
	s20 =	simm.s32 $0x0;
	v6 =	vld [tilespmem:s7+$0xAD00]  }
0x2bd: {  	s1 =	smul.u32 $0x3000, s20  }
0x2be: {  	s28 =	sshra.s32 s5, $0x2  }
0x2bf: {  	s21 =	sand.u32 $0x380, s0;
	v5 =	vld [tilespmem:s28+$0x4800];
	s1 =	sshra.s32 s1, $0x2  }
0x2c0: {  	v3 =	vld [tilespmem:s28+$0x4810];
	s3 =	sor.u32 s21, s1  }
0x2c1: {  	v4 =	vld [tilespmem:s28+$0x4820];
	[tilespmem:s3+$0x14D00] =	vst v6  }
0x2c2: {  	v6 =	vld [tilespmem:s7+$0xAD80];
	_ =	sdelay $0x4  }
0x2c3: {  	v6 =	vmul.f32 v6, v5  }
0x2c4: {  	s1 =	sadd.s32 $0x14D00, s3  }
0x2c5: {  	[tilespmem:s1+$0x60] =	vst v6  }
0x2c6: {  	v6 =	vld [tilespmem:s7+$0xAE00];
	_ =	sdelay $0x4  }
0x2c7: {  	v6 =	vmul.f32 v6, v3  }
0x2c8: {  	s6 =	sadd.s32 $0x15100, s3  }
0x2c9: {  	[tilespmem:s6+$0x40] =	vst v6  }
0x2ca: {  	v6 =	vld [tilespmem:s7+$0xAE80];
	_ =	sdelay $0x4  }
0x2cb: {  	v6 =	vmul.f32 v6, v4  }
0x2cc: {  	s5 =	sadd.s32 $0x15500, s3  }
0x2cd: {  	[tilespmem:s5+$0x20] =	vst v6  }
0x2ce: {  	v6 =	vld [tilespmem:s7+$0xAD10];
	_ =	sdelay $0x4  }
0x2cf: {  	[tilespmem:s1+$0x10] =	vst v6  }
0x2d0: {  	v6 =	vld [tilespmem:s7+$0xAD90];
	_ =	sdelay $0x4  }
0x2d1: {  	v6 =	vmul.f32 v6, v5;
	_ =	sdelay $0x1  }
0x2d2: {  	[tilespmem:s1+$0x70] =	vst v6  }
0x2d3: {  	v6 =	vld [tilespmem:s7+$0xAE10];
	_ =	sdelay $0x4  }
0x2d4: {  	v6 =	vmul.f32 v6, v3;
	_ =	sdelay $0x1  }
0x2d5: {  	[tilespmem:s6+$0x50] =	vst v6  }
0x2d6: {  	v6 =	vld [tilespmem:s7+$0xAE90];
	_ =	sdelay $0x4  }
0x2d7: {  	s22 =	simm.s32 $0x20;
	s19 =	simm.s32 $0x100;
	v6 =	vmul.f32 v6, v4  }
0x2d8: {  	s19 =	sand.u32 $0xFC00, s19;
	s7 =	sand.u32 $0x60, s22  }
0x2d9: {  	s7 =	sor.u32 s7, s19;
	[tilespmem:s5+$0x30] =	vst v6  }
0x2da: {  	v6 =	vld [tilespmem:s7+$0xAD00];
	_ =	sdelay $0x4  }
0x2db: {  	[tilespmem:s1+$0x20] =	vst v6  }
0x2dc: {  	v6 =	vld [tilespmem:s7+$0xAD80];
	_ =	sdelay $0x4  }
0x2dd: {  	v6 =	vmul.f32 v6, v5;
	_ =	sdelay $0x1  }
0x2de: {  	[tilespmem:s3+$0x15100] =	vst v6  }
0x2df: {  	v6 =	vld [tilespmem:s7+$0xAE00];
	_ =	sdelay $0x4  }
0x2e0: {  	v6 =	vmul.f32 v6, v3;
	_ =	sdelay $0x1  }
0x2e1: {  	[tilespmem:s6+$0x60] =	vst v6  }
0x2e2: {  	v6 =	vld [tilespmem:s7+$0xAE80];
	_ =	sdelay $0x4  }
0x2e3: {  	s23 =	simm.s32 $0x30;
	s24 =	simm.s32 $0x180;
	v6 =	vmul.f32 v6, v4  }
0x2e4: {  	s19 =	sand.u32 $0xFC00, s24;
	s7 =	sand.u32 $0x70, s23  }
0x2e5: {  	s7 =	sor.u32 s7, s19;
	[tilespmem:s5+$0x40] =	vst v6  }
0x2e6: {  	v6 =	vld [tilespmem:s7+$0xAD00];
	_ =	sdelay $0x4  }
0x2e7: {  	[tilespmem:s1+$0x30] =	vst v6  }
0x2e8: {  	v6 =	vld [tilespmem:s7+$0xAD80];
	_ =	sdelay $0x4  }
0x2e9: {  	v6 =	vmul.f32 v6, v5;
	_ =	sdelay $0x1  }
0x2ea: {  	[tilespmem:s6+$0x10] =	vst v6  }
0x2eb: {  	v6 =	vld [tilespmem:s7+$0xAE00];
	_ =	sdelay $0x4  }
0x2ec: {  	v6 =	vmul.f32 v6, v3;
	_ =	sdelay $0x1  }
0x2ed: {  	[tilespmem:s6+$0x70] =	vst v6  }
0x2ee: {  	v6 =	vld [tilespmem:s7+$0xAE80];
	_ =	sdelay $0x4  }
0x2ef: {  	s26 =	simm.s32 $0x40;
	s29 =	simm.s32 $0x200;
	v6 =	vmul.f32 v6, v4  }
0x2f0: {  	s19 =	sand.u32 $0xFC00, s29;
	s7 =	sand.u32 $0x60, s26  }
0x2f1: {  	s7 =	sor.u32 s7, s19;
	[tilespmem:s5+$0x50] =	vst v6  }
0x2f2: {  	v6 =	vld [tilespmem:s7+$0xAD00];
	_ =	sdelay $0x4  }
0x2f3: {  	[tilespmem:s1+$0x40] =	vst v6  }
0x2f4: {  	v6 =	vld [tilespmem:s7+$0xAD80];
	_ =	sdelay $0x4  }
0x2f5: {  	v6 =	vmul.f32 v6, v5;
	_ =	sdelay $0x1  }
0x2f6: {  	[tilespmem:s6+$0x20] =	vst v6  }
0x2f7: {  	v6 =	vld [tilespmem:s7+$0xAE00];
	_ =	sdelay $0x4  }
0x2f8: {  	v6 =	vmul.f32 v6, v3;
	_ =	sdelay $0x1  }
0x2f9: {  	[tilespmem:s3+$0x15500] =	vst v6  }
0x2fa: {  	v6 =	vld [tilespmem:s7+$0xAE80];
	_ =	sdelay $0x4  }
0x2fb: {  	s30 =	simm.s32 $0x50;
	s31 =	simm.s32 $0x280;
	v6 =	vmul.f32 v6, v4  }
0x2fc: {  	s3 =	sand.u32 $0x70, s30;
	s7 =	sand.u32 $0xFC00, s31  }
0x2fd: {  	s3 =	sor.u32 s3, s7;
	[tilespmem:s5+$0x60] =	vst v6  }
0x2fe: {  	v6 =	vld [tilespmem:s3+$0xAD00];
	_ =	sdelay $0x4  }
0x2ff: {  	[tilespmem:s1+$0x50] =	vst v6  }
0x300: {  	v6 =	vld [tilespmem:s3+$0xAD80];
	_ =	sdelay $0x4  }
0x301: {  	v6 =	vmul.f32 v6, v5;
	_ =	sdelay $0x1  }
0x302: {  	[tilespmem:s6+$0x30] =	vst v6  }
0x303: {  	v6 =	vld [tilespmem:s3+$0xAE00];
	_ =	sdelay $0x4  }
0x304: {  	v6 =	vmul.f32 v6, v3;
	_ =	sdelay $0x1  }
0x305: {  	[tilespmem:s5+$0x10] =	vst v6  }
0x306: {  	v6 =	vld [tilespmem:s3+$0xAE80];
	_ =	sdelay $0x2  }
0x307: {  	s20 =	simm.s32 $0x60  }
0x308: {  	s21 =	sand.u32 $0x60, s20;
	s1 =	simm.s32 $0x300  }
0x309: {  	s22 =	sand.u32 $0x7C00, s1;
	s6 =	simm.s32 $0x80;
	s3 =	simm.s32 $0x600;
	v6 =	vmul.f32 v6, v4  }
.LBB2_11:
0x30a: {  	s26 =	sor.u32 s21, s22  }
0x30b: {  	[tilespmem:s5+$0x70] =	vst v6;
	s0 =	sadd.s32 $0x1, s0;
	s21 =	smov.u32 s3;
	s7 =	sadd.s32 $0x300, s3  }
0x30c: {  	p0 =	sne.s32 s3, $0x4800;
	v6 =	vld [tilespmem:s26+$0xAD00];
	s3 =	sshrl.u32 s0, $0x3  }
0x30d: {  	s3 =	smul.u32 $0x3000, s3;
	_ =	sdelay $0x1  }
0x30e: {  	s5 =	sand.u32 $0x380, s6;
	s3 =	sshra.s32 s3, $0x2  }
0x30f: {  	s24 =	sor.u32 s5, s3  }
0x310: {  	[tilespmem:s24+$0x14D00] =	vst v6  }
0x311: {  	v6 =	vld [tilespmem:s26+$0xAD80];
	_ =	sdelay $0x4  }
0x312: {  	v6 =	vmul.f32 v6, v5  }
0x313: {  	s22 =	sadd.s32 $0x14D00, s24  }
0x314: {  	[tilespmem:s22+$0x60] =	vst v6  }
0x315: {  	v6 =	vld [tilespmem:s26+$0xAE00];
	_ =	sdelay $0x4  }
0x316: {  	v6 =	vmul.f32 v6, v3  }
0x317: {  	s23 =	sadd.s32 $0x15100, s24  }
0x318: {  	[tilespmem:s23+$0x40] =	vst v6  }
0x319: {  	v6 =	vld [tilespmem:s26+$0xAE80];
	_ =	sdelay $0x4  }
0x31a: {  	v6 =	vmul.f32 v6, v4  }
0x31b: {  	s5 =	sadd.s32 $0x15500, s24  }
0x31c: {  	[tilespmem:s5+$0x20] =	vst v6  }
0x31d: {  	v6 =	vld [tilespmem:s26+$0xAD10];
	_ =	sdelay $0x4  }
0x31e: {  	[tilespmem:s22+$0x10] =	vst v6  }
0x31f: {  	v6 =	vld [tilespmem:s26+$0xAD90];
	_ =	sdelay $0x4  }
0x320: {  	v6 =	vmul.f32 v6, v5;
	_ =	sdelay $0x1  }
0x321: {  	[tilespmem:s22+$0x70] =	vst v6  }
0x322: {  	v6 =	vld [tilespmem:s26+$0xAE10];
	_ =	sdelay $0x4  }
0x323: {  	v6 =	vmul.f32 v6, v3;
	_ =	sdelay $0x1  }
0x324: {  	[tilespmem:s23+$0x50] =	vst v6  }
0x325: {  	v6 =	vld [tilespmem:s26+$0xAE90];
	_ =	sdelay $0x4  }
0x326: {  	s19 =	sadd.s32 $0x100, s1;
	s3 =	sadd.s32 $0x20, s20;
	v6 =	vmul.f32 v6, v4  }
0x327: {  	s19 =	sand.u32 $0xFC00, s19;
	s3 =	sand.u32 $0x60, s3  }
0x328: {  	s3 =	sor.u32 s3, s19;
	[tilespmem:s5+$0x30] =	vst v6  }
0x329: {  	v6 =	vld [tilespmem:s3+$0xAD00];
	_ =	sdelay $0x4  }
0x32a: {  	[tilespmem:s22+$0x20] =	vst v6  }
0x32b: {  	v6 =	vld [tilespmem:s3+$0xAD80];
	_ =	sdelay $0x4  }
0x32c: {  	v6 =	vmul.f32 v6, v5;
	_ =	sdelay $0x1  }
0x32d: {  	[tilespmem:s24+$0x15100] =	vst v6  }
0x32e: {  	v6 =	vld [tilespmem:s3+$0xAE00];
	_ =	sdelay $0x4  }
0x32f: {  	v6 =	vmul.f32 v6, v3;
	_ =	sdelay $0x1  }
0x330: {  	[tilespmem:s23+$0x60] =	vst v6  }
0x331: {  	v6 =	vld [tilespmem:s3+$0xAE80];
	_ =	sdelay $0x4  }
0x332: {  	s19 =	sadd.s32 $0x180, s1;
	s3 =	sadd.s32 $0x30, s20;
	v6 =	vmul.f32 v6, v4  }
0x333: {  	s19 =	sand.u32 $0xFC00, s19;
	s3 =	sand.u32 $0x70, s3  }
0x334: {  	s3 =	sor.u32 s3, s19;
	[tilespmem:s5+$0x40] =	vst v6  }
0x335: {  	v6 =	vld [tilespmem:s3+$0xAD00];
	_ =	sdelay $0x4  }
0x336: {  	[tilespmem:s22+$0x30] =	vst v6  }
0x337: {  	v6 =	vld [tilespmem:s3+$0xAD80];
	_ =	sdelay $0x4  }
0x338: {  	v6 =	vmul.f32 v6, v5;
	_ =	sdelay $0x1  }
0x339: {  	[tilespmem:s23+$0x10] =	vst v6  }
0x33a: {  	v6 =	vld [tilespmem:s3+$0xAE00];
	_ =	sdelay $0x4  }
0x33b: {  	v6 =	vmul.f32 v6, v3;
	_ =	sdelay $0x1  }
0x33c: {  	[tilespmem:s23+$0x70] =	vst v6  }
0x33d: {  	v6 =	vld [tilespmem:s3+$0xAE80];
	_ =	sdelay $0x4  }
0x33e: {  	s19 =	sadd.s32 $0x200, s1;
	s3 =	sadd.s32 $0x40, s20;
	v6 =	vmul.f32 v6, v4  }
0x33f: {  	s19 =	sand.u32 $0xFC00, s19;
	s3 =	sand.u32 $0x60, s3  }
0x340: {  	s3 =	sor.u32 s3, s19;
	[tilespmem:s5+$0x50] =	vst v6  }
0x341: {  	v6 =	vld [tilespmem:s3+$0xAD00];
	_ =	sdelay $0x4  }
0x342: {  	[tilespmem:s22+$0x40] =	vst v6  }
0x343: {  	v6 =	vld [tilespmem:s3+$0xAD80];
	_ =	sdelay $0x4  }
0x344: {  	v6 =	vmul.f32 v6, v5;
	_ =	sdelay $0x1  }
0x345: {  	[tilespmem:s23+$0x20] =	vst v6  }
0x346: {  	v6 =	vld [tilespmem:s3+$0xAE00];
	_ =	sdelay $0x4  }
0x347: {  	v6 =	vmul.f32 v6, v3;
	_ =	sdelay $0x1  }
0x348: {  	[tilespmem:s24+$0x15500] =	vst v6  }
0x349: {  	v6 =	vld [tilespmem:s3+$0xAE80];
	_ =	sdelay $0x4  }
0x34a: {  	s19 =	sadd.s32 $0x280, s1;
	s1 =	smov.u32 s21;
	s3 =	sadd.s32 $0x50, s20;
	v6 =	vmul.f32 v6, v4  }
0x34b: {  	s19 =	sand.u32 $0xFC00, s19;
	s3 =	sand.u32 $0x70, s3  }
0x34c: {  	s3 =	sor.u32 s3, s19;
	[tilespmem:s5+$0x60] =	vst v6  }
0x34d: {  	v6 =	vld [tilespmem:s3+$0xAD00];
	_ =	sdelay $0x4  }
0x34e: {  	[tilespmem:s22+$0x50] =	vst v6  }
0x34f: {  	v6 =	vld [tilespmem:s3+$0xAD80];
	_ =	sdelay $0x4  }
0x350: {  	v6 =	vmul.f32 v6, v5;
	_ =	sdelay $0x1  }
0x351: {  	[tilespmem:s23+$0x30] =	vst v6  }
0x352: {  	v6 =	vld [tilespmem:s3+$0xAE00];
	_ =	sdelay $0x4  }
0x353: {  	v6 =	vmul.f32 v6, v3;
	_ =	sdelay $0x1  }
0x354: {  	[tilespmem:s5+$0x10] =	vst v6  }
0x355: {  	v6 =	vld [tilespmem:s3+$0xAE80];
	_ =	sdelay $0x1  }
.Ltmp5:
0x356: {  	(pc) =	sbr.rel @p0 .LBB2_11-.Ltmp5, $3  }
0x357: {  	_ =	sdelay $0x1  }
0x358: {  	s6 =	sadd.s32 $0x80, s6;
	s20 =	sadd.s32 $0x60, s20;
	v6 =	vmul.f32 v6, v4  }
0x359: {  	s21 =	sand.u32 $0x60, s20;
	s22 =	sand.u32 $0x7C00, s1;
	s3 =	smov.u32 s7  }
0x35a: {  	s7 =	sor.u32 s21, s22;
	[tilespmem:s5+$0x70] =	vst v6;
	s0 =	sadd.s32 $0x1, s0  }
0x35b: {  	v6 =	vld [tilespmem:s7+$0xAD00];
	s0 =	sshrl.u32 s0, $0x3  }
0x35c: {  	s0 =	smul.u32 $0x3000, s0;
	_ =	sdelay $0x1  }
0x35d: {  	s3 =	sand.u32 $0x380, s6;
	s0 =	sshra.s32 s0, $0x2  }
0x35e: {  	s3 =	sor.u32 s3, s0  }
0x35f: {  	[tilespmem:s3+$0x14D00] =	vst v6  }
0x360: {  	v6 =	vld [tilespmem:s7+$0xAD80];
	_ =	sdelay $0x4  }
0x361: {  	v6 =	vmul.f32 v6, v5  }
0x362: {  	s5 =	sadd.s32 $0x14D00, s3  }
0x363: {  	[tilespmem:s5+$0x60] =	vst v6  }
0x364: {  	v6 =	vld [tilespmem:s7+$0xAE00];
	_ =	sdelay $0x4  }
0x365: {  	v6 =	vmul.f32 v6, v3  }
0x366: {  	s6 =	sadd.s32 $0x15100, s3  }
0x367: {  	[tilespmem:s6+$0x40] =	vst v6  }
0x368: {  	v6 =	vld [tilespmem:s7+$0xAE80];
	_ =	sdelay $0x4  }
0x369: {  	v6 =	vmul.f32 v6, v4  }
0x36a: {  	s0 =	sadd.s32 $0x15500, s3  }
0x36b: {  	[tilespmem:s0+$0x20] =	vst v6  }
0x36c: {  	v6 =	vld [tilespmem:s7+$0xAD10];
	_ =	sdelay $0x4  }
0x36d: {  	[tilespmem:s5+$0x10] =	vst v6  }
0x36e: {  	v6 =	vld [tilespmem:s7+$0xAD90];
	_ =	sdelay $0x4  }
0x36f: {  	v6 =	vmul.f32 v6, v5;
	_ =	sdelay $0x1  }
0x370: {  	[tilespmem:s5+$0x70] =	vst v6  }
0x371: {  	v6 =	vld [tilespmem:s7+$0xAE10];
	_ =	sdelay $0x4  }
0x372: {  	v6 =	vmul.f32 v6, v3;
	_ =	sdelay $0x1  }
0x373: {  	[tilespmem:s6+$0x50] =	vst v6  }
0x374: {  	v6 =	vld [tilespmem:s7+$0xAE90];
	_ =	sdelay $0x4  }
0x375: {  	s8 =	sadd.s32 $0x20, s20;
	s19 =	sadd.s32 $0x100, s1;
	v6 =	vmul.f32 v6, v4  }
0x376: {  	s19 =	sand.u32 $0xFC00, s19;
	s7 =	sand.u32 $0x60, s8  }
0x377: {  	s7 =	sor.u32 s7, s19;
	[tilespmem:s0+$0x30] =	vst v6  }
0x378: {  	v6 =	vld [tilespmem:s7+$0xAD00];
	_ =	sdelay $0x4  }
0x379: {  	[tilespmem:s5+$0x20] =	vst v6  }
0x37a: {  	v6 =	vld [tilespmem:s7+$0xAD80];
	_ =	sdelay $0x4  }
0x37b: {  	v6 =	vmul.f32 v6, v5;
	_ =	sdelay $0x1  }
0x37c: {  	[tilespmem:s3+$0x15100] =	vst v6  }
0x37d: {  	v6 =	vld [tilespmem:s7+$0xAE00];
	_ =	sdelay $0x4  }
0x37e: {  	v6 =	vmul.f32 v6, v3;
	_ =	sdelay $0x1  }
0x37f: {  	[tilespmem:s6+$0x60] =	vst v6  }
0x380: {  	v6 =	vld [tilespmem:s7+$0xAE80];
	_ =	sdelay $0x4  }
0x381: {  	s21 =	sadd.s32 $0x30, s20;
	s22 =	sadd.s32 $0x180, s1;
	v6 =	vmul.f32 v6, v4  }
0x382: {  	s19 =	sand.u32 $0xFC00, s22;
	s7 =	sand.u32 $0x70, s21  }
0x383: {  	s7 =	sor.u32 s7, s19;
	[tilespmem:s0+$0x40] =	vst v6  }
0x384: {  	v6 =	vld [tilespmem:s7+$0xAD00];
	_ =	sdelay $0x4  }
0x385: {  	[tilespmem:s5+$0x30] =	vst v6  }
0x386: {  	v6 =	vld [tilespmem:s7+$0xAD80];
	_ =	sdelay $0x4  }
0x387: {  	v6 =	vmul.f32 v6, v5;
	_ =	sdelay $0x1  }
0x388: {  	[tilespmem:s6+$0x10] =	vst v6  }
0x389: {  	v6 =	vld [tilespmem:s7+$0xAE00];
	_ =	sdelay $0x4  }
0x38a: {  	v6 =	vmul.f32 v6, v3;
	_ =	sdelay $0x1  }
0x38b: {  	[tilespmem:s6+$0x70] =	vst v6  }
0x38c: {  	v6 =	vld [tilespmem:s7+$0xAE80];
	_ =	sdelay $0x4  }
0x38d: {  	s23 =	sadd.s32 $0x40, s20;
	s24 =	sadd.s32 $0x200, s1;
	v6 =	vmul.f32 v6, v4  }
0x38e: {  	s19 =	sand.u32 $0xFC00, s24;
	s7 =	sand.u32 $0x60, s23  }
0x38f: {  	s7 =	sor.u32 s7, s19;
	[tilespmem:s0+$0x50] =	vst v6  }
0x390: {  	v6 =	vld [tilespmem:s7+$0xAD00];
	_ =	sdelay $0x4  }
0x391: {  	[tilespmem:s5+$0x40] =	vst v6  }
0x392: {  	v6 =	vld [tilespmem:s7+$0xAD80];
	_ =	sdelay $0x4  }
0x393: {  	v6 =	vmul.f32 v6, v5;
	_ =	sdelay $0x1  }
0x394: {  	[tilespmem:s6+$0x20] =	vst v6  }
0x395: {  	v6 =	vld [tilespmem:s7+$0xAE00];
	_ =	sdelay $0x4  }
0x396: {  	v6 =	vmul.f32 v6, v3;
	_ =	sdelay $0x1  }
0x397: {  	[tilespmem:s3+$0x15500] =	vst v6  }
0x398: {  	v6 =	vld [tilespmem:s7+$0xAE80];
	_ =	sdelay $0x4  }
0x399: {  	s26 =	sadd.s32 $0x50, s20;
	s7 =	sadd.s32 $0x280, s1;
	v6 =	vmul.f32 v6, v4  }
0x39a: {  	s3 =	sand.u32 $0x70, s26;
	s1 =	sand.u32 $0xFC00, s7  }
0x39b: {  	s1 =	sor.u32 s3, s1;
	[tilespmem:s0+$0x60] =	vst v6  }
0x39c: {  	v6 =	vld [tilespmem:s1+$0xAD00];
	_ =	sdelay $0x4  }
0x39d: {  	[tilespmem:s5+$0x50] =	vst v6  }
0x39e: {  	v6 =	vld [tilespmem:s1+$0xAD80];
	_ =	sdelay $0x4  }
0x39f: {  	v5 =	vmul.f32 v6, v5;
	_ =	sdelay $0x1  }
0x3a0: {  	[tilespmem:s6+$0x30] =	vst v5  }
0x3a1: {  	v5 =	vld [tilespmem:s1+$0xAE00];
	_ =	sdelay $0x4  }
0x3a2: {  	v3 =	vmul.f32 v5, v3;
	_ =	sdelay $0x1  }
0x3a3: {  	[tilespmem:s0+$0x10] =	vst v3  }
0x3a4: {  	v3 =	vld [tilespmem:s1+$0xAE80];
	_ =	sdelay $0x4  }
0x3a5: {  	s8 =	simm.s32 $0x0;
	v3 =	vmul.f32 v3, v4  }
0x3a6: {  	s20 =	sand.u32 $0x7C00, s8;
	s19 =	sand.u32 $0x60, s8  }
0x3a7: {  	s3 =	sor.u32 s19, s20;
	[tilespmem:s0+$0x70] =	vst v3  }
0x3a8: {  	s21 =	simm.s32 $0x3;
	v6 =	vld [tilespmem:s3+$0xAF00]  }
0x3a9: {  	s0 =	smul.u32 $0x3000, s21  }
0x3aa: {  	s29 =	simm.s32 $0xC80  }
0x3ab: {  	s22 =	sand.u32 $0x380, s29;
	v5 =	vld [tilespmem:s28+$0x4830];
	s0 =	sshra.s32 s0, $0x2  }
0x3ac: {  	v4 =	vld [tilespmem:s28+$0x4840];
	s5 =	sor.u32 s22, s0  }
0x3ad: {  	v3 =	vld [tilespmem:s28+$0x4850];
	[tilespmem:s5+$0x14D00] =	vst v6  }
0x3ae: {  	v6 =	vld [tilespmem:s3+$0xAF80];
	_ =	sdelay $0x3  }
0x3af: {  	s23 =	sand.u32 $0x3, s8  }
0x3b0: {  	s1 =	sshll.u32 s23, $0x5;
	v6 =	vmul.f32 v6, v5  }
0x3b1: {  	s24 =	sadd.s32 $0x0, s1;
	s0 =	sadd.s32 $0x14D00, s5  }
0x3b2: {  	s1 =	sor.u32 $0x300, s24;
	[tilespmem:s0+$0x60] =	vst v6  }
0x3b3: {  	v6 =	vld [tilespmem:s1+$0xAD00];
	_ =	sdelay $0x4  }
0x3b4: {  	v6 =	vmul.f32 v6, v4  }
0x3b5: {  	s1 =	sadd.s32 $0x15100, s5  }
0x3b6: {  	s26 =	sor.u32 $0x380, s24;
	[tilespmem:s1+$0x40] =	vst v6  }
0x3b7: {  	v6 =	vld [tilespmem:s26+$0xAD00];
	_ =	sdelay $0x4  }
0x3b8: {  	v6 =	vmul.f32 v6, v3  }
0x3b9: {  	s20 =	sadd.s32 $0x15500, s5  }
0x3ba: {  	[tilespmem:s20+$0x20] =	vst v6  }
0x3bb: {  	v6 =	vld [tilespmem:s3+$0xAF10];
	_ =	sdelay $0x4  }
0x3bc: {  	[tilespmem:s0+$0x10] =	vst v6  }
0x3bd: {  	v6 =	vld [tilespmem:s3+$0xAF90];
	_ =	sdelay $0x4  }
0x3be: {  	v6 =	vmul.f32 v6, v5  }
0x3bf: {  	s7 =	sadd.s32 $0x10, s24  }
0x3c0: {  	s6 =	sor.u32 $0x300, s7;
	[tilespmem:s0+$0x70] =	vst v6  }
0x3c1: {  	v6 =	vld [tilespmem:s6+$0xAD00];
	_ =	sdelay $0x4  }
0x3c2: {  	v6 =	vmul.f32 v6, v4;
	_ =	sdelay $0x1  }
0x3c3: {  	s3 =	sor.u32 $0x380, s7;
	[tilespmem:s1+$0x50] =	vst v6  }
0x3c4: {  	v6 =	vld [tilespmem:s3+$0xAD00];
	_ =	sdelay $0x4  }
0x3c5: {  	s8 =	simm.s32 $0x20;
	s19 =	simm.s32 $0x100;
	v6 =	vmul.f32 v6, v3  }
0x3c6: {  	s6 =	sand.u32 $0xFC00, s19;
	s3 =	sand.u32 $0x60, s8  }
0x3c7: {  	s3 =	sor.u32 s3, s6;
	[tilespmem:s20+$0x30] =	vst v6  }
0x3c8: {  	v6 =	vld [tilespmem:s3+$0xAF00];
	_ =	sdelay $0x4  }
0x3c9: {  	[tilespmem:s0+$0x20] =	vst v6  }
0x3ca: {  	v6 =	vld [tilespmem:s3+$0xAF80];
	_ =	sdelay $0x2  }
0x3cb: {  	s21 =	simm.s32 $0x1  }
0x3cc: {  	s3 =	sand.u32 $0x3, s21  }
0x3cd: {  	s3 =	sshll.u32 s3, $0x5;
	v6 =	vmul.f32 v6, v5  }
0x3ce: {  	s3 =	sadd.s32 $0x100, s3  }
0x3cf: {  	s22 =	sor.u32 $0x300, s3;
	[tilespmem:s5+$0x15100] =	vst v6  }
0x3d0: {  	v6 =	vld [tilespmem:s22+$0xAD00];
	_ =	sdelay $0x4  }
0x3d1: {  	v6 =	vmul.f32 v6, v4;
	_ =	sdelay $0x1  }
0x3d2: {  	s3 =	sor.u32 $0x380, s3;
	[tilespmem:s1+$0x60] =	vst v6  }
0x3d3: {  	v6 =	vld [tilespmem:s3+$0xAD00];
	_ =	sdelay $0x4  }
0x3d4: {  	s23 =	simm.s32 $0x30;
	s24 =	simm.s32 $0x180;
	v6 =	vmul.f32 v6, v3  }
0x3d5: {  	s6 =	sand.u32 $0xFC00, s24;
	s3 =	sand.u32 $0x70, s23  }
0x3d6: {  	s3 =	sor.u32 s3, s6;
	[tilespmem:s20+$0x40] =	vst v6  }
0x3d7: {  	v6 =	vld [tilespmem:s3+$0xAF00];
	_ =	sdelay $0x4  }
0x3d8: {  	[tilespmem:s0+$0x30] =	vst v6  }
0x3d9: {  	v6 =	vld [tilespmem:s3+$0xAF80];
	_ =	sdelay $0x4  }
0x3da: {  	v6 =	vmul.f32 v6, v5;
	_ =	sdelay $0x1  }
0x3db: {  	[tilespmem:s1+$0x10] =	vst v6  }
0x3dc: {  	v6 =	vld [tilespmem:s3+$0xB000];
	_ =	sdelay $0x1  }
0x3dd: {  	s26 =	simm.s32 $0x2  }
0x3de: {  	s8 =	sand.u32 $0x7, s26  }
0x3df: {  	s6 =	sshll.u32 s8, $0x4  }
0x3e0: {  	s6 =	sadd.s32 $0x0, s6;
	v6 =	vmul.f32 v6, v4  }
0x3e1: {  	s6 =	sadd.s32 $0x190, s6  }
0x3e2: {  	s6 =	sor.u32 $0x300, s6;
	[tilespmem:s1+$0x70] =	vst v6  }
0x3e3: {  	v6 =	vld [tilespmem:s6+$0xAD00];
	_ =	sdelay $0x4  }
0x3e4: {  	s19 =	simm.s32 $0x40;
	s21 =	simm.s32 $0x200;
	v6 =	vmul.f32 v6, v3  }
0x3e5: {  	s7 =	sand.u32 $0xFC00, s21;
	s6 =	sand.u32 $0x60, s19  }
0x3e6: {  	s6 =	sor.u32 s6, s7;
	[tilespmem:s20+$0x50] =	vst v6  }
0x3e7: {  	v6 =	vld [tilespmem:s6+$0xAF00];
	_ =	sdelay $0x4  }
0x3e8: {  	[tilespmem:s0+$0x40] =	vst v6  }
0x3e9: {  	v6 =	vld [tilespmem:s6+$0xAF80];
	_ =	sdelay $0x3  }
0x3ea: {  	s3 =	sand.u32 $0x3, s26  }
0x3eb: {  	s3 =	sshll.u32 s3, $0x5;
	v6 =	vmul.f32 v6, v5  }
0x3ec: {  	s3 =	sadd.s32 $0x200, s3  }
0x3ed: {  	s22 =	sor.u32 $0x300, s3;
	[tilespmem:s1+$0x20] =	vst v6  }
0x3ee: {  	v6 =	vld [tilespmem:s22+$0xAD00];
	_ =	sdelay $0x4  }
0x3ef: {  	v6 =	vmul.f32 v6, v4;
	_ =	sdelay $0x1  }
0x3f0: {  	s3 =	sor.u32 $0x380, s3;
	[tilespmem:s5+$0x15500] =	vst v6  }
0x3f1: {  	v6 =	vld [tilespmem:s3+$0xAD00];
	_ =	sdelay $0x4  }
0x3f2: {  	s24 =	simm.s32 $0x280;
	s23 =	simm.s32 $0x50;
	v6 =	vmul.f32 v6, v3  }
0x3f3: {  	s5 =	sand.u32 $0xFC00, s24;
	s3 =	sand.u32 $0x70, s23  }
0x3f4: {  	s3 =	sor.u32 s3, s5;
	[tilespmem:s20+$0x60] =	vst v6  }
0x3f5: {  	v6 =	vld [tilespmem:s3+$0xAF00];
	_ =	sdelay $0x4  }
0x3f6: {  	[tilespmem:s0+$0x50] =	vst v6  }
0x3f7: {  	v6 =	vld [tilespmem:s3+$0xAF80];
	_ =	sdelay $0x4  }
0x3f8: {  	v6 =	vmul.f32 v6, v5;
	_ =	sdelay $0x1  }
0x3f9: {  	[tilespmem:s1+$0x30] =	vst v6  }
0x3fa: {  	v6 =	vld [tilespmem:s3+$0xB000];
	_ =	sdelay $0x1  }
0x3fb: {  	s26 =	simm.s32 $0x4  }
0x3fc: {  	s0 =	sand.u32 $0x7, s26  }
0x3fd: {  	s0 =	sshll.u32 s0, $0x4  }
0x3fe: {  	s0 =	sadd.s32 $0x0, s0;
	v6 =	vmul.f32 v6, v4  }
0x3ff: {  	s0 =	sadd.s32 $0x290, s0  }
0x400: {  	s0 =	sor.u32 $0x300, s0;
	[tilespmem:s20+$0x10] =	vst v6  }
0x401: {  	v6 =	vld [tilespmem:s0+$0xAD00];
	_ =	sdelay $0x1  }
0x402: {  	s31 =	simm.s32 $0x60;
	s30 =	simm.s32 $0xA  }
0x403: {  	s28 =	simm.s32 $0x300;
	s21 =	simm.s32 $0x4;
	s7 =	simm.s32 $0x600  }
0x404: {  	s6 =	sand.u32 $0x7C00, s28;
	s22 =	simm.s32 $0x3;
	s23 =	simm.s32 $0x1A  }
0x405: {  	s1 =	simm.s32 $0x8;
	s3 =	sand.u32 $0x60, s31;
	s0 =	simm.s32 $0x5;
	v6 =	vmul.f32 v6, v3  }
.LBB2_13:
0x406: {  	s3 =	sor.u32 s3, s6  }
0x407: {  	[tilespmem:s20+$0x70] =	vst v6;
	s29 =	sadd.s32 $0x80, s29;
	s6 =	smov.u32 s7;
	s5 =	sadd.s32 $0x300, s7  }
0x408: {  	p0 =	sne.s32 s7, $0x4800;
	s7 =	sshrl.u32 s23, $0x3;
	v6 =	vld [tilespmem:s3+$0xAF00]  }
0x409: {  	s7 =	smul.u32 $0x3000, s7;
	_ =	sdelay $0x1  }
0x40a: {  	s19 =	sand.u32 $0x380, s29;
	s7 =	sshra.s32 s7, $0x2  }
0x40b: {  	s26 =	sor.u32 s19, s7  }
0x40c: {  	[tilespmem:s26+$0x14D00] =	vst v6  }
0x40d: {  	v6 =	vld [tilespmem:s3+$0xAF80];
	_ =	sdelay $0x3  }
0x40e: {  	s7 =	sand.u32 $0x3, s22  }
0x40f: {  	s19 =	sshll.u32 s7, $0x5;
	v6 =	vmul.f32 v6, v5  }
0x410: {  	s7 =	sadd.s32 $0x14D00, s26;
	s19 =	sadd.s32 s19, s28  }
0x411: {  	s20 =	sor.u32 $0x300, s19;
	s8 =	sadd.s32 $0x10, s19;
	[tilespmem:s7+$0x60] =	vst v6  }
0x412: {  	v6 =	vld [tilespmem:s20+$0xAD00];
	_ =	sdelay $0x4  }
0x413: {  	v6 =	vmul.f32 v6, v4  }
0x414: {  	s24 =	sadd.s32 $0x15100, s26  }
0x415: {  	s19 =	sor.u32 $0x380, s19;
	[tilespmem:s24+$0x40] =	vst v6  }
0x416: {  	v6 =	vld [tilespmem:s19+$0xAD00];
	_ =	sdelay $0x4  }
0x417: {  	v6 =	vmul.f32 v6, v3  }
0x418: {  	s20 =	sadd.s32 $0x15500, s26  }
0x419: {  	[tilespmem:s20+$0x20] =	vst v6  }
0x41a: {  	v6 =	vld [tilespmem:s3+$0xAF10];
	_ =	sdelay $0x4  }
0x41b: {  	[tilespmem:s7+$0x10] =	vst v6  }
0x41c: {  	v6 =	vld [tilespmem:s3+$0xAF90];
	_ =	sdelay $0x4  }
0x41d: {  	v6 =	vmul.f32 v6, v5;
	_ =	sdelay $0x1  }
0x41e: {  	s3 =	sor.u32 $0x300, s8;
	[tilespmem:s7+$0x70] =	vst v6  }
0x41f: {  	v6 =	vld [tilespmem:s3+$0xAD00];
	_ =	sdelay $0x4  }
0x420: {  	v6 =	vmul.f32 v6, v4;
	_ =	sdelay $0x1  }
0x421: {  	s3 =	sor.u32 $0x380, s8;
	[tilespmem:s24+$0x50] =	vst v6  }
0x422: {  	v6 =	vld [tilespmem:s3+$0xAD00];
	_ =	sdelay $0x4  }
0x423: {  	s8 =	sadd.s32 $0x100, s28;
	s3 =	sadd.s32 $0x20, s31;
	v6 =	vmul.f32 v6, v3  }
0x424: {  	s19 =	sand.u32 $0xFC00, s8;
	s3 =	sand.u32 $0x60, s3  }
0x425: {  	s3 =	sor.u32 s3, s19;
	[tilespmem:s20+$0x30] =	vst v6  }
0x426: {  	v6 =	vld [tilespmem:s3+$0xAF00];
	_ =	sdelay $0x4  }
0x427: {  	[tilespmem:s7+$0x20] =	vst v6  }
0x428: {  	v6 =	vld [tilespmem:s3+$0xAF80];
	_ =	sdelay $0x3  }
0x429: {  	s3 =	sand.u32 $0x3, s21  }
0x42a: {  	s3 =	sshll.u32 s3, $0x5;
	v6 =	vmul.f32 v6, v5  }
0x42b: {  	s3 =	sadd.s32 s3, s8  }
0x42c: {  	s8 =	sor.u32 $0x300, s3;
	[tilespmem:s26+$0x15100] =	vst v6  }
0x42d: {  	v6 =	vld [tilespmem:s8+$0xAD00];
	_ =	sdelay $0x4  }
0x42e: {  	v6 =	vmul.f32 v6, v4;
	_ =	sdelay $0x1  }
0x42f: {  	s3 =	sor.u32 $0x380, s3;
	[tilespmem:s24+$0x60] =	vst v6  }
0x430: {  	v6 =	vld [tilespmem:s3+$0xAD00];
	_ =	sdelay $0x4  }
0x431: {  	s8 =	sadd.s32 $0x180, s28;
	s3 =	sadd.s32 $0x30, s31;
	v6 =	vmul.f32 v6, v3  }
0x432: {  	s8 =	sand.u32 $0xFC00, s8;
	s3 =	sand.u32 $0x70, s3  }
0x433: {  	s3 =	sor.u32 s3, s8;
	[tilespmem:s20+$0x40] =	vst v6  }
0x434: {  	v6 =	vld [tilespmem:s3+$0xAF00];
	_ =	sdelay $0x4  }
0x435: {  	[tilespmem:s7+$0x30] =	vst v6  }
0x436: {  	v6 =	vld [tilespmem:s3+$0xAF80];
	_ =	sdelay $0x4  }
0x437: {  	v6 =	vmul.f32 v6, v5;
	_ =	sdelay $0x1  }
0x438: {  	[tilespmem:s24+$0x10] =	vst v6  }
0x439: {  	v6 =	vld [tilespmem:s3+$0xB000];
	_ =	sdelay $0x2  }
0x43a: {  	s3 =	sand.u32 $0x7, s1  }
0x43b: {  	s3 =	sshll.u32 s3, $0x4  }
0x43c: {  	s3 =	sadd.s32 s28, s3;
	v6 =	vmul.f32 v6, v4  }
0x43d: {  	s3 =	sadd.s32 $0x190, s3  }
0x43e: {  	s3 =	sor.u32 $0x300, s3;
	[tilespmem:s24+$0x70] =	vst v6  }
0x43f: {  	v6 =	vld [tilespmem:s3+$0xAD00];
	_ =	sdelay $0x4  }
0x440: {  	s8 =	sadd.s32 $0x200, s28;
	s3 =	sadd.s32 $0x40, s31;
	v6 =	vmul.f32 v6, v3  }
0x441: {  	s19 =	sand.u32 $0xFC00, s8;
	s3 =	sand.u32 $0x60, s3  }
0x442: {  	s3 =	sor.u32 s3, s19;
	[tilespmem:s20+$0x50] =	vst v6  }
0x443: {  	v6 =	vld [tilespmem:s3+$0xAF00];
	_ =	sdelay $0x4  }
0x444: {  	[tilespmem:s7+$0x40] =	vst v6  }
0x445: {  	v6 =	vld [tilespmem:s3+$0xAF80];
	_ =	sdelay $0x3  }
0x446: {  	s3 =	sand.u32 $0x3, s0  }
0x447: {  	s3 =	sshll.u32 s3, $0x5;
	v6 =	vmul.f32 v6, v5  }
0x448: {  	s3 =	sadd.s32 s3, s8  }
0x449: {  	s8 =	sor.u32 $0x300, s3;
	[tilespmem:s24+$0x20] =	vst v6  }
0x44a: {  	v6 =	vld [tilespmem:s8+$0xAD00];
	_ =	sdelay $0x4  }
0x44b: {  	v6 =	vmul.f32 v6, v4;
	_ =	sdelay $0x1  }
0x44c: {  	s3 =	sor.u32 $0x380, s3;
	[tilespmem:s26+$0x15500] =	vst v6  }
0x44d: {  	v6 =	vld [tilespmem:s3+$0xAD00];
	_ =	sdelay $0x4  }
0x44e: {  	s8 =	sadd.s32 $0x280, s28;
	s3 =	sadd.s32 $0x50, s31;
	v6 =	vmul.f32 v6, v3  }
0x44f: {  	s8 =	sand.u32 $0xFC00, s8;
	s3 =	sand.u32 $0x70, s3  }
0x450: {  	s3 =	sor.u32 s3, s8;
	[tilespmem:s20+$0x60] =	vst v6  }
0x451: {  	v6 =	vld [tilespmem:s3+$0xAF00];
	_ =	sdelay $0x4  }
0x452: {  	[tilespmem:s7+$0x50] =	vst v6  }
0x453: {  	v6 =	vld [tilespmem:s3+$0xAF80];
	_ =	sdelay $0x4  }
0x454: {  	v6 =	vmul.f32 v6, v5;
	_ =	sdelay $0x1  }
0x455: {  	[tilespmem:s24+$0x30] =	vst v6  }
0x456: {  	v6 =	vld [tilespmem:s3+$0xB000];
	_ =	sdelay $0x2  }
0x457: {  	s3 =	sand.u32 $0x7, s30  }
0x458: {  	s3 =	sshll.u32 s3, $0x4  }
0x459: {  	s3 =	sadd.s32 s28, s3;
	s28 =	smov.u32 s6;
	v6 =	vmul.f32 v6, v4  }
0x45a: {  	s3 =	sadd.s32 $0x290, s3  }
0x45b: {  	s3 =	sor.u32 $0x300, s3;
	[tilespmem:s20+$0x10] =	vst v6  }
0x45c: {  	v6 =	vld [tilespmem:s3+$0xAD00];
	_ =	sdelay $0x1  }
.Ltmp6:
0x45d: {  	(pc) =	sbr.rel @p0 .LBB2_13-.Ltmp6, $4  }
0x45e: {  	s23 =	sadd.s32 $0x1, s23  }
0x45f: {  	s21 =	sadd.s32 $0x3, s21;
	s1 =	sadd.s32 $0x6, s1;
	s0 =	sadd.s32 $0x3, s0  }
0x460: {  	s22 =	sadd.s32 $0x3, s22;
	s31 =	sadd.s32 $0x60, s31;
	s30 =	sadd.s32 $0x6, s30;
	v6 =	vmul.f32 v6, v3  }
0x461: {  	s7 =	smov.u32 s5;
	s6 =	sand.u32 $0x7C00, s28;
	s3 =	sand.u32 $0x60, s31  }
0x462: {  	s3 =	sor.u32 s3, s6;
	[tilespmem:s20+$0x70] =	vst v6  }
0x463: {  	s5 =	sshrl.u32 s23, $0x3;
	v6 =	vld [tilespmem:s3+$0xAF00]  }
0x464: {  	s5 =	smul.u32 $0x3000, s5  }
0x465: {  	s8 =	sadd.s32 $0x80, s29  }
0x466: {  	s6 =	sand.u32 $0x380, s8;
	s5 =	sshra.s32 s5, $0x2  }
0x467: {  	s20 =	sor.u32 s6, s5  }
0x468: {  	[tilespmem:s20+$0x14D00] =	vst v6  }
0x469: {  	v6 =	vld [tilespmem:s3+$0xAF80];
	_ =	sdelay $0x3  }
0x46a: {  	s19 =	sand.u32 $0x3, s22  }
0x46b: {  	s5 =	sshll.u32 s19, $0x5;
	v6 =	vmul.f32 v6, v5  }
0x46c: {  	s6 =	sadd.s32 $0x14D00, s20;
	s8 =	sadd.s32 s5, s28  }
0x46d: {  	s5 =	sor.u32 $0x300, s8;
	[tilespmem:s6+$0x60] =	vst v6  }
0x46e: {  	v6 =	vld [tilespmem:s5+$0xAD00];
	_ =	sdelay $0x4  }
0x46f: {  	v6 =	vmul.f32 v6, v4  }
0x470: {  	s7 =	sadd.s32 $0x15100, s20  }
0x471: {  	s22 =	sor.u32 $0x380, s8;
	[tilespmem:s7+$0x40] =	vst v6  }
0x472: {  	v6 =	vld [tilespmem:s22+$0xAD00];
	_ =	sdelay $0x4  }
0x473: {  	v6 =	vmul.f32 v6, v3  }
0x474: {  	s5 =	sadd.s32 $0x15500, s20  }
0x475: {  	[tilespmem:s5+$0x20] =	vst v6  }
0x476: {  	v6 =	vld [tilespmem:s3+$0xAF10];
	_ =	sdelay $0x4  }
0x477: {  	[tilespmem:s6+$0x10] =	vst v6  }
0x478: {  	v6 =	vld [tilespmem:s3+$0xAF90];
	_ =	sdelay $0x4  }
0x479: {  	v6 =	vmul.f32 v6, v5  }
0x47a: {  	s23 =	sadd.s32 $0x10, s8  }
0x47b: {  	s8 =	sor.u32 $0x300, s23;
	[tilespmem:s6+$0x70] =	vst v6  }
0x47c: {  	v6 =	vld [tilespmem:s8+$0xAD00];
	_ =	sdelay $0x4  }
0x47d: {  	v6 =	vmul.f32 v6, v4;
	_ =	sdelay $0x1  }
0x47e: {  	s3 =	sor.u32 $0x380, s23;
	[tilespmem:s7+$0x50] =	vst v6  }
0x47f: {  	v6 =	vld [tilespmem:s3+$0xAD00];
	_ =	sdelay $0x4  }
0x480: {  	s24 =	sadd.s32 $0x20, s31;
	s26 =	sadd.s32 $0x100, s28;
	v6 =	vmul.f32 v6, v3  }
0x481: {  	s19 =	sand.u32 $0xFC00, s26;
	s3 =	sand.u32 $0x60, s24  }
0x482: {  	s3 =	sor.u32 s3, s19;
	[tilespmem:s5+$0x30] =	vst v6  }
0x483: {  	v6 =	vld [tilespmem:s3+$0xAF00];
	_ =	sdelay $0x4  }
0x484: {  	[tilespmem:s6+$0x20] =	vst v6  }
0x485: {  	v6 =	vld [tilespmem:s3+$0xAF80];
	_ =	sdelay $0x3  }
0x486: {  	s29 =	sand.u32 $0x3, s21  }
0x487: {  	s3 =	sshll.u32 s29, $0x5;
	v6 =	vmul.f32 v6, v5  }
0x488: {  	s3 =	sadd.s32 s3, s26  }
0x489: {  	s8 =	sor.u32 $0x300, s3;
	[tilespmem:s20+$0x15100] =	vst v6  }
0x48a: {  	v6 =	vld [tilespmem:s8+$0xAD00];
	_ =	sdelay $0x4  }
0x48b: {  	v6 =	vmul.f32 v6, v4;
	_ =	sdelay $0x1  }
0x48c: {  	s3 =	sor.u32 $0x380, s3;
	[tilespmem:s7+$0x60] =	vst v6  }
0x48d: {  	v6 =	vld [tilespmem:s3+$0xAD00];
	_ =	sdelay $0x4  }
0x48e: {  	s21 =	sadd.s32 $0x180, s28;
	s19 =	sadd.s32 $0x30, s31;
	v6 =	vmul.f32 v6, v3  }
0x48f: {  	s8 =	sand.u32 $0xFC00, s21;
	s3 =	sand.u32 $0x70, s19  }
0x490: {  	s3 =	sor.u32 s3, s8;
	[tilespmem:s5+$0x40] =	vst v6  }
0x491: {  	v6 =	vld [tilespmem:s3+$0xAF00];
	_ =	sdelay $0x4  }
0x492: {  	[tilespmem:s6+$0x30] =	vst v6  }
0x493: {  	v6 =	vld [tilespmem:s3+$0xAF80];
	_ =	sdelay $0x4  }
0x494: {  	v6 =	vmul.f32 v6, v5;
	_ =	sdelay $0x1  }
0x495: {  	[tilespmem:s7+$0x10] =	vst v6  }
0x496: {  	v6 =	vld [tilespmem:s3+$0xB000];
	_ =	sdelay $0x2  }
0x497: {  	s1 =	sand.u32 $0x7, s1  }
0x498: {  	s1 =	sshll.u32 s1, $0x4  }
0x499: {  	s1 =	sadd.s32 s28, s1;
	v6 =	vmul.f32 v6, v4  }
0x49a: {  	s1 =	sadd.s32 $0x190, s1  }
0x49b: {  	s1 =	sor.u32 $0x300, s1;
	[tilespmem:s7+$0x70] =	vst v6  }
0x49c: {  	v6 =	vld [tilespmem:s1+$0xAD00];
	_ =	sdelay $0x4  }
0x49d: {  	s22 =	sadd.s32 $0x40, s31;
	s23 =	sadd.s32 $0x200, s28;
	v6 =	vmul.f32 v6, v3  }
0x49e: {  	s24 =	sand.u32 $0xFC00, s23;
	s1 =	sand.u32 $0x60, s22  }
0x49f: {  	s1 =	sor.u32 s1, s24;
	[tilespmem:s5+$0x50] =	vst v6  }
0x4a0: {  	v6 =	vld [tilespmem:s1+$0xAF00];
	_ =	sdelay $0x4  }
0x4a1: {  	[tilespmem:s6+$0x40] =	vst v6  }
0x4a2: {  	v6 =	vld [tilespmem:s1+$0xAF80];
	_ =	sdelay $0x3  }
0x4a3: {  	s0 =	sand.u32 $0x3, s0  }
0x4a4: {  	s0 =	sshll.u32 s0, $0x5;
	v6 =	vmul.f32 v6, v5  }
0x4a5: {  	s0 =	sadd.s32 s0, s23  }
0x4a6: {  	s26 =	sor.u32 $0x300, s0;
	[tilespmem:s7+$0x20] =	vst v6  }
0x4a7: {  	v6 =	vld [tilespmem:s26+$0xAD00];
	_ =	sdelay $0x4  }
0x4a8: {  	v6 =	vmul.f32 v6, v4;
	_ =	sdelay $0x1  }
0x4a9: {  	s0 =	sor.u32 $0x380, s0;
	[tilespmem:s20+$0x15500] =	vst v6  }
0x4aa: {  	v6 =	vld [tilespmem:s0+$0xAD00];
	_ =	sdelay $0x4  }
0x4ab: {  	s29 =	sadd.s32 $0x50, s31;
	s31 =	sadd.s32 $0x280, s28;
	v6 =	vmul.f32 v6, v3  }
0x4ac: {  	s1 =	sand.u32 $0xFC00, s31;
	s0 =	sand.u32 $0x70, s29  }
0x4ad: {  	s0 =	sor.u32 s0, s1;
	[tilespmem:s5+$0x60] =	vst v6  }
0x4ae: {  	v6 =	vld [tilespmem:s0+$0xAF00];
	_ =	sdelay $0x4  }
0x4af: {  	[tilespmem:s6+$0x50] =	vst v6  }
0x4b0: {  	v6 =	vld [tilespmem:s0+$0xAF80];
	_ =	sdelay $0x4  }
0x4b1: {  	v58 =	vmul.f32 v6, v5;
	_ =	sdelay $0x1  }
0x4b2: {  	[tilespmem:s7+$0x30] =	vst v58  }
0x4b3: {  	v5 =	vld [tilespmem:s0+$0xB000];
	_ =	sdelay $0x2  }
0x4b4: {  	s3 =	sand.u32 $0x7, s30  }
0x4b5: {  	s0 =	sshll.u32 s3, $0x4  }
0x4b6: {  	s0 =	sadd.s32 s28, s0;
	v59 =	vmul.f32 v5, v4  }
0x4b7: {  	s0 =	sadd.s32 $0x290, s0  }
0x4b8: {  	s0 =	sor.u32 $0x300, s0;
	[tilespmem:s5+$0x10] =	vst v59  }
0x4b9: {  	v4 =	vld [tilespmem:s0+$0xAD00];
	_ =	sdelay $0x4  }
0x4ba: {  	v3 =	vmul.f32 v4, v3;
	_ =	sdelay $0x1  }
0x4bb: {  	[tilespmem:s5+$0x70] =	vst v3  }
0x4bc: {  	v3 =	vld [tilespmem:s25+$0x2400];
	_ =	sdelay $0x4  }
0x4bd: {  	v60 =	vshrl.u32 v3, $0x3  }
0x4be: {  	v4 =	vmul.u32 $0x18, v60  }
0x4bf: {  	v3 =	vand.u32 $0x7, v3  }
0x4c0: {  	v3 =	vor.u32 v3, v4  }
0x4c1: {  	v4 =	vperm.xlane v3, v0;
	_ =	sdelay $0x1  }
0x4c2: {  	v4 =	vadd.s32 v1, v4;
	_ =	sdelay $0x1  }
0x4c3: {  	v3 =	vperm.xlane v3, v2;
	_ =	sdelay $0x1  }
0x4c4: {  	s6 =	simm.s32 $0x14D00;
	v3 =	vadd.s32 v1, v3  }
0x4c5: {  	[hbm4b:s4+s2] =	stream.indirect_vreg.scatter [tilespmem:s6], [sflag:$0x4], $0x80, v4, vm1, $0xb8;
	[tilespmem:$0x1A100] =	vst v63  }
0x4c6: {  	s7 =	simm.s32 $0x15500  }
0x4c7: {  	[hbm4b:s17+s2] =	stream.indirect_vreg.scatter [tilespmem:s7], [sflag:$0x4], $0x80, v4, vm0, $0xb8;
	[tilespmem:$0x1A100] =	vst v63  }
0x4c8: {  	s8 =	simm.s32 $0x15900  }
0x4c9: {  	[hbm4b:s4+s2] =	stream.indirect_vreg.scatter [tilespmem:s8], [sflag:$0x4], $0x80, v3, vm1, $0xb8;
	[tilespmem:$0x1A100] =	vst v63  }
0x4ca: {  	s19 =	simm.s32 $0x16100  }
0x4cb: {  	[hbm4b:s17+s2] =	stream.indirect_vreg.scatter [tilespmem:s19], [sflag:$0x4], $0x80, v3, vm0, $0xb8;
	[tilespmem:$0x1A100] =	vst v63  }
0x4cc: {  	v3 =	vld [tilespmem:s25+$0x2410];
	_ =	sdelay $0x4  }
0x4cd: {  	v61 =	vshrl.u32 v3, $0x3  }
0x4ce: {  	v4 =	vmul.u32 $0x18, v61  }
0x4cf: {  	v3 =	vand.u32 $0x7, v3  }
0x4d0: {  	v3 =	vor.u32 v3, v4  }
0x4d1: {  	v4 =	vperm.xlane v3, v0;
	_ =	sdelay $0x1  }
0x4d2: {  	v4 =	vadd.s32 v1, v4;
	_ =	sdelay $0x1  }
0x4d3: {  	v3 =	vperm.xlane v3, v2;
	_ =	sdelay $0x1  }
0x4d4: {  	s20 =	simm.s32 $0x16500;
	v3 =	vadd.s32 v1, v3  }
0x4d5: {  	[hbm4b:s4+s2] =	stream.indirect_vreg.scatter [tilespmem:s20], [sflag:$0x4], $0x80, v4, vm1, $0xb8;
	[tilespmem:$0x1A100] =	vst v63  }
0x4d6: {  	s21 =	simm.s32 $0x16D00  }
0x4d7: {  	[hbm4b:s17+s2] =	stream.indirect_vreg.scatter [tilespmem:s21], [sflag:$0x4], $0x80, v4, vm0, $0xb8;
	[tilespmem:$0x1A100] =	vst v63  }
0x4d8: {  	s22 =	simm.s32 $0x17100  }
0x4d9: {  	[hbm4b:s4+s2] =	stream.indirect_vreg.scatter [tilespmem:s22], [sflag:$0x4], $0x80, v3, vm1, $0xb8;
	[tilespmem:$0x1A100] =	vst v63  }
0x4da: {  	s23 =	simm.s32 $0x17900  }
0x4db: {  	[hbm4b:s17+s2] =	stream.indirect_vreg.scatter [tilespmem:s23], [sflag:$0x4], $0x80, v3, vm0, $0xb8;
	[tilespmem:$0x1A100] =	vst v63  }
0x4dc: {  	v3 =	vld [tilespmem:s25+$0x2420];
	_ =	sdelay $0x4  }
0x4dd: {  	v62 =	vshrl.u32 v3, $0x3  }
0x4de: {  	v4 =	vmul.u32 $0x18, v62  }
0x4df: {  	v3 =	vand.u32 $0x7, v3  }
0x4e0: {  	v3 =	vor.u32 v3, v4  }
0x4e1: {  	v4 =	vperm.xlane v3, v0;
	_ =	sdelay $0x1  }
0x4e2: {  	v4 =	vadd.s32 v1, v4;
	_ =	sdelay $0x1  }
0x4e3: {  	v3 =	vperm.xlane v3, v2;
	_ =	sdelay $0x1  }
0x4e4: {  	s24 =	simm.s32 $0x17D00;
	v3 =	vadd.s32 v1, v3  }
0x4e5: {  	[hbm4b:s4+s2] =	stream.indirect_vreg.scatter [tilespmem:s24], [sflag:$0x4], $0x80, v4, vm1, $0xb8;
	[tilespmem:$0x1A100] =	vst v63  }
0x4e6: {  	s26 =	simm.s32 $0x18500  }
0x4e7: {  	[hbm4b:s17+s2] =	stream.indirect_vreg.scatter [tilespmem:s26], [sflag:$0x4], $0x80, v4, vm0, $0xb8;
	[tilespmem:$0x1A100] =	vst v63  }
0x4e8: {  	s28 =	simm.s32 $0x18900  }
0x4e9: {  	[hbm4b:s4+s2] =	stream.indirect_vreg.scatter [tilespmem:s28], [sflag:$0x4], $0x80, v3, vm1, $0xb8;
	[tilespmem:$0x1A100] =	vst v63  }
0x4ea: {  	s29 =	simm.s32 $0x19100  }
0x4eb: {  	[hbm4b:s17+s2] =	stream.indirect_vreg.scatter [tilespmem:s29], [sflag:$0x4], $0x80, v3, vm0, $0xb8;
	[tilespmem:$0x1A100] =	vst v63  }
0x4ec: {  	v3 =	vld.msk [tilespmem:s25+$0x2430], $0xff;
	_ =	sdelay $0x4  }
0x4ed: {  	v63 =	vshrl.u32 v3, $0x3  }
0x4ee: {  	v4 =	vmul.u32 $0x18, v63  }
0x4ef: {  	v3 =	vand.u32 $0x7, v3  }
0x4f0: {  	v3 =	vor.u32 v3, v4  }
0x4f1: {  	v3 =	vperm.xlane v3, v0;
	_ =	sdelay $0x1  }
0x4f2: {  	v3 =	vadd.s32 v1, v3  }
0x4f3: {  	s18 =	sadd.s32 $0x1, s18  }
0x4f4: {  	p0 =	sne.s32 s18, $0x21  }
.Ltmp7:
0x4f5: {  	_ = 	snop;
	(pc) =	sbr.rel @p0 .LBB2_2-.Ltmp7, $4  }
0x4f6: {  	s30 =	simm.s32 $0x19500  }
0x4f7: {  	[hbm4b:s4+s2] =	stream.indirect_vreg.scatter [tilespmem:s30], [sflag:$0x4], $0x80, v3, vm1, $0xb8;
	[tilespmem:$0x1A100] =	vst v63  }
0x4f8: {  	s31 =	simm.s32 $0x19D00  }
0x4f9: {  	[hbm4b:s17+s2] =	stream.indirect_vreg.scatter [tilespmem:s31], [sflag:$0x4], $0x80, v3, vm0, $0xb8;
	[tilespmem:$0x1A100] =	vst v63  }
0x4fa: {  	s0 =	simm.s32 $0x3  }
0x4fb: {  	_ =	swait.ge [sflag:s0], $0x5400  }
0x4fc: {  	[sflag:s0] =	ssyncset.done $0x0  }
0x4fd: {  	s1 =	simm.s32 $0x4;
	[sflag:s0] =	ssyncadd.s32 $0xFFFFAC00  }
0x4fe: {  	_ =	swait.ge [sflag:s1], $0x5400  }
0x4ff: {  	s3 =	rddreg [dreg:$0x9]  }
0x500: {  	s31 =	rddreg [dreg:$0x8];
	s3 =	sadd.s32 $0x1, s3  }
0x501: {  	p0 =	sne.s32 s3, s31  }
.Ltmp8:
0x502: {  	_ = 	snop;
	(pc) =	sbr.rel @p0 .LBB2_1-.Ltmp8, $3  }
0x503: {  	_ =	sdelay $0x1  }
0x504: {  	[sflag:s1] =	ssyncset.done $0x0  }
0x505: {  	[sflag:s1] =	ssyncadd.s32 $0xFFFFAC00  }
0x506: {  	_ =	sfence.sel $0x180000  }
0x507: {  	[bflag:$0x0] =	sbarrier.arrive $0xFFFF  }
0x508: {  	_ =	strace $0x9000004D  }
0x509: {  	s0 =	stileid.u32;
	[bflag:$0x2] =	sbarrier.arrive $0xFFFF  }
0x50a: {  	p0 =	sne.s32 s0, $0x0;
	s0 =	rddreg [dreg:$0x2]  }
0x50b: {  	s0 =	sadd.s32 @!p0 $0x100000, s0  }
0x50c: {  	[sflag:s0] =	ssyncadd.tile.s32 @!p0 $0x1;
	_ =	shalt  }
.Lfunc_end2:
_tile_overlayer_lowered:
.L_overlay_start_2:
0x50d: {  	(tag) =	ssettag $0x2  }
0x50e: {  	s0 =	rddreg [dreg:$0x0];
	s2 =	stileid.u32  }
0x50f: {  	s1 =	rddreg [dreg:$0x1];
	p0 =	sne.s32 s2, $0x0  }
0x510: {  	s3 =	rddreg [dreg:$0x2];
	[bflag:$0x3] =	sbarrier.arrive $0xFFFF;
	s2 =	simm.s32 @!p0 $0x1C05  }
0x511: {  	[timem:s3], [sflag:s2] =	dma.local @!p0 [hbm:s0], s1  }
0x512: {  	s0 =	simm.s32 @!p0 $0x5  }
0x513: {  	_ =	swait.ge @!p0 [sflag:s0], s1  }
0x514: {  	s1 =	ssub.s32 @!p0 $0x0, s1;
	[sflag:s0] =	ssyncset.done @!p0 $0x0  }
0x515: {  	[sflag:s0] =	ssyncadd.s32 @!p0 s1  }
0x516: {  	[bflag:$0x3] =	sbarrier.arrive $0xFFFF  }
0x517: {  	_ =	shalt  }

// kernel: sparse-core-data-format-call.1.cloned.1.call-start
scs
called_computation.1_lowered:
.L_overlay_start_0:
0x0: {  	s2 =	sld [smem:$0x3FD9]  }
0x1: {  	s3 =	sld [smem:$0x3FFE];
	_ =	sdelay $0x1  }
0x2: {  	s1 =	srdreg.scid  }
0x3: {  	s0 =	sand.u32 $0x1, s1  }
0x4: {  	s18 =	sshll.u32 s0, $0xA;
	s2 =	sadd.s32 s3, s2  }
0x5: {  	s2 =	sadd.s32 s2, s18  }
0x6: {  	[smem:$0x3FC2] =	sst s2  }
0x7: {  	_ = 	snop  }
0x8: {  	s2 =	sld [smem:$0x3FD0];
	(tm) =	ssettm $0x1  }
0x9: {  	s19 =	sld [smem:$0x3FFB];
	_ =	sdelay $0x3  }
0xa: {  	_ =	strace s19  }
0xb: {  	s3 =	sld [smem:$0x3FFC];
	_ =	sdelay $0x3  }
0xc: {  	_ =	strace s3  }
0xd: {  	s3 =	sld [smem:$0x3FFD];
	_ =	sdelay $0x3  }
0xe: {  	_ =	strace s3  }
0xf: {  	_ =	strace $0x8FFFFFFF  }
0x10: {  	s20 =	sld [smem:$0x3FDB];
	_ =	sdelay $0x1  }
0x11: {  	s4 =	simm.s32 $_scs_section_size  }
0x12: {  	s5 =	simm.s32 $_size__tile_overlayer_lowered;
	s6 =	simm.s32 $_tile_overlayer_lowered  }
0x13: {  	s23 =	simm.s32 $0x1BFF;
	s22 =	sshll.u32 s6, $0x1;
	s3 =	sadd.s32 s4, s20  }
0x14: {  	s7 =	simm.s32 $0x0;
	s21 =	sshll.u32 s5, $0x1;
	s5 =	sadd.s32 s22, s3  }
0x15: {  	[timem:s7], [sflag:s23] =	dma.local [hbm:s5], s21  }
0x16: {  	_ =	swait.ge [sflag:s23], s21  }
0x17: {  	s4 =	ssub.s32 $0x0, s21;
	[sflag:s23] =	ssyncset.done $0x0  }
0x18: {  	[sflag:s23] =	ssyncadd.s32 s4;
	_ =	sdelay $0x1  }
0x19: {  	s24 =	simm.s32 $0x1B8B  }
0x1a: {  	_ =	swait.ge [sflag:s24], $0x1  }
0x1b: {  	[sflag:s24] =	ssyncset.done $0x0  }
0x1c: {  	s26 =	simm.s32 $0x1B8E;
	s25 =	sld [smem:$0x3FFE];
	[sflag:s24] =	ssyncadd.s32 $0xFFFFFFFF  }
0x1d: {  	s27 =	simm.s32 $execute0_lowered;
	[smem:$0x3FD2] =	sst s26  }
0x1e: {  	s5 =	sshll.u32 s27, $0x1;
	_ =	strace $0x8000004F;
	[dreg:$0x1] =	wrdreg $0xFFFFFFFF  }
0x1f: {  	s28 =	simm.s32 $_size_execute0_lowered;
	s3 =	sadd.s32 s3, s5;
	[dreg:$0x0] =	wrdreg $0x0  }
0x20: {  	s5 =	sshll.u32 s28, $0x1;
	[dreg:$0x2] =	wrdreg s3  }
0x21: {  	[dreg:$0x3] =	wrdreg s5  }
0x22: {  	[dreg:$0x4] =	wrdreg $0xC0  }
0x23: {  	_ =	task [dreg:s7], $0x5FFFF  }
0x24: {  	[dreg:$0x1] =	wrdreg $0xFFFFFFFF  }
0x25: {  	[dreg:$0x0] =	wrdreg $0x60  }
0x26: {  	[dreg:$0x2] =	wrdreg s2  }
0x27: {  	[dreg:$0x3] =	wrdreg s25  }
0x28: {  	[dreg:$0x4] =	wrdreg $0x9  }
0x29: {  	_ =	task.clear_ibuf [dreg:s7], $0x5FFFF;
	_ =	strace $0x9000004F  }
0x2a: {  	s29 =	simm.s32 $0x9;
	_ =	strace $0x80000051  }
0x2b: {  	_ =	swait.ge [sflag:s29], $0x1  }
0x2c: {  	[sflag:s29] =	ssyncadd.s32 $0xFFFFFFFF  }
0x2d: {  	_ =	strace $0x90000051  }
0x2e: {  	_ =	sfence  }
0x2f: {  	s30 =	sld [smem:$0x0];
	_ =	sdelay $0x2  }
0x30: {  	s31 =	sshll.u32 s1, $0xD;
	s1 =	sshrl.u32 s1, $0x2  }
0x31: {  	s3 =	sand.u32 $0x4000, s31;
	s1 =	sadd.s32 s1, s30  }
0x32: {  	s0 =	sor.u32 s3, s0;
	s1 =	sshll.u32 s1, $0x11  }
0x33: {  	s0 =	sor.u32 s1, s0  }
0x34: {  	s0 =	sadd.s32 $0x8F2B, s0  }
0x35: {  	[sflag:s0] =	ssyncadd.remote.s32 $0x1  }
0x36: {  	_ =	sfence.sel $0xFFFF  }
0x37: {  	[dreg:$0x0] =	wrdreg $0xFFFFFFFF;
	(pc) =	sbr.abs _section_cstart, $3  }
0x38: {  	[dreg:$0x1] =	wrdreg $0xFFFFFFFF  }
0x39: {  	_ =	task.clear_ibuf [dreg:s7], $0x2FFFF;
	_ =	strace $0x9FFFFFFF  }
0x3a: {  	(tm) =	ssettm $0x7FFFFFFF  }
0x3b: {  	_ =	shalt  }
tec
execute0_lowered:
.L_overlay_start_1:
0x0: {  	(tag) =	ssettag $0x1  }
0x1: {  	s2 =	stileid.u32;
	s4 =	rddreg [dreg:$0x0]  }
0x2: {  	s0 =	srdreg.scid;
	s30 =	rddreg [dreg:$0x1]  }
0x3: {  	_ =	strace $0x80000050;
	s31 =	simm.s32 $0x2;
	s18 =	simm.s32 $0x0  }
0x4: {  	s1 =	sand.u32 $0x1, s2;
	s0 =	sshll.u32 s0, $0x3;
	s2 =	sshrl.u32 s2, $0x1  }
0x5: {  	s5 =	ssub.s32 $0x2, s1;
	s3 =	sand.u32 $0x8, s0;
	s6 =	ssub.s32 $0x15, s2  }
0x6: {  	s27 =	sshrl.u32 s5, $0x1;
	s5 =	sand.u32 $0x1, s5;
	s7 =	ssub.s32 $0x10, s3  }
0x7: {  	s28 =	sshrl.u32 s6, $0x3;
	s0 =	sadd.s32 s5, s27;
	s29 =	sshrl.u32 s7, $0x3  }
0x8: {  	s7 =	sshrl.u32 s7, $0x4;
	s6 =	sand.u32 $0x1, s29;
	s0 =	smul.u32 s0, s28  }
0x9: {  	s11 =	simm.s32 $0x6000;
	s12 =	simm.s32 $0x0;
	s6 =	sadd.s32 s7, s6  }
0xa: {  	s17 =	simm.s32 $0x0;
	s19 =	simm.s32 $0x0;
	s0 =	smul.u32 s6, s0  }
.Ltmp0:
0xb: {  	s20 =	simm.s32 $0x0;
	s13 =	simm.s32 $0x0;
	(pc) =	sbr.rel .LBB1_1-.Ltmp0, $4  }
0xc: {  	s16 =	simm.s32 $0x0;
	s26 =	simm.s32 $0x0;
	s14 =	smov.u32 s2  }
0xd: {  	s15 =	smov.u32 s1;
	s6 =	simm.s32 $0x1;
	s7 =	smul.u32 $0xC, s0  }
0xe: {  	s8 =	sshll.u32 s3, $0x5;
	s5 =	sadd.s32 $0x2000, s30;
	[sflag:s6] =	ssyncpa.u1 $0x0  }
0xf: {  	s8 =	sadd.s32 s4, s8;
	[sflag:s31] =	ssyncpa.u1 $0x0;
	s9 =	sor.u32 $0x1, s7  }
.LBB1_7:
0x10: {  	s0 =	sadd.s32 $0x8, s13  }
0x11: {  	s4 =	sadd.s32 $0x8, s14;
	s10 =	smov.u32 s14;
	p1 =	sgt.s32 s0, $0x5F  }
0x12: {  	s10 =	smov.u32 @p1 s4  }
0x13: {  	s17 =	sadd.s32 $0x2, s15;
	s21 =	smov.u32 s15;
	p2 =	sgt.s32 s10, $0xD  }
0x14: {  	s21 =	smov.u32 @p2 s17  }
0x15: {  	s0 =	simm.s32 @p1 $0x0;
	p1 =	sgt.s32 s21, $0x1  }
0x16: {  	p0 =	slt.u32 s16, $0x2;
	s21 =	smov.u32 @p1 s1;
	p1 =	sne.s32 s16, s9  }
.Ltmp1:
0x17: {  	s19 =	smov.u32 s14;
	s4 =	simm.s32 @!p0 $0x2;
	(pc) =	sbr.rel @!p1 .LBB1_8-.Ltmp1, $4  }
0x18: {  	s20 =	smov.u32 s15;
	s12 =	sadd.s32 $0x4000, s12;
	_ =	swait.ge @!p0 [sflag:s4], $0x4000  }
0x19: {  	s18 =	smov.u32 s3;
	[sflag:s4] =	ssyncset.done @!p0 $0x0;
	s10 =	smov.u32 @p2 s2  }
0x1a: {  	s17 =	smov.u32 s13;
	s13 =	smov.u32 s0;
	[sflag:s4] =	ssyncadd.s32 @!p0 $0xFFFFC000  }
0x1b: {  	s14 =	smov.u32 s10;
	s16 =	sadd.s32 $0x1, s16;
	s15 =	smov.u32 s21  }
.LBB1_1:
0x1c: {  	p0 =	sge.u32 s16, s7  }
0x1d: {  	s0 =	smul.u32 @!p0 $0xA8000, s15  }
0x1e: {  	s4 =	sxor.u32 @!p0 $0xFFFFFFFF, s16;
	s10 =	smul.u32 @!p0 $0xC000, s14  }
0x1f: {  	s31 =	sadd.s32 $0xFFFFFFFF, s16;
	s4 =	sshll.u32 @!p0 s4, $0xE;
	s0 =	sadd.s32 @!p0 s0, s8  }
0x20: {  	s21 =	sshll.u32 @!p0 s13, $0x9;
	s4 =	sand.u32 @!p0 $0x4000, s4;
	s0 =	sadd.s32 @!p0 s10, s0  }
0x21: {  	s10 =	simm.s32 @!p0 $0x800;
	s0 =	sadd.s32 @!p0 s21, s0;
	s21 =	simm.s32 @!p0 $0x1000  }
0x22: {  	[tilespmem:s4], [sflag:$0x1] =	stream.strided.gather @!p0 [hbm4b:s0+s10], $0x4000, s21, s10, $0x38;
	[tilespmem:$0x10000] =	vst v63  }
0x23: {  	p0 =	sge.u32 s31, s7  }
.Ltmp2:
0x24: {  	_ = 	snop;
	(pc) =	sbr.rel @p0 .LBB1_7-.Ltmp2, $1  }
0x25: {  	_ =	sdelay $0x3  }
0x26: {  	s0 =	sshll.u32 s12, $0x2;
	_ =	swait.ge [sflag:s6], $0x4000;
	s4 =	sshll.u32 s16, $0xE  }
0x27: {  	p0 =	por $0x0, $0x0;
	s27 =	simm.s32 $0x0;
	s28 =	simm.s32 $0x0  }
0x28: {  	s0 =	sand.u32 $0x10000, s0;
	[sflag:s6] =	ssyncset.done $0x0;
	s24 =	sand.u32 $0x4000, s4  }
0x29: {  	s0 =	sshrl.u32 s0, $0x2;
	[sflag:s6] =	ssyncadd.s32 $0xFFFFC000;
	s21 =	sor.u32 $0x8000, s24  }
0x2a: {  	s22 =	sor.u32 $0x40, s0;
	s23 =	sor.u32 $0x8410, s0;
	s25 =	sadd.s32 $0x8400, s0  }
.LBB1_3:
0x2b: {  	v1 =	vld [tilespmem:s22+$0xFFFFFFD0]  }
0x2c: {  	v2 =	vld [tilespmem:s22+$0x430]  }
0x2d: {  	s0 =	sshll.u32 s28, $0xB;
	v4 =	vld [tilespmem:s22+$0xFFFFFFE0]  }
0x2e: {  	v7 =	vld [tilespmem:s22+$0xFFFFFFF0];
	v0 =	vmov s0  }
0x2f: {  	v8 =	vld [tilespmem:s22+$0x0]  }
0x30: {  	s10 =	sand.u32 $0x300, s26;
	v9 =	vld [tilespmem:s22+$0x10]  }
0x31: {  	s4 =	sand.u32 $0x80, s26;
	v10 =	vld [tilespmem:s22+$0x20];
	s0 =	sadd.s32 s10, s24  }
0x32: {  	v11 =	vld [tilespmem:s22+$0x30];
	s0 =	sadd.s32 s4, s0;
	s4 =	simm.s32 $0x1;
	[tilespmem:s23+$0x60] =	vst v2  }
0x33: {  	s10 =	sshll.u32 s27, $0x2;
	s4 =	simm.s32 @!p0 $0x0;
	[tilespmem:s23+$0xFFFFFC00] =	vst v1;
	v3 =	vld.idx.msk [tilespmem:v0+s0+$0x400 ss:$0x1], $0xffff  }
0x34: {  	v6 =	vld [tilespmem:s22+$0x3D0];
	s4 =	sshll.u32 s4, $0x9;
	[tilespmem:s23+$0xFFFFFC10] =	vst v4;
	s0 =	sand.u32 $0xFFFFFC00, s10  }
0x35: {  	v5 =	vld [tilespmem:s22+$0x3E0];
	[tilespmem:s23+$0xFFFFFC20] =	vst v7;
	s0 =	sor.u32 s4, s0  }
0x36: {  	[tilespmem:s23+$0xFFFFFC30] =	vst v8;
	v4 =	vld [tilespmem:s22+$0x400];
	s0 =	sshrl.u32 s0, $0x2  }
0x37: {  	[tilespmem:s23+$0xFFFFFC40] =	vst v9;
	v1 =	vld [tilespmem:s22+$0x410];
	s29 =	sadd.s32 s0, s25  }
0x38: {  	[tilespmem:s29+$0x0] =	vst v3;
	v3 =	vld [tilespmem:s22+$0x3F0]  }
0x39: {  	s30 =	sadd.s32 $0x80, s22;
	[tilespmem:s23+$0xFFFFFC50] =	vst v10;
	v2 =	vld [tilespmem:s22+$0x420];
	s0 =	simm.s32 $0x80  }
0x3a: {  	s31 =	smov.u32 s23;
	v7 =	vld [tilespmem:s22+$0xFFFFFFC0];
	[tilespmem:s23+$0xFFFFFC60] =	vst v11;
	s4 =	simm.s32 $0x100;
	s10 =	sand.u32 $0x300, s0  }
.LBB1_4:
0x3b: {  	p1 =	sne.s32 s4, $0x380;
	v8 =	vld [tilespmem:s30+$0xFFFFFFD0];
	s0 =	sand.u32 $0x80, s0;
	s10 =	sadd.s32 s10, s24;
	[tilespmem:s31+$0x0] =	vst v6  }
0x3c: {  	s10 =	sadd.s32 s0, s10;
	v6 =	vld [tilespmem:s30+$0x430];
	[tilespmem:s31+$0x10] =	vst v5;
	s0 =	smov.u32 s4  }
0x3d: {  	v5 =	vld.idx.msk [tilespmem:v0+s10+$0x400 ss:$0x1], $0xffff;
	[tilespmem:s31+$0x20] =	vst v3  }
0x3e: {  	v3 =	vld [tilespmem:s30+$0xFFFFFFE0];
	[tilespmem:s31+$0x30] =	vst v4  }
0x3f: {  	v4 =	vld [tilespmem:s30+$0xFFFFFFF0];
	[tilespmem:s31+$0xFFFFFBF0] =	vst v7  }
0x40: {  	v7 =	vld [tilespmem:s30+$0x0];
	[tilespmem:s31+$0x40] =	vst v1  }
0x41: {  	v1 =	vld [tilespmem:s30+$0x10];
	[tilespmem:s31+$0x50] =	vst v2;
	s31 =	sadd.s32 $0x800, s31  }
0x42: {  	s29 =	sadd.s32 $0x800, s29;
	v2 =	vld [tilespmem:s30+$0x20];
	[tilespmem:s31+$0x60] =	vst v6  }
0x43: {  	v9 =	vld [tilespmem:s30+$0x30];
	[tilespmem:s29+$0x0] =	vst v5  }
0x44: {  	[tilespmem:s31+$0xFFFFFC00] =	vst v8;
	v6 =	vld [tilespmem:s30+$0x3D0]  }
0x45: {  	[tilespmem:s31+$0xFFFFFC10] =	vst v3;
	v5 =	vld [tilespmem:s30+$0x3E0]  }
.Ltmp3:
0x46: {  	[tilespmem:s31+$0xFFFFFC20] =	vst v4;
	v3 =	vld [tilespmem:s30+$0x3F0];
	(pc) =	sbr.rel @p1 .LBB1_4-.Ltmp3, $4  }
0x47: {  	[tilespmem:s31+$0xFFFFFC30] =	vst v7;
	v4 =	vld [tilespmem:s30+$0x400]  }
0x48: {  	[tilespmem:s31+$0xFFFFFC40] =	vst v1;
	v1 =	vld [tilespmem:s30+$0x410]  }
0x49: {  	[tilespmem:s31+$0xFFFFFC50] =	vst v2;
	v2 =	vld [tilespmem:s30+$0x420]  }
0x4a: {  	s4 =	sadd.s32 $0x80, s4;
	s10 =	sand.u32 $0x300, s0;
	v7 =	vld [tilespmem:s30+$0xFFFFFFC0];
	[tilespmem:s31+$0xFFFFFC60] =	vst v9;
	s30 =	sadd.s32 $0x80, s30  }
0x4b: {  	[tilespmem:s31+$0x0] =	vst v6  }
0x4c: {  	[tilespmem:s31+$0x10] =	vst v5  }
0x4d: {  	v49 =	vld [tilespmem:s30+$0x430];
	[tilespmem:s31+$0x20] =	vst v3  }
0x4e: {  	v50 =	vld [tilespmem:s30+$0xFFFFFFD0];
	[tilespmem:s31+$0x30] =	vst v4  }
0x4f: {  	v51 =	vld [tilespmem:s30+$0xFFFFFFE0];
	[tilespmem:s31+$0x40] =	vst v1  }
0x50: {  	v52 =	vld [tilespmem:s30+$0xFFFFFFF0];
	[tilespmem:s31+$0x50] =	vst v2  }
0x51: {  	s4 =	sadd.s32 s10, s24;
	s10 =	sadd.s32 $0x800, s31;
	v53 =	vld [tilespmem:s30+$0x0];
	[tilespmem:s31+$0xFFFFFBF0] =	vst v7  }
0x52: {  	v54 =	vld [tilespmem:s30+$0x10];
	[tilespmem:s10+$0x60] =	vst v49  }
0x53: {  	v55 =	vld [tilespmem:s30+$0x20];
	[tilespmem:s10+$0xFFFFFC00] =	vst v50  }
0x54: {  	v56 =	vld [tilespmem:s30+$0x30];
	[tilespmem:s10+$0xFFFFFC10] =	vst v51  }
0x55: {  	v57 =	vld [tilespmem:s30+$0x3D0];
	[tilespmem:s10+$0xFFFFFC20] =	vst v52  }
0x56: {  	v58 =	vld [tilespmem:s30+$0x3E0];
	[tilespmem:s10+$0xFFFFFC30] =	vst v53  }
0x57: {  	v59 =	vld [tilespmem:s30+$0x3F0];
	[tilespmem:s10+$0xFFFFFC40] =	vst v54  }
0x58: {  	v60 =	vld [tilespmem:s30+$0x400];
	[tilespmem:s10+$0xFFFFFC50] =	vst v55  }
0x59: {  	v61 =	vld [tilespmem:s30+$0xFFFFFFC0];
	[tilespmem:s10+$0xFFFFFC60] =	vst v56  }
0x5a: {  	s0 =	sand.u32 $0x80, s0;
	v62 =	vld [tilespmem:s30+$0x410];
	[tilespmem:s10+$0x0] =	vst v57  }
0x5b: {  	v63 =	vld [tilespmem:s30+$0x420];
	s28 =	sadd.s32 $0x1, s28;
	s0 =	sadd.s32 s0, s4;
	[tilespmem:s10+$0x10] =	vst v58  }
0x5c: {  	p1 =	sne.s32 s28, $0x8;
	v0 =	vld.idx.msk [tilespmem:v0+s0+$0x400 ss:$0x1], $0xffff;
	[tilespmem:s10+$0x20] =	vst v59  }
.Ltmp4:
0x5d: {  	[tilespmem:s10+$0x30] =	vst v60;
	(pc) =	sbr.rel @p1 .LBB1_3-.Ltmp4, $4  }
0x5e: {  	[tilespmem:s10+$0xFFFFFBF0] =	vst v61  }
0x5f: {  	[tilespmem:s10+$0x40] =	vst v62  }
0x60: {  	s22 =	sadd.s32 $0x800, s22;
	s31 =	sadd.s32 $0x800, s29;
	[tilespmem:s10+$0x50] =	vst v63  }
0x61: {  	s27 =	sadd.s32 $0x80, s27;
	p0 =	por !p0, !p0;
	s23 =	sadd.s32 $0x80, s23;
	[tilespmem:s31+$0x0] =	vst v0  }
0x62: {  	s0 =	sshll.u32 s17, $0x8;
	s4 =	sshll.u32 s17, $0x7  }
0x63: {  	s0 =	sand.u32 $0xFFFFF800, s0;
	s4 =	sand.u32 $0x300, s4  }
0x64: {  	s10 =	smul.u32 $0xA8000, s20;
	s0 =	sor.u32 s4, s0  }
0x65: {  	s19 =	smul.u32 $0xC000, s19;
	s0 =	sshrl.u32 s0, $0x8  }
0x66: {  	s28 =	smulhi.u32 $0x2AAAAAB, s0  }
0x67: {  	s18 =	smul.u32 $0xC00, s18  }
0x68: {  	s10 =	sadd.s32 s5, s10;
	s4 =	smul.u32 $0x60, s28  }
.Ltmp5:
0x69: {  	s29 =	sshll.u32 s17, $0x4;
	s10 =	sadd.s32 s19, s10;
	(pc) =	sbr.rel .LBB1_7-.Ltmp5, $4  }
0x6a: {  	s30 =	sand.u32 $0x10, s29;
	s10 =	sadd.s32 s18, s10;
	s0 =	ssub.s32 s0, s4  }
0x6b: {  	s4 =	sadd.s32 s30, s10;
	s0 =	sshll.u32 s0, $0x5  }
0x6c: {  	s31 =	simm.s32 $0x800;
	s0 =	sadd.s32 s0, s4  }
0x6d: {  	[hbm4b:s0+s31] =	stream.strided.scatter [tilespmem:s21], [sflag:$0x2], $0x4000, s11, s31, $0x38;
	[tilespmem:$0x10000] =	vst v63  }
.LBB1_8:
0x6e: {  	_ =	sfence.sel $0x180000  }
0x6f: {  	s0 =	simm.s32 $0x1;
	[bflag:$0x0] =	sbarrier.arrive $0xFFFF  }
0x70: {  	s30 =	simm.s32 $0x2;
	[sflag:s0] =	ssyncpa.u1 $0x1  }
0x71: {  	[sflag:s30] =	ssyncpa.u1 $0x1  }
0x72: {  	_ =	strace $0x90000050  }
0x73: {  	s31 =	stileid.u32;
	[bflag:$0x2] =	sbarrier.arrive $0xFFFF  }
0x74: {  	p0 =	sne.s32 s31, $0x0;
	s0 =	rddreg [dreg:$0x2]  }
0x75: {  	s0 =	sadd.s32 @!p0 $0x100000, s0  }
0x76: {  	[sflag:s0] =	ssyncadd.tile.s32 @!p0 $0x1;
	_ =	shalt  }
.Lfunc_end1:
_tile_overlayer_lowered:
.L_overlay_start_2:
0x77: {  	(tag) =	ssettag $0x2  }
0x78: {  	s0 =	rddreg [dreg:$0x0];
	s2 =	stileid.u32  }
0x79: {  	s1 =	rddreg [dreg:$0x1];
	p0 =	sne.s32 s2, $0x0  }
0x7a: {  	s3 =	rddreg [dreg:$0x2];
	[bflag:$0x3] =	sbarrier.arrive $0xFFFF;
	s2 =	simm.s32 @!p0 $0x1C01  }
0x7b: {  	[timem:s3], [sflag:s2] =	dma.local @!p0 [hbm:s0], s1  }
0x7c: {  	s0 =	simm.s32 @!p0 $0x1  }
0x7d: {  	_ =	swait.ge @!p0 [sflag:s0], s1  }
0x7e: {  	s1 =	ssub.s32 @!p0 $0x0, s1;
	[sflag:s0] =	ssyncset.done @!p0 $0x0  }
0x7f: {  	[sflag:s0] =	ssyncadd.s32 @!p0 s1  }
0x80: {  	[bflag:$0x3] =	sbarrier.arrive $0xFFFF  }
0x81: {  	_ =	shalt  }

// kernel: sparse-core-data-format-call.2.cloned.1.call-start
scs
called_computation.2_lowered:
.L_overlay_start_0:
0x0: {  	s1 =	sld [smem:$0x3FD9]  }
0x1: {  	s2 =	sld [smem:$0x3FFE];
	_ =	sdelay $0x1  }
0x2: {  	s3 =	srdreg.scid  }
0x3: {  	s0 =	sand.u32 $0x1, s3  }
0x4: {  	s17 =	sshll.u32 s0, $0xA;
	s1 =	sadd.s32 s2, s1  }
0x5: {  	s1 =	sadd.s32 s1, s17  }
0x6: {  	[smem:$0x3FC2] =	sst s1  }
0x7: {  	_ = 	snop  }
0x8: {  	(tm) =	ssettm $0x1  }
0x9: {  	s18 =	sld [smem:$0x3FFB];
	_ =	sdelay $0x3  }
0xa: {  	_ =	strace s18  }
0xb: {  	s1 =	sld [smem:$0x3FFC];
	_ =	sdelay $0x3  }
0xc: {  	_ =	strace s1  }
0xd: {  	s1 =	sld [smem:$0x3FFD];
	_ =	sdelay $0x3  }
0xe: {  	_ =	strace s1  }
0xf: {  	_ =	strace $0x8FFFFFFF  }
0x10: {  	s19 =	sld [smem:$0x3FDB];
	_ =	sdelay $0x1  }
0x11: {  	s20 =	simm.s32 $_scs_section_size  }
0x12: {  	s4 =	simm.s32 $_size__tile_overlayer_lowered;
	s5 =	simm.s32 $_tile_overlayer_lowered  }
0x13: {  	s23 =	simm.s32 $0x1BFF;
	s22 =	sshll.u32 s5, $0x1;
	s1 =	sadd.s32 s20, s19  }
0x14: {  	s6 =	simm.s32 $0x0;
	s21 =	sshll.u32 s4, $0x1;
	s4 =	sadd.s32 s22, s1  }
0x15: {  	[timem:s6], [sflag:s23] =	dma.local [hbm:s4], s21  }
0x16: {  	_ =	swait.ge [sflag:s23], s21  }
0x17: {  	s2 =	ssub.s32 $0x0, s21;
	[sflag:s23] =	ssyncset.done $0x0  }
0x18: {  	[sflag:s23] =	ssyncadd.s32 s2;
	_ =	sdelay $0x1  }
0x19: {  	s24 =	simm.s32 $0x1B8B  }
0x1a: {  	_ =	swait.ge [sflag:s24], $0x1  }
0x1b: {  	[sflag:s24] =	ssyncset.done $0x0  }
0x1c: {  	s26 =	simm.s32 $0x1B8E;
	s25 =	sld [smem:$0x3FFE];
	[sflag:s24] =	ssyncadd.s32 $0xFFFFFFFF  }
0x1d: {  	s27 =	simm.s32 $execute0_lowered;
	[smem:$0x3FD2] =	sst s26  }
0x1e: {  	s4 =	sshll.u32 s27, $0x1;
	_ =	strace $0x80000049;
	[dreg:$0x1] =	wrdreg $0xFFFFFFFF  }
0x1f: {  	s28 =	simm.s32 $_size_execute0_lowered;
	s1 =	sadd.s32 s1, s4;
	[dreg:$0x0] =	wrdreg $0x0  }
0x20: {  	s4 =	sshll.u32 s28, $0x1;
	[dreg:$0x2] =	wrdreg s1  }
0x21: {  	[dreg:$0x3] =	wrdreg s4  }
0x22: {  	[dreg:$0x4] =	wrdreg $0xC0  }
0x23: {  	_ =	task [dreg:s6], $0x5FFFF  }
0x24: {  	[dreg:$0x1] =	wrdreg $0xFFFFFFFF  }
0x25: {  	[dreg:$0x0] =	wrdreg $0x60  }
0x26: {  	[dreg:$0x2] =	wrdreg s25  }
0x27: {  	[dreg:$0x3] =	wrdreg $0x9  }
0x28: {  	_ =	task.clear_ibuf [dreg:s6], $0x4FFFF;
	_ =	strace $0x90000049  }
0x29: {  	s29 =	simm.s32 $0x9;
	_ =	strace $0x8000004B  }
0x2a: {  	_ =	swait.ge [sflag:s29], $0x1  }
0x2b: {  	[sflag:s29] =	ssyncadd.s32 $0xFFFFFFFF  }
0x2c: {  	_ =	strace $0x9000004B  }
0x2d: {  	_ =	sfence  }
0x2e: {  	s30 =	sld [smem:$0x0];
	_ =	sdelay $0x2  }
0x2f: {  	s31 =	sshll.u32 s3, $0xD;
	s3 =	sshrl.u32 s3, $0x2  }
0x30: {  	s2 =	sand.u32 $0x4000, s31;
	s1 =	sadd.s32 s3, s30  }
0x31: {  	s0 =	sor.u32 s2, s0;
	s1 =	sshll.u32 s1, $0x11  }
0x32: {  	s0 =	sor.u32 s1, s0  }
0x33: {  	s0 =	sadd.s32 $0x8F2B, s0  }
0x34: {  	[sflag:s0] =	ssyncadd.remote.s32 $0x1  }
0x35: {  	_ =	sfence.sel $0xFFFF  }
0x36: {  	[dreg:$0x0] =	wrdreg $0xFFFFFFFF;
	(pc) =	sbr.abs _section_cstart, $3  }
0x37: {  	[dreg:$0x1] =	wrdreg $0xFFFFFFFF  }
0x38: {  	_ =	task.clear_ibuf [dreg:s6], $0x2FFFF;
	_ =	strace $0x9FFFFFFF  }
0x39: {  	(tm) =	ssettm $0x7FFFFFFF  }
tec
execute0_lowered:
.L_overlay_start_1:
0x0: {  	(tag) =	ssettag $0x1  }
0x1: {  	s2 =	stileid.u32;
	s1 =	rddreg [dreg:$0x0]  }
0x2: {  	s24 =	srdreg.scid;
	_ =	strace $0x8000004A;
	s29 =	simm.s32 $0x1  }
0x3: {  	s31 =	simm.s32 $0x2;
	s21 =	simm.s32 $0x0;
	s23 =	simm.s32 $0x0  }
0x4: {  	s22 =	simm.s32 $0x0;
	s12 =	simm.s32 $0x0;
	s13 =	simm.s32 $0x0  }
0x5: {  	s14 =	simm.s32 $0x0;
	s15 =	simm.s32 $0x0;
	s16 =	simm.s32 $0x0  }
0x6: {  	s18 =	simm.s32 $0x0;
	s20 =	simm.s32 $0x0;
	s0 =	sshll.u32 s2, $0x2  }
0x7: {  	s8 =	sand.u32 $0x3, s2;
	s9 =	sand.u32 $0x1, s24;
	s30 =	sadd.s32 $0x315A00, s1  }
0x8: {  	[sflag:s29] =	ssyncpa.u1 $0x0;
	s24 =	simm.s32 $0x0;
	s7 =	sand.u32 $0x30, s0  }
0x9: {  	s3 =	ssub.s32 $0x30, s8;
	s26 =	ssub.s32 $0x2, s9;
	s0 =	ssub.s32 $0x2D, s7  }
0xa: {  	s4 =	sshll.u32 s9, $0x4;
	[dreg:$0x6] =	wrdreg s30;
	p0 =	sgt.s32 s0, $0x0  }
0xb: {  	[dreg:$0x3] =	wrdreg s8;
	s25 =	sshrl.u32 s3, $0x2;
	s0 =	simm.s32 @!p0 $0x0  }
0xc: {  	[dreg:$0x4] =	wrdreg s9;
	s2 =	smul.u32 $0x19, s25;
	s0 =	sand.u32 $0x3D, s0  }
0xd: {  	s27 =	sshrl.u32 s26, $0x1;
	s28 =	sadd.s32 s4, s1;
	p0 =	seq.s32 s0, $0x0  }
.Ltmp0:
0xe: {  	s0 =	ssub.s32 s26, s27;
	s2 =	simm.s32 @p0 $0x0;
	(pc) =	sbr.rel .LBB1_1-.Ltmp0, $4  }
0xf: {  	[dreg:$0x2] =	wrdreg s7;
	s11 =	sadd.s32 $0x18A000, s28;
	s10 =	smul.u32 s0, s2  }
0x10: {  	[sflag:s31] =	ssyncpa.u1 $0x0;
	s19 =	smov.u32 s8;
	[dreg:$0x7] =	wrdreg s11  }
0x11: {  	s17 =	smov.u32 s7;
	s26 =	sadd.s32 $0x1, s10;
	[dreg:$0x5] =	wrdreg s10  }
0x12: {  	s25 =	simm.s32 $0x0;
	p0 =	por $0x0, $0x0;
	[dreg:$0x8] =	wrdreg s26  }
.LBB1_11:
0x13: {  	s1 =	rddreg [dreg:$0x9]  }
0x14: {  	p1 =	sgt.s32 s12, $0x7;
	s2 =	smul.u32 $0x7080, s15;
	s4 =	rddreg [dreg:$0x6]  }
0x15: {  	s0 =	smov.u32 s12;
	s11 =	smul.u32 $0x280, s13;
	s26 =	rddreg [dreg:$0xa]  }
0x16: {  	s3 =	sshll.u32 s14, $0x7;
	s25 =	smul.u32 $0x13C680, s25;
	s29 =	rddreg [dreg:$0xb]  }
0x17: {  	s27 =	sshll.u32 s12, $0x4;
	s7 =	rddreg [dreg:$0x2];
	s0 =	simm.s32 @!p1 $0x7  }
0x18: {  	s30 =	simm.s32 $0x80;
	s8 =	rddreg [dreg:$0x3];
	s0 =	sadd.s32 s1, s0  }
0x19: {  	s31 =	simm.s32 $0x1400;
	s9 =	rddreg [dreg:$0x4];
	s1 =	sadd.s32 $0xFFFFFFF9, s0  }
0x1a: {  	s2 =	sadd.s32 s4, s2;
	s0 =	ssub.s32 $0x8, s0;
	p1 =	sgt.s32 s1, $0x0  }
0x1b: {  	s10 =	rddreg [dreg:$0x5];
	s2 =	sadd.s32 s3, s2;
	s0 =	simm.s32 @p1 $0x0  }
0x1c: {  	s28 =	sand.u32 $0x70, s27;
	s1 =	sadd.s32 s11, s2;
	s0 =	smul.u32 s0, s26  }
0x1d: {  	s3 =	sor.u32 $0x1000, s29;
	s11 =	rddreg [dreg:$0x7];
	s1 =	sadd.s32 s25, s1  }
0x1e: {  	s1 =	sadd.s32 s28, s1;
	s26 =	rddreg [dreg:$0x8];
	s0 =	sand.u32 $0x3FFFFF80, s0  }
0x1f: {  	[hbm4b:s1+s30] =	stream.strided.scatter [tilespmem:s3], [sflag:$0x2], s0, s31, s30, $0x38;
	[tilespmem:$0x2000] =	vst v63  }
.LBB1_12:
0x20: {  	p1 =	slt.u32 s20, $0x2  }
0x21: {  	s0 =	smov.u32 s24;
	s2 =	smov.u32 s23;
	p2 =	sgt.s32 @!p1 s24, $0x2C  }
0x22: {  	s1 =	sshra.s32 @!p1 s24, $0x1F;
	s3 =	sshra.s32 @!p1 s23, $0x1F;
	p2 =	por !p2, p1  }
0x23: {  	p3 =	sgt.s32 @!p1 s22, $0x4;
	s0 =	simm.s32 @p2 $0x2C;
	p2 =	sgt.s32 @!p1 s23, $0x1D  }
0x24: {  	s1 =	sand.u32 @!p1 s1, s24;
	p3 =	por !p3, p1;
	p2 =	por !p2, p1  }
0x25: {  	s0 =	ssub.s32 @!p1 s0, s1;
	s1 =	sand.u32 @!p1 s3, s23;
	s2 =	simm.s32 @p2 $0x1D  }
0x26: {  	s3 =	sshra.s32 @!p1 s22, $0x1F;
	s0 =	sadd.s32 @!p1 $0xFFFFFFD4, s0;
	s1 =	ssub.s32 @!p1 s2, s1  }
0x27: {  	s3 =	sand.u32 @!p1 s3, s22;
	p2 =	sgt.s32 @!p1 s0, $0x0;
	s2 =	sadd.s32 @!p1 $0xFFFFFFE3, s1  }
0x28: {  	s0 =	sshll.u32 @!p1 s0, $0x7;
	p4 =	sgt.s32 @!p1 s2, $0xF;
	s2 =	smov.u32 s22  }
0x29: {  	s1 =	ssub.s32 @!p1 $0x2D, s1;
	s0 =	ssub.s32 @!p1 $0x80, s0;
	s2 =	simm.s32 @p3 $0x4  }
0x2a: {  	p2 =	por !p2, p1;
	p3 =	sgt.s32 @!p1 s21, $0x7;
	s2 =	ssub.s32 @!p1 s2, s3  }
0x2b: {  	p5 =	por !p3, p1;
	s3 =	smov.u32 s21;
	s4 =	sadd.s32 @!p1 $0xFFFFFFFC, s2  }
0x2c: {  	p3 =	por !p4, p1;
	p4 =	sgt.s32 @!p1 s4, $0x0;
	s4 =	sshra.s32 @!p1 s21, $0x1F  }
0x2d: {  	s0 =	simm.s32 @!p2 $0x0;
	s3 =	simm.s32 @p5 $0x7;
	s4 =	sand.u32 @!p1 s4, s21  }
0x2e: {  	s2 =	ssub.s32 @!p1 $0x5, s2;
	p4 =	por !p4, p1;
	s3 =	ssub.s32 @!p1 s3, s4  }
0x2f: {  	s1 =	simm.s32 @!p3 $0x0;
	s2 =	simm.s32 @!p4 $0x0;
	s4 =	sadd.s32 @!p1 $0xFFFFFFF9, s3  }
0x30: {  	s0 =	smul.u32 @!p1 s2, s0;
	s2 =	ssub.s32 @!p1 $0x8, s3;
	p2 =	sgt.s32 @!p1 s4, $0x0  }
0x31: {  	s3 =	sadd.s32 $0x1, s16;
	s4 =	smov.u32 s17;
	p3 =	por !p2, p1  }
0x32: {  	s0 =	smul.u32 @!p1 s1, s0;
	p2 =	sgt.s32 s3, $0x4;
	s1 =	sadd.s32 $0x40, s17  }
0x33: {  	s5 =	sadd.s32 $0x4, s19;
	s6 =	smov.u32 s19;
	s4 =	smov.u32 @p2 s1  }
0x34: {  	s2 =	simm.s32 @!p3 $0x0;
	s1 =	simm.s32 $0x1;
	p3 =	sgt.s32 s4, $0x2C  }
0x35: {  	p0 =	por !p0, !p0;
	s25 =	smov.u32 s9;
	s1 =	simm.s32 @!p3 $0x0  }
0x36: {  	s24 =	smov.u32 s15;
	s15 =	smov.u32 s19;
	s1 =	sadd.s32 s1, s18  }
0x37: {  	s23 =	smov.u32 s13;
	s13 =	smov.u32 s17;
	p4 =	sgt.s32 s1, $0x4  }
0x38: {  	s22 =	smov.u32 s14;
	s14 =	smov.u32 s18;
	s6 =	smov.u32 @p4 s5  }
0x39: {  	s3 =	simm.s32 @p2 $0x0;
	s0 =	smul.u32 @!p1 s2, s0;
	p2 =	sgt.s32 s6, $0x2C  }
0x3a: {  	s21 =	smov.u32 s12;
	s6 =	smov.u32 @p2 s8;
	p2 =	sne.s32 s20, s26  }
.Ltmp1:
0x3b: {  	s2 =	simm.s32 @!p1 $0x2;
	s0 =	sand.u32 @!p1 $0x3FFFFF80, s0;
	(pc) =	sbr.rel @!p2 .LBB1_13-.Ltmp1, $4  }
0x3c: {  	s12 =	smov.u32 s16;
	s16 =	smov.u32 s3;
	_ =	swait.ge @!p1 [sflag:s2], s0  }
0x3d: {  	s4 =	smov.u32 @p3 s7;
	s0 =	ssub.s32 @!p1 $0x0, s0;
	[sflag:s2] =	ssyncset.done @!p1 $0x0  }
0x3e: {  	s17 =	smov.u32 s4;
	s1 =	simm.s32 @p4 $0x0;
	[sflag:s2] =	ssyncadd.s32 @!p1 s0  }
0x3f: {  	s18 =	smov.u32 s1;
	s20 =	sadd.s32 $0x1, s20;
	s19 =	smov.u32 s6  }
.LBB1_1:
0x40: {  	p1 =	sge.u32 s20, s10  }
0x41: {  	p2 =	sgt.s32 @!p1 s19, $0x2C  }
0x42: {  	s0 =	smov.u32 s19;
	p2 =	por !p2, p1  }
0x43: {  	s2 =	smov.u32 s18;
	s0 =	simm.s32 @p2 $0x2C;
	p2 =	sgt.s32 @!p1 s18, $0x4  }
0x44: {  	s1 =	sshra.s32 @!p1 s19, $0x1F;
	s3 =	sshra.s32 @!p1 s18, $0x1F;
	p2 =	por !p2, p1  }
0x45: {  	s1 =	sand.u32 @!p1 s1, s19;
	s3 =	sand.u32 @!p1 s3, s18;
	s2 =	simm.s32 @p2 $0x4  }
0x46: {  	p3 =	sgt.s32 @!p1 s17, $0x1D;
	s0 =	ssub.s32 @!p1 s0, s1;
	s1 =	ssub.s32 @!p1 s2, s3  }
0x47: {  	p3 =	por !p3, p1;
	s0 =	sadd.s32 @!p1 $0xFFFFFFD4, s0;
	s2 =	sadd.s32 @!p1 $0xFFFFFFFC, s1  }
0x48: {  	s3 =	sshra.s32 @!p1 s17, $0x1F;
	s1 =	ssub.s32 @!p1 $0x5, s1;
	p2 =	sgt.s32 @!p1 s2, $0x0  }
0x49: {  	s3 =	sand.u32 @!p1 s3, s17;
	s2 =	smov.u32 s17;
	p2 =	por !p2, p1  }
0x4a: {  	s2 =	simm.s32 @p3 $0x1D;
	p3 =	sgt.s32 @!p1 s16, $0x4;
	s1 =	simm.s32 @!p2 $0x0  }
0x4b: {  	s2 =	ssub.s32 @!p1 s2, s3;
	p2 =	por !p3, p1;
	s3 =	smov.u32 s16  }
0x4c: {  	p3 =	sgt.s32 @!p1 s0, $0x0;
	s0 =	sshll.u32 @!p1 s0, $0x7;
	s4 =	sadd.s32 @!p1 $0xFFFFFFE3, s2  }
0x4d: {  	s3 =	simm.s32 @p2 $0x4;
	p2 =	sgt.s32 @!p1 s4, $0xF;
	s4 =	sshra.s32 @!p1 s16, $0x1F  }
0x4e: {  	s0 =	ssub.s32 @!p1 $0x80, s0;
	p3 =	por !p3, p1;
	s4 =	sand.u32 @!p1 s4, s16  }
0x4f: {  	s2 =	ssub.s32 @!p1 $0x2D, s2;
	s0 =	simm.s32 @!p3 $0x0;
	s3 =	ssub.s32 @!p1 s3, s4  }
0x50: {  	p2 =	por !p2, p1;
	s0 =	smul.u32 @!p1 s1, s0;
	s4 =	sadd.s32 @!p1 $0xFFFFFFFC, s3  }
0x51: {  	s2 =	simm.s32 @!p2 $0x0;
	p2 =	sgt.s32 @!p1 s4, $0x0  }
0x52: {  	s1 =	ssub.s32 @!p1 $0x5, s3;
	s0 =	smul.u32 @!p1 s2, s0;
	p2 =	por !p2, p1  }
0x53: {  	s1 =	simm.s32 @!p2 $0x0  }
0x54: {  	s0 =	smul.u32 @!p1 s1, s0  }
0x55: {  	s1 =	smul.u32 @!p1 $0x8CA0, s19  }
0x56: {  	s2 =	sxor.u32 @!p1 $0xFFFFFFFF, s20;
	s3 =	smul.u32 @!p1 $0x1C20, s18  }
0x57: {  	s2 =	sshll.u32 @!p1 s2, $0xB;
	s4 =	smul.u32 @!p1 $0xA0, s17;
	s1 =	sadd.s32 @!p1 s1, s11  }
0x58: {  	s31 =	sadd.s32 $0xFFFFFFFF, s20;
	s2 =	sand.u32 @!p1 $0x800, s2;
	s1 =	sadd.s32 @!p1 s3, s1  }
0x59: {  	s0 =	sand.u32 @!p1 $0x3FFFFF80, s0;
	s3 =	sshll.u32 @!p1 s16, $0x5;
	s1 =	sadd.s32 @!p1 s4, s1  }
0x5a: {  	s4 =	simm.s32 @!p1 $0x500;
	s1 =	sadd.s32 @!p1 s3, s1;
	s3 =	simm.s32 @!p1 $0x80  }
0x5b: {  	[tilespmem:s2], [sflag:$0x1] =	stream.strided.gather @!p1 [hbm4b:s1+s3], s0, s4, s3, $0x38;
	[tilespmem:$0x2000] =	vst v63  }
0x5c: {  	p1 =	sge.u32 s31, s10  }
.Ltmp2:
0x5d: {  	_ = 	snop;
	(pc) =	sbr.rel @p1 .LBB1_12-.Ltmp2, $1  }
0x5e: {  	_ =	sdelay $0x3  }
0x5f: {  	p1 =	sgt.s32 s15, $0x2C;
	s0 =	smov.u32 s15  }
0x60: {  	s1 =	sshra.s32 s15, $0x1F;
	s2 =	smov.u32 s14;
	s3 =	sshra.s32 s14, $0x1F  }
0x61: {  	p2 =	sgt.s32 s13, $0x1D;
	s5 =	sshra.s32 s13, $0x1F;
	s7 =	ssub.s32 $0x0, s12  }
0x62: {  	s0 =	simm.s32 @!p1 $0x2C;
	s1 =	sand.u32 s1, s15;
	p1 =	sgt.s32 s14, $0x4  }
0x63: {  	s3 =	sand.u32 s3, s14;
	s0 =	ssub.s32 s0, s1;
	s2 =	simm.s32 @!p1 $0x4  }
0x64: {  	s8 =	sshra.s32 s12, $0x1F;
	s4 =	sadd.s32 $0xFFFFFFD4, s0;
	s1 =	ssub.s32 s2, s3  }
0x65: {  	s0 =	ssub.s32 $0x2D, s0;
	s3 =	sand.u32 s5, s13;
	p1 =	sgt.s32 s4, $0x0  }
0x66: {  	s2 =	sadd.s32 $0xFFFFFFFC, s1;
	s1 =	ssub.s32 $0x5, s1;
	s4 =	smov.u32 s12  }
0x67: {  	s0 =	simm.s32 @p1 $0x0;
	p1 =	sgt.s32 s2, $0x0;
	s2 =	smov.u32 s13  }
0x68: {  	s1 =	simm.s32 @p1 $0x0;
	s2 =	simm.s32 @!p2 $0x1D;
	p1 =	sgt.s32 s12, $0x4  }
0x69: {  	s0 =	smul.u32 s0, s1;
	s6 =	ssub.s32 s2, s3;
	s2 =	sand.u32 s7, s8  }
0x6a: {  	s4 =	simm.s32 @!p1 $0x4;
	s5 =	sadd.s32 $0xFFFFFFE3, s6;
	s1 =	ssub.s32 $0x2D, s6  }
0x6b: {  	[dreg:$0x9] =	wrdreg s2;
	s2 =	sadd.s32 s2, s4;
	p1 =	sgt.s32 s5, $0xF  }
0x6c: {  	s9 =	sadd.s32 $0xFFFFFFFC, s2;
	s1 =	simm.s32 @p1 $0x0  }
0x6d: {  	s2 =	ssub.s32 $0x5, s2;
	p1 =	sgt.s32 s9, $0x0;
	s0 =	smul.u32 s1, s0  }
0x6e: {  	s2 =	simm.s32 @p1 $0x0;
	s1 =	sadd.s32 $0x1, s15  }
0x6f: {  	p1 =	slt.s32 s1, $0x2D;
	s10 =	sshll.u32 s0, $0x7;
	s0 =	sadd.s32 $0x1, s14  }
0x70: {  	s1 =	simm.s32 @!p1 $0x2D;
	p1 =	slt.s32 s0, $0x5  }
0x71: {  	s28 =	ssub.s32 s1, s15;
	s1 =	sadd.s32 $0x10, s13;
	s0 =	simm.s32 @!p1 $0x5  }
0x72: {  	p2 =	slt.s32 s1, $0x2D;
	p1 =	slt.s32 s28, $0x1;
	s30 =	ssub.s32 s0, s14  }
0x73: {  	s1 =	simm.s32 @!p2 $0x2D;
	s0 =	sadd.s32 $0x1, s12;
	p2 =	slt.s32 @!p1 s30, $0x1  }
0x74: {  	s31 =	ssub.s32 s1, s13;
	p3 =	slt.s32 s0, $0x5;
	p2 =	por p1, p2  }
0x75: {  	s0 =	simm.s32 @!p3 $0x5;
	p3 =	slt.s32 @!p2 s31, $0x1  }
0x76: {  	s1 =	ssub.s32 s0, s12;
	p2 =	por p2, p3  }
0x77: {  	p3 =	slt.s32 @!p2 s1, $0x1  }
0x78: {  	s2 =	smul.u32 s2, s10;
	p2 =	por p2, p3  }
.Ltmp3:
0x79: {  	_ = 	snop;
	(pc) =	sbr.rel @p2 .LBB1_11-.Ltmp3, $4  }
0x7a: {  	s26 =	simm.s32 $0x1;
	[dreg:$0xa] =	wrdreg s10;
	s2 =	sand.u32 $0x3FFFFF80, s2  }
0x7b: {  	s27 =	sshll.u32 s20, $0xB;
	_ =	swait.ge [sflag:s26], s2  }
0x7c: {  	s29 =	sand.u32 $0x800, s27;
	s11 =	ssub.s32 $0x0, s2;
	[sflag:s26] =	ssyncset.done $0x0  }
0x7d: {  	[dreg:$0xb] =	wrdreg s29;
	[sflag:s26] =	ssyncadd.s32 s11  }
0x7e: {  	s0 =	simm.s32 $0x1  }
0x7f: {  	s0 =	simm.s32 @!p0 $0x0  }
0x80: {  	s0 =	sshll.u32 s0, $0xB  }
0x81: {  	s3 =	sor.u32 $0x30, s0;
	s0 =	rddreg [dreg:$0xb]  }
0x82: {  	s11 =	simm.s32 $0x0;
	s10 =	sor.u32 @!p1 $0x1000, s0  }
.LBB1_4:
0x83: {  	s0 =	sshll.u32 s11, $0xD  }
0x84: {  	s0 =	sshra.s32 s0, $0x2  }
0x85: {  	s5 =	smov.u32 s3;
	s8 =	simm.s32 $0x0;
	s7 =	sadd.s32 s0, s10  }
.LBB1_5:
0x86: {  	s0 =	sshll.u32 s8, $0x9  }
0x87: {  	s2 =	simm.s32 $0x0;
	s0 =	sshra.s32 s0, $0x2  }
0x88: {  	s4 =	simm.s32 $0x0;
	s9 =	sadd.s32 s0, s7;
	s0 =	smov.u32 s5  }
.LBB1_6:
0x89: {  	s6 =	sshll.u32 s4, $0x7  }
0x8a: {  	s6 =	sadd.s32 s6, s9  }
0x8b: {  	v6 =	vld [tilespmem:s0+$0x20];
	p1 =	sne.s32 s1, $0x1;
	v0 =	vmov s6  }
.Ltmp4:
0x8c: {  	v1 =	vld [tilespmem:s0+$0xFFFFFFD0];
	(pc) =	sbr.rel @!p1 .LBB1_8-.Ltmp4, $4  }
0x8d: {  	v2 =	vld [tilespmem:s0+$0xFFFFFFE0]  }
0x8e: {  	v3 =	vld [tilespmem:s0+$0xFFFFFFF0]  }
0x8f: {  	v4 =	vld [tilespmem:s0+$0x0];
	s6 =	sand.u32 $0x380, s2  }
0x90: {  	s26 =	sadd.s32 $0xFFFFFFFF, s1;
	v5 =	vld [tilespmem:s0+$0x10];
	s27 =	sadd.s32 $0x80, s0;
	s29 =	simm.s32 $0x0;
	[tilespmem:v0+s6+$0x50 ss:$0x1] =	vst.idx.msk $0xffff, v6  }
.LBB1_7:
0x91: {  	v6 =	vld [tilespmem:s27+$0x20];
	p1 =	sne.s32 s26, $0x1;
	s26 =	sadd.s32 $0xFFFFFFFF, s26;
	[tilespmem:v0+s6+$0x0 ss:$0x1] =	vst.idx.msk $0xffff, v1  }
.Ltmp5:
0x92: {  	v1 =	vld [tilespmem:s27+$0xFFFFFFD0];
	[tilespmem:v0+s6+$0x10 ss:$0x1] =	vst.idx.msk $0xffff, v2;
	(pc) =	sbr.rel @p1 .LBB1_7-.Ltmp5, $4  }
0x93: {  	v2 =	vld [tilespmem:s27+$0xFFFFFFE0];
	[tilespmem:v0+s6+$0x20 ss:$0x1] =	vst.idx.msk $0xffff, v3  }
0x94: {  	s29 =	sadd.s32 $0x80, s29;
	v3 =	vld [tilespmem:s27+$0xFFFFFFF0];
	[tilespmem:v0+s6+$0x30 ss:$0x1] =	vst.idx.msk $0xffff, v4  }
0x95: {  	v4 =	vld [tilespmem:s27+$0x0];
	[tilespmem:v0+s6+$0x40 ss:$0x1] =	vst.idx.msk $0xffff, v5;
	s6 =	sand.u32 $0x380, s29  }
0x96: {  	v5 =	vld [tilespmem:s27+$0x10];
	[tilespmem:v0+s6+$0x50 ss:$0x1] =	vst.idx.msk $0xffff, v6;
	s27 =	sadd.s32 $0x80, s27  }
.LBB1_8:
0x97: {  	_ =	sdelay $0x1  }
0x98: {  	s4 =	sadd.s32 $0x1, s4  }
0x99: {  	p1 =	sne.s32 s4, s31  }
.Ltmp6:
0x9a: {  	[tilespmem:v0+s6+$0x0 ss:$0x1] =	vst.idx.msk $0xffff, v1;
	(pc) =	sbr.rel @p1 .LBB1_6-.Ltmp6, $4  }
0x9b: {  	[tilespmem:v0+s6+$0x10 ss:$0x1] =	vst.idx.msk $0xffff, v2  }
0x9c: {  	[tilespmem:v0+s6+$0x20 ss:$0x1] =	vst.idx.msk $0xffff, v3  }
0x9d: {  	[tilespmem:v0+s6+$0x30 ss:$0x1] =	vst.idx.msk $0xffff, v4  }
0x9e: {  	s0 =	sadd.s32 $0x80, s0;
	[tilespmem:v0+s6+$0x40 ss:$0x1] =	vst.idx.msk $0xffff, v5  }
0x9f: {  	s8 =	sadd.s32 $0x1, s8  }
0xa0: {  	p1 =	sne.s32 s8, s30  }
.Ltmp7:
0xa1: {  	_ = 	snop;
	(pc) =	sbr.rel @p1 .LBB1_5-.Ltmp7, $2  }
0xa2: {  	_ =	sdelay $0x2  }
0xa3: {  	s5 =	sadd.s32 $0x800, s5  }
0xa4: {  	s11 =	sadd.s32 $0x1, s11  }
0xa5: {  	p1 =	sne.s32 s11, s28  }
.Ltmp8:
0xa6: {  	_ = 	snop;
	(pc) =	sbr.rel @p1 .LBB1_4-.Ltmp8, $4  }
.Ltmp9:
0xa7: {  	_ = 	snop;
	(pc) =	sbr.rel @!p1 .LBB1_11-.Ltmp9, $4  }
0xa8: {  	_ = 	snop  }
0xa9: {  	_ = 	snop  }
0xaa: {  	s3 =	sadd.s32 $0x800, s3  }
0xab: {  	_ = 	snop  }
.LBB1_13:
0xac: {  	_ =	sfence.sel $0x180000  }
0xad: {  	s0 =	simm.s32 $0x1;
	[bflag:$0x0] =	sbarrier.arrive $0xFFFF  }
0xae: {  	s30 =	simm.s32 $0x2;
	[sflag:s0] =	ssyncpa.u1 $0x1  }
0xaf: {  	[sflag:s30] =	ssyncpa.u1 $0x1  }
0xb0: {  	_ =	strace $0x9000004A  }
0xb1: {  	s31 =	stileid.u32;
	[bflag:$0x2] =	sbarrier.arrive $0xFFFF  }
0xb2: {  	p0 =	sne.s32 s31, $0x0;
	s0 =	rddreg [dreg:$0x1]  }
0xb3: {  	s0 =	sadd.s32 @!p0 $0x100000, s0  }
0xb4: {  	[sflag:s0] =	ssyncadd.tile.s32 @!p0 $0x1;
	_ =	shalt  }
.Lfunc_end1:
_tile_overlayer_lowered:
.L_overlay_start_2:
0xb5: {  	(tag) =	ssettag $0x2  }
0xb6: {  	s0 =	rddreg [dreg:$0x0];
	s2 =	stileid.u32  }
0xb7: {  	s1 =	rddreg [dreg:$0x1];
	p0 =	sne.s32 s2, $0x0  }
0xb8: {  	s3 =	rddreg [dreg:$0x2];
	[bflag:$0x3] =	sbarrier.arrive $0xFFFF;
	s2 =	simm.s32 @!p0 $0x1C01  }
0xb9: {  	[timem:s3], [sflag:s2] =	dma.local @!p0 [hbm:s0], s1  }
0xba: {  	s0 =	simm.s32 @!p0 $0x1  }
0xbb: {  	_ =	swait.ge @!p0 [sflag:s0], s1  }
0xbc: {  	s1 =	ssub.s32 @!p0 $0x0, s1;
	[sflag:s0] =	ssyncset.done @!p0 $0x0  }
0xbd: {  	[sflag:s0] =	ssyncadd.s32 @!p0 s1  }
0xbe: {  	[bflag:$0x3] =	sbarrier.arrive $0xFFFF  }
0xbf: {  	_ =	shalt  }

// kernel: sparse-core-data-format-call.3.cloned.1.call-start
scs
called_computation.3_lowered:
.L_overlay_start_0:
0x0: {  	s2 =	sld [smem:$0x3FD9]  }
0x1: {  	s3 =	sld [smem:$0x3FFE];
	_ =	sdelay $0x1  }
0x2: {  	s1 =	srdreg.scid  }
0x3: {  	s0 =	sand.u32 $0x1, s1  }
0x4: {  	s18 =	sshll.u32 s0, $0xA;
	s2 =	sadd.s32 s3, s2  }
0x5: {  	s2 =	sadd.s32 s2, s18  }
0x6: {  	[smem:$0x3FC2] =	sst s2  }
0x7: {  	_ = 	snop  }
0x8: {  	s2 =	sld [smem:$0x3FC9];
	(tm) =	ssettm $0x1  }
0x9: {  	s19 =	sld [smem:$0x3FFB];
	_ =	sdelay $0x3  }
0xa: {  	_ =	strace s19  }
0xb: {  	s3 =	sld [smem:$0x3FFC];
	_ =	sdelay $0x3  }
0xc: {  	_ =	strace s3  }
0xd: {  	s3 =	sld [smem:$0x3FFD];
	_ =	sdelay $0x3  }
0xe: {  	_ =	strace s3  }
0xf: {  	_ =	strace $0x8FFFFFFF  }
0x10: {  	s20 =	sld [smem:$0x3FDB];
	_ =	sdelay $0x1  }
0x11: {  	s4 =	simm.s32 $_scs_section_size  }
0x12: {  	s5 =	simm.s32 $_size__tile_overlayer_lowered;
	s6 =	simm.s32 $_tile_overlayer_lowered  }
0x13: {  	s23 =	simm.s32 $0x1BFF;
	s22 =	sshll.u32 s6, $0x1;
	s3 =	sadd.s32 s4, s20  }
0x14: {  	s7 =	simm.s32 $0x0;
	s21 =	sshll.u32 s5, $0x1;
	s5 =	sadd.s32 s22, s3  }
0x15: {  	[timem:s7], [sflag:s23] =	dma.local [hbm:s5], s21  }
0x16: {  	_ =	swait.ge [sflag:s23], s21  }
0x17: {  	s4 =	ssub.s32 $0x0, s21;
	[sflag:s23] =	ssyncset.done $0x0  }
0x18: {  	[sflag:s23] =	ssyncadd.s32 s4;
	_ =	sdelay $0x1  }
0x19: {  	s24 =	simm.s32 $0x1B8B  }
0x1a: {  	_ =	swait.ge [sflag:s24], $0x1  }
0x1b: {  	[sflag:s24] =	ssyncset.done $0x0  }
0x1c: {  	s26 =	simm.s32 $0x1B8E;
	s25 =	sld [smem:$0x3FFE];
	[sflag:s24] =	ssyncadd.s32 $0xFFFFFFFF  }
0x1d: {  	s27 =	simm.s32 $execute0_lowered;
	[smem:$0x3FD2] =	sst s26  }
0x1e: {  	s5 =	sshll.u32 s27, $0x1;
	_ =	strace $0x80000046;
	[dreg:$0x1] =	wrdreg $0xFFFFFFFF  }
0x1f: {  	s28 =	simm.s32 $_size_execute0_lowered;
	s3 =	sadd.s32 s3, s5;
	[dreg:$0x0] =	wrdreg $0x0  }
0x20: {  	s5 =	sshll.u32 s28, $0x1;
	[dreg:$0x2] =	wrdreg s3  }
0x21: {  	[dreg:$0x3] =	wrdreg s5  }
0x22: {  	[dreg:$0x4] =	wrdreg $0xC0  }
0x23: {  	_ =	task [dreg:s7], $0x5FFFF  }
0x24: {  	[dreg:$0x1] =	wrdreg $0xFFFFFFFF  }
0x25: {  	[dreg:$0x0] =	wrdreg $0x60  }
0x26: {  	[dreg:$0x2] =	wrdreg s2  }
0x27: {  	[dreg:$0x3] =	wrdreg s25  }
0x28: {  	[dreg:$0x4] =	wrdreg $0x9  }
0x29: {  	_ =	task.clear_ibuf [dreg:s7], $0x5FFFF;
	_ =	strace $0x90000046  }
0x2a: {  	s29 =	simm.s32 $0x9;
	_ =	strace $0x80000048  }
0x2b: {  	_ =	swait.ge [sflag:s29], $0x1  }
0x2c: {  	[sflag:s29] =	ssyncadd.s32 $0xFFFFFFFF  }
0x2d: {  	_ =	strace $0x90000048  }
0x2e: {  	_ =	sfence  }
0x2f: {  	s30 =	sld [smem:$0x0];
	_ =	sdelay $0x2  }
0x30: {  	s31 =	sshll.u32 s1, $0xD;
	s1 =	sshrl.u32 s1, $0x2  }
0x31: {  	s3 =	sand.u32 $0x4000, s31;
	s1 =	sadd.s32 s1, s30  }
0x32: {  	s0 =	sor.u32 s3, s0;
	s1 =	sshll.u32 s1, $0x11  }
0x33: {  	s0 =	sor.u32 s1, s0  }
0x34: {  	s0 =	sadd.s32 $0x8F2B, s0  }
0x35: {  	[sflag:s0] =	ssyncadd.remote.s32 $0x1  }
0x36: {  	_ =	sfence.sel $0xFFFF  }
0x37: {  	[dreg:$0x0] =	wrdreg $0xFFFFFFFF;
	(pc) =	sbr.abs _section_cstart, $3  }
0x38: {  	[dreg:$0x1] =	wrdreg $0xFFFFFFFF  }
0x39: {  	_ =	task.clear_ibuf [dreg:s7], $0x2FFFF;
	_ =	strace $0x9FFFFFFF  }
0x3a: {  	(tm) =	ssettm $0x7FFFFFFF  }
0x3b: {  	_ =	shalt  }
tec
execute0_lowered:
.L_overlay_start_1:
0x0: {  	(tag) =	ssettag $0x1  }
0x1: {  	s0 =	rddreg [dreg:$0x1]  }
0x2: {  	s4 =	stileid.u32;
	s1 =	srdreg.scid;
	_ =	strace $0x80000047  }
0x3: {  	s30 =	simm.s32 $0x1;
	s31 =	simm.s32 $0x2;
	s21 =	simm.s32 $0x0  }
0x4: {  	p0 =	por $0x0, $0x0;
	s23 =	simm.s32 $0x0;
	s24 =	simm.s32 $0x0  }
0x5: {  	s22 =	simm.s32 $0x0;
	s11 =	simm.s32 $0x0;
	s14 =	simm.s32 $0x0  }
0x6: {  	s13 =	simm.s32 $0x0;
	s20 =	simm.s32 $0x0;
	s15 =	simm.s32 $0x0  }
0x7: {  	s17 =	simm.s32 $0x0;
	s8 =	sand.u32 $0x1, s4;
	s1 =	sshll.u32 s1, $0x4  }
0x8: {  	s0 =	sadd.s32 $0x2000, s0;
	s2 =	ssub.s32 $0x2, s8;
	s1 =	sand.u32 $0x10, s1  }
0x9: {  	[dreg:$0x5] =	wrdreg s0;
	s3 =	sshrl.u32 s2, $0x1;
	s2 =	sand.u32 $0x1, s2  }
.Ltmp0:
0xa: {  	s1 =	sor.u32 s4, s1;
	s2 =	sadd.s32 s2, s3;
	(pc) =	sbr.rel .LBB1_1-.Ltmp0, $4  }
0xb: {  	[dreg:$0x3] =	wrdreg s8;
	s10 =	sshrl.u32 s1, $0x1;
	s9 =	smul.u32 $0x1C, s2  }
0xc: {  	s19 =	simm.s32 $0x0;
	[sflag:s30] =	ssyncpa.u1 $0x0;
	[dreg:$0x6] =	wrdreg s10  }
0xd: {  	[sflag:s31] =	ssyncpa.u1 $0x0;
	s12 =	sor.u32 $0x1, s9;
	[dreg:$0x4] =	wrdreg s9  }
0xe: {  	s18 =	smov.u32 s8;
	s16 =	smov.u32 s10;
	[dreg:$0x7] =	wrdreg s12  }
.LBB1_18:
0xf: {  	s1 =	rddreg [dreg:$0xc]  }
0x10: {  	s2 =	rddreg [dreg:$0xe]  }
0x11: {  	s24 =	rddreg [dreg:$0xb]  }
0x12: {  	s26 =	rddreg [dreg:$0xd]  }
0x13: {  	s27 =	rddreg [dreg:$0xf]  }
0x14: {  	s20 =	rddreg [dreg:$0x9]  }
0x15: {  	p1 =	sgt.s32 s13, $0x0;
	s0 =	smov.u32 s13;
	s14 =	rddreg [dreg:$0x8]  }
0x16: {  	s4 =	sshrl.u32 s13, $0x3;
	s5 =	rddreg [dreg:$0x5];
	s0 =	simm.s32 @!p1 $0x0  }
0x17: {  	s29 =	sand.u32 $0x7, s13;
	p1 =	sgt.s32 s11, $0x60;
	s0 =	sadd.s32 s0, s1  }
0x18: {  	s1 =	smov.u32 s11;
	p2 =	sgt.s32 s0, $0x7F;
	s0 =	ssub.s32 $0x80, s0  }
0x19: {  	s30 =	sshll.u32 s11, $0x5;
	s1 =	simm.s32 @!p1 $0x60;
	s0 =	simm.s32 @p2 $0x0  }
0x1a: {  	s8 =	rddreg [dreg:$0x3];
	s1 =	sadd.s32 s2, s1;
	s0 =	smul.u32 s24, s0  }
0x1b: {  	s31 =	simm.s32 $0x100;
	s9 =	rddreg [dreg:$0x4];
	s25 =	sadd.s32 $0xFFFFFFA0, s1  }
0x1c: {  	s1 =	ssub.s32 $0xE0, s1;
	p1 =	sgt.s32 s25, $0x7F;
	s0 =	smul.u32 s26, s0  }
0x1d: {  	s28 =	sshll.u32 s20, $0x4;
	s3 =	smul.u32 $0x1C00, s14;
	s1 =	simm.s32 @p1 $0x0  }
0x1e: {  	s10 =	rddreg [dreg:$0x6];
	s0 =	smul.u32 s1, s0;
	s1 =	sand.u32 $0x10, s28  }
0x1f: {  	s12 =	rddreg [dreg:$0x7];
	s2 =	smul.u32 $0x4080, s27;
	s1 =	sadd.s32 s5, s1  }
0x20: {  	s4 =	sand.u32 $0xF, s4;
	s24 =	rddreg [dreg:$0xa];
	s1 =	sadd.s32 s3, s1  }
0x21: {  	s2 =	sor.u32 $0x8000, s2;
	s3 =	sshll.u32 s29, $0x12;
	s1 =	sadd.s32 s4, s1  }
0x22: {  	s0 =	sand.u32 $0x3FFFFFFF, s0;
	s3 =	sor.u32 $0x80, s3;
	s1 =	sadd.s32 s30, s1  }
0x23: {  	[hbm4b:s1+s3] =	stream.strided.scatter [tilespmem:s2], [sflag:$0x2], s0, s31, s3, $0x20;
	[tilespmem:$0x10100] =	vst v63  }
.LBB1_19:
0x24: {  	p1 =	slt.u32 s19, $0x2;
	s0 =	smov.u32 s23  }
0x25: {  	s5 =	smov.u32 s16;
	p0 =	por !p0, !p0;
	p2 =	sgt.s32 @!p1 s23, $0xDF  }
0x26: {  	s1 =	sshra.s32 @!p1 s23, $0x1F;
	s2 =	sshra.s32 @!p1 s21, $0x1F;
	s3 =	sshra.s32 @!p1 s22, $0x1F  }
0x27: {  	s4 =	ssub.s32 @!p1 $0x0, s24;
	p2 =	por !p2, p1;
	s1 =	sand.u32 @!p1 s1, s23  }
0x28: {  	s2 =	sand.u32 @!p1 s2, s21;
	s3 =	sand.u32 @!p1 s3, s22;
	s0 =	simm.s32 @p2 $0xDF  }
0x29: {  	s23 =	smov.u32 s14;
	p2 =	sgt.s32 @!p1 s21, $0x60;
	s0 =	ssub.s32 @!p1 s0, s1  }
0x2a: {  	s14 =	smov.u32 s16;
	p2 =	por !p2, p1;
	s1 =	sadd.s32 @!p1 $0xFFFFFF21, s0  }
0x2b: {  	s0 =	ssub.s32 @!p1 $0xE0, s0;
	p3 =	sgt.s32 @!p1 s1, $0x0;
	s1 =	smov.u32 s21  }
0x2c: {  	p3 =	por !p3, p1;
	s1 =	simm.s32 @p2 $0x60;
	p2 =	sgt.s32 @!p1 s22, $0x1  }
0x2d: {  	s1 =	ssub.s32 @!p1 s1, s2;
	p2 =	por !p2, p1;
	s2 =	smov.u32 s22  }
0x2e: {  	s3 =	sxor.u32 @!p1 $0xFFFFFFFF, s3;
	s0 =	simm.s32 @!p3 $0x0;
	s2 =	simm.s32 @p2 $0x1  }
0x2f: {  	s2 =	sadd.s32 @!p1 s3, s2;
	s3 =	smin.u32 @!p1 s24, s4;
	s4 =	sadd.s32 @!p1 $0xFFFFFFA0, s1  }
0x30: {  	p2 =	sgt.s32 @!p1 s2, $0x0;
	s2 =	ssub.s32 @!p1 $0x1, s2;
	p3 =	sgt.s32 @!p1 s3, $0x7F  }
0x31: {  	s3 =	ssub.s32 @!p1 $0x80, s3;
	p2 =	por !p2, p1;
	p3 =	por !p3, p1  }
0x32: {  	s1 =	ssub.s32 @!p1 $0xE0, s1;
	s2 =	simm.s32 @!p2 $0x0;
	s3 =	simm.s32 @!p3 $0x0  }
0x33: {  	p2 =	sgt.s32 @!p1 s4, $0x7F;
	s2 =	smul.u32 @!p1 s2, s3;
	s3 =	sadd.s32 $0x80, s15  }
0x34: {  	s4 =	sadd.s32 $0x10, s16;
	p2 =	por !p2, p1;
	p3 =	sgt.s32 s3, $0xDF  }
0x35: {  	s1 =	simm.s32 @!p2 $0x0;
	s0 =	smul.u32 @!p1 s0, s2;
	s5 =	smov.u32 @p3 s4  }
0x36: {  	s2 =	sadd.s32 $0x80, s17;
	s4 =	smov.u32 s17;
	p2 =	sgt.s32 s5, $0xDF  }
0x37: {  	s3 =	simm.s32 @p3 $0x0;
	s0 =	smul.u32 @!p1 s1, s0;
	s4 =	smov.u32 @p2 s2  }
0x38: {  	s1 =	sadd.s32 $0x2, s18;
	s2 =	smov.u32 s18;
	p3 =	sgt.s32 s4, $0x5F  }
0x39: {  	s21 =	smov.u32 s11;
	s11 =	smov.u32 s15;
	s2 =	smov.u32 @p3 s1  }
0x3a: {  	s22 =	smov.u32 s20;
	s5 =	smov.u32 @p2 s10;
	p2 =	sgt.s32 s2, $0x1  }
0x3b: {  	s20 =	smov.u32 s18;
	s2 =	smov.u32 @p2 s8;
	p2 =	sne.s32 s19, s12  }
.Ltmp1:
0x3c: {  	s24 =	smov.u32 s13;
	s13 =	smov.u32 s17;
	(pc) =	sbr.rel @!p2 .LBB1_20-.Ltmp1, $4  }
0x3d: {  	s15 =	smov.u32 s3;
	s0 =	sand.u32 @!p1 $0x3FFFFFFF, s0;
	s1 =	simm.s32 @!p1 $0x2  }
0x3e: {  	s16 =	smov.u32 s5;
	s4 =	simm.s32 @p3 $0x0;
	_ =	swait.ge @!p1 [sflag:s1], s0  }
0x3f: {  	s0 =	ssub.s32 @!p1 $0x0, s0;
	s17 =	smov.u32 s4;
	[sflag:s1] =	ssyncset.done @!p1 $0x0  }
0x40: {  	s19 =	sadd.s32 $0x1, s19;
	[sflag:s1] =	ssyncadd.s32 @!p1 s0;
	s18 =	smov.u32 s2  }
.LBB1_1:
0x41: {  	p1 =	sge.u32 s19, s9  }
.Ltmp2:
0x42: {  	_ = 	snop;
	(pc) =	sbr.rel @p1 .LBB1_3-.Ltmp2, $1  }
0x43: {  	_ =	sdelay $0x3  }
0x44: {  	s0 =	sand.u32 $0x78, s15;
	s1 =	sshll.u32 s16, $0x8;
	s2 =	sshll.u32 s15, $0x3  }
0x45: {  	s3 =	sshll.u32 s16, $0x7;
	p1 =	sgt.s32 s18, $0x1;
	s25 =	sshra.s32 s18, $0x1F  }
0x46: {  	s4 =	smov.u32 s17;
	s5 =	sshra.s32 s17, $0x1F;
	s27 =	sshra.s32 s16, $0x1F  }
0x47: {  	s29 =	sshra.s32 s15, $0x1F;
	s30 =	sxor.u32 $0xFFFFFFFF, s19;
	s1 =	sand.u32 $0xFFFFF800, s1  }
0x48: {  	s2 =	sand.u32 $0xFFFFFC00, s2;
	s7 =	sand.u32 $0x300, s3;
	s3 =	sand.u32 $0x80, s3  }
0x49: {  	s5 =	sand.u32 s5, s17;
	s28 =	sand.u32 s27, s16;
	s27 =	rddreg [dreg:$0x0]  }
0x4a: {  	s1 =	sadd.s32 s1, s2;
	s0 =	sor.u32 s0, s3;
	s2 =	smov.u32 s18  }
0x4b: {  	s3 =	sand.u32 s25, s18;
	s25 =	smul.u32 $0x1C00, s17;
	s1 =	sor.u32 s7, s1  }
0x4c: {  	s2 =	simm.s32 @!p1 $0x1;
	p1 =	sgt.s32 s17, $0xFFFFFFE0;
	s3 =	sxor.u32 $0xFFFFFFFF, s3  }
0x4d: {  	s0 =	sshrl.u32 s0, $0x3;
	s1 =	sshrl.u32 s1, $0x8;
	s4 =	simm.s32 @!p1 $0xFFFFFFE0  }
0x4e: {  	s2 =	sadd.s32 s3, s2;
	s6 =	smulhi.u32 $0x124924A, s1;
	s26 =	ssub.s32 s4, s5  }
0x4f: {  	p1 =	sgt.s32 s2, $0x0;
	s2 =	ssub.s32 $0x1, s2;
	s4 =	sadd.s32 $0x20, s26  }
0x50: {  	s2 =	simm.s32 @p1 $0x0;
	s3 =	ssub.s32 $0x60, s26;
	p1 =	sgt.s32 s4, $0x7F  }
0x51: {  	s5 =	sand.u32 s29, s15;
	s6 =	smul.u32 $0xE0, s6;
	s3 =	simm.s32 @p1 $0x0  }
0x52: {  	s4 =	smov.u32 s16;
	p1 =	sgt.s32 s16, $0xDF;
	s2 =	smul.u32 s2, s3  }
0x53: {  	s4 =	simm.s32 @!p1 $0xDF;
	p1 =	sgt.s32 s15, $0x80;
	s1 =	ssub.s32 s1, s6  }
0x54: {  	s3 =	ssub.s32 s4, s28;
	s4 =	smov.u32 s15;
	s28 =	sand.u32 $0x7, s15  }
0x55: {  	s1 =	sshll.u32 s1, $0x5;
	s7 =	sadd.s32 $0xFFFFFF21, s3;
	s4 =	simm.s32 @!p1 $0x80  }
0x56: {  	s3 =	ssub.s32 $0xE0, s3;
	p1 =	sgt.s32 s7, $0x0;
	s4 =	ssub.s32 s4, s5  }
0x57: {  	s7 =	smul.u32 $0xA8000, s18;
	s3 =	simm.s32 @p1 $0x0;
	s31 =	sadd.s32 $0xFFFFFF80, s4  }
0x58: {  	s2 =	smul.u32 s3, s2;
	p1 =	sgt.s32 s31, $0x7F;
	s3 =	ssub.s32 $0x100, s4  }
0x59: {  	s29 =	sshll.u32 s28, $0x12;
	s4 =	sadd.s32 s27, s7;
	s3 =	simm.s32 @p1 $0x0  }
0x5a: {  	s5 =	sshll.u32 s30, $0xE;
	s4 =	sadd.s32 s25, s4;
	s2 =	smul.u32 s3, s2  }
0x5b: {  	s30 =	sor.u32 $0x80, s29;
	s26 =	sand.u32 $0x4000, s5;
	s0 =	sadd.s32 s0, s4  }
0x5c: {  	s31 =	simm.s32 $0xE000;
	s0 =	sadd.s32 s1, s0;
	s2 =	sand.u32 $0x3FFFFFFF, s2  }
0x5d: {  	[tilespmem:s26], [sflag:$0x1] =	stream.strided.gather [hbm4b:s0+s30], s2, s31, s30, $0x38;
	[tilespmem:$0x10100] =	vst v63  }
.LBB1_3:
0x5e: {  	s0 =	sadd.s32 $0xFFFFFFFF, s19  }
0x5f: {  	p1 =	sge.u32 s0, s9  }
.Ltmp3:
0x60: {  	_ = 	snop;
	(pc) =	sbr.rel @p1 .LBB1_19-.Ltmp3, $1  }
0x61: {  	_ =	sdelay $0x3  }
0x62: {  	[dreg:$0xa] =	wrdreg s24;
	s0 =	sshra.s32 s20, $0x1F  }
0x63: {  	p1 =	sgt.s32 s20, $0x1;
	s1 =	smov.u32 s20;
	s26 =	ssub.s32 $0x0, s13  }
0x64: {  	s2 =	sshra.s32 s13, $0x1F;
	p2 =	sgt.s32 s14, $0xDF;
	s3 =	smov.u32 s14  }
0x65: {  	s4 =	sshra.s32 s14, $0x1F;
	p3 =	sgt.s32 s13, $0xFFFFFFE0;
	s5 =	smov.u32 s13  }
0x66: {  	s10 =	ssub.s32 $0x0, s11;
	s12 =	sshra.s32 s11, $0x1F;
	s0 =	sand.u32 s0, s20  }
0x67: {  	s1 =	simm.s32 @!p1 $0x1;
	s3 =	simm.s32 @!p2 $0xDF;
	s4 =	sand.u32 s4, s14  }
0x68: {  	s2 =	sand.u32 s26, s2;
	s5 =	simm.s32 @!p3 $0xFFFFFFE0;
	p2 =	sgt.s32 s11, $0x80  }
0x69: {  	s24 =	sand.u32 s10, s12;
	s0 =	sxor.u32 $0xFFFFFFFF, s0;
	s27 =	ssub.s32 s3, s4  }
0x6a: {  	[dreg:$0xc] =	wrdreg s2;
	s28 =	sadd.s32 s2, s5;
	s5 =	smov.u32 s11  }
0x6b: {  	s2 =	sadd.s32 $0x1, s20;
	s0 =	sadd.s32 s0, s1;
	s8 =	sadd.s32 $0xFFFFFF21, s27  }
0x6c: {  	s9 =	sadd.s32 $0x20, s28;
	s7 =	ssub.s32 $0xE0, s27;
	s5 =	simm.s32 @!p2 $0x80  }
0x6d: {  	p1 =	sgt.s32 s0, $0x0;
	s6 =	ssub.s32 $0x1, s0;
	p2 =	sgt.s32 s9, $0x7F  }
0x6e: {  	s1 =	sadd.s32 s24, s5;
	s6 =	simm.s32 @p1 $0x0;
	p1 =	sgt.s32 s8, $0x0  }
0x6f: {  	s0 =	ssub.s32 $0x60, s28;
	s25 =	sadd.s32 $0xFFFFFF80, s1;
	s7 =	simm.s32 @p1 $0x0  }
0x70: {  	s1 =	ssub.s32 $0x100, s1;
	p1 =	sgt.s32 s25, $0x7F;
	s26 =	smul.u32 s6, s7  }
0x71: {  	s0 =	simm.s32 @p2 $0x0;
	s1 =	simm.s32 @p1 $0x0;
	p1 =	slt.s32 s2, $0x2  }
0x72: {  	s3 =	sadd.s32 $0x80, s13;
	s2 =	simm.s32 @!p1 $0x2;
	s0 =	smul.u32 s0, s26  }
0x73: {  	p1 =	slt.s32 s3, $0x60;
	s29 =	ssub.s32 s2, s20  }
0x74: {  	s3 =	simm.s32 @!p1 $0x60;
	s0 =	smul.u32 s1, s0;
	s1 =	sadd.s32 $0x1, s14  }
0x75: {  	s30 =	ssub.s32 s3, s13;
	p1 =	slt.s32 s29, $0x1;
	p2 =	slt.s32 s1, $0xE0  }
0x76: {  	s1 =	simm.s32 @!p2 $0xE0;
	p2 =	slt.s32 @!p1 s30, $0x1  }
0x77: {  	[dreg:$0x9] =	wrdreg s20;
	s31 =	ssub.s32 s1, s14;
	p2 =	por p1, p2  }
0x78: {  	[dreg:$0x8] =	wrdreg s14;
	p3 =	slt.s32 @!p2 s31, $0x1  }
0x79: {  	[dreg:$0xe] =	wrdreg s24;
	p2 =	por p2, p3  }
.Ltmp4:
0x7a: {  	[dreg:$0xb] =	wrdreg s6;
	(pc) =	sbr.rel @p2 .LBB1_18-.Ltmp4, $4  }
0x7b: {  	s27 =	simm.s32 $0x1;
	[dreg:$0xd] =	wrdreg s7;
	s0 =	sand.u32 $0x3FFFFFFF, s0  }
0x7c: {  	_ =	swait.ge [sflag:s27], s0  }
0x7d: {  	s28 =	sand.u32 $0x1, s19;
	s0 =	ssub.s32 $0x0, s0;
	[sflag:s27] =	ssyncset.done $0x0  }
0x7e: {  	[dreg:$0xf] =	wrdreg s28;
	[sflag:s27] =	ssyncadd.s32 s0  }
0x7f: {  	s0 =	sadd.s32 $0x80, s11  }
0x80: {  	p2 =	slt.s32 s0, $0xE0  }
0x81: {  	s0 =	simm.s32 @!p2 $0xE0  }
0x82: {  	s1 =	simm.s32 $0x1;
	s0 =	ssub.s32 s0, s11  }
0x83: {  	s1 =	simm.s32 @!p0 $0x0;
	s3 =	sadd.s32 $0xF, s0  }
0x84: {  	s2 =	smul.u32 $0x10200, s1;
	s0 =	sshrl.u32 s3, $0x8  }
0x85: {  	s28 =	smul.u32 $0x20400, s0  }
.Ltmp5:
0x86: {  	_ = 	snop;
	(pc) =	sbr.rel .LBB1_6-.Ltmp5, $4  }
0x87: {  	s6 =	simm.s32 $0x0;
	s5 =	sshrl.u32 s2, $0x2;
	s1 =	sand.u32 @!p1 $0xFFFFFF00, s3  }
0x88: {  	s9 =	sadd.s32 $0xF8F0, s5;
	s0 =	sand.u32 $0xFFFFFFF0, s3;
	s4 =	sadd.s32 s2, s28  }
0x89: {  	p2 =	sge.s32 s1, s0;
	s2 =	rddreg [dreg:$0xf];
	s4 =	sshra.s32 s4, $0x2  }
0x8a: {  	s2 =	sshll.u32 @!p1 s2, $0xE;
	p1 =	slt.s32 s3, $0x100;
	s10 =	sadd.s32 $0x8000, s4  }
.LBB1_17:
0x8b: {  	s6 =	sadd.s32 $0x1, s6  }
0x8c: {  	p3 =	sne.s32 s6, s29  }
.Ltmp6:
0x8d: {  	_ = 	snop;
	(pc) =	sbr.rel @!p3 .LBB1_18-.Ltmp6, $1  }
0x8e: {  	_ =	sdelay $0x3  }
.LBB1_6:
.Ltmp7:
0x8f: {  	(pc) =	sbr.rel .LBB1_7-.Ltmp7, $4  }
0x90: {  	s3 =	sand.u32 $0x1, s6;
	s4 =	sshll.u32 s6, $0x10  }
0x91: {  	p3 =	seq.s32 s3, $0x1;
	s3 =	simm.s32 $0x81;
	s4 =	sshra.s32 s4, $0x2  }
0x92: {  	s5 =	simm.s32 $0x0;
	s3 =	simm.s32 @!p3 $0x0;
	s4 =	sadd.s32 s4, s2  }
0x93: {  	s8 =	sadd.s32 s3, s9;
	s7 =	sadd.s32 s3, s10;
	s3 =	simm.s32 $0x0  }
.LBB1_16:
0x94: {  	s5 =	sadd.s32 $0x1, s5  }
0x95: {  	p3 =	sne.s32 s5, s30  }
.Ltmp8:
0x96: {  	_ = 	snop;
	(pc) =	sbr.rel @!p3 .LBB1_17-.Ltmp8, $2  }
0x97: {  	_ =	sdelay $0x2  }
0x98: {  	s3 =	sadd.s32 $0x1, s3  }
.LBB1_7:
.Ltmp9:
0x99: {  	(pc) =	sbr.rel .LBB1_8-.Ltmp9, $4  }
0x9a: {  	_ = 	snop  }
0x9b: {  	s14 =	sshll.u32 s5, $0x9  }
0x9c: {  	s12 =	sand.u32 $0x7F, s3;
	s24 =	simm.s32 $0x0;
	s14 =	sshra.s32 s14, $0x2  }
0x9d: {  	s25 =	sadd.s32 s12, s7;
	s12 =	sadd.s32 s12, s8;
	s28 =	sadd.s32 s14, s4  }
.LBB1_15:
0x9e: {  	s24 =	sadd.s32 $0x1, s24  }
0x9f: {  	p3 =	sne.s32 s24, s31  }
.Ltmp10:
0xa0: {  	_ = 	snop;
	(pc) =	sbr.rel @!p3 .LBB1_16-.Ltmp10, $2  }
0xa1: {  	_ =	sdelay $0x2  }
0xa2: {  	s12 =	sadd.s32 $0x4080, s12;
	s25 =	sadd.s32 $0x4080, s25  }
.LBB1_8:
.Ltmp11:
0xa3: {  	(pc) =	sbr.rel @p1 .LBB1_12-.Ltmp11, $2  }
0xa4: {  	_ =	sdelay $0x2  }
0xa5: {  	s26 =	sshll.u32 s24, $0x7  }
0xa6: {  	s14 =	sand.u32 $0x380, s26  }
0xa7: {  	s20 =	sadd.s32 s14, s28  }
0xa8: {  	v5 =	vld [tilespmem:s20+$0x70]  }
0xa9: {  	v6 =	vld [tilespmem:s20+$0x0]  }
0xaa: {  	v7 =	vld [tilespmem:s20+$0x10]  }
0xab: {  	v1 =	vld [tilespmem:s20+$0x20]  }
0xac: {  	v0 =	vld [tilespmem:s20+$0x30]  }
0xad: {  	v2 =	vld [tilespmem:s20+$0x40];
	[tilespmem:s12+$0x0 ss:$0x81] =	vst.msk $0xffff, v5  }
0xae: {  	v3 =	vld [tilespmem:s20+$0x50];
	[tilespmem:s12+$0xFFFF8710 ss:$0x81] =	vst.msk $0xffff, v6  }
0xaf: {  	v4 =	vld [tilespmem:s20+$0x60];
	[tilespmem:s12+$0xFFFF8F20 ss:$0x81] =	vst.msk $0xffff, v7  }
0xb0: {  	[tilespmem:s12+$0xFFFF9730 ss:$0x81] =	vst.msk $0xffff, v1  }
0xb1: {  	[tilespmem:s12+$0xFFFF9F40 ss:$0x81] =	vst.msk $0xffff, v0  }
0xb2: {  	p3 =	sgt.s32 s1, $0x100;
	[tilespmem:s12+$0xFFFFA750 ss:$0x81] =	vst.msk $0xffff, v2  }
.Ltmp12:
0xb3: {  	[tilespmem:s12+$0xFFFFAF60 ss:$0x81] =	vst.msk $0xffff, v3;
	(pc) =	sbr.rel @!p3 .LBB1_11-.Ltmp12, $4  }
0xb4: {  	[tilespmem:s12+$0xFFFFB770 ss:$0x81] =	vst.msk $0xffff, v4  }
0xb5: {  	[tilespmem:s12+$0xFFFFBF80 ss:$0x81] =	vst.msk $0xffff, v5  }
0xb6: {  	[tilespmem:s12+$0xFFFFC790 ss:$0x81] =	vst.msk $0xffff, v6  }
0xb7: {  	s27 =	smov.u32 s12;
	s14 =	simm.s32 $0x100;
	[tilespmem:s12+$0xFFFFCFA0 ss:$0x81] =	vst.msk $0xffff, v7  }
.LBB1_10:
0xb8: {  	v5 =	vld [tilespmem:s20+$0x70];
	s14 =	sadd.s32 $0x100, s14;
	[tilespmem:s27+$0xFFFFD7B0 ss:$0x81] =	vst.msk $0xffff, v1  }
0xb9: {  	v6 =	vld [tilespmem:s20+$0x0];
	p3 =	slt.s32 s14, s1;
	[tilespmem:s27+$0xFFFFDFC0 ss:$0x81] =	vst.msk $0xffff, v0  }
0xba: {  	v7 =	vld [tilespmem:s20+$0x10];
	[tilespmem:s27+$0xFFFFE7D0 ss:$0x81] =	vst.msk $0xffff, v2  }
0xbb: {  	v1 =	vld [tilespmem:s20+$0x20];
	[tilespmem:s27+$0xFFFFEFE0 ss:$0x81] =	vst.msk $0xffff, v3  }
0xbc: {  	v0 =	vld [tilespmem:s20+$0x30];
	[tilespmem:s27+$0xFFFFF7F0 ss:$0x81] =	vst.msk $0xffff, v4;
	s27 =	sadd.s32 $0x8100, s27  }
0xbd: {  	v2 =	vld [tilespmem:s20+$0x40];
	[tilespmem:s27+$0x0 ss:$0x81] =	vst.msk $0xffff, v5  }
0xbe: {  	[tilespmem:s27+$0xFFFF8710 ss:$0x81] =	vst.msk $0xffff, v6;
	v3 =	vld [tilespmem:s20+$0x50]  }
0xbf: {  	[tilespmem:s27+$0xFFFF8F20 ss:$0x81] =	vst.msk $0xffff, v7;
	v4 =	vld [tilespmem:s20+$0x60]  }
0xc0: {  	[tilespmem:s27+$0xFFFF9730 ss:$0x81] =	vst.msk $0xffff, v1  }
0xc1: {  	[tilespmem:s27+$0xFFFF9F40 ss:$0x81] =	vst.msk $0xffff, v0  }
0xc2: {  	[tilespmem:s27+$0xFFFFA750 ss:$0x81] =	vst.msk $0xffff, v2  }
.Ltmp13:
0xc3: {  	[tilespmem:s27+$0xFFFFAF60 ss:$0x81] =	vst.msk $0xffff, v3;
	(pc) =	sbr.rel @p3 .LBB1_10-.Ltmp13, $4  }
0xc4: {  	[tilespmem:s27+$0xFFFFB770 ss:$0x81] =	vst.msk $0xffff, v4  }
0xc5: {  	[tilespmem:s27+$0xFFFFBF80 ss:$0x81] =	vst.msk $0xffff, v5  }
0xc6: {  	[tilespmem:s27+$0xFFFFC790 ss:$0x81] =	vst.msk $0xffff, v6  }
0xc7: {  	[tilespmem:s27+$0xFFFFCFA0 ss:$0x81] =	vst.msk $0xffff, v7  }
.LBB1_11:
0xc8: {  	[tilespmem:s27+$0xFFFFD7B0 ss:$0x81] =	vst.msk $0xffff, v1  }
0xc9: {  	[tilespmem:s27+$0xFFFFDFC0 ss:$0x81] =	vst.msk $0xffff, v0  }
0xca: {  	[tilespmem:s27+$0xFFFFE7D0 ss:$0x81] =	vst.msk $0xffff, v2  }
0xcb: {  	[tilespmem:s27+$0xFFFFEFE0 ss:$0x81] =	vst.msk $0xffff, v3  }
0xcc: {  	[tilespmem:s27+$0xFFFFF7F0 ss:$0x81] =	vst.msk $0xffff, v4  }
.LBB1_12:
.Ltmp14:
0xcd: {  	(pc) =	sbr.rel @p2 .LBB1_15-.Ltmp14, $1  }
0xce: {  	_ =	sdelay $0x3  }
0xcf: {  	s14 =	sand.u32 $0x380, s26  }
0xd0: {  	s14 =	sadd.s32 s14, s28  }
0xd1: {  	v0 =	vmov s14;
	_ =	sdelay $0x2  }
0xd2: {  	s20 =	smov.u32 s1;
	s14 =	smov.u32 s25  }
.LBB1_14:
0xd3: {  	s26 =	sand.u32 $0x70, s20;
	s20 =	sadd.s32 $0x10, s20  }
0xd4: {  	v1 =	vld.idx.msk [tilespmem:v0+s26+$0x0 ss:$0x1], $0xffff;
	p3 =	slt.s32 s20, s0  }
.Ltmp15:
0xd5: {  	_ = 	snop;
	(pc) =	sbr.rel @p3 .LBB1_14-.Ltmp15, $2  }
0xd6: {  	_ =	sdelay $0x2  }
0xd7: {  	[tilespmem:s14+$0x0 ss:$0x81] =	vst.msk $0xffff, v1;
	s14 =	sadd.s32 $0x810, s14  }
.Ltmp16:
0xd8: {  	_ = 	snop;
	(pc) =	sbr.rel .LBB1_15-.Ltmp16, $1  }
0xd9: {  	_ =	sdelay $0x3  }
.LBB1_20:
0xda: {  	_ =	sfence.sel $0x180000  }
0xdb: {  	s0 =	simm.s32 $0x1;
	[bflag:$0x0] =	sbarrier.arrive $0xFFFF  }
0xdc: {  	s30 =	simm.s32 $0x2;
	[sflag:s0] =	ssyncpa.u1 $0x1  }
0xdd: {  	[sflag:s30] =	ssyncpa.u1 $0x1  }
0xde: {  	_ =	strace $0x90000047  }
0xdf: {  	s31 =	stileid.u32;
	[bflag:$0x2] =	sbarrier.arrive $0xFFFF  }
0xe0: {  	p0 =	sne.s32 s31, $0x0;
	s0 =	rddreg [dreg:$0x2]  }
0xe1: {  	s0 =	sadd.s32 @!p0 $0x100000, s0  }
0xe2: {  	[sflag:s0] =	ssyncadd.tile.s32 @!p0 $0x1;
	_ =	shalt  }
.Lfunc_end1:
_tile_overlayer_lowered:
.L_overlay_start_2:
0xe3: {  	(tag) =	ssettag $0x2  }
0xe4: {  	s0 =	rddreg [dreg:$0x0];
	s2 =	stileid.u32  }
0xe5: {  	s1 =	rddreg [dreg:$0x1];
	p0 =	sne.s32 s2, $0x0  }
0xe6: {  	s3 =	rddreg [dreg:$0x2];
	[bflag:$0x3] =	sbarrier.arrive $0xFFFF;
	s2 =	simm.s32 @!p0 $0x1C01  }
0xe7: {  	[timem:s3], [sflag:s2] =	dma.local @!p0 [hbm:s0], s1  }
0xe8: {  	s0 =	simm.s32 @!p0 $0x1  }
0xe9: {  	_ =	swait.ge @!p0 [sflag:s0], s1  }
0xea: {  	s1 =	ssub.s32 @!p0 $0x0, s1;
	[sflag:s0] =	ssyncset.done @!p0 $0x0  }
0xeb: {  	[sflag:s0] =	ssyncadd.s32 @!p0 s1  }
0xec: {  	[bflag:$0x3] =	sbarrier.arrive $0xFFFF  }
0xed: {  	_ =	shalt  }

// kernel: sparse-core-data-format-call.cloned.1.call-start
scs
called_computation_lowered:
.L_overlay_start_0:
0x0: {  	s2 =	sld [smem:$0x3FD9]  }
0x1: {  	s3 =	sld [smem:$0x3FFE];
	_ =	sdelay $0x1  }
0x2: {  	s1 =	srdreg.scid  }
0x3: {  	s0 =	sand.u32 $0x1, s1  }
0x4: {  	s18 =	sshll.u32 s0, $0xA;
	s2 =	sadd.s32 s3, s2  }
0x5: {  	s2 =	sadd.s32 s2, s18  }
0x6: {  	[smem:$0x3FC2] =	sst s2  }
0x7: {  	_ = 	snop  }
0x8: {  	s2 =	sld [smem:$0x3FD0];
	(tm) =	ssettm $0x1  }
0x9: {  	s19 =	sld [smem:$0x3FFB];
	_ =	sdelay $0x3  }
0xa: {  	_ =	strace s19  }
0xb: {  	s3 =	sld [smem:$0x3FFC];
	_ =	sdelay $0x3  }
0xc: {  	_ =	strace s3  }
0xd: {  	s3 =	sld [smem:$0x3FFD];
	_ =	sdelay $0x3  }
0xe: {  	_ =	strace s3  }
0xf: {  	_ =	strace $0x8FFFFFFF  }
0x10: {  	s20 =	sld [smem:$0x3FDB];
	_ =	sdelay $0x1  }
0x11: {  	s4 =	simm.s32 $_scs_section_size  }
0x12: {  	s5 =	simm.s32 $_size__tile_overlayer_lowered;
	s6 =	simm.s32 $_tile_overlayer_lowered  }
0x13: {  	s23 =	simm.s32 $0x1BFF;
	s22 =	sshll.u32 s6, $0x1;
	s3 =	sadd.s32 s4, s20  }
0x14: {  	s7 =	simm.s32 $0x0;
	s21 =	sshll.u32 s5, $0x1;
	s5 =	sadd.s32 s22, s3  }
0x15: {  	[timem:s7], [sflag:s23] =	dma.local [hbm:s5], s21  }
0x16: {  	_ =	swait.ge [sflag:s23], s21  }
0x17: {  	s4 =	ssub.s32 $0x0, s21;
	[sflag:s23] =	ssyncset.done $0x0  }
0x18: {  	[sflag:s23] =	ssyncadd.s32 s4;
	_ =	sdelay $0x1  }
0x19: {  	s24 =	simm.s32 $0x1B8B  }
0x1a: {  	_ =	swait.ge [sflag:s24], $0x1  }
0x1b: {  	[sflag:s24] =	ssyncset.done $0x0  }
0x1c: {  	s26 =	simm.s32 $0x1B8E;
	s25 =	sld [smem:$0x3FFE];
	[sflag:s24] =	ssyncadd.s32 $0xFFFFFFFF  }
0x1d: {  	s27 =	simm.s32 $execute0_lowered;
	[smem:$0x3FD2] =	sst s26  }
0x1e: {  	s5 =	sshll.u32 s27, $0x1;
	_ =	strace $0x80000052;
	[dreg:$0x1] =	wrdreg $0xFFFFFFFF  }
0x1f: {  	s28 =	simm.s32 $_size_execute0_lowered;
	s3 =	sadd.s32 s3, s5;
	[dreg:$0x0] =	wrdreg $0x0  }
0x20: {  	s5 =	sshll.u32 s28, $0x1;
	[dreg:$0x2] =	wrdreg s3  }
0x21: {  	[dreg:$0x3] =	wrdreg s5  }
0x22: {  	[dreg:$0x4] =	wrdreg $0xC0  }
0x23: {  	_ =	task [dreg:s7], $0x5FFFF  }
0x24: {  	[dreg:$0x1] =	wrdreg $0xFFFFFFFF  }
0x25: {  	[dreg:$0x0] =	wrdreg $0x60  }
0x26: {  	[dreg:$0x2] =	wrdreg s25  }
0x27: {  	[dreg:$0x3] =	wrdreg s2  }
0x28: {  	[dreg:$0x4] =	wrdreg $0x9  }
0x29: {  	_ =	task.clear_ibuf [dreg:s7], $0x5FFFF;
	_ =	strace $0x90000052  }
0x2a: {  	s29 =	simm.s32 $0x9;
	_ =	strace $0x80000054  }
0x2b: {  	_ =	swait.ge [sflag:s29], $0x1  }
0x2c: {  	[sflag:s29] =	ssyncadd.s32 $0xFFFFFFFF  }
0x2d: {  	_ =	strace $0x90000054  }
0x2e: {  	_ =	sfence  }
0x2f: {  	s30 =	sld [smem:$0x0];
	_ =	sdelay $0x2  }
0x30: {  	s31 =	sshll.u32 s1, $0xD;
	s1 =	sshrl.u32 s1, $0x2  }
0x31: {  	s3 =	sand.u32 $0x4000, s31;
	s1 =	sadd.s32 s1, s30  }
0x32: {  	s0 =	sor.u32 s3, s0;
	s1 =	sshll.u32 s1, $0x11  }
0x33: {  	s0 =	sor.u32 s1, s0  }
0x34: {  	s0 =	sadd.s32 $0x8F2B, s0  }
0x35: {  	[sflag:s0] =	ssyncadd.remote.s32 $0x1  }
0x36: {  	_ =	sfence.sel $0xFFFF  }
0x37: {  	[dreg:$0x0] =	wrdreg $0xFFFFFFFF;
	(pc) =	sbr.abs _section_cstart, $3  }
0x38: {  	[dreg:$0x1] =	wrdreg $0xFFFFFFFF  }
0x39: {  	_ =	task.clear_ibuf [dreg:s7], $0x2FFFF;
	_ =	strace $0x9FFFFFFF  }
0x3a: {  	(tm) =	ssettm $0x7FFFFFFF  }
0x3b: {  	_ =	shalt  }
tec
execute0_lowered:
.L_overlay_start_1:
0x0: {  	(tag) =	ssettag $0x1  }
0x1: {  	s0 =	stileid.u32;
	s1 =	srdreg.scid  }
0x2: {  	s2 =	sshll.u32 s0, $0x2;
	s1 =	sshll.u32 s1, $0x6  }
0x3: {  	s1 =	sor.u32 s2, s1  }
0x4: {  	s7 =	rddreg [dreg:$0x0];
	s31 =	simm.s32 $0x2;
	s1 =	sand.u32 $0x78, s1  }
0x5: {  	s16 =	simm.s32 $0x0;
	s2 =	sand.u32 $0x1, s0;
	s3 =	ssub.s32 $0xE0, s1  }
0x6: {  	s9 =	simm.s32 $0x800;
	s4 =	ssub.s32 $0x2, s2;
	s5 =	sand.u32 $0x78, s3  }
0x7: {  	s6 =	sshrl.u32 s4, $0x1;
	p0 =	sne.s32 s5, $0x0;
	s5 =	simm.s32 $0x1  }
0x8: {  	s8 =	sand.u32 $0x1, s4;
	s3 =	sshrl.u32 s3, $0x7;
	s5 =	simm.s32 @!p0 $0x0  }
0x9: {  	s10 =	simm.s32 $0xE000;
	s6 =	sadd.s32 s8, s6;
	s3 =	sadd.s32 s5, s3  }
0xa: {  	s11 =	simm.s32 $0x0;
	s17 =	simm.s32 $0x0;
	s3 =	smul.u32 s3, s6  }
.Ltmp0:
0xb: {  	s18 =	simm.s32 $0x0;
	s12 =	simm.s32 $0x0;
	(pc) =	sbr.rel .LBB1_1-.Ltmp0, $4  }
0xc: {  	s15 =	simm.s32 $0x0;
	s24 =	simm.s32 $0x0;
	s4 =	rddreg [dreg:$0x1]  }
0xd: {  	_ =	strace $0x80000053;
	s5 =	simm.s32 $0x1;
	s6 =	smul.u32 $0xC, s3  }
0xe: {  	s7 =	sadd.s32 $0x2000, s7;
	s14 =	smov.u32 s2;
	[sflag:s5] =	ssyncpa.u1 $0x0  }
0xf: {  	s13 =	smov.u32 s1;
	[sflag:s31] =	ssyncpa.u1 $0x0;
	s8 =	sor.u32 $0x1, s6  }
.LBB1_7:
0x10: {  	s3 =	sadd.s32 $0x8, s12  }
0x11: {  	s16 =	sadd.s32 $0x80, s13;
	s19 =	smov.u32 s13;
	p1 =	sgt.s32 s3, $0x5F  }
0x12: {  	s19 =	smov.u32 @p1 s16  }
0x13: {  	s21 =	smov.u32 s14;
	s16 =	sadd.s32 $0x2, s14;
	p2 =	sgt.s32 s19, $0xDF  }
0x14: {  	s21 =	smov.u32 @p2 s16  }
0x15: {  	s3 =	simm.s32 @p1 $0x0;
	p1 =	sgt.s32 s21, $0x1  }
0x16: {  	p0 =	slt.u32 s15, $0x2;
	s21 =	smov.u32 @p1 s2;
	p1 =	sne.s32 s15, s8  }
.Ltmp1:
0x17: {  	s20 =	simm.s32 @!p0 $0x2;
	(pc) =	sbr.rel @!p1 .LBB1_8-.Ltmp1, $4  }
0x18: {  	s17 =	smov.u32 s13;
	s18 =	smov.u32 s14;
	_ =	swait.ge @!p0 [sflag:s20], $0x4000  }
0x19: {  	s11 =	sadd.s32 $0x4000, s11;
	[sflag:s20] =	ssyncset.done @!p0 $0x0;
	s19 =	smov.u32 @p2 s1  }
0x1a: {  	s16 =	smov.u32 s12;
	[sflag:s20] =	ssyncadd.s32 @!p0 $0xFFFFC000;
	s12 =	smov.u32 s3  }
0x1b: {  	s13 =	smov.u32 s19;
	s15 =	sadd.s32 $0x1, s15;
	s14 =	smov.u32 s21  }
.LBB1_1:
0x1c: {  	p0 =	sge.u32 s15, s6  }
0x1d: {  	s3 =	sshll.u32 @!p0 s12, $0x8;
	s19 =	sshll.u32 @!p0 s12, $0x7  }
0x1e: {  	s3 =	sand.u32 @!p0 $0xFFFFF800, s3;
	s19 =	sand.u32 @!p0 $0x300, s19  }
0x1f: {  	s3 =	sor.u32 @!p0 s19, s3  }
0x20: {  	s3 =	sshrl.u32 @!p0 s3, $0x8  }
0x21: {  	s19 =	smulhi.u32 @!p0 $0x2AAAAAB, s3  }
0x22: {  	s20 =	smul.u32 @!p0 $0xA8000, s14  }
0x23: {  	s19 =	smul.u32 @!p0 $0x60, s19  }
0x24: {  	s31 =	sadd.s32 $0xFFFFFFFF, s15;
	s21 =	sxor.u32 @!p0 $0xFFFFFFFF, s15;
	s22 =	smul.u32 @!p0 $0xC00, s13  }
0x25: {  	s20 =	sadd.s32 @!p0 s7, s20;
	s3 =	ssub.s32 @!p0 s3, s19;
	s19 =	sshll.u32 @!p0 s12, $0x4  }
0x26: {  	s21 =	sshll.u32 @!p0 s21, $0xE;
	s20 =	sadd.s32 @!p0 s22, s20;
	s19 =	sand.u32 @!p0 $0x10, s19  }
0x27: {  	s21 =	sand.u32 @!p0 $0x4000, s21;
	s3 =	sshll.u32 @!p0 s3, $0x5;
	s19 =	sadd.s32 @!p0 s19, s20  }
0x28: {  	s20 =	simm.s32 @!p0 $0x6000;
	s3 =	sadd.s32 @!p0 s3, s19;
	s19 =	simm.s32 @!p0 $0x800  }
0x29: {  	[tilespmem:s21], [sflag:$0x1] =	stream.strided.gather @!p0 [hbm4b:s3+s19], $0x4000, s20, s19, $0x38;
	[tilespmem:$0x10000] =	vst v63  }
0x2a: {  	p0 =	sge.u32 s31, s6  }
.Ltmp2:
0x2b: {  	_ = 	snop;
	(pc) =	sbr.rel @p0 .LBB1_7-.Ltmp2, $1  }
0x2c: {  	_ =	sdelay $0x3  }
0x2d: {  	s3 =	sshll.u32 s11, $0x2;
	_ =	swait.ge [sflag:s5], $0x4000;
	s19 =	sshll.u32 s15, $0xE  }
0x2e: {  	p0 =	por $0x0, $0x0;
	s25 =	simm.s32 $0x0;
	s26 =	simm.s32 $0x0  }
0x2f: {  	s3 =	sand.u32 $0x10000, s3;
	[sflag:s5] =	ssyncset.done $0x0;
	s22 =	sand.u32 $0x4000, s19  }
0x30: {  	s3 =	sshrl.u32 s3, $0x2;
	[sflag:s5] =	ssyncadd.s32 $0xFFFFC000;
	s19 =	sor.u32 $0x8000, s22  }
0x31: {  	s20 =	sor.u32 $0x40, s3;
	s21 =	sor.u32 $0x8410, s3;
	s23 =	sadd.s32 $0x8400, s3  }
.LBB1_3:
0x32: {  	v1 =	vld [tilespmem:s20+$0xFFFFFFD0]  }
0x33: {  	v2 =	vld [tilespmem:s20+$0x430]  }
0x34: {  	s3 =	sshll.u32 s26, $0xB;
	v4 =	vld [tilespmem:s20+$0xFFFFFFE0]  }
0x35: {  	v7 =	vld [tilespmem:s20+$0xFFFFFFF0];
	v0 =	vmov s3  }
0x36: {  	v8 =	vld [tilespmem:s20+$0x0]  }
0x37: {  	v9 =	vld [tilespmem:s20+$0x10];
	s3 =	sand.u32 $0x300, s24  }
0x38: {  	s27 =	sand.u32 $0x80, s24;
	v10 =	vld [tilespmem:s20+$0x20];
	s3 =	sadd.s32 s3, s22  }
0x39: {  	v11 =	vld [tilespmem:s20+$0x30];
	s3 =	sadd.s32 s27, s3;
	s27 =	simm.s32 $0x1;
	[tilespmem:s21+$0x60] =	vst v2  }
0x3a: {  	s27 =	simm.s32 @!p0 $0x0;
	[tilespmem:s21+$0xFFFFFC00] =	vst v1;
	v3 =	vld.idx.msk [tilespmem:v0+s3+$0x400 ss:$0x1], $0xffff;
	s3 =	sshll.u32 s25, $0x2  }
0x3b: {  	v6 =	vld [tilespmem:s20+$0x3D0];
	s27 =	sshll.u32 s27, $0x9;
	[tilespmem:s21+$0xFFFFFC10] =	vst v4;
	s3 =	sand.u32 $0xFFFFFC00, s3  }
0x3c: {  	v5 =	vld [tilespmem:s20+$0x3E0];
	[tilespmem:s21+$0xFFFFFC20] =	vst v7;
	s3 =	sor.u32 s27, s3  }
0x3d: {  	[tilespmem:s21+$0xFFFFFC30] =	vst v8;
	v4 =	vld [tilespmem:s20+$0x400];
	s3 =	sshrl.u32 s3, $0x2  }
0x3e: {  	[tilespmem:s21+$0xFFFFFC40] =	vst v9;
	v1 =	vld [tilespmem:s20+$0x410];
	s27 =	sadd.s32 s3, s23  }
0x3f: {  	[tilespmem:s27+$0x0] =	vst v3;
	v3 =	vld [tilespmem:s20+$0x3F0]  }
0x40: {  	s31 =	simm.s32 $0x80;
	s30 =	simm.s32 $0x100;
	[tilespmem:s21+$0xFFFFFC50] =	vst v10;
	v2 =	vld [tilespmem:s20+$0x420]  }
0x41: {  	s28 =	sadd.s32 $0x80, s20;
	s29 =	smov.u32 s21;
	v7 =	vld [tilespmem:s20+$0xFFFFFFC0];
	[tilespmem:s21+$0xFFFFFC60] =	vst v11;
	s3 =	sand.u32 $0x300, s31  }
.LBB1_4:
0x42: {  	p1 =	sne.s32 s30, $0x380;
	v8 =	vld [tilespmem:s28+$0xFFFFFFD0];
	s31 =	sand.u32 $0x80, s31;
	s3 =	sadd.s32 s3, s22;
	[tilespmem:s29+$0x0] =	vst v6  }
0x43: {  	s3 =	sadd.s32 s31, s3;
	v6 =	vld [tilespmem:s28+$0x430];
	[tilespmem:s29+$0x10] =	vst v5;
	s31 =	smov.u32 s30  }
0x44: {  	v5 =	vld.idx.msk [tilespmem:v0+s3+$0x400 ss:$0x1], $0xffff;
	[tilespmem:s29+$0x20] =	vst v3  }
0x45: {  	v3 =	vld [tilespmem:s28+$0xFFFFFFE0];
	[tilespmem:s29+$0x30] =	vst v4  }
0x46: {  	v4 =	vld [tilespmem:s28+$0xFFFFFFF0];
	[tilespmem:s29+$0xFFFFFBF0] =	vst v7  }
0x47: {  	v7 =	vld [tilespmem:s28+$0x0];
	[tilespmem:s29+$0x40] =	vst v1  }
0x48: {  	v1 =	vld [tilespmem:s28+$0x10];
	[tilespmem:s29+$0x50] =	vst v2;
	s29 =	sadd.s32 $0x800, s29  }
0x49: {  	s27 =	sadd.s32 $0x800, s27;
	v2 =	vld [tilespmem:s28+$0x20];
	[tilespmem:s29+$0x60] =	vst v6  }
0x4a: {  	v9 =	vld [tilespmem:s28+$0x30];
	[tilespmem:s27+$0x0] =	vst v5  }
0x4b: {  	[tilespmem:s29+$0xFFFFFC00] =	vst v8;
	v6 =	vld [tilespmem:s28+$0x3D0]  }
0x4c: {  	[tilespmem:s29+$0xFFFFFC10] =	vst v3;
	v5 =	vld [tilespmem:s28+$0x3E0]  }
.Ltmp3:
0x4d: {  	[tilespmem:s29+$0xFFFFFC20] =	vst v4;
	v3 =	vld [tilespmem:s28+$0x3F0];
	(pc) =	sbr.rel @p1 .LBB1_4-.Ltmp3, $4  }
0x4e: {  	[tilespmem:s29+$0xFFFFFC30] =	vst v7;
	v4 =	vld [tilespmem:s28+$0x400]  }
0x4f: {  	[tilespmem:s29+$0xFFFFFC40] =	vst v1;
	v1 =	vld [tilespmem:s28+$0x410]  }
0x50: {  	[tilespmem:s29+$0xFFFFFC50] =	vst v2;
	v2 =	vld [tilespmem:s28+$0x420]  }
0x51: {  	s30 =	sadd.s32 $0x80, s30;
	s3 =	sand.u32 $0x300, s31;
	v7 =	vld [tilespmem:s28+$0xFFFFFFC0];
	[tilespmem:s29+$0xFFFFFC60] =	vst v9;
	s28 =	sadd.s32 $0x80, s28  }
0x52: {  	[tilespmem:s29+$0x0] =	vst v6  }
0x53: {  	[tilespmem:s29+$0x10] =	vst v5  }
0x54: {  	v49 =	vld [tilespmem:s28+$0x430];
	[tilespmem:s29+$0x20] =	vst v3  }
0x55: {  	v50 =	vld [tilespmem:s28+$0xFFFFFFD0];
	[tilespmem:s29+$0x30] =	vst v4  }
0x56: {  	v51 =	vld [tilespmem:s28+$0xFFFFFFE0];
	[tilespmem:s29+$0x40] =	vst v1  }
0x57: {  	v52 =	vld [tilespmem:s28+$0xFFFFFFF0];
	[tilespmem:s29+$0x50] =	vst v2  }
0x58: {  	s30 =	sand.u32 $0x80, s31;
	s31 =	sadd.s32 $0x800, s29;
	v53 =	vld [tilespmem:s28+$0x0];
	[tilespmem:s29+$0xFFFFFBF0] =	vst v7  }
0x59: {  	v54 =	vld [tilespmem:s28+$0x10];
	[tilespmem:s31+$0x60] =	vst v49  }
0x5a: {  	v55 =	vld [tilespmem:s28+$0x20];
	[tilespmem:s31+$0xFFFFFC00] =	vst v50  }
0x5b: {  	v56 =	vld [tilespmem:s28+$0x30];
	[tilespmem:s31+$0xFFFFFC10] =	vst v51  }
0x5c: {  	v57 =	vld [tilespmem:s28+$0x3D0];
	[tilespmem:s31+$0xFFFFFC20] =	vst v52  }
0x5d: {  	v58 =	vld [tilespmem:s28+$0x3E0];
	[tilespmem:s31+$0xFFFFFC30] =	vst v53  }
0x5e: {  	v59 =	vld [tilespmem:s28+$0x3F0];
	[tilespmem:s31+$0xFFFFFC40] =	vst v54  }
0x5f: {  	v60 =	vld [tilespmem:s28+$0x400];
	[tilespmem:s31+$0xFFFFFC50] =	vst v55  }
0x60: {  	v61 =	vld [tilespmem:s28+$0xFFFFFFC0];
	[tilespmem:s31+$0xFFFFFC60] =	vst v56  }
0x61: {  	s3 =	sadd.s32 s3, s22;
	v62 =	vld [tilespmem:s28+$0x410];
	[tilespmem:s31+$0x0] =	vst v57  }
0x62: {  	v63 =	vld [tilespmem:s28+$0x420];
	s26 =	sadd.s32 $0x1, s26;
	s3 =	sadd.s32 s30, s3;
	[tilespmem:s31+$0x10] =	vst v58  }
0x63: {  	p1 =	sne.s32 s26, $0x8;
	v0 =	vld.idx.msk [tilespmem:v0+s3+$0x400 ss:$0x1], $0xffff;
	[tilespmem:s31+$0x20] =	vst v59  }
.Ltmp4:
0x64: {  	[tilespmem:s31+$0x30] =	vst v60;
	(pc) =	sbr.rel @p1 .LBB1_3-.Ltmp4, $4  }
0x65: {  	[tilespmem:s31+$0xFFFFFBF0] =	vst v61  }
0x66: {  	[tilespmem:s31+$0x40] =	vst v62  }
0x67: {  	s27 =	sadd.s32 $0x800, s27;
	s20 =	sadd.s32 $0x800, s20;
	[tilespmem:s31+$0x50] =	vst v63  }
0x68: {  	s25 =	sadd.s32 $0x80, s25;
	p0 =	por !p0, !p0;
	s21 =	sadd.s32 $0x80, s21;
	[tilespmem:s27+$0x0] =	vst v0  }
0x69: {  	s3 =	sshll.u32 s17, $0x8;
	s20 =	sshll.u32 s17, $0x7  }
0x6a: {  	s3 =	sand.u32 $0xFFFFF800, s3;
	s20 =	sand.u32 $0x300, s20  }
0x6b: {  	s3 =	sor.u32 s20, s3  }
0x6c: {  	s18 =	smul.u32 $0xA8000, s18;
	s3 =	sshrl.u32 s3, $0x8  }
0x6d: {  	s30 =	smulhi.u32 $0x124924A, s3  }
0x6e: {  	s16 =	smul.u32 $0x1C00, s16  }
0x6f: {  	s20 =	smul.u32 $0xE0, s30  }
.Ltmp5:
0x70: {  	s31 =	sshll.u32 s17, $0x4;
	s18 =	sadd.s32 s4, s18;
	(pc) =	sbr.rel .LBB1_7-.Ltmp5, $4  }
0x71: {  	s17 =	sand.u32 $0x10, s31;
	s16 =	sadd.s32 s16, s18;
	s3 =	ssub.s32 s3, s20  }
0x72: {  	s16 =	sadd.s32 s17, s16;
	s3 =	sshll.u32 s3, $0x5  }
0x73: {  	s3 =	sadd.s32 s3, s16  }
0x74: {  	[hbm4b:s3+s9] =	stream.strided.scatter [tilespmem:s19], [sflag:$0x2], $0x4000, s10, s9, $0x38;
	[tilespmem:$0x10000] =	vst v63  }
.LBB1_8:
0x75: {  	_ =	sfence.sel $0x180000  }
0x76: {  	s1 =	simm.s32 $0x1;
	[bflag:$0x0] =	sbarrier.arrive $0xFFFF  }
0x77: {  	s31 =	simm.s32 $0x2;
	[sflag:s1] =	ssyncpa.u1 $0x1  }
0x78: {  	[sflag:s31] =	ssyncpa.u1 $0x1  }
0x79: {  	_ =	strace $0x90000053  }
0x7a: {  	[bflag:$0x2] =	sbarrier.arrive $0xFFFF  }
0x7b: {  	p0 =	sne.s32 s0, $0x0;
	s0 =	rddreg [dreg:$0x2]  }
0x7c: {  	s0 =	sadd.s32 @!p0 $0x100000, s0  }
0x7d: {  	[sflag:s0] =	ssyncadd.tile.s32 @!p0 $0x1;
	_ =	shalt  }
.Lfunc_end1:
_tile_overlayer_lowered:
.L_overlay_start_2:
0x7e: {  	(tag) =	ssettag $0x2  }
0x7f: {  	s0 =	rddreg [dreg:$0x0];
	s2 =	stileid.u32  }
0x80: {  	s1 =	rddreg [dreg:$0x1];
	p0 =	sne.s32 s2, $0x0  }
0x81: {  	s3 =	rddreg [dreg:$0x2];
	[bflag:$0x3] =	sbarrier.arrive $0xFFFF;
	s2 =	simm.s32 @!p0 $0x1C01  }
0x82: {  	[timem:s3], [sflag:s2] =	dma.local @!p0 [hbm:s0], s1  }
0x83: {  	s0 =	simm.s32 @!p0 $0x1  }
0x84: {  	_ =	swait.ge @!p0 [sflag:s0], s1  }
0x85: {  	s1 =	ssub.s32 @!p0 $0x0, s1;
	[sflag:s0] =	ssyncset.done @!p0 $0x0  }
0x86: {  	[sflag:s0] =	ssyncadd.s32 @!p0 s1  }
0x87: {  	[bflag:$0x3] =	sbarrier.arrive $0xFFFF  }
0x88: {  	_ =	shalt  }

</sc_bundles>
